<compile_context>
chip_gen: v7x
topology: tpu7x:2x2x1
jax: 0.10.2.dev20260603
libtpu: 0.0.44.dev20260713+nightly
codegen_flags: <defaults>
</compile_context>

<pallas_src>
import functools

import jax
import jax.numpy as jnp
from jax import lax
from jax.experimental import pallas as pl
from jax.experimental.pallas import tpu as pltpu
from jax.experimental.pallas import tpu_sc as plsc

N = 10000
E = 320000
IN_CH = 128
HID = 16
OUT_CH = 16
HEADS = 8

NS = 16
NW = 2 * NS
NPAD = 10112
B = 128
EPW = 10368
ETOT = EPW * NW
D1 = HEADS * HID + 16
D2 = OUT_CH + 16
BLK = 128


def _chunks(total, step):
    out = []
    off = 0
    while off < total:
        out.append((off, min(step, total - off)))
        off += step
    return out



def _make_edge_pass(D, nh, B):
    HOFF = nh * 16
    RPT = NPAD // NS
    NB = EPW // B
    assert EPW % B == 0 and NB % 2 == 0 and B % 16 == 0

    mesh = plsc.VectorSubcoreMesh(core_axis_name="c", subcore_axis_name="s")

    @functools.partial(
        pl.kernel,
        out_type=jax.ShapeDtypeStruct((2, NPAD, D), jnp.float32),
        mesh=mesh,
        scratch_types=[
            pltpu.VMEM((2, B), jnp.int32),
            pltpu.VMEM((2, B), jnp.int32),
            pltpu.VMEM((B,), jnp.int32),
            pltpu.VMEM((B,), jnp.int32),
            pltpu.VMEM((B, D), jnp.float32),
            pltpu.VMEM((B, D), jnp.float32),
            pltpu.VMEM((B, 16), jnp.float32),
            pltpu.VMEM((B, 16), jnp.float32),
            pltpu.VMEM((B, D), jnp.float32),
            pltpu.VMEM((B, D), jnp.float32),
            pltpu.VMEM_SHARED((NPAD, D), jnp.float32),
            pltpu.SemaphoreType.DMA,
            pltpu.SemaphoreType.DMA,
            pltpu.SemaphoreType.DMA,
            pltpu.SemaphoreType.DMA,
            pltpu.SemaphoreType.DMA,
            pltpu.SemaphoreType.DMA,
            pltpu.SemaphoreType.DMA,
            pltpu.SemaphoreType.DMA,
        ],
        compiler_params=pltpu.CompilerParams(use_tc_tiling_on_sc=False),
    )
    def edge_pass(g_hbm, a_hbm, sd_hbm, out_hbm,
                  idx0, idx1, isc0, isc1, gr0, gr1, ar0, ar1, ms0, ms1, acc,
                  sg0, sg1, sa0, sa1, ss0, ss1, si0, si1):
        idx = (idx0, idx1)
        isc = (isc0, isc1)
        grows = (gr0, gr1)
        arows = (ar0, ar1)
        msg = (ms0, ms1)
        sem_g = (sg0, sg1)
        sem_a = (sa0, sa1)
        sem_s = (ss0, ss1)
        sem_i = (si0, si1)

        c = lax.axis_index("c")
        s = lax.axis_index("s")
        wid = c * NS + s

        def iload(b, p):
            pltpu.async_copy(sd_hbm.at[wid, b], idx[p], sem_i[p])

        def iwait(p):
            pltpu.make_async_copy(sd_hbm.at[wid, 0], idx[p], sem_i[p]).wait()

        def gissue(p):
            pltpu.async_copy(g_hbm.at[idx[p].at[0]], grows[p], sem_g[p])
            pltpu.async_copy(a_hbm.at[idx[p].at[1]], arows[p], sem_a[p])

        def gwait(p):
            pltpu.make_async_copy(g_hbm.at[idx[p].at[0]], grows[p], sem_g[p]).wait()
            pltpu.make_async_copy(a_hbm.at[idx[p].at[1]], arows[p], sem_a[p]).wait()

        def swait(p):
            pltpu.make_async_copy(msg[p], acc.at[isc[p]], sem_s[p]).wait()

        def compute(p):
            gr, ar, ms = grows[p], arows[p], msg[p]

            def edge(e, ecarry):
                av = gr[e, pl.ds(HOFF, 16)]
                dv = ar[e, pl.ds(0, 16)]
                t = av + dv
                t = jnp.where(t >= 0.0, t, 0.2 * t)
                w16 = jnp.exp(t)
                ms[e, pl.ds(HOFF, 16)] = w16
                if nh == 1:
                    ms[e, pl.ds(0, 16)] = w16 * gr[e, pl.ds(0, 16)]
                else:
                    for j in range(nh):
                        wj = w16[j]
                        ms[e, pl.ds(16 * j, 16)] = wj * gr[e, pl.ds(16 * j, 16)]
                return ecarry
            lax.fori_loop(0, B, edge, 0)

        def proc(b, p, do_ws, do_gnext, do_inext):
            q = 1 - p
            if do_ws:
                swait(p)
            if do_gnext:
                iwait(q)
                gissue(q)
            gwait(p)
            for j in range(B // 16):
                isc[p][pl.ds(16 * j, 16)] = idx[p][1, pl.ds(16 * j, 16)]
            if do_inext:
                iload(b + 2, p)
            compute(p)
            pltpu.async_copy(msg[p], acc.at[isc[p]], sem_s[p], add=True)

        pltpu.sync_copy(sd_hbm.at[wid, 0], idx[0])
        gissue(0)
        iload(1, 1)

        def zrow(r, carry):
            for j in range(D // 16):
                ms0[r, pl.ds(16 * j, 16)] = jnp.zeros((16,), jnp.float32)
            return carry
        lax.fori_loop(0, B, zrow, 0)
        for off, nrows in _chunks(RPT, B):
            pltpu.sync_copy(ms0.at[pl.ds(0, nrows)],
                            acc.at[pl.ds(s * RPT + off, nrows)])
        plsc.subcore_barrier()

        proc(0, 0, False, True, True)
        proc(1, 1, False, True, True)

        def pairbody(k, carry):
            proc(2 * k, 0, True, True, True)
            proc(2 * k + 1, 1, True, True, True)
            return carry
        lax.fori_loop(1, NB // 2 - 1, pairbody, 0)

        proc(NB - 2, 0, True, True, False)
        proc(NB - 1, 1, True, False, False)
        swait(0)
        swait(1)

        plsc.subcore_barrier()
        for off, nrows in _chunks(RPT, B):
            r0 = s * RPT + off
            pltpu.sync_copy(acc.at[pl.ds(r0, nrows)],
                            out_hbm.at[c, pl.ds(r0, nrows)])

    return edge_pass


B1 = 64
B2 = 96
_edge_pass_l1 = _make_edge_pass(D1, HEADS, B1)
_edge_pass_l2 = _make_edge_pass(D2, 1, B2)


def _prep1_body(x_ref, w_ref, as_ref, ad_ref, g_ref, a_ref):
    h = jnp.dot(x_ref[:], w_ref[:], preferred_element_type=jnp.float32)
    asrc16 = jnp.dot(h, as_ref[:], preferred_element_type=jnp.float32)
    adst16 = jnp.dot(h, ad_ref[:], preferred_element_type=jnp.float32)
    g_ref[:] = jnp.concatenate([h, asrc16], axis=1)
    a_ref[:] = adst16


def _mid_body(acc0_ref, acc1_ref, w2_ref, as2_ref, ad2_ref, r_ref, b1_ref,
              g_ref, a_ref):
    acc = acc0_ref[:] + acc1_ref[:]
    wsum = acc[:, IN_CH:IN_CH + HEADS]
    recip = 1.0 / jnp.maximum(wsum, 1e-30)
    rep = jnp.dot(recip, r_ref[:], preferred_element_type=jnp.float32)
    hmid = jnp.maximum(acc[:, :IN_CH] * rep + b1_ref[:], 0.0)
    h2 = jnp.dot(hmid, w2_ref[:], preferred_element_type=jnp.float32)
    asrc2 = jnp.sum(h2 * as2_ref[:], axis=1, keepdims=True)
    adst2 = jnp.sum(h2 * ad2_ref[:], axis=1, keepdims=True)
    g_ref[:] = jnp.concatenate(
        [h2, jnp.broadcast_to(asrc2, (h2.shape[0], 16))], axis=1)
    a_ref[:] = jnp.broadcast_to(adst2, (h2.shape[0], 16))


def _final_body(acc0_ref, acc1_ref, b2_ref, o_ref):
    acc = acc0_ref[:] + acc1_ref[:]
    den = jnp.maximum(acc[:, OUT_CH:2 * OUT_CH], 1e-30)
    o = acc[:, :OUT_CH] / den + b2_ref[:]
    m = jnp.max(o, axis=1, keepdims=True)
    z = o - m
    o_ref[:] = z - jnp.log(jnp.sum(jnp.exp(z), axis=1, keepdims=True))


def _row_spec(d):
    return pl.BlockSpec((BLK, d), lambda i: (i, 0))


def _full_spec(r, d):
    return pl.BlockSpec((r, d), lambda i: (0, 0))


def kernel(x, edge_index, W1, a1_src, a1_dst, b1, W2, a2_src, a2_dst, b2):
    f32 = jnp.float32
    src = edge_index[0].astype(jnp.int32)
    dst = edge_index[1].astype(jnp.int32)
    loop = jnp.arange(N, dtype=jnp.int32)
    padi = jnp.full((ETOT - E - N,), N, jnp.int32)
    src_all = jnp.concatenate([src, loop, padi])
    dst_all = jnp.concatenate([dst, loop, padi])
    sd1 = jnp.stack([src_all.reshape(NW, EPW // B1, B1),
                     dst_all.reshape(NW, EPW // B1, B1)], axis=2)
    sd2 = jnp.stack([src_all.reshape(NW, EPW // B2, B2),
                     dst_all.reshape(NW, EPW // B2, B2)], axis=2)

    xpad = jnp.pad(x.astype(f32), ((0, NPAD - N), (0, 0)))
    eye = jnp.eye(HEADS, dtype=f32)
    As1 = (a1_src.astype(f32)[:, :, None] * eye[:, None, :]).reshape(IN_CH, HEADS)
    Ad1 = (a1_dst.astype(f32)[:, :, None] * eye[:, None, :]).reshape(IN_CH, HEADS)
    As1d = jnp.concatenate([As1, As1], axis=1)
    Ad1d = jnp.concatenate([Ad1, Ad1], axis=1)
    R = jnp.repeat(eye, HID, axis=1)
    b1r = b1.astype(f32).reshape(1, IN_CH)
    b2r = b2.astype(f32).reshape(1, OUT_CH)
    as2 = a2_src.astype(f32).reshape(1, OUT_CH)
    ad2 = a2_dst.astype(f32).reshape(1, OUT_CH)

    grid = (NPAD // BLK,)

    G1, A1 = pl.pallas_call(
        _prep1_body,
        grid=grid,
        in_specs=[
            _row_spec(IN_CH),
            _full_spec(IN_CH, IN_CH),
            _full_spec(IN_CH, 16),
            _full_spec(IN_CH, 16),
        ],
        out_specs=[_row_spec(D1), _row_spec(16)],
        out_shape=[
            jax.ShapeDtypeStruct((NPAD, D1), f32),
            jax.ShapeDtypeStruct((NPAD, 16), f32),
        ],
    )(xpad, W1.astype(f32), As1d, Ad1d)

    acc1 = _edge_pass_l1(G1, A1, sd1)

    G2, A2 = pl.pallas_call(
        _mid_body,
        grid=grid,
        in_specs=[
            _row_spec(D1),
            _row_spec(D1),
            _full_spec(IN_CH, OUT_CH),
            _full_spec(1, OUT_CH),
            _full_spec(1, OUT_CH),
            _full_spec(HEADS, IN_CH),
            _full_spec(1, IN_CH),
        ],
        out_specs=[_row_spec(D2), _row_spec(16)],
        out_shape=[
            jax.ShapeDtypeStruct((NPAD, D2), f32),
            jax.ShapeDtypeStruct((NPAD, 16), f32),
        ],
    )(acc1[0], acc1[1], W2.astype(f32), as2, ad2, R, b1r)

    acc2 = _edge_pass_l2(G2, A2, sd2)

    o = pl.pallas_call(
        _final_body,
        grid=grid,
        in_specs=[_row_spec(D2), _row_spec(D2), _full_spec(1, OUT_CH)],
        out_specs=_row_spec(OUT_CH),
        out_shape=jax.ShapeDtypeStruct((NPAD, OUT_CH), f32),
    )(acc2[0], acc2[1], b2r)

    return o[:N]

# --- scband reference (transcript-rebuilt; emitter-appended) ---
"""Pipeline reference for scband-gat-39444979646796 (READ-ONLY COPY).

The authoritative reference and input builder live on the scoring server;
editing this copy changes nothing except your own understanding.
"""

import jax, jax.numpy as jnp
import numpy as np

N_NODES = 10000
N_EDGES = 320000
IN_CH = 128
HID = 16
OUT_CH = 16
HEADS = 8


def leaky_relu(x, ns=0.2):
    return jnp.where(x >= 0, x, ns * x)


def gat_conv(x, edge_index, W, a_src, a_dst, bias, heads, out_ch, concat):
    N = x.shape[0]
    src = edge_index[0]
    dst = edge_index[1]
    # PyG GATConv adds self-loops by default
    loop = jnp.arange(N, dtype=src.dtype)
    src = jnp.concatenate([src, loop])
    dst = jnp.concatenate([dst, loop])
    h = (x @ W).reshape(N, heads, out_ch)
    alpha_src = (h * a_src[None, :, :]).sum(-1)  # [N, H]
    alpha_dst = (h * a_dst[None, :, :]).sum(-1)  # [N, H]
    e = leaky_relu(alpha_src[src] + alpha_dst[dst])  # [E, H]
    m = jax.ops.segment_max(e, dst, num_segments=N)
    m = jnp.where(jnp.isfinite(m), m, 0.0)
    e = jnp.exp(e - m[dst])
    s = jax.ops.segment_sum(e, dst, num_segments=N)
    alpha = e / s[dst]
    msg = alpha[:, :, None] * h[src]
    out = jax.ops.segment_sum(msg, dst, num_segments=N)  # [N, H, C]
    if concat:
        out = out.reshape(N, heads * out_ch)
    else:
        out = out.mean(axis=1)
    return out + bias


def setup_inputs(seed: int = 0) -> dict:
    key = jax.random.key(seed)
    ks = jax.random.split(key, 12)
    x = jax.random.normal(ks[0], (N_NODES, IN_CH), dtype=jnp.float32)
    edge_index = jax.random.randint(ks[1], (2, N_EDGES), 0, N_NODES, dtype=jnp.int64)
    s1 = 1.0 / np.sqrt(IN_CH)
    W1 = jax.random.uniform(ks[2], (IN_CH, HEADS * HID), minval=-s1, maxval=s1, dtype=jnp.float32)
    a1_src = jax.random.normal(ks[3], (HEADS, HID), dtype=jnp.float32) * 0.1
    a1_dst = jax.random.normal(ks[4], (HEADS, HID), dtype=jnp.float32) * 0.1
    b1 = jnp.zeros((HEADS * HID,), dtype=jnp.float32)
    s2 = 1.0 / np.sqrt(HEADS * HID)
    W2 = jax.random.uniform(ks[5], (HEADS * HID, OUT_CH), minval=-s2, maxval=s2, dtype=jnp.float32)
    a2_src = jax.random.normal(ks[6], (1, OUT_CH), dtype=jnp.float32) * 0.1
    a2_dst = jax.random.normal(ks[7], (1, OUT_CH), dtype=jnp.float32) * 0.1
    b2 = jnp.zeros((OUT_CH,), dtype=jnp.float32)
    return {"x": x, "edge_index": edge_index, "W1": W1, "a1_src": a1_src, "a1_dst": a1_dst, "b1": b1, "W2": W2, "a2_src": a2_src, "a2_dst": a2_dst, "b2": b2}


def reference(x, edge_index, W1, a1_src, a1_dst, b1, W2, a2_src, a2_dst, b2):
    h = gat_conv(x, edge_index, W1, a1_src, a1_dst, b1, HEADS, HID, True)
    h = jax.nn.relu(h)
    # dropout is identity at inference
    o = gat_conv(h, edge_index, W2, a2_src, a2_dst, b2, 1, OUT_CH, False)
    return jax.nn.log_softmax(o, axis=1)

if __name__ == "__main__":
    import jax
    _d = setup_inputs()
    print(jax.jit(kernel)(*tuple(_d.values())))

</pallas_src>

<mosaic_0001>
#map = affine_map<(d0, d1) -> (0, 0)>
#map1 = affine_map<(d0, d1) -> (0, 0, 0, 0)>
#map2 = affine_map<(d0, d1) -> (0, 0, 0)>
module attributes {stable_mosaic.version = 14 : i64} {
  func.func @edge_pass(%arg0: i32, %arg1: i32, %arg2: memref<10112x144xf32, #tpu.memory_space<hbm>>, %arg3: memref<10112x16xf32, #tpu.memory_space<hbm>>, %arg4: memref<32x162x2x64xi32, #tpu.memory_space<hbm>>, %arg5: memref<2x10112x144xf32, #tpu.memory_space<hbm>>, %arg6: memref<2x64xi32, #tpu.memory_space<vmem>>, %arg7: memref<2x64xi32, #tpu.memory_space<vmem>>, %arg8: memref<64xi32, #tpu.memory_space<vmem>>, %arg9: memref<64xi32, #tpu.memory_space<vmem>>, %arg10: memref<64x144xf32, #tpu.memory_space<vmem>>, %arg11: memref<64x144xf32, #tpu.memory_space<vmem>>, %arg12: memref<64x16xf32, #tpu.memory_space<vmem>>, %arg13: memref<64x16xf32, #tpu.memory_space<vmem>>, %arg14: memref<64x144xf32, #tpu.memory_space<vmem>>, %arg15: memref<64x144xf32, #tpu.memory_space<vmem>>, %arg16: memref<10112x144xf32, #tpu.memory_space<vmem_shared>>, %arg17: memref<!tpu.dma_semaphore, #tpu.memory_space<semaphore_mem>>, %arg18: memref<!tpu.dma_semaphore, #tpu.memory_space<semaphore_mem>>, %arg19: memref<!tpu.dma_semaphore, #tpu.memory_space<semaphore_mem>>, %arg20: memref<!tpu.dma_semaphore, #tpu.memory_space<semaphore_mem>>, %arg21: memref<!tpu.dma_semaphore, #tpu.memory_space<semaphore_mem>>, %arg22: memref<!tpu.dma_semaphore, #tpu.memory_space<semaphore_mem>>, %arg23: memref<!tpu.dma_semaphore, #tpu.memory_space<semaphore_mem>>, %arg24: memref<!tpu.dma_semaphore, #tpu.memory_space<semaphore_mem>>) attributes {dimension_semantics = [#tpu.dimension_semantics<core_parallel>, #tpu.dimension_semantics<subcore_parallel>], iteration_bounds = array<i64: 2, 16>, scalar_prefetch = 0 : i64, scratch_operands = 19 : i64, tpu.core_type = #tpu.core_type<sc_vector_subcore>, window_params = [{transform_indices = #map}, {transform_indices = #map}, {transform_indices = #map1}, {transform_indices = #map2}]} {
    %mul3A = arith.constant 16 : i32
    %mul3A_0 = arith.muli %arg0, %mul3A : i32
    %add3A = arith.addi %mul3A_0, %arg1 : i32
    %run_scoped3A = arith.constant 0 : i32
    "tpu.region"() ({
      %run_scoped3A_447 = tpu.sem_alloc : memref<!tpu.dma_semaphore, #tpu.memory_space<semaphore_mem>>
      %dma_start3A_448 = arith.constant 0 : i32
      %dma_start3A_449 = arith.constant 0 : i32
      %dma_start3A_450 = tpu.memref_slice %arg4[%add3A, %run_scoped3A, %dma_start3A_448, %dma_start3A_449] : memref<32x162x2x64xi32, #tpu.memory_space<hbm>> -> memref<1x1x2x64xi32, #tpu.memory_space<hbm>>
      %dma_start3A_451 = tpu.memref_squeeze %dma_start3A_450 : memref<1x1x2x64xi32, #tpu.memory_space<hbm>> -> memref<2x64xi32, #tpu.memory_space<hbm>>
      %dma_start3A_452 = arith.constant 0 : i32
      %dma_start3A_453 = arith.constant 0 : i32
      %dma_start3A_454 = tpu.memref_slice %arg4[%add3A, %run_scoped3A, %dma_start3A_452, %dma_start3A_453] : memref<32x162x2x64xi32, #tpu.memory_space<hbm>> -> memref<1x1x2x64xi32, #tpu.memory_space<hbm>>
      %dma_start3A_455 = tpu.memref_squeeze %dma_start3A_454 : memref<1x1x2x64xi32, #tpu.memory_space<hbm>> -> memref<2x64xi32, #tpu.memory_space<hbm>>
      tpu.enqueue_dma source(%dma_start3A_455 : memref<2x64xi32, #tpu.memory_space<hbm>>) target(%arg6 : memref<2x64xi32, #tpu.memory_space<vmem>>) target_semaphore(%run_scoped3A_447 : memref<!tpu.dma_semaphore, #tpu.memory_space<semaphore_mem>>)
      %dma_wait3A_456 = arith.constant 0 : i32
      %dma_wait3A_457 = arith.constant 0 : i32
      %dma_wait3A_458 = tpu.memref_slice %arg4[%add3A, %run_scoped3A, %dma_wait3A_456, %dma_wait3A_457] : memref<32x162x2x64xi32, #tpu.memory_space<hbm>> -> memref<1x1x2x64xi32, #tpu.memory_space<hbm>>
      %dma_wait3A_459 = tpu.memref_squeeze %dma_wait3A_458 : memref<1x1x2x64xi32, #tpu.memory_space<hbm>> -> memref<2x64xi32, #tpu.memory_space<hbm>>
      %dma_wait3A_460 = arith.constant 0 : i32
      %dma_wait3A_461 = arith.constant 0 : i32
      %dma_wait3A_462 = tpu.memref_slice %arg4[%add3A, %run_scoped3A, %dma_wait3A_460, %dma_wait3A_461] : memref<32x162x2x64xi32, #tpu.memory_space<hbm>> -> memref<1x1x2x64xi32, #tpu.memory_space<hbm>>
      %dma_wait3A_463 = tpu.memref_squeeze %dma_wait3A_462 : memref<1x1x2x64xi32, #tpu.memory_space<hbm>> -> memref<2x64xi32, #tpu.memory_space<hbm>>
      tpu.wait_dma2 semaphore(%run_scoped3A_447 : memref<!tpu.dma_semaphore, #tpu.memory_space<semaphore_mem>>) src(%dma_wait3A_463 : memref<2x64xi32, #tpu.memory_space<hbm>>) dst(%arg6 : memref<2x64xi32, #tpu.memory_space<vmem>>)
      tpu.yield
    }) : () -> ()
    %dma_start3A = arith.constant 0 : i32
    %dma_start3A_1 = arith.constant 0 : i32
    %dma_start3A_2 = tpu.memref_slice %arg6[%dma_start3A, %dma_start3A_1] : memref<2x64xi32, #tpu.memory_space<vmem>> -> memref<1x64xi32, #tpu.memory_space<vmem>>
    %dma_start3A_3 = tpu.memref_squeeze %dma_start3A_2 : memref<1x64xi32, #tpu.memory_space<vmem>> -> memref<64xi32, #tpu.memory_space<vmem>>
    %dma_start3A_4 = arith.constant 0 : i32
    %dma_start3A_5 = arith.constant 0 : i32
    %dma_start3A_6 = tpu.memref_slice %arg2[%dma_start3A_4, %dma_start3A_5] : memref<10112x144xf32, #tpu.memory_space<hbm>> -> memref<10112x144xf32, #tpu.memory_space<hbm>>
    tpu.enqueue_indirect_dma source(%dma_start3A_6 : memref<10112x144xf32, #tpu.memory_space<hbm>>) target(%arg10 : memref<64x144xf32, #tpu.memory_space<vmem>>) offsets(%dma_start3A_3 : memref<64xi32, #tpu.memory_space<vmem>>) semaphore(%arg17 : memref<!tpu.dma_semaphore, #tpu.memory_space<semaphore_mem>>)
    %dma_start3A_7 = arith.constant 1 : i32
    %dma_start3A_8 = arith.constant 0 : i32
    %dma_start3A_9 = tpu.memref_slice %arg6[%dma_start3A_7, %dma_start3A_8] : memref<2x64xi32, #tpu.memory_space<vmem>> -> memref<1x64xi32, #tpu.memory_space<vmem>>
    %dma_start3A_10 = tpu.memref_squeeze %dma_start3A_9 : memref<1x64xi32, #tpu.memory_space<vmem>> -> memref<64xi32, #tpu.memory_space<vmem>>
    %dma_start3A_11 = arith.constant 0 : i32
    %dma_start3A_12 = arith.constant 0 : i32
    %dma_start3A_13 = tpu.memref_slice %arg3[%dma_start3A_11, %dma_start3A_12] : memref<10112x16xf32, #tpu.memory_space<hbm>> -> memref<10112x16xf32, #tpu.memory_space<hbm>>
    tpu.enqueue_indirect_dma source(%dma_start3A_13 : memref<10112x16xf32, #tpu.memory_space<hbm>>) target(%arg12 : memref<64x16xf32, #tpu.memory_space<vmem>>) offsets(%dma_start3A_10 : memref<64xi32, #tpu.memory_space<vmem>>) semaphore(%arg19 : memref<!tpu.dma_semaphore, #tpu.memory_space<semaphore_mem>>)
    %dma_start3A_14 = arith.constant 1 : i32
    %dma_start3A_15 = arith.constant 0 : i32
    %dma_start3A_16 = arith.constant 0 : i32
    %dma_start3A_17 = tpu.memref_slice %arg4[%add3A, %dma_start3A_14, %dma_start3A_15, %dma_start3A_16] : memref<32x162x2x64xi32, #tpu.memory_space<hbm>> -> memref<1x1x2x64xi32, #tpu.memory_space<hbm>>
    %dma_start3A_18 = tpu.memref_squeeze %dma_start3A_17 : memref<1x1x2x64xi32, #tpu.memory_space<hbm>> -> memref<2x64xi32, #tpu.memory_space<hbm>>
    %dma_start3A_19 = arith.constant 0 : i32
    %dma_start3A_20 = arith.constant 0 : i32
    %dma_start3A_21 = tpu.memref_slice %arg4[%add3A, %dma_start3A_14, %dma_start3A_19, %dma_start3A_20] : memref<32x162x2x64xi32, #tpu.memory_space<hbm>> -> memref<1x1x2x64xi32, #tpu.memory_space<hbm>>
    %dma_start3A_22 = tpu.memref_squeeze %dma_start3A_21 : memref<1x1x2x64xi32, #tpu.memory_space<hbm>> -> memref<2x64xi32, #tpu.memory_space<hbm>>
    tpu.enqueue_dma source(%dma_start3A_22 : memref<2x64xi32, #tpu.memory_space<hbm>>) target(%arg7 : memref<2x64xi32, #tpu.memory_space<vmem>>) target_semaphore(%arg24 : memref<!tpu.dma_semaphore, #tpu.memory_space<semaphore_mem>>)
    %scan3A = arith.constant 0 : i32
    %scan3A_23 = arith.constant 0 : i32
    %scan3A_24 = arith.constant 64 : i32
    %scan3A_25 = arith.addi %scan3A_23, %scan3A_24 : i32
    %scan3A_26 = arith.constant 1 : i32
    scf.for %scan3A_447 = %scan3A_23 to %scan3A_25 step %scan3A_26  : i32 {
      %broadcast_in_dim3A = arith.constant 0.000000e+00 : f32
      %broadcast_in_dim3A_448 = vector.broadcast %broadcast_in_dim3A : f32 to vector<16xf32>
      %swap3A_449 = arith.index_cast %scan3A_447 : i32 to index
      %swap3A_450 = arith.constant 0 : index
      %swap3A_451 = tpu.vector_load %arg14[%swap3A_449, %swap3A_450] {strides = array<i32>} : memref<64x144xf32, #tpu.memory_space<vmem>>, vector<1x16xf32>,
      %swap3A_452 = vector.shape_cast %swap3A_451 : vector<1x16xf32> to vector<16xf32>
      %swap3A_453 = vector.shape_cast %broadcast_in_dim3A_448 : vector<16xf32> to vector<1x16xf32>
      tpu.vector_store %arg14[%swap3A_449, %swap3A_450], %swap3A_453 {strides = array<i32>} : memref<64x144xf32, #tpu.memory_space<vmem>>, vector<1x16xf32>,
      %broadcast_in_dim3A_454 = arith.constant 0.000000e+00 : f32
      %broadcast_in_dim3A_455 = vector.broadcast %broadcast_in_dim3A_454 : f32 to vector<16xf32>
      %swap3A_456 = arith.index_cast %scan3A_447 : i32 to index
      %swap3A_457 = arith.constant 16 : index
      %swap3A_458 = tpu.vector_load %arg14[%swap3A_456, %swap3A_457] {strides = array<i32>} : memref<64x144xf32, #tpu.memory_space<vmem>>, vector<1x16xf32>,
      %swap3A_459 = vector.shape_cast %swap3A_458 : vector<1x16xf32> to vector<16xf32>
      %swap3A_460 = vector.shape_cast %broadcast_in_dim3A_455 : vector<16xf32> to vector<1x16xf32>
      tpu.vector_store %arg14[%swap3A_456, %swap3A_457], %swap3A_460 {strides = array<i32>} : memref<64x144xf32, #tpu.memory_space<vmem>>, vector<1x16xf32>,
      %broadcast_in_dim3A_461 = arith.constant 0.000000e+00 : f32
      %broadcast_in_dim3A_462 = vector.broadcast %broadcast_in_dim3A_461 : f32 to vector<16xf32>
      %swap3A_463 = arith.index_cast %scan3A_447 : i32 to index
      %swap3A_464 = arith.constant 32 : index
      %swap3A_465 = tpu.vector_load %arg14[%swap3A_463, %swap3A_464] {strides = array<i32>} : memref<64x144xf32, #tpu.memory_space<vmem>>, vector<1x16xf32>,
      %swap3A_466 = vector.shape_cast %swap3A_465 : vector<1x16xf32> to vector<16xf32>
      %swap3A_467 = vector.shape_cast %broadcast_in_dim3A_462 : vector<16xf32> to vector<1x16xf32>
      tpu.vector_store %arg14[%swap3A_463, %swap3A_464], %swap3A_467 {strides = array<i32>} : memref<64x144xf32, #tpu.memory_space<vmem>>, vector<1x16xf32>,
      %broadcast_in_dim3A_468 = arith.constant 0.000000e+00 : f32
      %broadcast_in_dim3A_469 = vector.broadcast %broadcast_in_dim3A_468 : f32 to vector<16xf32>
      %swap3A_470 = arith.index_cast %scan3A_447 : i32 to index
      %swap3A_471 = arith.constant 48 : index
      %swap3A_472 = tpu.vector_load %arg14[%swap3A_470, %swap3A_471] {strides = array<i32>} : memref<64x144xf32, #tpu.memory_space<vmem>>, vector<1x16xf32>,
      %swap3A_473 = vector.shape_cast %swap3A_472 : vector<1x16xf32> to vector<16xf32>
      %swap3A_474 = vector.shape_cast %broadcast_in_dim3A_469 : vector<16xf32> to vector<1x16xf32>
      tpu.vector_store %arg14[%swap3A_470, %swap3A_471], %swap3A_474 {strides = array<i32>} : memref<64x144xf32, #tpu.memory_space<vmem>>, vector<1x16xf32>,
      %broadcast_in_dim3A_475 = arith.constant 0.000000e+00 : f32
      %broadcast_in_dim3A_476 = vector.broadcast %broadcast_in_dim3A_475 : f32 to vector<16xf32>
      %swap3A_477 = arith.index_cast %scan3A_447 : i32 to index
      %swap3A_478 = arith.constant 64 : index
      %swap3A_479 = tpu.vector_load %arg14[%swap3A_477, %swap3A_478] {strides = array<i32>} : memref<64x144xf32, #tpu.memory_space<vmem>>, vector<1x16xf32>,
      %swap3A_480 = vector.shape_cast %swap3A_479 : vector<1x16xf32> to vector<16xf32>
      %swap3A_481 = vector.shape_cast %broadcast_in_dim3A_476 : vector<16xf32> to vector<1x16xf32>
      tpu.vector_store %arg14[%swap3A_477, %swap3A_478], %swap3A_481 {strides = array<i32>} : memref<64x144xf32, #tpu.memory_space<vmem>>, vector<1x16xf32>,
      %broadcast_in_dim3A_482 = arith.constant 0.000000e+00 : f32
      %broadcast_in_dim3A_483 = vector.broadcast %broadcast_in_dim3A_482 : f32 to vector<16xf32>
      %swap3A_484 = arith.index_cast %scan3A_447 : i32 to index
      %swap3A_485 = arith.constant 80 : index
      %swap3A_486 = tpu.vector_load %arg14[%swap3A_484, %swap3A_485] {strides = array<i32>} : memref<64x144xf32, #tpu.memory_space<vmem>>, vector<1x16xf32>,
      %swap3A_487 = vector.shape_cast %swap3A_486 : vector<1x16xf32> to vector<16xf32>
      %swap3A_488 = vector.shape_cast %broadcast_in_dim3A_483 : vector<16xf32> to vector<1x16xf32>
      tpu.vector_store %arg14[%swap3A_484, %swap3A_485], %swap3A_488 {strides = array<i32>} : memref<64x144xf32, #tpu.memory_space<vmem>>, vector<1x16xf32>,
      %broadcast_in_dim3A_489 = arith.constant 0.000000e+00 : f32
      %broadcast_in_dim3A_490 = vector.broadcast %broadcast_in_dim3A_489 : f32 to vector<16xf32>
      %swap3A_491 = arith.index_cast %scan3A_447 : i32 to index
      %swap3A_492 = arith.constant 96 : index
      %swap3A_493 = tpu.vector_load %arg14[%swap3A_491, %swap3A_492] {strides = array<i32>} : memref<64x144xf32, #tpu.memory_space<vmem>>, vector<1x16xf32>,
      %swap3A_494 = vector.shape_cast %swap3A_493 : vector<1x16xf32> to vector<16xf32>
      %swap3A_495 = vector.shape_cast %broadcast_in_dim3A_490 : vector<16xf32> to vector<1x16xf32>
      tpu.vector_store %arg14[%swap3A_491, %swap3A_492], %swap3A_495 {strides = array<i32>} : memref<64x144xf32, #tpu.memory_space<vmem>>, vector<1x16xf32>,
      %broadcast_in_dim3A_496 = arith.constant 0.000000e+00 : f32
      %broadcast_in_dim3A_497 = vector.broadcast %broadcast_in_dim3A_496 : f32 to vector<16xf32>
      %swap3A_498 = arith.index_cast %scan3A_447 : i32 to index
      %swap3A_499 = arith.constant 112 : index
      %swap3A_500 = tpu.vector_load %arg14[%swap3A_498, %swap3A_499] {strides = array<i32>} : memref<64x144xf32, #tpu.memory_space<vmem>>, vector<1x16xf32>,
      %swap3A_501 = vector.shape_cast %swap3A_500 : vector<1x16xf32> to vector<16xf32>
      %swap3A_502 = vector.shape_cast %broadcast_in_dim3A_497 : vector<16xf32> to vector<1x16xf32>
      tpu.vector_store %arg14[%swap3A_498, %swap3A_499], %swap3A_502 {strides = array<i32>} : memref<64x144xf32, #tpu.memory_space<vmem>>, vector<1x16xf32>,
      %broadcast_in_dim3A_503 = arith.constant 0.000000e+00 : f32
      %broadcast_in_dim3A_504 = vector.broadcast %broadcast_in_dim3A_503 : f32 to vector<16xf32>
      %swap3A_505 = arith.index_cast %scan3A_447 : i32 to index
      %swap3A_506 = arith.constant 128 : index
      %swap3A_507 = tpu.vector_load %arg14[%swap3A_505, %swap3A_506] {strides = array<i32>} : memref<64x144xf32, #tpu.memory_space<vmem>>, vector<1x16xf32>,
      %swap3A_508 = vector.shape_cast %swap3A_507 : vector<1x16xf32> to vector<16xf32>
      %swap3A_509 = vector.shape_cast %broadcast_in_dim3A_504 : vector<16xf32> to vector<1x16xf32>
      tpu.vector_store %arg14[%swap3A_505, %swap3A_506], %swap3A_509 {strides = array<i32>} : memref<64x144xf32, #tpu.memory_space<vmem>>, vector<1x16xf32>,
    }
    %scan3A_27 = arith.constant 64 : i32
    %mul3A_28 = arith.constant 632 : i32
    %mul3A_29 = arith.muli %arg1, %mul3A_28 : i32
    %add3A_30 = arith.constant 0 : i32
    %add3A_31 = arith.addi %mul3A_29, %add3A_30 : i32
    "tpu.region"() ({
      %run_scoped3A_447 = tpu.sem_alloc : memref<!tpu.dma_semaphore, #tpu.memory_space<semaphore_mem>>
      %dma_start3A_448 = arith.constant 0 : i32
      %dma_start3A_449 = arith.constant 0 : i32
      %dma_start3A_450 = tpu.memref_slice %arg14[%dma_start3A_448, %dma_start3A_449] : memref<64x144xf32, #tpu.memory_space<vmem>> -> memref<64x144xf32, #tpu.memory_space<vmem>>
      %dma_start3A_451 = arith.constant 0 : i32
      %dma_start3A_452 = tpu.memref_slice %arg16[%add3A_31, %dma_start3A_451] : memref<10112x144xf32, #tpu.memory_space<vmem_shared>> -> memref<64x144xf32, #tpu.memory_space<vmem_shared>>
      %dma_start3A_453 = arith.constant 0 : i32
      %dma_start3A_454 = tpu.memref_slice %arg16[%add3A_31, %dma_start3A_453] : memref<10112x144xf32, #tpu.memory_space<vmem_shared>> -> memref<64x144xf32, #tpu.memory_space<vmem_shared>>
      %dma_start3A_455 = arith.constant 0 : i32
      %dma_start3A_456 = arith.constant 0 : i32
      %dma_start3A_457 = tpu.memref_slice %arg14[%dma_start3A_455, %dma_start3A_456] : memref<64x144xf32, #tpu.memory_space<vmem>> -> memref<64x144xf32, #tpu.memory_space<vmem>>
      tpu.enqueue_dma source(%dma_start3A_457 : memref<64x144xf32, #tpu.memory_space<vmem>>) target(%dma_start3A_454 : memref<64x144xf32, #tpu.memory_space<vmem_shared>>) target_semaphore(%run_scoped3A_447 : memref<!tpu.dma_semaphore, #tpu.memory_space<semaphore_mem>>)
      %dma_wait3A_458 = arith.constant 0 : i32
      %dma_wait3A_459 = arith.constant 0 : i32
      %dma_wait3A_460 = tpu.memref_slice %arg14[%dma_wait3A_458, %dma_wait3A_459] : memref<64x144xf32, #tpu.memory_space<vmem>> -> memref<64x144xf32, #tpu.memory_space<vmem>>
      %dma_wait3A_461 = arith.constant 0 : i32
      %dma_wait3A_462 = tpu.memref_slice %arg16[%add3A_31, %dma_wait3A_461] : memref<10112x144xf32, #tpu.memory_space<vmem_shared>> -> memref<64x144xf32, #tpu.memory_space<vmem_shared>>
      %dma_wait3A_463 = arith.constant 0 : i32
      %dma_wait3A_464 = tpu.memref_slice %arg16[%add3A_31, %dma_wait3A_463] : memref<10112x144xf32, #tpu.memory_space<vmem_shared>> -> memref<64x144xf32, #tpu.memory_space<vmem_shared>>
      %dma_wait3A_465 = arith.constant 0 : i32
      %dma_wait3A_466 = arith.constant 0 : i32
      %dma_wait3A_467 = tpu.memref_slice %arg14[%dma_wait3A_465, %dma_wait3A_466] : memref<64x144xf32, #tpu.memory_space<vmem>> -> memref<64x144xf32, #tpu.memory_space<vmem>>
      tpu.wait_dma2 semaphore(%run_scoped3A_447 : memref<!tpu.dma_semaphore, #tpu.memory_space<semaphore_mem>>) src(%dma_wait3A_467 : memref<64x144xf32, #tpu.memory_space<vmem>>) dst(%dma_wait3A_464 : memref<64x144xf32, #tpu.memory_space<vmem_shared>>)
      tpu.yield
    }) : () -> ()
    %mul3A_32 = arith.constant 632 : i32
    %mul3A_33 = arith.muli %arg1, %mul3A_32 : i32
    %add3A_34 = arith.constant 64 : i32
    %add3A_35 = arith.addi %mul3A_33, %add3A_34 : i32
    "tpu.region"() ({
      %run_scoped3A_447 = tpu.sem_alloc : memref<!tpu.dma_semaphore, #tpu.memory_space<semaphore_mem>>
      %dma_start3A_448 = arith.constant 0 : i32
      %dma_start3A_449 = arith.constant 0 : i32
      %dma_start3A_450 = tpu.memref_slice %arg14[%dma_start3A_448, %dma_start3A_449] : memref<64x144xf32, #tpu.memory_space<vmem>> -> memref<64x144xf32, #tpu.memory_space<vmem>>
      %dma_start3A_451 = arith.constant 0 : i32
      %dma_start3A_452 = tpu.memref_slice %arg16[%add3A_35, %dma_start3A_451] : memref<10112x144xf32, #tpu.memory_space<vmem_shared>> -> memref<64x144xf32, #tpu.memory_space<vmem_shared>>
      %dma_start3A_453 = arith.constant 0 : i32
      %dma_start3A_454 = tpu.memref_slice %arg16[%add3A_35, %dma_start3A_453] : memref<10112x144xf32, #tpu.memory_space<vmem_shared>> -> memref<64x144xf32, #tpu.memory_space<vmem_shared>>
      %dma_start3A_455 = arith.constant 0 : i32
      %dma_start3A_456 = arith.constant 0 : i32
      %dma_start3A_457 = tpu.memref_slice %arg14[%dma_start3A_455, %dma_start3A_456] : memref<64x144xf32, #tpu.memory_space<vmem>> -> memref<64x144xf32, #tpu.memory_space<vmem>>
      tpu.enqueue_dma source(%dma_start3A_457 : memref<64x144xf32, #tpu.memory_space<vmem>>) target(%dma_start3A_454 : memref<64x144xf32, #tpu.memory_space<vmem_shared>>) target_semaphore(%run_scoped3A_447 : memref<!tpu.dma_semaphore, #tpu.memory_space<semaphore_mem>>)
      %dma_wait3A_458 = arith.constant 0 : i32
      %dma_wait3A_459 = arith.constant 0 : i32
      %dma_wait3A_460 = tpu.memref_slice %arg14[%dma_wait3A_458, %dma_wait3A_459] : memref<64x144xf32, #tpu.memory_space<vmem>> -> memref<64x144xf32, #tpu.memory_space<vmem>>
      %dma_wait3A_461 = arith.constant 0 : i32
      %dma_wait3A_462 = tpu.memref_slice %arg16[%add3A_35, %dma_wait3A_461] : memref<10112x144xf32, #tpu.memory_space<vmem_shared>> -> memref<64x144xf32, #tpu.memory_space<vmem_shared>>
      %dma_wait3A_463 = arith.constant 0 : i32
      %dma_wait3A_464 = tpu.memref_slice %arg16[%add3A_35, %dma_wait3A_463] : memref<10112x144xf32, #tpu.memory_space<vmem_shared>> -> memref<64x144xf32, #tpu.memory_space<vmem_shared>>
      %dma_wait3A_465 = arith.constant 0 : i32
      %dma_wait3A_466 = arith.constant 0 : i32
      %dma_wait3A_467 = tpu.memref_slice %arg14[%dma_wait3A_465, %dma_wait3A_466] : memref<64x144xf32, #tpu.memory_space<vmem>> -> memref<64x144xf32, #tpu.memory_space<vmem>>
      tpu.wait_dma2 semaphore(%run_scoped3A_447 : memref<!tpu.dma_semaphore, #tpu.memory_space<semaphore_mem>>) src(%dma_wait3A_467 : memref<64x144xf32, #tpu.memory_space<vmem>>) dst(%dma_wait3A_464 : memref<64x144xf32, #tpu.memory_space<vmem_shared>>)
      tpu.yield
    }) : () -> ()
    %mul3A_36 = arith.constant 632 : i32
    %mul3A_37 = arith.muli %arg1, %mul3A_36 : i32
    %add3A_38 = arith.constant 128 : i32
    %add3A_39 = arith.addi %mul3A_37, %add3A_38 : i32
    "tpu.region"() ({
      %run_scoped3A_447 = tpu.sem_alloc : memref<!tpu.dma_semaphore, #tpu.memory_space<semaphore_mem>>
      %dma_start3A_448 = arith.constant 0 : i32
      %dma_start3A_449 = arith.constant 0 : i32
      %dma_start3A_450 = tpu.memref_slice %arg14[%dma_start3A_448, %dma_start3A_449] : memref<64x144xf32, #tpu.memory_space<vmem>> -> memref<64x144xf32, #tpu.memory_space<vmem>>
      %dma_start3A_451 = arith.constant 0 : i32
      %dma_start3A_452 = tpu.memref_slice %arg16[%add3A_39, %dma_start3A_451] : memref<10112x144xf32, #tpu.memory_space<vmem_shared>> -> memref<64x144xf32, #tpu.memory_space<vmem_shared>>
      %dma_start3A_453 = arith.constant 0 : i32
      %dma_start3A_454 = tpu.memref_slice %arg16[%add3A_39, %dma_start3A_453] : memref<10112x144xf32, #tpu.memory_space<vmem_shared>> -> memref<64x144xf32, #tpu.memory_space<vmem_shared>>
      %dma_start3A_455 = arith.constant 0 : i32
      %dma_start3A_456 = arith.constant 0 : i32
      %dma_start3A_457 = tpu.memref_slice %arg14[%dma_start3A_455, %dma_start3A_456] : memref<64x144xf32, #tpu.memory_space<vmem>> -> memref<64x144xf32, #tpu.memory_space<vmem>>
      tpu.enqueue_dma source(%dma_start3A_457 : memref<64x144xf32, #tpu.memory_space<vmem>>) target(%dma_start3A_454 : memref<64x144xf32, #tpu.memory_space<vmem_shared>>) target_semaphore(%run_scoped3A_447 : memref<!tpu.dma_semaphore, #tpu.memory_space<semaphore_mem>>)
      %dma_wait3A_458 = arith.constant 0 : i32
      %dma_wait3A_459 = arith.constant 0 : i32
      %dma_wait3A_460 = tpu.memref_slice %arg14[%dma_wait3A_458, %dma_wait3A_459] : memref<64x144xf32, #tpu.memory_space<vmem>> -> memref<64x144xf32, #tpu.memory_space<vmem>>
      %dma_wait3A_461 = arith.constant 0 : i32
      %dma_wait3A_462 = tpu.memref_slice %arg16[%add3A_39, %dma_wait3A_461] : memref<10112x144xf32, #tpu.memory_space<vmem_shared>> -> memref<64x144xf32, #tpu.memory_space<vmem_shared>>
      %dma_wait3A_463 = arith.constant 0 : i32
      %dma_wait3A_464 = tpu.memref_slice %arg16[%add3A_39, %dma_wait3A_463] : memref<10112x144xf32, #tpu.memory_space<vmem_shared>> -> memref<64x144xf32, #tpu.memory_space<vmem_shared>>
      %dma_wait3A_465 = arith.constant 0 : i32
      %dma_wait3A_466 = arith.constant 0 : i32
      %dma_wait3A_467 = tpu.memref_slice %arg14[%dma_wait3A_465, %dma_wait3A_466] : memref<64x144xf32, #tpu.memory_space<vmem>> -> memref<64x144xf32, #tpu.memory_space<vmem>>
      tpu.wait_dma2 semaphore(%run_scoped3A_447 : memref<!tpu.dma_semaphore, #tpu.memory_space<semaphore_mem>>) src(%dma_wait3A_467 : memref<64x144xf32, #tpu.memory_space<vmem>>) dst(%dma_wait3A_464 : memref<64x144xf32, #tpu.memory_space<vmem_shared>>)
      tpu.yield
    }) : () -> ()
    %mul3A_40 = arith.constant 632 : i32
    %mul3A_41 = arith.muli %arg1, %mul3A_40 : i32
    %add3A_42 = arith.constant 192 : i32
    %add3A_43 = arith.addi %mul3A_41, %add3A_42 : i32
    "tpu.region"() ({
      %run_scoped3A_447 = tpu.sem_alloc : memref<!tpu.dma_semaphore, #tpu.memory_space<semaphore_mem>>
      %dma_start3A_448 = arith.constant 0 : i32
      %dma_start3A_449 = arith.constant 0 : i32
      %dma_start3A_450 = tpu.memref_slice %arg14[%dma_start3A_448, %dma_start3A_449] : memref<64x144xf32, #tpu.memory_space<vmem>> -> memref<64x144xf32, #tpu.memory_space<vmem>>
      %dma_start3A_451 = arith.constant 0 : i32
      %dma_start3A_452 = tpu.memref_slice %arg16[%add3A_43, %dma_start3A_451] : memref<10112x144xf32, #tpu.memory_space<vmem_shared>> -> memref<64x144xf32, #tpu.memory_space<vmem_shared>>
      %dma_start3A_453 = arith.constant 0 : i32
      %dma_start3A_454 = tpu.memref_slice %arg16[%add3A_43, %dma_start3A_453] : memref<10112x144xf32, #tpu.memory_space<vmem_shared>> -> memref<64x144xf32, #tpu.memory_space<vmem_shared>>
      %dma_start3A_455 = arith.constant 0 : i32
      %dma_start3A_456 = arith.constant 0 : i32
      %dma_start3A_457 = tpu.memref_slice %arg14[%dma_start3A_455, %dma_start3A_456] : memref<64x144xf32, #tpu.memory_space<vmem>> -> memref<64x144xf32, #tpu.memory_space<vmem>>
      tpu.enqueue_dma source(%dma_start3A_457 : memref<64x144xf32, #tpu.memory_space<vmem>>) target(%dma_start3A_454 : memref<64x144xf32, #tpu.memory_space<vmem_shared>>) target_semaphore(%run_scoped3A_447 : memref<!tpu.dma_semaphore, #tpu.memory_space<semaphore_mem>>)
      %dma_wait3A_458 = arith.constant 0 : i32
      %dma_wait3A_459 = arith.constant 0 : i32
      %dma_wait3A_460 = tpu.memref_slice %arg14[%dma_wait3A_458, %dma_wait3A_459] : memref<64x144xf32, #tpu.memory_space<vmem>> -> memref<64x144xf32, #tpu.memory_space<vmem>>
      %dma_wait3A_461 = arith.constant 0 : i32
      %dma_wait3A_462 = tpu.memref_slice %arg16[%add3A_43, %dma_wait3A_461] : memref<10112x144xf32, #tpu.memory_space<vmem_shared>> -> memref<64x144xf32, #tpu.memory_space<vmem_shared>>
      %dma_wait3A_463 = arith.constant 0 : i32
      %dma_wait3A_464 = tpu.memref_slice %arg16[%add3A_43, %dma_wait3A_463] : memref<10112x144xf32, #tpu.memory_space<vmem_shared>> -> memref<64x144xf32, #tpu.memory_space<vmem_shared>>
      %dma_wait3A_465 = arith.constant 0 : i32
      %dma_wait3A_466 = arith.constant 0 : i32
      %dma_wait3A_467 = tpu.memref_slice %arg14[%dma_wait3A_465, %dma_wait3A_466] : memref<64x144xf32, #tpu.memory_space<vmem>> -> memref<64x144xf32, #tpu.memory_space<vmem>>
      tpu.wait_dma2 semaphore(%run_scoped3A_447 : memref<!tpu.dma_semaphore, #tpu.memory_space<semaphore_mem>>) src(%dma_wait3A_467 : memref<64x144xf32, #tpu.memory_space<vmem>>) dst(%dma_wait3A_464 : memref<64x144xf32, #tpu.memory_space<vmem_shared>>)
      tpu.yield
    }) : () -> ()
    %mul3A_44 = arith.constant 632 : i32
    %mul3A_45 = arith.muli %arg1, %mul3A_44 : i32
    %add3A_46 = arith.constant 256 : i32
    %add3A_47 = arith.addi %mul3A_45, %add3A_46 : i32
    "tpu.region"() ({
      %run_scoped3A_447 = tpu.sem_alloc : memref<!tpu.dma_semaphore, #tpu.memory_space<semaphore_mem>>
      %dma_start3A_448 = arith.constant 0 : i32
      %dma_start3A_449 = arith.constant 0 : i32
      %dma_start3A_450 = tpu.memref_slice %arg14[%dma_start3A_448, %dma_start3A_449] : memref<64x144xf32, #tpu.memory_space<vmem>> -> memref<64x144xf32, #tpu.memory_space<vmem>>
      %dma_start3A_451 = arith.constant 0 : i32
      %dma_start3A_452 = tpu.memref_slice %arg16[%add3A_47, %dma_start3A_451] : memref<10112x144xf32, #tpu.memory_space<vmem_shared>> -> memref<64x144xf32, #tpu.memory_space<vmem_shared>>
      %dma_start3A_453 = arith.constant 0 : i32
      %dma_start3A_454 = tpu.memref_slice %arg16[%add3A_47, %dma_start3A_453] : memref<10112x144xf32, #tpu.memory_space<vmem_shared>> -> memref<64x144xf32, #tpu.memory_space<vmem_shared>>
      %dma_start3A_455 = arith.constant 0 : i32
      %dma_start3A_456 = arith.constant 0 : i32
      %dma_start3A_457 = tpu.memref_slice %arg14[%dma_start3A_455, %dma_start3A_456] : memref<64x144xf32, #tpu.memory_space<vmem>> -> memref<64x144xf32, #tpu.memory_space<vmem>>
      tpu.enqueue_dma source(%dma_start3A_457 : memref<64x144xf32, #tpu.memory_space<vmem>>) target(%dma_start3A_454 : memref<64x144xf32, #tpu.memory_space<vmem_shared>>) target_semaphore(%run_scoped3A_447 : memref<!tpu.dma_semaphore, #tpu.memory_space<semaphore_mem>>)
      %dma_wait3A_458 = arith.constant 0 : i32
      %dma_wait3A_459 = arith.constant 0 : i32
      %dma_wait3A_460 = tpu.memref_slice %arg14[%dma_wait3A_458, %dma_wait3A_459] : memref<64x144xf32, #tpu.memory_space<vmem>> -> memref<64x144xf32, #tpu.memory_space<vmem>>
      %dma_wait3A_461 = arith.constant 0 : i32
      %dma_wait3A_462 = tpu.memref_slice %arg16[%add3A_47, %dma_wait3A_461] : memref<10112x144xf32, #tpu.memory_space<vmem_shared>> -> memref<64x144xf32, #tpu.memory_space<vmem_shared>>
      %dma_wait3A_463 = arith.constant 0 : i32
      %dma_wait3A_464 = tpu.memref_slice %arg16[%add3A_47, %dma_wait3A_463] : memref<10112x144xf32, #tpu.memory_space<vmem_shared>> -> memref<64x144xf32, #tpu.memory_space<vmem_shared>>
      %dma_wait3A_465 = arith.constant 0 : i32
      %dma_wait3A_466 = arith.constant 0 : i32
      %dma_wait3A_467 = tpu.memref_slice %arg14[%dma_wait3A_465, %dma_wait3A_466] : memref<64x144xf32, #tpu.memory_space<vmem>> -> memref<64x144xf32, #tpu.memory_space<vmem>>
      tpu.wait_dma2 semaphore(%run_scoped3A_447 : memref<!tpu.dma_semaphore, #tpu.memory_space<semaphore_mem>>) src(%dma_wait3A_467 : memref<64x144xf32, #tpu.memory_space<vmem>>) dst(%dma_wait3A_464 : memref<64x144xf32, #tpu.memory_space<vmem_shared>>)
      tpu.yield
    }) : () -> ()
    %mul3A_48 = arith.constant 632 : i32
    %mul3A_49 = arith.muli %arg1, %mul3A_48 : i32
    %add3A_50 = arith.constant 320 : i32
    %add3A_51 = arith.addi %mul3A_49, %add3A_50 : i32
    "tpu.region"() ({
      %run_scoped3A_447 = tpu.sem_alloc : memref<!tpu.dma_semaphore, #tpu.memory_space<semaphore_mem>>
      %dma_start3A_448 = arith.constant 0 : i32
      %dma_start3A_449 = arith.constant 0 : i32
      %dma_start3A_450 = tpu.memref_slice %arg14[%dma_start3A_448, %dma_start3A_449] : memref<64x144xf32, #tpu.memory_space<vmem>> -> memref<64x144xf32, #tpu.memory_space<vmem>>
      %dma_start3A_451 = arith.constant 0 : i32
      %dma_start3A_452 = tpu.memref_slice %arg16[%add3A_51, %dma_start3A_451] : memref<10112x144xf32, #tpu.memory_space<vmem_shared>> -> memref<64x144xf32, #tpu.memory_space<vmem_shared>>
      %dma_start3A_453 = arith.constant 0 : i32
      %dma_start3A_454 = tpu.memref_slice %arg16[%add3A_51, %dma_start3A_453] : memref<10112x144xf32, #tpu.memory_space<vmem_shared>> -> memref<64x144xf32, #tpu.memory_space<vmem_shared>>
      %dma_start3A_455 = arith.constant 0 : i32
      %dma_start3A_456 = arith.constant 0 : i32
      %dma_start3A_457 = tpu.memref_slice %arg14[%dma_start3A_455, %dma_start3A_456] : memref<64x144xf32, #tpu.memory_space<vmem>> -> memref<64x144xf32, #tpu.memory_space<vmem>>
      tpu.enqueue_dma source(%dma_start3A_457 : memref<64x144xf32, #tpu.memory_space<vmem>>) target(%dma_start3A_454 : memref<64x144xf32, #tpu.memory_space<vmem_shared>>) target_semaphore(%run_scoped3A_447 : memref<!tpu.dma_semaphore, #tpu.memory_space<semaphore_mem>>)
      %dma_wait3A_458 = arith.constant 0 : i32
      %dma_wait3A_459 = arith.constant 0 : i32
      %dma_wait3A_460 = tpu.memref_slice %arg14[%dma_wait3A_458, %dma_wait3A_459] : memref<64x144xf32, #tpu.memory_space<vmem>> -> memref<64x144xf32, #tpu.memory_space<vmem>>
      %dma_wait3A_461 = arith.constant 0 : i32
      %dma_wait3A_462 = tpu.memref_slice %arg16[%add3A_51, %dma_wait3A_461] : memref<10112x144xf32, #tpu.memory_space<vmem_shared>> -> memref<64x144xf32, #tpu.memory_space<vmem_shared>>
      %dma_wait3A_463 = arith.constant 0 : i32
      %dma_wait3A_464 = tpu.memref_slice %arg16[%add3A_51, %dma_wait3A_463] : memref<10112x144xf32, #tpu.memory_space<vmem_shared>> -> memref<64x144xf32, #tpu.memory_space<vmem_shared>>
      %dma_wait3A_465 = arith.constant 0 : i32
      %dma_wait3A_466 = arith.constant 0 : i32
      %dma_wait3A_467 = tpu.memref_slice %arg14[%dma_wait3A_465, %dma_wait3A_466] : memref<64x144xf32, #tpu.memory_space<vmem>> -> memref<64x144xf32, #tpu.memory_space<vmem>>
      tpu.wait_dma2 semaphore(%run_scoped3A_447 : memref<!tpu.dma_semaphore, #tpu.memory_space<semaphore_mem>>) src(%dma_wait3A_467 : memref<64x144xf32, #tpu.memory_space<vmem>>) dst(%dma_wait3A_464 : memref<64x144xf32, #tpu.memory_space<vmem_shared>>)
      tpu.yield
    }) : () -> ()
    %mul3A_52 = arith.constant 632 : i32
    %mul3A_53 = arith.muli %arg1, %mul3A_52 : i32
    %add3A_54 = arith.constant 384 : i32
    %add3A_55 = arith.addi %mul3A_53, %add3A_54 : i32
    "tpu.region"() ({
      %run_scoped3A_447 = tpu.sem_alloc : memref<!tpu.dma_semaphore, #tpu.memory_space<semaphore_mem>>
      %dma_start3A_448 = arith.constant 0 : i32
      %dma_start3A_449 = arith.constant 0 : i32
      %dma_start3A_450 = tpu.memref_slice %arg14[%dma_start3A_448, %dma_start3A_449] : memref<64x144xf32, #tpu.memory_space<vmem>> -> memref<64x144xf32, #tpu.memory_space<vmem>>
      %dma_start3A_451 = arith.constant 0 : i32
      %dma_start3A_452 = tpu.memref_slice %arg16[%add3A_55, %dma_start3A_451] : memref<10112x144xf32, #tpu.memory_space<vmem_shared>> -> memref<64x144xf32, #tpu.memory_space<vmem_shared>>
      %dma_start3A_453 = arith.constant 0 : i32
      %dma_start3A_454 = tpu.memref_slice %arg16[%add3A_55, %dma_start3A_453] : memref<10112x144xf32, #tpu.memory_space<vmem_shared>> -> memref<64x144xf32, #tpu.memory_space<vmem_shared>>
      %dma_start3A_455 = arith.constant 0 : i32
      %dma_start3A_456 = arith.constant 0 : i32
      %dma_start3A_457 = tpu.memref_slice %arg14[%dma_start3A_455, %dma_start3A_456] : memref<64x144xf32, #tpu.memory_space<vmem>> -> memref<64x144xf32, #tpu.memory_space<vmem>>
      tpu.enqueue_dma source(%dma_start3A_457 : memref<64x144xf32, #tpu.memory_space<vmem>>) target(%dma_start3A_454 : memref<64x144xf32, #tpu.memory_space<vmem_shared>>) target_semaphore(%run_scoped3A_447 : memref<!tpu.dma_semaphore, #tpu.memory_space<semaphore_mem>>)
      %dma_wait3A_458 = arith.constant 0 : i32
      %dma_wait3A_459 = arith.constant 0 : i32
      %dma_wait3A_460 = tpu.memref_slice %arg14[%dma_wait3A_458, %dma_wait3A_459] : memref<64x144xf32, #tpu.memory_space<vmem>> -> memref<64x144xf32, #tpu.memory_space<vmem>>
      %dma_wait3A_461 = arith.constant 0 : i32
      %dma_wait3A_462 = tpu.memref_slice %arg16[%add3A_55, %dma_wait3A_461] : memref<10112x144xf32, #tpu.memory_space<vmem_shared>> -> memref<64x144xf32, #tpu.memory_space<vmem_shared>>
      %dma_wait3A_463 = arith.constant 0 : i32
      %dma_wait3A_464 = tpu.memref_slice %arg16[%add3A_55, %dma_wait3A_463] : memref<10112x144xf32, #tpu.memory_space<vmem_shared>> -> memref<64x144xf32, #tpu.memory_space<vmem_shared>>
      %dma_wait3A_465 = arith.constant 0 : i32
      %dma_wait3A_466 = arith.constant 0 : i32
      %dma_wait3A_467 = tpu.memref_slice %arg14[%dma_wait3A_465, %dma_wait3A_466] : memref<64x144xf32, #tpu.memory_space<vmem>> -> memref<64x144xf32, #tpu.memory_space<vmem>>
      tpu.wait_dma2 semaphore(%run_scoped3A_447 : memref<!tpu.dma_semaphore, #tpu.memory_space<semaphore_mem>>) src(%dma_wait3A_467 : memref<64x144xf32, #tpu.memory_space<vmem>>) dst(%dma_wait3A_464 : memref<64x144xf32, #tpu.memory_space<vmem_shared>>)
      tpu.yield
    }) : () -> ()
    %mul3A_56 = arith.constant 632 : i32
    %mul3A_57 = arith.muli %arg1, %mul3A_56 : i32
    %add3A_58 = arith.constant 448 : i32
    %add3A_59 = arith.addi %mul3A_57, %add3A_58 : i32
    "tpu.region"() ({
      %run_scoped3A_447 = tpu.sem_alloc : memref<!tpu.dma_semaphore, #tpu.memory_space<semaphore_mem>>
      %dma_start3A_448 = arith.constant 0 : i32
      %dma_start3A_449 = arith.constant 0 : i32
      %dma_start3A_450 = tpu.memref_slice %arg14[%dma_start3A_448, %dma_start3A_449] : memref<64x144xf32, #tpu.memory_space<vmem>> -> memref<64x144xf32, #tpu.memory_space<vmem>>
      %dma_start3A_451 = arith.constant 0 : i32
      %dma_start3A_452 = tpu.memref_slice %arg16[%add3A_59, %dma_start3A_451] : memref<10112x144xf32, #tpu.memory_space<vmem_shared>> -> memref<64x144xf32, #tpu.memory_space<vmem_shared>>
      %dma_start3A_453 = arith.constant 0 : i32
      %dma_start3A_454 = tpu.memref_slice %arg16[%add3A_59, %dma_start3A_453] : memref<10112x144xf32, #tpu.memory_space<vmem_shared>> -> memref<64x144xf32, #tpu.memory_space<vmem_shared>>
      %dma_start3A_455 = arith.constant 0 : i32
      %dma_start3A_456 = arith.constant 0 : i32
      %dma_start3A_457 = tpu.memref_slice %arg14[%dma_start3A_455, %dma_start3A_456] : memref<64x144xf32, #tpu.memory_space<vmem>> -> memref<64x144xf32, #tpu.memory_space<vmem>>
      tpu.enqueue_dma source(%dma_start3A_457 : memref<64x144xf32, #tpu.memory_space<vmem>>) target(%dma_start3A_454 : memref<64x144xf32, #tpu.memory_space<vmem_shared>>) target_semaphore(%run_scoped3A_447 : memref<!tpu.dma_semaphore, #tpu.memory_space<semaphore_mem>>)
      %dma_wait3A_458 = arith.constant 0 : i32
      %dma_wait3A_459 = arith.constant 0 : i32
      %dma_wait3A_460 = tpu.memref_slice %arg14[%dma_wait3A_458, %dma_wait3A_459] : memref<64x144xf32, #tpu.memory_space<vmem>> -> memref<64x144xf32, #tpu.memory_space<vmem>>
      %dma_wait3A_461 = arith.constant 0 : i32
      %dma_wait3A_462 = tpu.memref_slice %arg16[%add3A_59, %dma_wait3A_461] : memref<10112x144xf32, #tpu.memory_space<vmem_shared>> -> memref<64x144xf32, #tpu.memory_space<vmem_shared>>
      %dma_wait3A_463 = arith.constant 0 : i32
      %dma_wait3A_464 = tpu.memref_slice %arg16[%add3A_59, %dma_wait3A_463] : memref<10112x144xf32, #tpu.memory_space<vmem_shared>> -> memref<64x144xf32, #tpu.memory_space<vmem_shared>>
      %dma_wait3A_465 = arith.constant 0 : i32
      %dma_wait3A_466 = arith.constant 0 : i32
      %dma_wait3A_467 = tpu.memref_slice %arg14[%dma_wait3A_465, %dma_wait3A_466] : memref<64x144xf32, #tpu.memory_space<vmem>> -> memref<64x144xf32, #tpu.memory_space<vmem>>
      tpu.wait_dma2 semaphore(%run_scoped3A_447 : memref<!tpu.dma_semaphore, #tpu.memory_space<semaphore_mem>>) src(%dma_wait3A_467 : memref<64x144xf32, #tpu.memory_space<vmem>>) dst(%dma_wait3A_464 : memref<64x144xf32, #tpu.memory_space<vmem_shared>>)
      tpu.yield
    }) : () -> ()
    %mul3A_60 = arith.constant 632 : i32
    %mul3A_61 = arith.muli %arg1, %mul3A_60 : i32
    %add3A_62 = arith.constant 512 : i32
    %add3A_63 = arith.addi %mul3A_61, %add3A_62 : i32
    "tpu.region"() ({
      %run_scoped3A_447 = tpu.sem_alloc : memref<!tpu.dma_semaphore, #tpu.memory_space<semaphore_mem>>
      %dma_start3A_448 = arith.constant 0 : i32
      %dma_start3A_449 = arith.constant 0 : i32
      %dma_start3A_450 = tpu.memref_slice %arg14[%dma_start3A_448, %dma_start3A_449] : memref<64x144xf32, #tpu.memory_space<vmem>> -> memref<64x144xf32, #tpu.memory_space<vmem>>
      %dma_start3A_451 = arith.constant 0 : i32
      %dma_start3A_452 = tpu.memref_slice %arg16[%add3A_63, %dma_start3A_451] : memref<10112x144xf32, #tpu.memory_space<vmem_shared>> -> memref<64x144xf32, #tpu.memory_space<vmem_shared>>
      %dma_start3A_453 = arith.constant 0 : i32
      %dma_start3A_454 = tpu.memref_slice %arg16[%add3A_63, %dma_start3A_453] : memref<10112x144xf32, #tpu.memory_space<vmem_shared>> -> memref<64x144xf32, #tpu.memory_space<vmem_shared>>
      %dma_start3A_455 = arith.constant 0 : i32
      %dma_start3A_456 = arith.constant 0 : i32
      %dma_start3A_457 = tpu.memref_slice %arg14[%dma_start3A_455, %dma_start3A_456] : memref<64x144xf32, #tpu.memory_space<vmem>> -> memref<64x144xf32, #tpu.memory_space<vmem>>
      tpu.enqueue_dma source(%dma_start3A_457 : memref<64x144xf32, #tpu.memory_space<vmem>>) target(%dma_start3A_454 : memref<64x144xf32, #tpu.memory_space<vmem_shared>>) target_semaphore(%run_scoped3A_447 : memref<!tpu.dma_semaphore, #tpu.memory_space<semaphore_mem>>)
      %dma_wait3A_458 = arith.constant 0 : i32
      %dma_wait3A_459 = arith.constant 0 : i32
      %dma_wait3A_460 = tpu.memref_slice %arg14[%dma_wait3A_458, %dma_wait3A_459] : memref<64x144xf32, #tpu.memory_space<vmem>> -> memref<64x144xf32, #tpu.memory_space<vmem>>
      %dma_wait3A_461 = arith.constant 0 : i32
      %dma_wait3A_462 = tpu.memref_slice %arg16[%add3A_63, %dma_wait3A_461] : memref<10112x144xf32, #tpu.memory_space<vmem_shared>> -> memref<64x144xf32, #tpu.memory_space<vmem_shared>>
      %dma_wait3A_463 = arith.constant 0 : i32
      %dma_wait3A_464 = tpu.memref_slice %arg16[%add3A_63, %dma_wait3A_463] : memref<10112x144xf32, #tpu.memory_space<vmem_shared>> -> memref<64x144xf32, #tpu.memory_space<vmem_shared>>
      %dma_wait3A_465 = arith.constant 0 : i32
      %dma_wait3A_466 = arith.constant 0 : i32
      %dma_wait3A_467 = tpu.memref_slice %arg14[%dma_wait3A_465, %dma_wait3A_466] : memref<64x144xf32, #tpu.memory_space<vmem>> -> memref<64x144xf32, #tpu.memory_space<vmem>>
      tpu.wait_dma2 semaphore(%run_scoped3A_447 : memref<!tpu.dma_semaphore, #tpu.memory_space<semaphore_mem>>) src(%dma_wait3A_467 : memref<64x144xf32, #tpu.memory_space<vmem>>) dst(%dma_wait3A_464 : memref<64x144xf32, #tpu.memory_space<vmem_shared>>)
      tpu.yield
    }) : () -> ()
    %mul3A_64 = arith.constant 632 : i32
    %mul3A_65 = arith.muli %arg1, %mul3A_64 : i32
    %add3A_66 = arith.constant 576 : i32
    %add3A_67 = arith.addi %mul3A_65, %add3A_66 : i32
    "tpu.region"() ({
      %run_scoped3A_447 = tpu.sem_alloc : memref<!tpu.dma_semaphore, #tpu.memory_space<semaphore_mem>>
      %dma_start3A_448 = arith.constant 0 : i32
      %dma_start3A_449 = arith.constant 0 : i32
      %dma_start3A_450 = tpu.memref_slice %arg14[%dma_start3A_448, %dma_start3A_449] : memref<64x144xf32, #tpu.memory_space<vmem>> -> memref<56x144xf32, #tpu.memory_space<vmem>>
      %dma_start3A_451 = arith.constant 0 : i32
      %dma_start3A_452 = tpu.memref_slice %arg16[%add3A_67, %dma_start3A_451] : memref<10112x144xf32, #tpu.memory_space<vmem_shared>> -> memref<56x144xf32, #tpu.memory_space<vmem_shared>>
      %dma_start3A_453 = arith.constant 0 : i32
      %dma_start3A_454 = tpu.memref_slice %arg16[%add3A_67, %dma_start3A_453] : memref<10112x144xf32, #tpu.memory_space<vmem_shared>> -> memref<56x144xf32, #tpu.memory_space<vmem_shared>>
      %dma_start3A_455 = arith.constant 0 : i32
      %dma_start3A_456 = arith.constant 0 : i32
      %dma_start3A_457 = tpu.memref_slice %arg14[%dma_start3A_455, %dma_start3A_456] : memref<64x144xf32, #tpu.memory_space<vmem>> -> memref<56x144xf32, #tpu.memory_space<vmem>>
      tpu.enqueue_dma source(%dma_start3A_457 : memref<56x144xf32, #tpu.memory_space<vmem>>) target(%dma_start3A_454 : memref<56x144xf32, #tpu.memory_space<vmem_shared>>) target_semaphore(%run_scoped3A_447 : memref<!tpu.dma_semaphore, #tpu.memory_space<semaphore_mem>>)
      %dma_wait3A_458 = arith.constant 0 : i32
      %dma_wait3A_459 = arith.constant 0 : i32
      %dma_wait3A_460 = tpu.memref_slice %arg14[%dma_wait3A_458, %dma_wait3A_459] : memref<64x144xf32, #tpu.memory_space<vmem>> -> memref<56x144xf32, #tpu.memory_space<vmem>>
      %dma_wait3A_461 = arith.constant 0 : i32
      %dma_wait3A_462 = tpu.memref_slice %arg16[%add3A_67, %dma_wait3A_461] : memref<10112x144xf32, #tpu.memory_space<vmem_shared>> -> memref<56x144xf32, #tpu.memory_space<vmem_shared>>
      %dma_wait3A_463 = arith.constant 0 : i32
      %dma_wait3A_464 = tpu.memref_slice %arg16[%add3A_67, %dma_wait3A_463] : memref<10112x144xf32, #tpu.memory_space<vmem_shared>> -> memref<56x144xf32, #tpu.memory_space<vmem_shared>>
      %dma_wait3A_465 = arith.constant 0 : i32
      %dma_wait3A_466 = arith.constant 0 : i32
      %dma_wait3A_467 = tpu.memref_slice %arg14[%dma_wait3A_465, %dma_wait3A_466] : memref<64x144xf32, #tpu.memory_space<vmem>> -> memref<56x144xf32, #tpu.memory_space<vmem>>
      tpu.wait_dma2 semaphore(%run_scoped3A_447 : memref<!tpu.dma_semaphore, #tpu.memory_space<semaphore_mem>>) src(%dma_wait3A_467 : memref<56x144xf32, #tpu.memory_space<vmem>>) dst(%dma_wait3A_464 : memref<56x144xf32, #tpu.memory_space<vmem_shared>>)
      tpu.yield
    }) : () -> ()
    %barrier3A = arith.constant 0 : index
    tpu.barrier barrier_id(%barrier3A)
    %dma_wait3A = arith.constant 0 : i32
    %dma_wait3A_68 = arith.constant 0 : i32
    %dma_wait3A_69 = arith.constant 0 : i32
    %dma_wait3A_70 = tpu.memref_slice %arg4[%add3A, %dma_wait3A, %dma_wait3A_68, %dma_wait3A_69] : memref<32x162x2x64xi32, #tpu.memory_space<hbm>> -> memref<1x1x2x64xi32, #tpu.memory_space<hbm>>
    %dma_wait3A_71 = tpu.memref_squeeze %dma_wait3A_70 : memref<1x1x2x64xi32, #tpu.memory_space<hbm>> -> memref<2x64xi32, #tpu.memory_space<hbm>>
    %dma_wait3A_72 = arith.constant 0 : i32
    %dma_wait3A_73 = arith.constant 0 : i32
    %dma_wait3A_74 = tpu.memref_slice %arg4[%add3A, %dma_wait3A, %dma_wait3A_72, %dma_wait3A_73] : memref<32x162x2x64xi32, #tpu.memory_space<hbm>> -> memref<1x1x2x64xi32, #tpu.memory_space<hbm>>
    %dma_wait3A_75 = tpu.memref_squeeze %dma_wait3A_74 : memref<1x1x2x64xi32, #tpu.memory_space<hbm>> -> memref<2x64xi32, #tpu.memory_space<hbm>>
    tpu.wait_dma2 semaphore(%arg24 : memref<!tpu.dma_semaphore, #tpu.memory_space<semaphore_mem>>) src(%dma_wait3A_75 : memref<2x64xi32, #tpu.memory_space<hbm>>) dst(%arg7 : memref<2x64xi32, #tpu.memory_space<vmem>>)
    %dma_start3A_76 = arith.constant 0 : i32
    %dma_start3A_77 = arith.constant 0 : i32
    %dma_start3A_78 = tpu.memref_slice %arg7[%dma_start3A_76, %dma_start3A_77] : memref<2x64xi32, #tpu.memory_space<vmem>> -> memref<1x64xi32, #tpu.memory_space<vmem>>
    %dma_start3A_79 = tpu.memref_squeeze %dma_start3A_78 : memref<1x64xi32, #tpu.memory_space<vmem>> -> memref<64xi32, #tpu.memory_space<vmem>>
    %dma_start3A_80 = arith.constant 0 : i32
    %dma_start3A_81 = arith.constant 0 : i32
    %dma_start3A_82 = tpu.memref_slice %arg2[%dma_start3A_80, %dma_start3A_81] : memref<10112x144xf32, #tpu.memory_space<hbm>> -> memref<10112x144xf32, #tpu.memory_space<hbm>>
    tpu.enqueue_indirect_dma source(%dma_start3A_82 : memref<10112x144xf32, #tpu.memory_space<hbm>>) target(%arg11 : memref<64x144xf32, #tpu.memory_space<vmem>>) offsets(%dma_start3A_79 : memref<64xi32, #tpu.memory_space<vmem>>) semaphore(%arg18 : memref<!tpu.dma_semaphore, #tpu.memory_space<semaphore_mem>>)
    %dma_start3A_83 = arith.constant 1 : i32
    %dma_start3A_84 = arith.constant 0 : i32
    %dma_start3A_85 = tpu.memref_slice %arg7[%dma_start3A_83, %dma_start3A_84] : memref<2x64xi32, #tpu.memory_space<vmem>> -> memref<1x64xi32, #tpu.memory_space<vmem>>
    %dma_start3A_86 = tpu.memref_squeeze %dma_start3A_85 : memref<1x64xi32, #tpu.memory_space<vmem>> -> memref<64xi32, #tpu.memory_space<vmem>>
    %dma_start3A_87 = arith.constant 0 : i32
    %dma_start3A_88 = arith.constant 0 : i32
    %dma_start3A_89 = tpu.memref_slice %arg3[%dma_start3A_87, %dma_start3A_88] : memref<10112x16xf32, #tpu.memory_space<hbm>> -> memref<10112x16xf32, #tpu.memory_space<hbm>>
    tpu.enqueue_indirect_dma source(%dma_start3A_89 : memref<10112x16xf32, #tpu.memory_space<hbm>>) target(%arg13 : memref<64x16xf32, #tpu.memory_space<vmem>>) offsets(%dma_start3A_86 : memref<64xi32, #tpu.memory_space<vmem>>) semaphore(%arg20 : memref<!tpu.dma_semaphore, #tpu.memory_space<semaphore_mem>>)
    %dma_wait3A_90 = arith.constant 0 : i32
    %dma_wait3A_91 = arith.constant 0 : i32
    %dma_wait3A_92 = tpu.memref_slice %arg6[%dma_wait3A_90, %dma_wait3A_91] : memref<2x64xi32, #tpu.memory_space<vmem>> -> memref<1x64xi32, #tpu.memory_space<vmem>>
    %dma_wait3A_93 = tpu.memref_squeeze %dma_wait3A_92 : memref<1x64xi32, #tpu.memory_space<vmem>> -> memref<64xi32, #tpu.memory_space<vmem>>
    %dma_wait3A_94 = arith.constant 0 : i32
    %dma_wait3A_95 = arith.constant 0 : i32
    %dma_wait3A_96 = tpu.memref_slice %arg2[%dma_wait3A_94, %dma_wait3A_95] : memref<10112x144xf32, #tpu.memory_space<hbm>> -> memref<10112x144xf32, #tpu.memory_space<hbm>>
    tpu.wait_indirect_dma semaphore(%arg17 : memref<!tpu.dma_semaphore, #tpu.memory_space<semaphore_mem>>) src(%dma_wait3A_96 : memref<10112x144xf32, #tpu.memory_space<hbm>>) dst(%arg10 : memref<64x144xf32, #tpu.memory_space<vmem>>)
    %dma_wait3A_97 = arith.constant 1 : i32
    %dma_wait3A_98 = arith.constant 0 : i32
    %dma_wait3A_99 = tpu.memref_slice %arg6[%dma_wait3A_97, %dma_wait3A_98] : memref<2x64xi32, #tpu.memory_space<vmem>> -> memref<1x64xi32, #tpu.memory_space<vmem>>
    %dma_wait3A_100 = tpu.memref_squeeze %dma_wait3A_99 : memref<1x64xi32, #tpu.memory_space<vmem>> -> memref<64xi32, #tpu.memory_space<vmem>>
    %dma_wait3A_101 = arith.constant 0 : i32
    %dma_wait3A_102 = arith.constant 0 : i32
    %dma_wait3A_103 = tpu.memref_slice %arg3[%dma_wait3A_101, %dma_wait3A_102] : memref<10112x16xf32, #tpu.memory_space<hbm>> -> memref<10112x16xf32, #tpu.memory_space<hbm>>
    tpu.wait_indirect_dma semaphore(%arg19 : memref<!tpu.dma_semaphore, #tpu.memory_space<semaphore_mem>>) src(%dma_wait3A_103 : memref<10112x16xf32, #tpu.memory_space<hbm>>) dst(%arg12 : memref<64x16xf32, #tpu.memory_space<vmem>>)
    %get3A = arith.constant 1 : i32
    %get3A_104 = arith.index_cast %get3A : i32 to index
    %get3A_105 = arith.constant 0 : index
    %get3A_106 = tpu.vector_load %arg6[%get3A_104, %get3A_105] {strides = array<i32>} : memref<2x64xi32, #tpu.memory_space<vmem>>, vector<1x16xi32>,
    %get3A_107 = vector.shape_cast %get3A_106 : vector<1x16xi32> to vector<16xi32>
    %swap3A = arith.constant 0 : index
    %swap3A_108 = tpu.vector_load %arg8[%swap3A] {strides = array<i32>} : memref<64xi32, #tpu.memory_space<vmem>>, vector<16xi32>,
    %swap3A_109 = vector.shape_cast %swap3A_108 : vector<16xi32> to vector<16xi32>
    %swap3A_110 = vector.shape_cast %get3A_107 : vector<16xi32> to vector<16xi32>
    tpu.vector_store %arg8[%swap3A], %swap3A_110 {strides = array<i32>} : memref<64xi32, #tpu.memory_space<vmem>>, vector<16xi32>,
    %get3A_111 = arith.constant 1 : i32
    %get3A_112 = arith.index_cast %get3A_111 : i32 to index
    %get3A_113 = arith.constant 16 : index
    %get3A_114 = tpu.vector_load %arg6[%get3A_112, %get3A_113] {strides = array<i32>} : memref<2x64xi32, #tpu.memory_space<vmem>>, vector<1x16xi32>,
    %get3A_115 = vector.shape_cast %get3A_114 : vector<1x16xi32> to vector<16xi32>
    %swap3A_116 = arith.constant 16 : index
    %swap3A_117 = tpu.vector_load %arg8[%swap3A_116] {strides = array<i32>} : memref<64xi32, #tpu.memory_space<vmem>>, vector<16xi32>,
    %swap3A_118 = vector.shape_cast %swap3A_117 : vector<16xi32> to vector<16xi32>
    %swap3A_119 = vector.shape_cast %get3A_115 : vector<16xi32> to vector<16xi32>
    tpu.vector_store %arg8[%swap3A_116], %swap3A_119 {strides = array<i32>} : memref<64xi32, #tpu.memory_space<vmem>>, vector<16xi32>,
    %get3A_120 = arith.constant 1 : i32
    %get3A_121 = arith.index_cast %get3A_120 : i32 to index
    %get3A_122 = arith.constant 32 : index
    %get3A_123 = tpu.vector_load %arg6[%get3A_121, %get3A_122] {strides = array<i32>} : memref<2x64xi32, #tpu.memory_space<vmem>>, vector<1x16xi32>,
    %get3A_124 = vector.shape_cast %get3A_123 : vector<1x16xi32> to vector<16xi32>
    %swap3A_125 = arith.constant 32 : index
    %swap3A_126 = tpu.vector_load %arg8[%swap3A_125] {strides = array<i32>} : memref<64xi32, #tpu.memory_space<vmem>>, vector<16xi32>,
    %swap3A_127 = vector.shape_cast %swap3A_126 : vector<16xi32> to vector<16xi32>
    %swap3A_128 = vector.shape_cast %get3A_124 : vector<16xi32> to vector<16xi32>
    tpu.vector_store %arg8[%swap3A_125], %swap3A_128 {strides = array<i32>} : memref<64xi32, #tpu.memory_space<vmem>>, vector<16xi32>,
    %get3A_129 = arith.constant 1 : i32
    %get3A_130 = arith.index_cast %get3A_129 : i32 to index
    %get3A_131 = arith.constant 48 : index
    %get3A_132 = tpu.vector_load %arg6[%get3A_130, %get3A_131] {strides = array<i32>} : memref<2x64xi32, #tpu.memory_space<vmem>>, vector<1x16xi32>,
    %get3A_133 = vector.shape_cast %get3A_132 : vector<1x16xi32> to vector<16xi32>
    %swap3A_134 = arith.constant 48 : index
    %swap3A_135 = tpu.vector_load %arg8[%swap3A_134] {strides = array<i32>} : memref<64xi32, #tpu.memory_space<vmem>>, vector<16xi32>,
    %swap3A_136 = vector.shape_cast %swap3A_135 : vector<16xi32> to vector<16xi32>
    %swap3A_137 = vector.shape_cast %get3A_133 : vector<16xi32> to vector<16xi32>
    tpu.vector_store %arg8[%swap3A_134], %swap3A_137 {strides = array<i32>} : memref<64xi32, #tpu.memory_space<vmem>>, vector<16xi32>,
    %dma_start3A_138 = arith.constant 2 : i32
    %dma_start3A_139 = arith.constant 0 : i32
    %dma_start3A_140 = arith.constant 0 : i32
    %dma_start3A_141 = tpu.memref_slice %arg4[%add3A, %dma_start3A_138, %dma_start3A_139, %dma_start3A_140] : memref<32x162x2x64xi32, #tpu.memory_space<hbm>> -> memref<1x1x2x64xi32, #tpu.memory_space<hbm>>
    %dma_start3A_142 = tpu.memref_squeeze %dma_start3A_141 : memref<1x1x2x64xi32, #tpu.memory_space<hbm>> -> memref<2x64xi32, #tpu.memory_space<hbm>>
    %dma_start3A_143 = arith.constant 0 : i32
    %dma_start3A_144 = arith.constant 0 : i32
    %dma_start3A_145 = tpu.memref_slice %arg4[%add3A, %dma_start3A_138, %dma_start3A_143, %dma_start3A_144] : memref<32x162x2x64xi32, #tpu.memory_space<hbm>> -> memref<1x1x2x64xi32, #tpu.memory_space<hbm>>
    %dma_start3A_146 = tpu.memref_squeeze %dma_start3A_145 : memref<1x1x2x64xi32, #tpu.memory_space<hbm>> -> memref<2x64xi32, #tpu.memory_space<hbm>>
    tpu.enqueue_dma source(%dma_start3A_146 : memref<2x64xi32, #tpu.memory_space<hbm>>) target(%arg6 : memref<2x64xi32, #tpu.memory_space<vmem>>) target_semaphore(%arg23 : memref<!tpu.dma_semaphore, #tpu.memory_space<semaphore_mem>>)
    %scan3A_147 = arith.constant 0 : i32
    %scan3A_148 = arith.constant 0 : i32
    %scan3A_149 = arith.constant 64 : i32
    %scan3A_150 = arith.addi %scan3A_148, %scan3A_149 : i32
    %scan3A_151 = arith.constant 1 : i32
    scf.for %scan3A_447 = %scan3A_148 to %scan3A_150 step %scan3A_151  : i32 {
      %get3A_448 = arith.index_cast %scan3A_447 : i32 to index
      %get3A_449 = arith.constant 128 : index
      %get3A_450 = tpu.vector_load %arg10[%get3A_448, %get3A_449] {strides = array<i32>} : memref<64x144xf32, #tpu.memory_space<vmem>>, vector<1x16xf32>,
      %get3A_451 = vector.shape_cast %get3A_450 : vector<1x16xf32> to vector<16xf32>
      %get3A_452 = arith.index_cast %scan3A_447 : i32 to index
      %get3A_453 = arith.constant 0 : index
      %get3A_454 = tpu.vector_load %arg12[%get3A_452, %get3A_453] {strides = array<i32>} : memref<64x16xf32, #tpu.memory_space<vmem>>, vector<1x16xf32>,
      %get3A_455 = vector.shape_cast %get3A_454 : vector<1x16xf32> to vector<16xf32>
      %add3A_456 = arith.addf %get3A_451, %get3A_455 : vector<16xf32>
      %ge3A = arith.constant 0.000000e+00 : f32
      %ge3A_457 = vector.broadcast %ge3A : f32 to vector<16xf32>
      %ge3A_458 = arith.cmpf oge, %add3A_456, %ge3A_457 : vector<16xf32>
      %mul3A_459 = arith.constant 2.000000e-01 : f32
      %mul3A_460 = vector.broadcast %mul3A_459 : f32 to vector<16xf32>
      %mul3A_461 = arith.mulf %mul3A_460, %add3A_456 : vector<16xf32>
      %select_n3A = arith.select %ge3A_458, %add3A_456, %mul3A_461 : vector<16xi1>, vector<16xf32>
      %exp3A = math.exp %select_n3A : vector<16xf32>
      %swap3A_462 = arith.index_cast %scan3A_447 : i32 to index
      %swap3A_463 = arith.constant 128 : index
      %swap3A_464 = tpu.vector_load %arg14[%swap3A_462, %swap3A_463] {strides = array<i32>} : memref<64x144xf32, #tpu.memory_space<vmem>>, vector<1x16xf32>,
      %swap3A_465 = vector.shape_cast %swap3A_464 : vector<1x16xf32> to vector<16xf32>
      %swap3A_466 = vector.shape_cast %exp3A : vector<16xf32> to vector<1x16xf32>
      tpu.vector_store %arg14[%swap3A_462, %swap3A_463], %swap3A_466 {strides = array<i32>} : memref<64x144xf32, #tpu.memory_space<vmem>>, vector<1x16xf32>,
      %slice3A = vector.extract_strided_slice %exp3A {offsets = [0], sizes = [1], strides = [1]} : vector<16xf32> to vector<1xf32>
      %squeeze3A = vector.extract %slice3A[0] : f32 from vector<1xf32>
      %get3A_467 = arith.index_cast %scan3A_447 : i32 to index
      %get3A_468 = arith.constant 0 : index
      %get3A_469 = tpu.vector_load %arg10[%get3A_467, %get3A_468] {strides = array<i32>} : memref<64x144xf32, #tpu.memory_space<vmem>>, vector<1x16xf32>,
      %get3A_470 = vector.shape_cast %get3A_469 : vector<1x16xf32> to vector<16xf32>
      %mul3A_471 = vector.broadcast %squeeze3A : f32 to vector<16xf32>
      %mul3A_472 = arith.mulf %mul3A_471, %get3A_470 : vector<16xf32>
      %swap3A_473 = arith.index_cast %scan3A_447 : i32 to index
      %swap3A_474 = arith.constant 0 : index
      %swap3A_475 = tpu.vector_load %arg14[%swap3A_473, %swap3A_474] {strides = array<i32>} : memref<64x144xf32, #tpu.memory_space<vmem>>, vector<1x16xf32>,
      %swap3A_476 = vector.shape_cast %swap3A_475 : vector<1x16xf32> to vector<16xf32>
      %swap3A_477 = vector.shape_cast %mul3A_472 : vector<16xf32> to vector<1x16xf32>
      tpu.vector_store %arg14[%swap3A_473, %swap3A_474], %swap3A_477 {strides = array<i32>} : memref<64x144xf32, #tpu.memory_space<vmem>>, vector<1x16xf32>,
      %slice3A_478 = vector.extract_strided_slice %exp3A {offsets = [1], sizes = [1], strides = [1]} : vector<16xf32> to vector<1xf32>
      %squeeze3A_479 = vector.extract %slice3A_478[0] : f32 from vector<1xf32>
      %get3A_480 = arith.index_cast %scan3A_447 : i32 to index
      %get3A_481 = arith.constant 16 : index
      %get3A_482 = tpu.vector_load %arg10[%get3A_480, %get3A_481] {strides = array<i32>} : memref<64x144xf32, #tpu.memory_space<vmem>>, vector<1x16xf32>,
      %get3A_483 = vector.shape_cast %get3A_482 : vector<1x16xf32> to vector<16xf32>
      %mul3A_484 = vector.broadcast %squeeze3A_479 : f32 to vector<16xf32>
      %mul3A_485 = arith.mulf %mul3A_484, %get3A_483 : vector<16xf32>
      %swap3A_486 = arith.index_cast %scan3A_447 : i32 to index
      %swap3A_487 = arith.constant 16 : index
      %swap3A_488 = tpu.vector_load %arg14[%swap3A_486, %swap3A_487] {strides = array<i32>} : memref<64x144xf32, #tpu.memory_space<vmem>>, vector<1x16xf32>,
      %swap3A_489 = vector.shape_cast %swap3A_488 : vector<1x16xf32> to vector<16xf32>
      %swap3A_490 = vector.shape_cast %mul3A_485 : vector<16xf32> to vector<1x16xf32>
      tpu.vector_store %arg14[%swap3A_486, %swap3A_487], %swap3A_490 {strides = array<i32>} : memref<64x144xf32, #tpu.memory_space<vmem>>, vector<1x16xf32>,
      %slice3A_491 = vector.extract_strided_slice %exp3A {offsets = [2], sizes = [1], strides = [1]} : vector<16xf32> to vector<1xf32>
      %squeeze3A_492 = vector.extract %slice3A_491[0] : f32 from vector<1xf32>
      %get3A_493 = arith.index_cast %scan3A_447 : i32 to index
      %get3A_494 = arith.constant 32 : index
      %get3A_495 = tpu.vector_load %arg10[%get3A_493, %get3A_494] {strides = array<i32>} : memref<64x144xf32, #tpu.memory_space<vmem>>, vector<1x16xf32>,
      %get3A_496 = vector.shape_cast %get3A_495 : vector<1x16xf32> to vector<16xf32>
      %mul3A_497 = vector.broadcast %squeeze3A_492 : f32 to vector<16xf32>
      %mul3A_498 = arith.mulf %mul3A_497, %get3A_496 : vector<16xf32>
      %swap3A_499 = arith.index_cast %scan3A_447 : i32 to index
      %swap3A_500 = arith.constant 32 : index
      %swap3A_501 = tpu.vector_load %arg14[%swap3A_499, %swap3A_500] {strides = array<i32>} : memref<64x144xf32, #tpu.memory_space<vmem>>, vector<1x16xf32>,
      %swap3A_502 = vector.shape_cast %swap3A_501 : vector<1x16xf32> to vector<16xf32>
      %swap3A_503 = vector.shape_cast %mul3A_498 : vector<16xf32> to vector<1x16xf32>
      tpu.vector_store %arg14[%swap3A_499, %swap3A_500], %swap3A_503 {strides = array<i32>} : memref<64x144xf32, #tpu.memory_space<vmem>>, vector<1x16xf32>,
      %slice3A_504 = vector.extract_strided_slice %exp3A {offsets = [3], sizes = [1], strides = [1]} : vector<16xf32> to vector<1xf32>
      %squeeze3A_505 = vector.extract %slice3A_504[0] : f32 from vector<1xf32>
      %get3A_506 = arith.index_cast %scan3A_447 : i32 to index
      %get3A_507 = arith.constant 48 : index
      %get3A_508 = tpu.vector_load %arg10[%get3A_506, %get3A_507] {strides = array<i32>} : memref<64x144xf32, #tpu.memory_space<vmem>>, vector<1x16xf32>,
      %get3A_509 = vector.shape_cast %get3A_508 : vector<1x16xf32> to vector<16xf32>
      %mul3A_510 = vector.broadcast %squeeze3A_505 : f32 to vector<16xf32>
      %mul3A_511 = arith.mulf %mul3A_510, %get3A_509 : vector<16xf32>
      %swap3A_512 = arith.index_cast %scan3A_447 : i32 to index
      %swap3A_513 = arith.constant 48 : index
      %swap3A_514 = tpu.vector_load %arg14[%swap3A_512, %swap3A_513] {strides = array<i32>} : memref<64x144xf32, #tpu.memory_space<vmem>>, vector<1x16xf32>,
      %swap3A_515 = vector.shape_cast %swap3A_514 : vector<1x16xf32> to vector<16xf32>
      %swap3A_516 = vector.shape_cast %mul3A_511 : vector<16xf32> to vector<1x16xf32>
      tpu.vector_store %arg14[%swap3A_512, %swap3A_513], %swap3A_516 {strides = array<i32>} : memref<64x144xf32, #tpu.memory_space<vmem>>, vector<1x16xf32>,
      %slice3A_517 = vector.extract_strided_slice %exp3A {offsets = [4], sizes = [1], strides = [1]} : vector<16xf32> to vector<1xf32>
      %squeeze3A_518 = vector.extract %slice3A_517[0] : f32 from vector<1xf32>
      %get3A_519 = arith.index_cast %scan3A_447 : i32 to index
      %get3A_520 = arith.constant 64 : index
      %get3A_521 = tpu.vector_load %arg10[%get3A_519, %get3A_520] {strides = array<i32>} : memref<64x144xf32, #tpu.memory_space<vmem>>, vector<1x16xf32>,
      %get3A_522 = vector.shape_cast %get3A_521 : vector<1x16xf32> to vector<16xf32>
      %mul3A_523 = vector.broadcast %squeeze3A_518 : f32 to vector<16xf32>
      %mul3A_524 = arith.mulf %mul3A_523, %get3A_522 : vector<16xf32>
      %swap3A_525 = arith.index_cast %scan3A_447 : i32 to index
      %swap3A_526 = arith.constant 64 : index
      %swap3A_527 = tpu.vector_load %arg14[%swap3A_525, %swap3A_526] {strides = array<i32>} : memref<64x144xf32, #tpu.memory_space<vmem>>, vector<1x16xf32>,
      %swap3A_528 = vector.shape_cast %swap3A_527 : vector<1x16xf32> to vector<16xf32>
      %swap3A_529 = vector.shape_cast %mul3A_524 : vector<16xf32> to vector<1x16xf32>
      tpu.vector_store %arg14[%swap3A_525, %swap3A_526], %swap3A_529 {strides = array<i32>} : memref<64x144xf32, #tpu.memory_space<vmem>>, vector<1x16xf32>,
      %slice3A_530 = vector.extract_strided_slice %exp3A {offsets = [5], sizes = [1], strides = [1]} : vector<16xf32> to vector<1xf32>
      %squeeze3A_531 = vector.extract %slice3A_530[0] : f32 from vector<1xf32>
      %get3A_532 = arith.index_cast %scan3A_447 : i32 to index
      %get3A_533 = arith.constant 80 : index
      %get3A_534 = tpu.vector_load %arg10[%get3A_532, %get3A_533] {strides = array<i32>} : memref<64x144xf32, #tpu.memory_space<vmem>>, vector<1x16xf32>,
      %get3A_535 = vector.shape_cast %get3A_534 : vector<1x16xf32> to vector<16xf32>
      %mul3A_536 = vector.broadcast %squeeze3A_531 : f32 to vector<16xf32>
      %mul3A_537 = arith.mulf %mul3A_536, %get3A_535 : vector<16xf32>
      %swap3A_538 = arith.index_cast %scan3A_447 : i32 to index
      %swap3A_539 = arith.constant 80 : index
      %swap3A_540 = tpu.vector_load %arg14[%swap3A_538, %swap3A_539] {strides = array<i32>} : memref<64x144xf32, #tpu.memory_space<vmem>>, vector<1x16xf32>,
      %swap3A_541 = vector.shape_cast %swap3A_540 : vector<1x16xf32> to vector<16xf32>
      %swap3A_542 = vector.shape_cast %mul3A_537 : vector<16xf32> to vector<1x16xf32>
      tpu.vector_store %arg14[%swap3A_538, %swap3A_539], %swap3A_542 {strides = array<i32>} : memref<64x144xf32, #tpu.memory_space<vmem>>, vector<1x16xf32>,
      %slice3A_543 = vector.extract_strided_slice %exp3A {offsets = [6], sizes = [1], strides = [1]} : vector<16xf32> to vector<1xf32>
      %squeeze3A_544 = vector.extract %slice3A_543[0] : f32 from vector<1xf32>
      %get3A_545 = arith.index_cast %scan3A_447 : i32 to index
      %get3A_546 = arith.constant 96 : index
      %get3A_547 = tpu.vector_load %arg10[%get3A_545, %get3A_546] {strides = array<i32>} : memref<64x144xf32, #tpu.memory_space<vmem>>, vector<1x16xf32>,
      %get3A_548 = vector.shape_cast %get3A_547 : vector<1x16xf32> to vector<16xf32>
      %mul3A_549 = vector.broadcast %squeeze3A_544 : f32 to vector<16xf32>
      %mul3A_550 = arith.mulf %mul3A_549, %get3A_548 : vector<16xf32>
      %swap3A_551 = arith.index_cast %scan3A_447 : i32 to index
      %swap3A_552 = arith.constant 96 : index
      %swap3A_553 = tpu.vector_load %arg14[%swap3A_551, %swap3A_552] {strides = array<i32>} : memref<64x144xf32, #tpu.memory_space<vmem>>, vector<1x16xf32>,
      %swap3A_554 = vector.shape_cast %swap3A_553 : vector<1x16xf32> to vector<16xf32>
      %swap3A_555 = vector.shape_cast %mul3A_550 : vector<16xf32> to vector<1x16xf32>
      tpu.vector_store %arg14[%swap3A_551, %swap3A_552], %swap3A_555 {strides = array<i32>} : memref<64x144xf32, #tpu.memory_space<vmem>>, vector<1x16xf32>,
      %slice3A_556 = vector.extract_strided_slice %exp3A {offsets = [7], sizes = [1], strides = [1]} : vector<16xf32> to vector<1xf32>
      %squeeze3A_557 = vector.extract %slice3A_556[0] : f32 from vector<1xf32>
      %get3A_558 = arith.index_cast %scan3A_447 : i32 to index
      %get3A_559 = arith.constant 112 : index
      %get3A_560 = tpu.vector_load %arg10[%get3A_558, %get3A_559] {strides = array<i32>} : memref<64x144xf32, #tpu.memory_space<vmem>>, vector<1x16xf32>,
      %get3A_561 = vector.shape_cast %get3A_560 : vector<1x16xf32> to vector<16xf32>
      %mul3A_562 = vector.broadcast %squeeze3A_557 : f32 to vector<16xf32>
      %mul3A_563 = arith.mulf %mul3A_562, %get3A_561 : vector<16xf32>
      %swap3A_564 = arith.index_cast %scan3A_447 : i32 to index
      %swap3A_565 = arith.constant 112 : index
      %swap3A_566 = tpu.vector_load %arg14[%swap3A_564, %swap3A_565] {strides = array<i32>} : memref<64x144xf32, #tpu.memory_space<vmem>>, vector<1x16xf32>,
      %swap3A_567 = vector.shape_cast %swap3A_566 : vector<1x16xf32> to vector<16xf32>
      %swap3A_568 = vector.shape_cast %mul3A_563 : vector<16xf32> to vector<1x16xf32>
      tpu.vector_store %arg14[%swap3A_564, %swap3A_565], %swap3A_568 {strides = array<i32>} : memref<64x144xf32, #tpu.memory_space<vmem>>, vector<1x16xf32>,
    }
    %scan3A_152 = arith.constant 64 : i32
    %dma_start3A_153 = arith.constant 0 : i32
    %dma_start3A_154 = arith.constant 0 : i32
    %dma_start3A_155 = tpu.memref_slice %arg16[%dma_start3A_153, %dma_start3A_154] : memref<10112x144xf32, #tpu.memory_space<vmem_shared>> -> memref<10112x144xf32, #tpu.memory_space<vmem_shared>>
    tpu.enqueue_indirect_dma source(%arg14 : memref<64x144xf32, #tpu.memory_space<vmem>>) target(%dma_start3A_155 : memref<10112x144xf32, #tpu.memory_space<vmem_shared>>) offsets(%arg8 : memref<64xi32, #tpu.memory_space<vmem>>) semaphore(%arg21 : memref<!tpu.dma_semaphore, #tpu.memory_space<semaphore_mem>>) {add = true}
    %dma_wait3A_156 = arith.constant 0 : i32
    %dma_wait3A_157 = arith.constant 0 : i32
    %dma_wait3A_158 = arith.constant 0 : i32
    %dma_wait3A_159 = tpu.memref_slice %arg4[%add3A, %dma_wait3A_156, %dma_wait3A_157, %dma_wait3A_158] : memref<32x162x2x64xi32, #tpu.memory_space<hbm>> -> memref<1x1x2x64xi32, #tpu.memory_space<hbm>>
    %dma_wait3A_160 = tpu.memref_squeeze %dma_wait3A_159 : memref<1x1x2x64xi32, #tpu.memory_space<hbm>> -> memref<2x64xi32, #tpu.memory_space<hbm>>
    %dma_wait3A_161 = arith.constant 0 : i32
    %dma_wait3A_162 = arith.constant 0 : i32
    %dma_wait3A_163 = tpu.memref_slice %arg4[%add3A, %dma_wait3A_156, %dma_wait3A_161, %dma_wait3A_162] : memref<32x162x2x64xi32, #tpu.memory_space<hbm>> -> memref<1x1x2x64xi32, #tpu.memory_space<hbm>>
    %dma_wait3A_164 = tpu.memref_squeeze %dma_wait3A_163 : memref<1x1x2x64xi32, #tpu.memory_space<hbm>> -> memref<2x64xi32, #tpu.memory_space<hbm>>
    tpu.wait_dma2 semaphore(%arg23 : memref<!tpu.dma_semaphore, #tpu.memory_space<semaphore_mem>>) src(%dma_wait3A_164 : memref<2x64xi32, #tpu.memory_space<hbm>>) dst(%arg6 : memref<2x64xi32, #tpu.memory_space<vmem>>)
    %dma_start3A_165 = arith.constant 0 : i32
    %dma_start3A_166 = arith.constant 0 : i32
    %dma_start3A_167 = tpu.memref_slice %arg6[%dma_start3A_165, %dma_start3A_166] : memref<2x64xi32, #tpu.memory_space<vmem>> -> memref<1x64xi32, #tpu.memory_space<vmem>>
    %dma_start3A_168 = tpu.memref_squeeze %dma_start3A_167 : memref<1x64xi32, #tpu.memory_space<vmem>> -> memref<64xi32, #tpu.memory_space<vmem>>
    %dma_start3A_169 = arith.constant 0 : i32
    %dma_start3A_170 = arith.constant 0 : i32
    %dma_start3A_171 = tpu.memref_slice %arg2[%dma_start3A_169, %dma_start3A_170] : memref<10112x144xf32, #tpu.memory_space<hbm>> -> memref<10112x144xf32, #tpu.memory_space<hbm>>
    tpu.enqueue_indirect_dma source(%dma_start3A_171 : memref<10112x144xf32, #tpu.memory_space<hbm>>) target(%arg10 : memref<64x144xf32, #tpu.memory_space<vmem>>) offsets(%dma_start3A_168 : memref<64xi32, #tpu.memory_space<vmem>>) semaphore(%arg17 : memref<!tpu.dma_semaphore, #tpu.memory_space<semaphore_mem>>)
    %dma_start3A_172 = arith.constant 1 : i32
    %dma_start3A_173 = arith.constant 0 : i32
    %dma_start3A_174 = tpu.memref_slice %arg6[%dma_start3A_172, %dma_start3A_173] : memref<2x64xi32, #tpu.memory_space<vmem>> -> memref<1x64xi32, #tpu.memory_space<vmem>>
    %dma_start3A_175 = tpu.memref_squeeze %dma_start3A_174 : memref<1x64xi32, #tpu.memory_space<vmem>> -> memref<64xi32, #tpu.memory_space<vmem>>
    %dma_start3A_176 = arith.constant 0 : i32
    %dma_start3A_177 = arith.constant 0 : i32
    %dma_start3A_178 = tpu.memref_slice %arg3[%dma_start3A_176, %dma_start3A_177] : memref<10112x16xf32, #tpu.memory_space<hbm>> -> memref<10112x16xf32, #tpu.memory_space<hbm>>
    tpu.enqueue_indirect_dma source(%dma_start3A_178 : memref<10112x16xf32, #tpu.memory_space<hbm>>) target(%arg12 : memref<64x16xf32, #tpu.memory_space<vmem>>) offsets(%dma_start3A_175 : memref<64xi32, #tpu.memory_space<vmem>>) semaphore(%arg19 : memref<!tpu.dma_semaphore, #tpu.memory_space<semaphore_mem>>)
    %dma_wait3A_179 = arith.constant 0 : i32
    %dma_wait3A_180 = arith.constant 0 : i32
    %dma_wait3A_181 = tpu.memref_slice %arg7[%dma_wait3A_179, %dma_wait3A_180] : memref<2x64xi32, #tpu.memory_space<vmem>> -> memref<1x64xi32, #tpu.memory_space<vmem>>
    %dma_wait3A_182 = tpu.memref_squeeze %dma_wait3A_181 : memref<1x64xi32, #tpu.memory_space<vmem>> -> memref<64xi32, #tpu.memory_space<vmem>>
    %dma_wait3A_183 = arith.constant 0 : i32
    %dma_wait3A_184 = arith.constant 0 : i32
    %dma_wait3A_185 = tpu.memref_slice %arg2[%dma_wait3A_183, %dma_wait3A_184] : memref<10112x144xf32, #tpu.memory_space<hbm>> -> memref<10112x144xf32, #tpu.memory_space<hbm>>
    tpu.wait_indirect_dma semaphore(%arg18 : memref<!tpu.dma_semaphore, #tpu.memory_space<semaphore_mem>>) src(%dma_wait3A_185 : memref<10112x144xf32, #tpu.memory_space<hbm>>) dst(%arg11 : memref<64x144xf32, #tpu.memory_space<vmem>>)
    %dma_wait3A_186 = arith.constant 1 : i32
    %dma_wait3A_187 = arith.constant 0 : i32
    %dma_wait3A_188 = tpu.memref_slice %arg7[%dma_wait3A_186, %dma_wait3A_187] : memref<2x64xi32, #tpu.memory_space<vmem>> -> memref<1x64xi32, #tpu.memory_space<vmem>>
    %dma_wait3A_189 = tpu.memref_squeeze %dma_wait3A_188 : memref<1x64xi32, #tpu.memory_space<vmem>> -> memref<64xi32, #tpu.memory_space<vmem>>
    %dma_wait3A_190 = arith.constant 0 : i32
    %dma_wait3A_191 = arith.constant 0 : i32
    %dma_wait3A_192 = tpu.memref_slice %arg3[%dma_wait3A_190, %dma_wait3A_191] : memref<10112x16xf32, #tpu.memory_space<hbm>> -> memref<10112x16xf32, #tpu.memory_space<hbm>>
    tpu.wait_indirect_dma semaphore(%arg20 : memref<!tpu.dma_semaphore, #tpu.memory_space<semaphore_mem>>) src(%dma_wait3A_192 : memref<10112x16xf32, #tpu.memory_space<hbm>>) dst(%arg13 : memref<64x16xf32, #tpu.memory_space<vmem>>)
    %get3A_193 = arith.constant 1 : i32
    %get3A_194 = arith.index_cast %get3A_193 : i32 to index
    %get3A_195 = arith.constant 0 : index
    %get3A_196 = tpu.vector_load %arg7[%get3A_194, %get3A_195] {strides = array<i32>} : memref<2x64xi32, #tpu.memory_space<vmem>>, vector<1x16xi32>,
    %get3A_197 = vector.shape_cast %get3A_196 : vector<1x16xi32> to vector<16xi32>
    %swap3A_198 = arith.constant 0 : index
    %swap3A_199 = tpu.vector_load %arg9[%swap3A_198] {strides = array<i32>} : memref<64xi32, #tpu.memory_space<vmem>>, vector<16xi32>,
    %swap3A_200 = vector.shape_cast %swap3A_199 : vector<16xi32> to vector<16xi32>
    %swap3A_201 = vector.shape_cast %get3A_197 : vector<16xi32> to vector<16xi32>
    tpu.vector_store %arg9[%swap3A_198], %swap3A_201 {strides = array<i32>} : memref<64xi32, #tpu.memory_space<vmem>>, vector<16xi32>,
    %get3A_202 = arith.constant 1 : i32
    %get3A_203 = arith.index_cast %get3A_202 : i32 to index
    %get3A_204 = arith.constant 16 : index
    %get3A_205 = tpu.vector_load %arg7[%get3A_203, %get3A_204] {strides = array<i32>} : memref<2x64xi32, #tpu.memory_space<vmem>>, vector<1x16xi32>,
    %get3A_206 = vector.shape_cast %get3A_205 : vector<1x16xi32> to vector<16xi32>
    %swap3A_207 = arith.constant 16 : index
    %swap3A_208 = tpu.vector_load %arg9[%swap3A_207] {strides = array<i32>} : memref<64xi32, #tpu.memory_space<vmem>>, vector<16xi32>,
    %swap3A_209 = vector.shape_cast %swap3A_208 : vector<16xi32> to vector<16xi32>
    %swap3A_210 = vector.shape_cast %get3A_206 : vector<16xi32> to vector<16xi32>
    tpu.vector_store %arg9[%swap3A_207], %swap3A_210 {strides = array<i32>} : memref<64xi32, #tpu.memory_space<vmem>>, vector<16xi32>,
    %get3A_211 = arith.constant 1 : i32
    %get3A_212 = arith.index_cast %get3A_211 : i32 to index
    %get3A_213 = arith.constant 32 : index
    %get3A_214 = tpu.vector_load %arg7[%get3A_212, %get3A_213] {strides = array<i32>} : memref<2x64xi32, #tpu.memory_space<vmem>>, vector<1x16xi32>,
    %get3A_215 = vector.shape_cast %get3A_214 : vector<1x16xi32> to vector<16xi32>
    %swap3A_216 = arith.constant 32 : index
    %swap3A_217 = tpu.vector_load %arg9[%swap3A_216] {strides = array<i32>} : memref<64xi32, #tpu.memory_space<vmem>>, vector<16xi32>,
    %swap3A_218 = vector.shape_cast %swap3A_217 : vector<16xi32> to vector<16xi32>
    %swap3A_219 = vector.shape_cast %get3A_215 : vector<16xi32> to vector<16xi32>
    tpu.vector_store %arg9[%swap3A_216], %swap3A_219 {strides = array<i32>} : memref<64xi32, #tpu.memory_space<vmem>>, vector<16xi32>,
    %get3A_220 = arith.constant 1 : i32
    %get3A_221 = arith.index_cast %get3A_220 : i32 to index
    %get3A_222 = arith.constant 48 : index
    %get3A_223 = tpu.vector_load %arg7[%get3A_221, %get3A_222] {strides = array<i32>} : memref<2x64xi32, #tpu.memory_space<vmem>>, vector<1x16xi32>,
    %get3A_224 = vector.shape_cast %get3A_223 : vector<1x16xi32> to vector<16xi32>
    %swap3A_225 = arith.constant 48 : index
    %swap3A_226 = tpu.vector_load %arg9[%swap3A_225] {strides = array<i32>} : memref<64xi32, #tpu.memory_space<vmem>>, vector<16xi32>,
    %swap3A_227 = vector.shape_cast %swap3A_226 : vector<16xi32> to vector<16xi32>
    %swap3A_228 = vector.shape_cast %get3A_224 : vector<16xi32> to vector<16xi32>
    tpu.vector_store %arg9[%swap3A_225], %swap3A_228 {strides = array<i32>} : memref<64xi32, #tpu.memory_space<vmem>>, vector<16xi32>,
    %dma_start3A_229 = arith.constant 3 : i32
    %dma_start3A_230 = arith.constant 0 : i32
    %dma_start3A_231 = arith.constant 0 : i32
    %dma_start3A_232 = tpu.memref_slice %arg4[%add3A, %dma_start3A_229, %dma_start3A_230, %dma_start3A_231] : memref<32x162x2x64xi32, #tpu.memory_space<hbm>> -> memref<1x1x2x64xi32, #tpu.memory_space<hbm>>
    %dma_start3A_233 = tpu.memref_squeeze %dma_start3A_232 : memref<1x1x2x64xi32, #tpu.memory_space<hbm>> -> memref<2x64xi32, #tpu.memory_space<hbm>>
    %dma_start3A_234 = arith.constant 0 : i32
    %dma_start3A_235 = arith.constant 0 : i32
    %dma_start3A_236 = tpu.memref_slice %arg4[%add3A, %dma_start3A_229, %dma_start3A_234, %dma_start3A_235] : memref<32x162x2x64xi32, #tpu.memory_space<hbm>> -> memref<1x1x2x64xi32, #tpu.memory_space<hbm>>
    %dma_start3A_237 = tpu.memref_squeeze %dma_start3A_236 : memref<1x1x2x64xi32, #tpu.memory_space<hbm>> -> memref<2x64xi32, #tpu.memory_space<hbm>>
    tpu.enqueue_dma source(%dma_start3A_237 : memref<2x64xi32, #tpu.memory_space<hbm>>) target(%arg7 : memref<2x64xi32, #tpu.memory_space<vmem>>) target_semaphore(%arg24 : memref<!tpu.dma_semaphore, #tpu.memory_space<semaphore_mem>>)
    %scan3A_238 = arith.constant 0 : i32
    %scan3A_239 = arith.constant 0 : i32
    %scan3A_240 = arith.constant 64 : i32
    %scan3A_241 = arith.addi %scan3A_239, %scan3A_240 : i32
    %scan3A_242 = arith.constant 1 : i32
    scf.for %scan3A_447 = %scan3A_239 to %scan3A_241 step %scan3A_242  : i32 {
      %get3A_448 = arith.index_cast %scan3A_447 : i32 to index
      %get3A_449 = arith.constant 128 : index
      %get3A_450 = tpu.vector_load %arg11[%get3A_448, %get3A_449] {strides = array<i32>} : memref<64x144xf32, #tpu.memory_space<vmem>>, vector<1x16xf32>,
      %get3A_451 = vector.shape_cast %get3A_450 : vector<1x16xf32> to vector<16xf32>
      %get3A_452 = arith.index_cast %scan3A_447 : i32 to index
      %get3A_453 = arith.constant 0 : index
      %get3A_454 = tpu.vector_load %arg13[%get3A_452, %get3A_453] {strides = array<i32>} : memref<64x16xf32, #tpu.memory_space<vmem>>, vector<1x16xf32>,
      %get3A_455 = vector.shape_cast %get3A_454 : vector<1x16xf32> to vector<16xf32>
      %add3A_456 = arith.addf %get3A_451, %get3A_455 : vector<16xf32>
      %ge3A = arith.constant 0.000000e+00 : f32
      %ge3A_457 = vector.broadcast %ge3A : f32 to vector<16xf32>
      %ge3A_458 = arith.cmpf oge, %add3A_456, %ge3A_457 : vector<16xf32>
      %mul3A_459 = arith.constant 2.000000e-01 : f32
      %mul3A_460 = vector.broadcast %mul3A_459 : f32 to vector<16xf32>
      %mul3A_461 = arith.mulf %mul3A_460, %add3A_456 : vector<16xf32>
      %select_n3A = arith.select %ge3A_458, %add3A_456, %mul3A_461 : vector<16xi1>, vector<16xf32>
      %exp3A = math.exp %select_n3A : vector<16xf32>
      %swap3A_462 = arith.index_cast %scan3A_447 : i32 to index
      %swap3A_463 = arith.constant 128 : index
      %swap3A_464 = tpu.vector_load %arg15[%swap3A_462, %swap3A_463] {strides = array<i32>} : memref<64x144xf32, #tpu.memory_space<vmem>>, vector<1x16xf32>,
      %swap3A_465 = vector.shape_cast %swap3A_464 : vector<1x16xf32> to vector<16xf32>
      %swap3A_466 = vector.shape_cast %exp3A : vector<16xf32> to vector<1x16xf32>
      tpu.vector_store %arg15[%swap3A_462, %swap3A_463], %swap3A_466 {strides = array<i32>} : memref<64x144xf32, #tpu.memory_space<vmem>>, vector<1x16xf32>,
      %slice3A = vector.extract_strided_slice %exp3A {offsets = [0], sizes = [1], strides = [1]} : vector<16xf32> to vector<1xf32>
      %squeeze3A = vector.extract %slice3A[0] : f32 from vector<1xf32>
      %get3A_467 = arith.index_cast %scan3A_447 : i32 to index
      %get3A_468 = arith.constant 0 : index
      %get3A_469 = tpu.vector_load %arg11[%get3A_467, %get3A_468] {strides = array<i32>} : memref<64x144xf32, #tpu.memory_space<vmem>>, vector<1x16xf32>,
      %get3A_470 = vector.shape_cast %get3A_469 : vector<1x16xf32> to vector<16xf32>
      %mul3A_471 = vector.broadcast %squeeze3A : f32 to vector<16xf32>
      %mul3A_472 = arith.mulf %mul3A_471, %get3A_470 : vector<16xf32>
      %swap3A_473 = arith.index_cast %scan3A_447 : i32 to index
      %swap3A_474 = arith.constant 0 : index
      %swap3A_475 = tpu.vector_load %arg15[%swap3A_473, %swap3A_474] {strides = array<i32>} : memref<64x144xf32, #tpu.memory_space<vmem>>, vector<1x16xf32>,
      %swap3A_476 = vector.shape_cast %swap3A_475 : vector<1x16xf32> to vector<16xf32>
      %swap3A_477 = vector.shape_cast %mul3A_472 : vector<16xf32> to vector<1x16xf32>
      tpu.vector_store %arg15[%swap3A_473, %swap3A_474], %swap3A_477 {strides = array<i32>} : memref<64x144xf32, #tpu.memory_space<vmem>>, vector<1x16xf32>,
      %slice3A_478 = vector.extract_strided_slice %exp3A {offsets = [1], sizes = [1], strides = [1]} : vector<16xf32> to vector<1xf32>
      %squeeze3A_479 = vector.extract %slice3A_478[0] : f32 from vector<1xf32>
      %get3A_480 = arith.index_cast %scan3A_447 : i32 to index
      %get3A_481 = arith.constant 16 : index
      %get3A_482 = tpu.vector_load %arg11[%get3A_480, %get3A_481] {strides = array<i32>} : memref<64x144xf32, #tpu.memory_space<vmem>>, vector<1x16xf32>,
      %get3A_483 = vector.shape_cast %get3A_482 : vector<1x16xf32> to vector<16xf32>
      %mul3A_484 = vector.broadcast %squeeze3A_479 : f32 to vector<16xf32>
      %mul3A_485 = arith.mulf %mul3A_484, %get3A_483 : vector<16xf32>
      %swap3A_486 = arith.index_cast %scan3A_447 : i32 to index
      %swap3A_487 = arith.constant 16 : index
      %swap3A_488 = tpu.vector_load %arg15[%swap3A_486, %swap3A_487] {strides = array<i32>} : memref<64x144xf32, #tpu.memory_space<vmem>>, vector<1x16xf32>,
      %swap3A_489 = vector.shape_cast %swap3A_488 : vector<1x16xf32> to vector<16xf32>
      %swap3A_490 = vector.shape_cast %mul3A_485 : vector<16xf32> to vector<1x16xf32>
      tpu.vector_store %arg15[%swap3A_486, %swap3A_487], %swap3A_490 {strides = array<i32>} : memref<64x144xf32, #tpu.memory_space<vmem>>, vector<1x16xf32>,
      %slice3A_491 = vector.extract_strided_slice %exp3A {offsets = [2], sizes = [1], strides = [1]} : vector<16xf32> to vector<1xf32>
      %squeeze3A_492 = vector.extract %slice3A_491[0] : f32 from vector<1xf32>
      %get3A_493 = arith.index_cast %scan3A_447 : i32 to index
      %get3A_494 = arith.constant 32 : index
      %get3A_495 = tpu.vector_load %arg11[%get3A_493, %get3A_494] {strides = array<i32>} : memref<64x144xf32, #tpu.memory_space<vmem>>, vector<1x16xf32>,
      %get3A_496 = vector.shape_cast %get3A_495 : vector<1x16xf32> to vector<16xf32>
      %mul3A_497 = vector.broadcast %squeeze3A_492 : f32 to vector<16xf32>
      %mul3A_498 = arith.mulf %mul3A_497, %get3A_496 : vector<16xf32>
      %swap3A_499 = arith.index_cast %scan3A_447 : i32 to index
      %swap3A_500 = arith.constant 32 : index
      %swap3A_501 = tpu.vector_load %arg15[%swap3A_499, %swap3A_500] {strides = array<i32>} : memref<64x144xf32, #tpu.memory_space<vmem>>, vector<1x16xf32>,
      %swap3A_502 = vector.shape_cast %swap3A_501 : vector<1x16xf32> to vector<16xf32>
      %swap3A_503 = vector.shape_cast %mul3A_498 : vector<16xf32> to vector<1x16xf32>
      tpu.vector_store %arg15[%swap3A_499, %swap3A_500], %swap3A_503 {strides = array<i32>} : memref<64x144xf32, #tpu.memory_space<vmem>>, vector<1x16xf32>,
      %slice3A_504 = vector.extract_strided_slice %exp3A {offsets = [3], sizes = [1], strides = [1]} : vector<16xf32> to vector<1xf32>
      %squeeze3A_505 = vector.extract %slice3A_504[0] : f32 from vector<1xf32>
      %get3A_506 = arith.index_cast %scan3A_447 : i32 to index
      %get3A_507 = arith.constant 48 : index
      %get3A_508 = tpu.vector_load %arg11[%get3A_506, %get3A_507] {strides = array<i32>} : memref<64x144xf32, #tpu.memory_space<vmem>>, vector<1x16xf32>,
      %get3A_509 = vector.shape_cast %get3A_508 : vector<1x16xf32> to vector<16xf32>
      %mul3A_510 = vector.broadcast %squeeze3A_505 : f32 to vector<16xf32>
      %mul3A_511 = arith.mulf %mul3A_510, %get3A_509 : vector<16xf32>
      %swap3A_512 = arith.index_cast %scan3A_447 : i32 to index
      %swap3A_513 = arith.constant 48 : index
      %swap3A_514 = tpu.vector_load %arg15[%swap3A_512, %swap3A_513] {strides = array<i32>} : memref<64x144xf32, #tpu.memory_space<vmem>>, vector<1x16xf32>,
      %swap3A_515 = vector.shape_cast %swap3A_514 : vector<1x16xf32> to vector<16xf32>
      %swap3A_516 = vector.shape_cast %mul3A_511 : vector<16xf32> to vector<1x16xf32>
      tpu.vector_store %arg15[%swap3A_512, %swap3A_513], %swap3A_516 {strides = array<i32>} : memref<64x144xf32, #tpu.memory_space<vmem>>, vector<1x16xf32>,
      %slice3A_517 = vector.extract_strided_slice %exp3A {offsets = [4], sizes = [1], strides = [1]} : vector<16xf32> to vector<1xf32>
      %squeeze3A_518 = vector.extract %slice3A_517[0] : f32 from vector<1xf32>
      %get3A_519 = arith.index_cast %scan3A_447 : i32 to index
      %get3A_520 = arith.constant 64 : index
      %get3A_521 = tpu.vector_load %arg11[%get3A_519, %get3A_520] {strides = array<i32>} : memref<64x144xf32, #tpu.memory_space<vmem>>, vector<1x16xf32>,
      %get3A_522 = vector.shape_cast %get3A_521 : vector<1x16xf32> to vector<16xf32>
      %mul3A_523 = vector.broadcast %squeeze3A_518 : f32 to vector<16xf32>
      %mul3A_524 = arith.mulf %mul3A_523, %get3A_522 : vector<16xf32>
      %swap3A_525 = arith.index_cast %scan3A_447 : i32 to index
      %swap3A_526 = arith.constant 64 : index
      %swap3A_527 = tpu.vector_load %arg15[%swap3A_525, %swap3A_526] {strides = array<i32>} : memref<64x144xf32, #tpu.memory_space<vmem>>, vector<1x16xf32>,
      %swap3A_528 = vector.shape_cast %swap3A_527 : vector<1x16xf32> to vector<16xf32>
      %swap3A_529 = vector.shape_cast %mul3A_524 : vector<16xf32> to vector<1x16xf32>
      tpu.vector_store %arg15[%swap3A_525, %swap3A_526], %swap3A_529 {strides = array<i32>} : memref<64x144xf32, #tpu.memory_space<vmem>>, vector<1x16xf32>,
      %slice3A_530 = vector.extract_strided_slice %exp3A {offsets = [5], sizes = [1], strides = [1]} : vector<16xf32> to vector<1xf32>
      %squeeze3A_531 = vector.extract %slice3A_530[0] : f32 from vector<1xf32>
      %get3A_532 = arith.index_cast %scan3A_447 : i32 to index
      %get3A_533 = arith.constant 80 : index
      %get3A_534 = tpu.vector_load %arg11[%get3A_532, %get3A_533] {strides = array<i32>} : memref<64x144xf32, #tpu.memory_space<vmem>>, vector<1x16xf32>,
      %get3A_535 = vector.shape_cast %get3A_534 : vector<1x16xf32> to vector<16xf32>
      %mul3A_536 = vector.broadcast %squeeze3A_531 : f32 to vector<16xf32>
      %mul3A_537 = arith.mulf %mul3A_536, %get3A_535 : vector<16xf32>
      %swap3A_538 = arith.index_cast %scan3A_447 : i32 to index
      %swap3A_539 = arith.constant 80 : index
      %swap3A_540 = tpu.vector_load %arg15[%swap3A_538, %swap3A_539] {strides = array<i32>} : memref<64x144xf32, #tpu.memory_space<vmem>>, vector<1x16xf32>,
      %swap3A_541 = vector.shape_cast %swap3A_540 : vector<1x16xf32> to vector<16xf32>
      %swap3A_542 = vector.shape_cast %mul3A_537 : vector<16xf32> to vector<1x16xf32>
      tpu.vector_store %arg15[%swap3A_538, %swap3A_539], %swap3A_542 {strides = array<i32>} : memref<64x144xf32, #tpu.memory_space<vmem>>, vector<1x16xf32>,
      %slice3A_543 = vector.extract_strided_slice %exp3A {offsets = [6], sizes = [1], strides = [1]} : vector<16xf32> to vector<1xf32>
      %squeeze3A_544 = vector.extract %slice3A_543[0] : f32 from vector<1xf32>
      %get3A_545 = arith.index_cast %scan3A_447 : i32 to index
      %get3A_546 = arith.constant 96 : index
      %get3A_547 = tpu.vector_load %arg11[%get3A_545, %get3A_546] {strides = array<i32>} : memref<64x144xf32, #tpu.memory_space<vmem>>, vector<1x16xf32>,
      %get3A_548 = vector.shape_cast %get3A_547 : vector<1x16xf32> to vector<16xf32>
      %mul3A_549 = vector.broadcast %squeeze3A_544 : f32 to vector<16xf32>
      %mul3A_550 = arith.mulf %mul3A_549, %get3A_548 : vector<16xf32>
      %swap3A_551 = arith.index_cast %scan3A_447 : i32 to index
      %swap3A_552 = arith.constant 96 : index
      %swap3A_553 = tpu.vector_load %arg15[%swap3A_551, %swap3A_552] {strides = array<i32>} : memref<64x144xf32, #tpu.memory_space<vmem>>, vector<1x16xf32>,
      %swap3A_554 = vector.shape_cast %swap3A_553 : vector<1x16xf32> to vector<16xf32>
      %swap3A_555 = vector.shape_cast %mul3A_550 : vector<16xf32> to vector<1x16xf32>
      tpu.vector_store %arg15[%swap3A_551, %swap3A_552], %swap3A_555 {strides = array<i32>} : memref<64x144xf32, #tpu.memory_space<vmem>>, vector<1x16xf32>,
      %slice3A_556 = vector.extract_strided_slice %exp3A {offsets = [7], sizes = [1], strides = [1]} : vector<16xf32> to vector<1xf32>
      %squeeze3A_557 = vector.extract %slice3A_556[0] : f32 from vector<1xf32>
      %get3A_558 = arith.index_cast %scan3A_447 : i32 to index
      %get3A_559 = arith.constant 112 : index
      %get3A_560 = tpu.vector_load %arg11[%get3A_558, %get3A_559] {strides = array<i32>} : memref<64x144xf32, #tpu.memory_space<vmem>>, vector<1x16xf32>,
      %get3A_561 = vector.shape_cast %get3A_560 : vector<1x16xf32> to vector<16xf32>
      %mul3A_562 = vector.broadcast %squeeze3A_557 : f32 to vector<16xf32>
      %mul3A_563 = arith.mulf %mul3A_562, %get3A_561 : vector<16xf32>
      %swap3A_564 = arith.index_cast %scan3A_447 : i32 to index
      %swap3A_565 = arith.constant 112 : index
      %swap3A_566 = tpu.vector_load %arg15[%swap3A_564, %swap3A_565] {strides = array<i32>} : memref<64x144xf32, #tpu.memory_space<vmem>>, vector<1x16xf32>,
      %swap3A_567 = vector.shape_cast %swap3A_566 : vector<1x16xf32> to vector<16xf32>
      %swap3A_568 = vector.shape_cast %mul3A_563 : vector<16xf32> to vector<1x16xf32>
      tpu.vector_store %arg15[%swap3A_564, %swap3A_565], %swap3A_568 {strides = array<i32>} : memref<64x144xf32, #tpu.memory_space<vmem>>, vector<1x16xf32>,
    }
    %scan3A_243 = arith.constant 64 : i32
    %dma_start3A_244 = arith.constant 0 : i32
    %dma_start3A_245 = arith.constant 0 : i32
    %dma_start3A_246 = tpu.memref_slice %arg16[%dma_start3A_244, %dma_start3A_245] : memref<10112x144xf32, #tpu.memory_space<vmem_shared>> -> memref<10112x144xf32, #tpu.memory_space<vmem_shared>>
    tpu.enqueue_indirect_dma source(%arg15 : memref<64x144xf32, #tpu.memory_space<vmem>>) target(%dma_start3A_246 : memref<10112x144xf32, #tpu.memory_space<vmem_shared>>) offsets(%arg9 : memref<64xi32, #tpu.memory_space<vmem>>) semaphore(%arg22 : memref<!tpu.dma_semaphore, #tpu.memory_space<semaphore_mem>>) {add = true}
    %scan3A_247 = arith.constant 0 : i32
    %scan3A_248 = arith.constant 1 : i32
    %scan3A_249 = arith.constant 79 : i32
    %scan3A_250 = arith.addi %scan3A_248, %scan3A_249 : i32
    %scan3A_251 = arith.constant 1 : i32
    scf.for %scan3A_447 = %scan3A_248 to %scan3A_250 step %scan3A_251  : i32 {
      %mul3A_448 = arith.constant 2 : i32
      %mul3A_449 = arith.muli %mul3A_448, %scan3A_447 : i32
      %dma_wait3A_450 = arith.constant 0 : i32
      %dma_wait3A_451 = arith.constant 0 : i32
      %dma_wait3A_452 = tpu.memref_slice %arg16[%dma_wait3A_450, %dma_wait3A_451] : memref<10112x144xf32, #tpu.memory_space<vmem_shared>> -> memref<10112x144xf32, #tpu.memory_space<vmem_shared>>
      tpu.wait_indirect_dma semaphore(%arg21 : memref<!tpu.dma_semaphore, #tpu.memory_space<semaphore_mem>>) src(%arg14 : memref<64x144xf32, #tpu.memory_space<vmem>>) dst(%dma_wait3A_452 : memref<10112x144xf32, #tpu.memory_space<vmem_shared>>)
      %dma_wait3A_453 = arith.constant 0 : i32
      %dma_wait3A_454 = arith.constant 0 : i32
      %dma_wait3A_455 = arith.constant 0 : i32
      %dma_wait3A_456 = tpu.memref_slice %arg4[%add3A, %dma_wait3A_453, %dma_wait3A_454, %dma_wait3A_455] : memref<32x162x2x64xi32, #tpu.memory_space<hbm>> -> memref<1x1x2x64xi32, #tpu.memory_space<hbm>>
      %dma_wait3A_457 = tpu.memref_squeeze %dma_wait3A_456 : memref<1x1x2x64xi32, #tpu.memory_space<hbm>> -> memref<2x64xi32, #tpu.memory_space<hbm>>
      %dma_wait3A_458 = arith.constant 0 : i32
      %dma_wait3A_459 = arith.constant 0 : i32
      %dma_wait3A_460 = tpu.memref_slice %arg4[%add3A, %dma_wait3A_453, %dma_wait3A_458, %dma_wait3A_459] : memref<32x162x2x64xi32, #tpu.memory_space<hbm>> -> memref<1x1x2x64xi32, #tpu.memory_space<hbm>>
      %dma_wait3A_461 = tpu.memref_squeeze %dma_wait3A_460 : memref<1x1x2x64xi32, #tpu.memory_space<hbm>> -> memref<2x64xi32, #tpu.memory_space<hbm>>
      tpu.wait_dma2 semaphore(%arg24 : memref<!tpu.dma_semaphore, #tpu.memory_space<semaphore_mem>>) src(%dma_wait3A_461 : memref<2x64xi32, #tpu.memory_space<hbm>>) dst(%arg7 : memref<2x64xi32, #tpu.memory_space<vmem>>)
      %dma_start3A_462 = arith.constant 0 : i32
      %dma_start3A_463 = arith.constant 0 : i32
      %dma_start3A_464 = tpu.memref_slice %arg7[%dma_start3A_462, %dma_start3A_463] : memref<2x64xi32, #tpu.memory_space<vmem>> -> memref<1x64xi32, #tpu.memory_space<vmem>>
      %dma_start3A_465 = tpu.memref_squeeze %dma_start3A_464 : memref<1x64xi32, #tpu.memory_space<vmem>> -> memref<64xi32, #tpu.memory_space<vmem>>
      %dma_start3A_466 = arith.constant 0 : i32
      %dma_start3A_467 = arith.constant 0 : i32
      %dma_start3A_468 = tpu.memref_slice %arg2[%dma_start3A_466, %dma_start3A_467] : memref<10112x144xf32, #tpu.memory_space<hbm>> -> memref<10112x144xf32, #tpu.memory_space<hbm>>
      tpu.enqueue_indirect_dma source(%dma_start3A_468 : memref<10112x144xf32, #tpu.memory_space<hbm>>) target(%arg11 : memref<64x144xf32, #tpu.memory_space<vmem>>) offsets(%dma_start3A_465 : memref<64xi32, #tpu.memory_space<vmem>>) semaphore(%arg18 : memref<!tpu.dma_semaphore, #tpu.memory_space<semaphore_mem>>)
      %dma_start3A_469 = arith.constant 1 : i32
      %dma_start3A_470 = arith.constant 0 : i32
      %dma_start3A_471 = tpu.memref_slice %arg7[%dma_start3A_469, %dma_start3A_470] : memref<2x64xi32, #tpu.memory_space<vmem>> -> memref<1x64xi32, #tpu.memory_space<vmem>>
      %dma_start3A_472 = tpu.memref_squeeze %dma_start3A_471 : memref<1x64xi32, #tpu.memory_space<vmem>> -> memref<64xi32, #tpu.memory_space<vmem>>
      %dma_start3A_473 = arith.constant 0 : i32
      %dma_start3A_474 = arith.constant 0 : i32
      %dma_start3A_475 = tpu.memref_slice %arg3[%dma_start3A_473, %dma_start3A_474] : memref<10112x16xf32, #tpu.memory_space<hbm>> -> memref<10112x16xf32, #tpu.memory_space<hbm>>
      tpu.enqueue_indirect_dma source(%dma_start3A_475 : memref<10112x16xf32, #tpu.memory_space<hbm>>) target(%arg13 : memref<64x16xf32, #tpu.memory_space<vmem>>) offsets(%dma_start3A_472 : memref<64xi32, #tpu.memory_space<vmem>>) semaphore(%arg20 : memref<!tpu.dma_semaphore, #tpu.memory_space<semaphore_mem>>)
      %dma_wait3A_476 = arith.constant 0 : i32
      %dma_wait3A_477 = arith.constant 0 : i32
      %dma_wait3A_478 = tpu.memref_slice %arg6[%dma_wait3A_476, %dma_wait3A_477] : memref<2x64xi32, #tpu.memory_space<vmem>> -> memref<1x64xi32, #tpu.memory_space<vmem>>
      %dma_wait3A_479 = tpu.memref_squeeze %dma_wait3A_478 : memref<1x64xi32, #tpu.memory_space<vmem>> -> memref<64xi32, #tpu.memory_space<vmem>>
      %dma_wait3A_480 = arith.constant 0 : i32
      %dma_wait3A_481 = arith.constant 0 : i32
      %dma_wait3A_482 = tpu.memref_slice %arg2[%dma_wait3A_480, %dma_wait3A_481] : memref<10112x144xf32, #tpu.memory_space<hbm>> -> memref<10112x144xf32, #tpu.memory_space<hbm>>
      tpu.wait_indirect_dma semaphore(%arg17 : memref<!tpu.dma_semaphore, #tpu.memory_space<semaphore_mem>>) src(%dma_wait3A_482 : memref<10112x144xf32, #tpu.memory_space<hbm>>) dst(%arg10 : memref<64x144xf32, #tpu.memory_space<vmem>>)
      %dma_wait3A_483 = arith.constant 1 : i32
      %dma_wait3A_484 = arith.constant 0 : i32
      %dma_wait3A_485 = tpu.memref_slice %arg6[%dma_wait3A_483, %dma_wait3A_484] : memref<2x64xi32, #tpu.memory_space<vmem>> -> memref<1x64xi32, #tpu.memory_space<vmem>>
      %dma_wait3A_486 = tpu.memref_squeeze %dma_wait3A_485 : memref<1x64xi32, #tpu.memory_space<vmem>> -> memref<64xi32, #tpu.memory_space<vmem>>
      %dma_wait3A_487 = arith.constant 0 : i32
      %dma_wait3A_488 = arith.constant 0 : i32
      %dma_wait3A_489 = tpu.memref_slice %arg3[%dma_wait3A_487, %dma_wait3A_488] : memref<10112x16xf32, #tpu.memory_space<hbm>> -> memref<10112x16xf32, #tpu.memory_space<hbm>>
      tpu.wait_indirect_dma semaphore(%arg19 : memref<!tpu.dma_semaphore, #tpu.memory_space<semaphore_mem>>) src(%dma_wait3A_489 : memref<10112x16xf32, #tpu.memory_space<hbm>>) dst(%arg12 : memref<64x16xf32, #tpu.memory_space<vmem>>)
      %get3A_490 = arith.constant 1 : i32
      %get3A_491 = arith.index_cast %get3A_490 : i32 to index
      %get3A_492 = arith.constant 0 : index
      %get3A_493 = tpu.vector_load %arg6[%get3A_491, %get3A_492] {strides = array<i32>} : memref<2x64xi32, #tpu.memory_space<vmem>>, vector<1x16xi32>,
      %get3A_494 = vector.shape_cast %get3A_493 : vector<1x16xi32> to vector<16xi32>
      %swap3A_495 = arith.constant 0 : index
      %swap3A_496 = tpu.vector_load %arg8[%swap3A_495] {strides = array<i32>} : memref<64xi32, #tpu.memory_space<vmem>>, vector<16xi32>,
      %swap3A_497 = vector.shape_cast %swap3A_496 : vector<16xi32> to vector<16xi32>
      %swap3A_498 = vector.shape_cast %get3A_494 : vector<16xi32> to vector<16xi32>
      tpu.vector_store %arg8[%swap3A_495], %swap3A_498 {strides = array<i32>} : memref<64xi32, #tpu.memory_space<vmem>>, vector<16xi32>,
      %get3A_499 = arith.constant 1 : i32
      %get3A_500 = arith.index_cast %get3A_499 : i32 to index
      %get3A_501 = arith.constant 16 : index
      %get3A_502 = tpu.vector_load %arg6[%get3A_500, %get3A_501] {strides = array<i32>} : memref<2x64xi32, #tpu.memory_space<vmem>>, vector<1x16xi32>,
      %get3A_503 = vector.shape_cast %get3A_502 : vector<1x16xi32> to vector<16xi32>
      %swap3A_504 = arith.constant 16 : index
      %swap3A_505 = tpu.vector_load %arg8[%swap3A_504] {strides = array<i32>} : memref<64xi32, #tpu.memory_space<vmem>>, vector<16xi32>,
      %swap3A_506 = vector.shape_cast %swap3A_505 : vector<16xi32> to vector<16xi32>
      %swap3A_507 = vector.shape_cast %get3A_503 : vector<16xi32> to vector<16xi32>
      tpu.vector_store %arg8[%swap3A_504], %swap3A_507 {strides = array<i32>} : memref<64xi32, #tpu.memory_space<vmem>>, vector<16xi32>,
      %get3A_508 = arith.constant 1 : i32
      %get3A_509 = arith.index_cast %get3A_508 : i32 to index
      %get3A_510 = arith.constant 32 : index
      %get3A_511 = tpu.vector_load %arg6[%get3A_509, %get3A_510] {strides = array<i32>} : memref<2x64xi32, #tpu.memory_space<vmem>>, vector<1x16xi32>,
      %get3A_512 = vector.shape_cast %get3A_511 : vector<1x16xi32> to vector<16xi32>
      %swap3A_513 = arith.constant 32 : index
      %swap3A_514 = tpu.vector_load %arg8[%swap3A_513] {strides = array<i32>} : memref<64xi32, #tpu.memory_space<vmem>>, vector<16xi32>,
      %swap3A_515 = vector.shape_cast %swap3A_514 : vector<16xi32> to vector<16xi32>
      %swap3A_516 = vector.shape_cast %get3A_512 : vector<16xi32> to vector<16xi32>
      tpu.vector_store %arg8[%swap3A_513], %swap3A_516 {strides = array<i32>} : memref<64xi32, #tpu.memory_space<vmem>>, vector<16xi32>,
      %get3A_517 = arith.constant 1 : i32
      %get3A_518 = arith.index_cast %get3A_517 : i32 to index
      %get3A_519 = arith.constant 48 : index
      %get3A_520 = tpu.vector_load %arg6[%get3A_518, %get3A_519] {strides = array<i32>} : memref<2x64xi32, #tpu.memory_space<vmem>>, vector<1x16xi32>,
      %get3A_521 = vector.shape_cast %get3A_520 : vector<1x16xi32> to vector<16xi32>
      %swap3A_522 = arith.constant 48 : index
      %swap3A_523 = tpu.vector_load %arg8[%swap3A_522] {strides = array<i32>} : memref<64xi32, #tpu.memory_space<vmem>>, vector<16xi32>,
      %swap3A_524 = vector.shape_cast %swap3A_523 : vector<16xi32> to vector<16xi32>
      %swap3A_525 = vector.shape_cast %get3A_521 : vector<16xi32> to vector<16xi32>
      tpu.vector_store %arg8[%swap3A_522], %swap3A_525 {strides = array<i32>} : memref<64xi32, #tpu.memory_space<vmem>>, vector<16xi32>,
      %add3A_526 = arith.constant 2 : i32
      %add3A_527 = arith.addi %mul3A_449, %add3A_526 : i32
      %dma_start3A_528 = arith.constant 0 : i32
      %dma_start3A_529 = arith.constant 0 : i32
      %dma_start3A_530 = tpu.memref_slice %arg4[%add3A, %add3A_527, %dma_start3A_528, %dma_start3A_529] : memref<32x162x2x64xi32, #tpu.memory_space<hbm>> -> memref<1x1x2x64xi32, #tpu.memory_space<hbm>>
      %dma_start3A_531 = tpu.memref_squeeze %dma_start3A_530 : memref<1x1x2x64xi32, #tpu.memory_space<hbm>> -> memref<2x64xi32, #tpu.memory_space<hbm>>
      %dma_start3A_532 = arith.constant 0 : i32
      %dma_start3A_533 = arith.constant 0 : i32
      %dma_start3A_534 = tpu.memref_slice %arg4[%add3A, %add3A_527, %dma_start3A_532, %dma_start3A_533] : memref<32x162x2x64xi32, #tpu.memory_space<hbm>> -> memref<1x1x2x64xi32, #tpu.memory_space<hbm>>
      %dma_start3A_535 = tpu.memref_squeeze %dma_start3A_534 : memref<1x1x2x64xi32, #tpu.memory_space<hbm>> -> memref<2x64xi32, #tpu.memory_space<hbm>>
      tpu.enqueue_dma source(%dma_start3A_535 : memref<2x64xi32, #tpu.memory_space<hbm>>) target(%arg6 : memref<2x64xi32, #tpu.memory_space<vmem>>) target_semaphore(%arg23 : memref<!tpu.dma_semaphore, #tpu.memory_space<semaphore_mem>>)
      %scan3A_536 = arith.constant 0 : i32
      %scan3A_537 = arith.constant 0 : i32
      %scan3A_538 = arith.constant 64 : i32
      %scan3A_539 = arith.addi %scan3A_537, %scan3A_538 : i32
      %scan3A_540 = arith.constant 1 : i32
      scf.for %scan3A_644 = %scan3A_537 to %scan3A_539 step %scan3A_540  : i32 {
        %get3A_645 = arith.index_cast %scan3A_644 : i32 to index
        %get3A_646 = arith.constant 128 : index
        %get3A_647 = tpu.vector_load %arg10[%get3A_645, %get3A_646] {strides = array<i32>} : memref<64x144xf32, #tpu.memory_space<vmem>>, vector<1x16xf32>,
        %get3A_648 = vector.shape_cast %get3A_647 : vector<1x16xf32> to vector<16xf32>
        %get3A_649 = arith.index_cast %scan3A_644 : i32 to index
        %get3A_650 = arith.constant 0 : index
        %get3A_651 = tpu.vector_load %arg12[%get3A_649, %get3A_650] {strides = array<i32>} : memref<64x16xf32, #tpu.memory_space<vmem>>, vector<1x16xf32>,
        %get3A_652 = vector.shape_cast %get3A_651 : vector<1x16xf32> to vector<16xf32>
        %add3A_653 = arith.addf %get3A_648, %get3A_652 : vector<16xf32>
        %ge3A = arith.constant 0.000000e+00 : f32
        %ge3A_654 = vector.broadcast %ge3A : f32 to vector<16xf32>
        %ge3A_655 = arith.cmpf oge, %add3A_653, %ge3A_654 : vector<16xf32>
        %mul3A_656 = arith.constant 2.000000e-01 : f32
        %mul3A_657 = vector.broadcast %mul3A_656 : f32 to vector<16xf32>
        %mul3A_658 = arith.mulf %mul3A_657, %add3A_653 : vector<16xf32>
        %select_n3A = arith.select %ge3A_655, %add3A_653, %mul3A_658 : vector<16xi1>, vector<16xf32>
        %exp3A = math.exp %select_n3A : vector<16xf32>
        %swap3A_659 = arith.index_cast %scan3A_644 : i32 to index
        %swap3A_660 = arith.constant 128 : index
        %swap3A_661 = tpu.vector_load %arg14[%swap3A_659, %swap3A_660] {strides = array<i32>} : memref<64x144xf32, #tpu.memory_space<vmem>>, vector<1x16xf32>,
        %swap3A_662 = vector.shape_cast %swap3A_661 : vector<1x16xf32> to vector<16xf32>
        %swap3A_663 = vector.shape_cast %exp3A : vector<16xf32> to vector<1x16xf32>
        tpu.vector_store %arg14[%swap3A_659, %swap3A_660], %swap3A_663 {strides = array<i32>} : memref<64x144xf32, #tpu.memory_space<vmem>>, vector<1x16xf32>,
        %slice3A = vector.extract_strided_slice %exp3A {offsets = [0], sizes = [1], strides = [1]} : vector<16xf32> to vector<1xf32>
        %squeeze3A = vector.extract %slice3A[0] : f32 from vector<1xf32>
        %get3A_664 = arith.index_cast %scan3A_644 : i32 to index
        %get3A_665 = arith.constant 0 : index
        %get3A_666 = tpu.vector_load %arg10[%get3A_664, %get3A_665] {strides = array<i32>} : memref<64x144xf32, #tpu.memory_space<vmem>>, vector<1x16xf32>,
        %get3A_667 = vector.shape_cast %get3A_666 : vector<1x16xf32> to vector<16xf32>
        %mul3A_668 = vector.broadcast %squeeze3A : f32 to vector<16xf32>
        %mul3A_669 = arith.mulf %mul3A_668, %get3A_667 : vector<16xf32>
        %swap3A_670 = arith.index_cast %scan3A_644 : i32 to index
        %swap3A_671 = arith.constant 0 : index
        %swap3A_672 = tpu.vector_load %arg14[%swap3A_670, %swap3A_671] {strides = array<i32>} : memref<64x144xf32, #tpu.memory_space<vmem>>, vector<1x16xf32>,
        %swap3A_673 = vector.shape_cast %swap3A_672 : vector<1x16xf32> to vector<16xf32>
        %swap3A_674 = vector.shape_cast %mul3A_669 : vector<16xf32> to vector<1x16xf32>
        tpu.vector_store %arg14[%swap3A_670, %swap3A_671], %swap3A_674 {strides = array<i32>} : memref<64x144xf32, #tpu.memory_space<vmem>>, vector<1x16xf32>,
        %slice3A_675 = vector.extract_strided_slice %exp3A {offsets = [1], sizes = [1], strides = [1]} : vector<16xf32> to vector<1xf32>
        %squeeze3A_676 = vector.extract %slice3A_675[0] : f32 from vector<1xf32>
        %get3A_677 = arith.index_cast %scan3A_644 : i32 to index
        %get3A_678 = arith.constant 16 : index
        %get3A_679 = tpu.vector_load %arg10[%get3A_677, %get3A_678] {strides = array<i32>} : memref<64x144xf32, #tpu.memory_space<vmem>>, vector<1x16xf32>,
        %get3A_680 = vector.shape_cast %get3A_679 : vector<1x16xf32> to vector<16xf32>
        %mul3A_681 = vector.broadcast %squeeze3A_676 : f32 to vector<16xf32>
        %mul3A_682 = arith.mulf %mul3A_681, %get3A_680 : vector<16xf32>
        %swap3A_683 = arith.index_cast %scan3A_644 : i32 to index
        %swap3A_684 = arith.constant 16 : index
        %swap3A_685 = tpu.vector_load %arg14[%swap3A_683, %swap3A_684] {strides = array<i32>} : memref<64x144xf32, #tpu.memory_space<vmem>>, vector<1x16xf32>,
        %swap3A_686 = vector.shape_cast %swap3A_685 : vector<1x16xf32> to vector<16xf32>
        %swap3A_687 = vector.shape_cast %mul3A_682 : vector<16xf32> to vector<1x16xf32>
        tpu.vector_store %arg14[%swap3A_683, %swap3A_684], %swap3A_687 {strides = array<i32>} : memref<64x144xf32, #tpu.memory_space<vmem>>, vector<1x16xf32>,
        %slice3A_688 = vector.extract_strided_slice %exp3A {offsets = [2], sizes = [1], strides = [1]} : vector<16xf32> to vector<1xf32>
        %squeeze3A_689 = vector.extract %slice3A_688[0] : f32 from vector<1xf32>
        %get3A_690 = arith.index_cast %scan3A_644 : i32 to index
        %get3A_691 = arith.constant 32 : index
        %get3A_692 = tpu.vector_load %arg10[%get3A_690, %get3A_691] {strides = array<i32>} : memref<64x144xf32, #tpu.memory_space<vmem>>, vector<1x16xf32>,
        %get3A_693 = vector.shape_cast %get3A_692 : vector<1x16xf32> to vector<16xf32>
        %mul3A_694 = vector.broadcast %squeeze3A_689 : f32 to vector<16xf32>
        %mul3A_695 = arith.mulf %mul3A_694, %get3A_693 : vector<16xf32>
        %swap3A_696 = arith.index_cast %scan3A_644 : i32 to index
        %swap3A_697 = arith.constant 32 : index
        %swap3A_698 = tpu.vector_load %arg14[%swap3A_696, %swap3A_697] {strides = array<i32>} : memref<64x144xf32, #tpu.memory_space<vmem>>, vector<1x16xf32>,
        %swap3A_699 = vector.shape_cast %swap3A_698 : vector<1x16xf32> to vector<16xf32>
        %swap3A_700 = vector.shape_cast %mul3A_695 : vector<16xf32> to vector<1x16xf32>
        tpu.vector_store %arg14[%swap3A_696, %swap3A_697], %swap3A_700 {strides = array<i32>} : memref<64x144xf32, #tpu.memory_space<vmem>>, vector<1x16xf32>,
        %slice3A_701 = vector.extract_strided_slice %exp3A {offsets = [3], sizes = [1], strides = [1]} : vector<16xf32> to vector<1xf32>
        %squeeze3A_702 = vector.extract %slice3A_701[0] : f32 from vector<1xf32>
        %get3A_703 = arith.index_cast %scan3A_644 : i32 to index
        %get3A_704 = arith.constant 48 : index
        %get3A_705 = tpu.vector_load %arg10[%get3A_703, %get3A_704] {strides = array<i32>} : memref<64x144xf32, #tpu.memory_space<vmem>>, vector<1x16xf32>,
        %get3A_706 = vector.shape_cast %get3A_705 : vector<1x16xf32> to vector<16xf32>
        %mul3A_707 = vector.broadcast %squeeze3A_702 : f32 to vector<16xf32>
        %mul3A_708 = arith.mulf %mul3A_707, %get3A_706 : vector<16xf32>
        %swap3A_709 = arith.index_cast %scan3A_644 : i32 to index
        %swap3A_710 = arith.constant 48 : index
        %swap3A_711 = tpu.vector_load %arg14[%swap3A_709, %swap3A_710] {strides = array<i32>} : memref<64x144xf32, #tpu.memory_space<vmem>>, vector<1x16xf32>,
        %swap3A_712 = vector.shape_cast %swap3A_711 : vector<1x16xf32> to vector<16xf32>
        %swap3A_713 = vector.shape_cast %mul3A_708 : vector<16xf32> to vector<1x16xf32>
        tpu.vector_store %arg14[%swap3A_709, %swap3A_710], %swap3A_713 {strides = array<i32>} : memref<64x144xf32, #tpu.memory_space<vmem>>, vector<1x16xf32>,
        %slice3A_714 = vector.extract_strided_slice %exp3A {offsets = [4], sizes = [1], strides = [1]} : vector<16xf32> to vector<1xf32>
        %squeeze3A_715 = vector.extract %slice3A_714[0] : f32 from vector<1xf32>
        %get3A_716 = arith.index_cast %scan3A_644 : i32 to index
        %get3A_717 = arith.constant 64 : index
        %get3A_718 = tpu.vector_load %arg10[%get3A_716, %get3A_717] {strides = array<i32>} : memref<64x144xf32, #tpu.memory_space<vmem>>, vector<1x16xf32>,
        %get3A_719 = vector.shape_cast %get3A_718 : vector<1x16xf32> to vector<16xf32>
        %mul3A_720 = vector.broadcast %squeeze3A_715 : f32 to vector<16xf32>
        %mul3A_721 = arith.mulf %mul3A_720, %get3A_719 : vector<16xf32>
        %swap3A_722 = arith.index_cast %scan3A_644 : i32 to index
        %swap3A_723 = arith.constant 64 : index
        %swap3A_724 = tpu.vector_load %arg14[%swap3A_722, %swap3A_723] {strides = array<i32>} : memref<64x144xf32, #tpu.memory_space<vmem>>, vector<1x16xf32>,
        %swap3A_725 = vector.shape_cast %swap3A_724 : vector<1x16xf32> to vector<16xf32>
        %swap3A_726 = vector.shape_cast %mul3A_721 : vector<16xf32> to vector<1x16xf32>
        tpu.vector_store %arg14[%swap3A_722, %swap3A_723], %swap3A_726 {strides = array<i32>} : memref<64x144xf32, #tpu.memory_space<vmem>>, vector<1x16xf32>,
        %slice3A_727 = vector.extract_strided_slice %exp3A {offsets = [5], sizes = [1], strides = [1]} : vector<16xf32> to vector<1xf32>
        %squeeze3A_728 = vector.extract %slice3A_727[0] : f32 from vector<1xf32>
        %get3A_729 = arith.index_cast %scan3A_644 : i32 to index
        %get3A_730 = arith.constant 80 : index
        %get3A_731 = tpu.vector_load %arg10[%get3A_729, %get3A_730] {strides = array<i32>} : memref<64x144xf32, #tpu.memory_space<vmem>>, vector<1x16xf32>,
        %get3A_732 = vector.shape_cast %get3A_731 : vector<1x16xf32> to vector<16xf32>
        %mul3A_733 = vector.broadcast %squeeze3A_728 : f32 to vector<16xf32>
        %mul3A_734 = arith.mulf %mul3A_733, %get3A_732 : vector<16xf32>
        %swap3A_735 = arith.index_cast %scan3A_644 : i32 to index
        %swap3A_736 = arith.constant 80 : index
        %swap3A_737 = tpu.vector_load %arg14[%swap3A_735, %swap3A_736] {strides = array<i32>} : memref<64x144xf32, #tpu.memory_space<vmem>>, vector<1x16xf32>,
        %swap3A_738 = vector.shape_cast %swap3A_737 : vector<1x16xf32> to vector<16xf32>
        %swap3A_739 = vector.shape_cast %mul3A_734 : vector<16xf32> to vector<1x16xf32>
        tpu.vector_store %arg14[%swap3A_735, %swap3A_736], %swap3A_739 {strides = array<i32>} : memref<64x144xf32, #tpu.memory_space<vmem>>, vector<1x16xf32>,
        %slice3A_740 = vector.extract_strided_slice %exp3A {offsets = [6], sizes = [1], strides = [1]} : vector<16xf32> to vector<1xf32>
        %squeeze3A_741 = vector.extract %slice3A_740[0] : f32 from vector<1xf32>
        %get3A_742 = arith.index_cast %scan3A_644 : i32 to index
        %get3A_743 = arith.constant 96 : index
        %get3A_744 = tpu.vector_load %arg10[%get3A_742, %get3A_743] {strides = array<i32>} : memref<64x144xf32, #tpu.memory_space<vmem>>, vector<1x16xf32>,
        %get3A_745 = vector.shape_cast %get3A_744 : vector<1x16xf32> to vector<16xf32>
        %mul3A_746 = vector.broadcast %squeeze3A_741 : f32 to vector<16xf32>
        %mul3A_747 = arith.mulf %mul3A_746, %get3A_745 : vector<16xf32>
        %swap3A_748 = arith.index_cast %scan3A_644 : i32 to index
        %swap3A_749 = arith.constant 96 : index
        %swap3A_750 = tpu.vector_load %arg14[%swap3A_748, %swap3A_749] {strides = array<i32>} : memref<64x144xf32, #tpu.memory_space<vmem>>, vector<1x16xf32>,
        %swap3A_751 = vector.shape_cast %swap3A_750 : vector<1x16xf32> to vector<16xf32>
        %swap3A_752 = vector.shape_cast %mul3A_747 : vector<16xf32> to vector<1x16xf32>
        tpu.vector_store %arg14[%swap3A_748, %swap3A_749], %swap3A_752 {strides = array<i32>} : memref<64x144xf32, #tpu.memory_space<vmem>>, vector<1x16xf32>,
        %slice3A_753 = vector.extract_strided_slice %exp3A {offsets = [7], sizes = [1], strides = [1]} : vector<16xf32> to vector<1xf32>
        %squeeze3A_754 = vector.extract %slice3A_753[0] : f32 from vector<1xf32>
        %get3A_755 = arith.index_cast %scan3A_644 : i32 to index
        %get3A_756 = arith.constant 112 : index
        %get3A_757 = tpu.vector_load %arg10[%get3A_755, %get3A_756] {strides = array<i32>} : memref<64x144xf32, #tpu.memory_space<vmem>>, vector<1x16xf32>,
        %get3A_758 = vector.shape_cast %get3A_757 : vector<1x16xf32> to vector<16xf32>
        %mul3A_759 = vector.broadcast %squeeze3A_754 : f32 to vector<16xf32>
        %mul3A_760 = arith.mulf %mul3A_759, %get3A_758 : vector<16xf32>
        %swap3A_761 = arith.index_cast %scan3A_644 : i32 to index
        %swap3A_762 = arith.constant 112 : index
        %swap3A_763 = tpu.vector_load %arg14[%swap3A_761, %swap3A_762] {strides = array<i32>} : memref<64x144xf32, #tpu.memory_space<vmem>>, vector<1x16xf32>,
        %swap3A_764 = vector.shape_cast %swap3A_763 : vector<1x16xf32> to vector<16xf32>
        %swap3A_765 = vector.shape_cast %mul3A_760 : vector<16xf32> to vector<1x16xf32>
        tpu.vector_store %arg14[%swap3A_761, %swap3A_762], %swap3A_765 {strides = array<i32>} : memref<64x144xf32, #tpu.memory_space<vmem>>, vector<1x16xf32>,
      }
      %scan3A_541 = arith.constant 64 : i32
      %dma_start3A_542 = arith.constant 0 : i32
      %dma_start3A_543 = arith.constant 0 : i32
      %dma_start3A_544 = tpu.memref_slice %arg16[%dma_start3A_542, %dma_start3A_543] : memref<10112x144xf32, #tpu.memory_space<vmem_shared>> -> memref<10112x144xf32, #tpu.memory_space<vmem_shared>>
      tpu.enqueue_indirect_dma source(%arg14 : memref<64x144xf32, #tpu.memory_space<vmem>>) target(%dma_start3A_544 : memref<10112x144xf32, #tpu.memory_space<vmem_shared>>) offsets(%arg8 : memref<64xi32, #tpu.memory_space<vmem>>) semaphore(%arg21 : memref<!tpu.dma_semaphore, #tpu.memory_space<semaphore_mem>>) {add = true}
      %mul3A_545 = arith.constant 2 : i32
      %mul3A_546 = arith.muli %mul3A_545, %scan3A_447 : i32
      %add3A_547 = arith.constant 1 : i32
      %add3A_548 = arith.addi %mul3A_546, %add3A_547 : i32
      %dma_wait3A_549 = arith.constant 0 : i32
      %dma_wait3A_550 = arith.constant 0 : i32
      %dma_wait3A_551 = tpu.memref_slice %arg16[%dma_wait3A_549, %dma_wait3A_550] : memref<10112x144xf32, #tpu.memory_space<vmem_shared>> -> memref<10112x144xf32, #tpu.memory_space<vmem_shared>>
      tpu.wait_indirect_dma semaphore(%arg22 : memref<!tpu.dma_semaphore, #tpu.memory_space<semaphore_mem>>) src(%arg15 : memref<64x144xf32, #tpu.memory_space<vmem>>) dst(%dma_wait3A_551 : memref<10112x144xf32, #tpu.memory_space<vmem_shared>>)
      %dma_wait3A_552 = arith.constant 0 : i32
      %dma_wait3A_553 = arith.constant 0 : i32
      %dma_wait3A_554 = arith.constant 0 : i32
      %dma_wait3A_555 = tpu.memref_slice %arg4[%add3A, %dma_wait3A_552, %dma_wait3A_553, %dma_wait3A_554] : memref<32x162x2x64xi32, #tpu.memory_space<hbm>> -> memref<1x1x2x64xi32, #tpu.memory_space<hbm>>
      %dma_wait3A_556 = tpu.memref_squeeze %dma_wait3A_555 : memref<1x1x2x64xi32, #tpu.memory_space<hbm>> -> memref<2x64xi32, #tpu.memory_space<hbm>>
      %dma_wait3A_557 = arith.constant 0 : i32
      %dma_wait3A_558 = arith.constant 0 : i32
      %dma_wait3A_559 = tpu.memref_slice %arg4[%add3A, %dma_wait3A_552, %dma_wait3A_557, %dma_wait3A_558] : memref<32x162x2x64xi32, #tpu.memory_space<hbm>> -> memref<1x1x2x64xi32, #tpu.memory_space<hbm>>
      %dma_wait3A_560 = tpu.memref_squeeze %dma_wait3A_559 : memref<1x1x2x64xi32, #tpu.memory_space<hbm>> -> memref<2x64xi32, #tpu.memory_space<hbm>>
      tpu.wait_dma2 semaphore(%arg23 : memref<!tpu.dma_semaphore, #tpu.memory_space<semaphore_mem>>) src(%dma_wait3A_560 : memref<2x64xi32, #tpu.memory_space<hbm>>) dst(%arg6 : memref<2x64xi32, #tpu.memory_space<vmem>>)
      %dma_start3A_561 = arith.constant 0 : i32
      %dma_start3A_562 = arith.constant 0 : i32
      %dma_start3A_563 = tpu.memref_slice %arg6[%dma_start3A_561, %dma_start3A_562] : memref<2x64xi32, #tpu.memory_space<vmem>> -> memref<1x64xi32, #tpu.memory_space<vmem>>
      %dma_start3A_564 = tpu.memref_squeeze %dma_start3A_563 : memref<1x64xi32, #tpu.memory_space<vmem>> -> memref<64xi32, #tpu.memory_space<vmem>>
      %dma_start3A_565 = arith.constant 0 : i32
      %dma_start3A_566 = arith.constant 0 : i32
      %dma_start3A_567 = tpu.memref_slice %arg2[%dma_start3A_565, %dma_start3A_566] : memref<10112x144xf32, #tpu.memory_space<hbm>> -> memref<10112x144xf32, #tpu.memory_space<hbm>>
      tpu.enqueue_indirect_dma source(%dma_start3A_567 : memref<10112x144xf32, #tpu.memory_space<hbm>>) target(%arg10 : memref<64x144xf32, #tpu.memory_space<vmem>>) offsets(%dma_start3A_564 : memref<64xi32, #tpu.memory_space<vmem>>) semaphore(%arg17 : memref<!tpu.dma_semaphore, #tpu.memory_space<semaphore_mem>>)
      %dma_start3A_568 = arith.constant 1 : i32
      %dma_start3A_569 = arith.constant 0 : i32
      %dma_start3A_570 = tpu.memref_slice %arg6[%dma_start3A_568, %dma_start3A_569] : memref<2x64xi32, #tpu.memory_space<vmem>> -> memref<1x64xi32, #tpu.memory_space<vmem>>
      %dma_start3A_571 = tpu.memref_squeeze %dma_start3A_570 : memref<1x64xi32, #tpu.memory_space<vmem>> -> memref<64xi32, #tpu.memory_space<vmem>>
      %dma_start3A_572 = arith.constant 0 : i32
      %dma_start3A_573 = arith.constant 0 : i32
      %dma_start3A_574 = tpu.memref_slice %arg3[%dma_start3A_572, %dma_start3A_573] : memref<10112x16xf32, #tpu.memory_space<hbm>> -> memref<10112x16xf32, #tpu.memory_space<hbm>>
      tpu.enqueue_indirect_dma source(%dma_start3A_574 : memref<10112x16xf32, #tpu.memory_space<hbm>>) target(%arg12 : memref<64x16xf32, #tpu.memory_space<vmem>>) offsets(%dma_start3A_571 : memref<64xi32, #tpu.memory_space<vmem>>) semaphore(%arg19 : memref<!tpu.dma_semaphore, #tpu.memory_space<semaphore_mem>>)
      %dma_wait3A_575 = arith.constant 0 : i32
      %dma_wait3A_576 = arith.constant 0 : i32
      %dma_wait3A_577 = tpu.memref_slice %arg7[%dma_wait3A_575, %dma_wait3A_576] : memref<2x64xi32, #tpu.memory_space<vmem>> -> memref<1x64xi32, #tpu.memory_space<vmem>>
      %dma_wait3A_578 = tpu.memref_squeeze %dma_wait3A_577 : memref<1x64xi32, #tpu.memory_space<vmem>> -> memref<64xi32, #tpu.memory_space<vmem>>
      %dma_wait3A_579 = arith.constant 0 : i32
      %dma_wait3A_580 = arith.constant 0 : i32
      %dma_wait3A_581 = tpu.memref_slice %arg2[%dma_wait3A_579, %dma_wait3A_580] : memref<10112x144xf32, #tpu.memory_space<hbm>> -> memref<10112x144xf32, #tpu.memory_space<hbm>>
      tpu.wait_indirect_dma semaphore(%arg18 : memref<!tpu.dma_semaphore, #tpu.memory_space<semaphore_mem>>) src(%dma_wait3A_581 : memref<10112x144xf32, #tpu.memory_space<hbm>>) dst(%arg11 : memref<64x144xf32, #tpu.memory_space<vmem>>)
      %dma_wait3A_582 = arith.constant 1 : i32
      %dma_wait3A_583 = arith.constant 0 : i32
      %dma_wait3A_584 = tpu.memref_slice %arg7[%dma_wait3A_582, %dma_wait3A_583] : memref<2x64xi32, #tpu.memory_space<vmem>> -> memref<1x64xi32, #tpu.memory_space<vmem>>
      %dma_wait3A_585 = tpu.memref_squeeze %dma_wait3A_584 : memref<1x64xi32, #tpu.memory_space<vmem>> -> memref<64xi32, #tpu.memory_space<vmem>>
      %dma_wait3A_586 = arith.constant 0 : i32
      %dma_wait3A_587 = arith.constant 0 : i32
      %dma_wait3A_588 = tpu.memref_slice %arg3[%dma_wait3A_586, %dma_wait3A_587] : memref<10112x16xf32, #tpu.memory_space<hbm>> -> memref<10112x16xf32, #tpu.memory_space<hbm>>
      tpu.wait_indirect_dma semaphore(%arg20 : memref<!tpu.dma_semaphore, #tpu.memory_space<semaphore_mem>>) src(%dma_wait3A_588 : memref<10112x16xf32, #tpu.memory_space<hbm>>) dst(%arg13 : memref<64x16xf32, #tpu.memory_space<vmem>>)
      %get3A_589 = arith.constant 1 : i32
      %get3A_590 = arith.index_cast %get3A_589 : i32 to index
      %get3A_591 = arith.constant 0 : index
      %get3A_592 = tpu.vector_load %arg7[%get3A_590, %get3A_591] {strides = array<i32>} : memref<2x64xi32, #tpu.memory_space<vmem>>, vector<1x16xi32>,
      %get3A_593 = vector.shape_cast %get3A_592 : vector<1x16xi32> to vector<16xi32>
      %swap3A_594 = arith.constant 0 : index
      %swap3A_595 = tpu.vector_load %arg9[%swap3A_594] {strides = array<i32>} : memref<64xi32, #tpu.memory_space<vmem>>, vector<16xi32>,
      %swap3A_596 = vector.shape_cast %swap3A_595 : vector<16xi32> to vector<16xi32>
      %swap3A_597 = vector.shape_cast %get3A_593 : vector<16xi32> to vector<16xi32>
      tpu.vector_store %arg9[%swap3A_594], %swap3A_597 {strides = array<i32>} : memref<64xi32, #tpu.memory_space<vmem>>, vector<16xi32>,
      %get3A_598 = arith.constant 1 : i32
      %get3A_599 = arith.index_cast %get3A_598 : i32 to index
      %get3A_600 = arith.constant 16 : index
      %get3A_601 = tpu.vector_load %arg7[%get3A_599, %get3A_600] {strides = array<i32>} : memref<2x64xi32, #tpu.memory_space<vmem>>, vector<1x16xi32>,
      %get3A_602 = vector.shape_cast %get3A_601 : vector<1x16xi32> to vector<16xi32>
      %swap3A_603 = arith.constant 16 : index
      %swap3A_604 = tpu.vector_load %arg9[%swap3A_603] {strides = array<i32>} : memref<64xi32, #tpu.memory_space<vmem>>, vector<16xi32>,
      %swap3A_605 = vector.shape_cast %swap3A_604 : vector<16xi32> to vector<16xi32>
      %swap3A_606 = vector.shape_cast %get3A_602 : vector<16xi32> to vector<16xi32>
      tpu.vector_store %arg9[%swap3A_603], %swap3A_606 {strides = array<i32>} : memref<64xi32, #tpu.memory_space<vmem>>, vector<16xi32>,
      %get3A_607 = arith.constant 1 : i32
      %get3A_608 = arith.index_cast %get3A_607 : i32 to index
      %get3A_609 = arith.constant 32 : index
      %get3A_610 = tpu.vector_load %arg7[%get3A_608, %get3A_609] {strides = array<i32>} : memref<2x64xi32, #tpu.memory_space<vmem>>, vector<1x16xi32>,
      %get3A_611 = vector.shape_cast %get3A_610 : vector<1x16xi32> to vector<16xi32>
      %swap3A_612 = arith.constant 32 : index
      %swap3A_613 = tpu.vector_load %arg9[%swap3A_612] {strides = array<i32>} : memref<64xi32, #tpu.memory_space<vmem>>, vector<16xi32>,
      %swap3A_614 = vector.shape_cast %swap3A_613 : vector<16xi32> to vector<16xi32>
      %swap3A_615 = vector.shape_cast %get3A_611 : vector<16xi32> to vector<16xi32>
      tpu.vector_store %arg9[%swap3A_612], %swap3A_615 {strides = array<i32>} : memref<64xi32, #tpu.memory_space<vmem>>, vector<16xi32>,
      %get3A_616 = arith.constant 1 : i32
      %get3A_617 = arith.index_cast %get3A_616 : i32 to index
      %get3A_618 = arith.constant 48 : index
      %get3A_619 = tpu.vector_load %arg7[%get3A_617, %get3A_618] {strides = array<i32>} : memref<2x64xi32, #tpu.memory_space<vmem>>, vector<1x16xi32>,
      %get3A_620 = vector.shape_cast %get3A_619 : vector<1x16xi32> to vector<16xi32>
      %swap3A_621 = arith.constant 48 : index
      %swap3A_622 = tpu.vector_load %arg9[%swap3A_621] {strides = array<i32>} : memref<64xi32, #tpu.memory_space<vmem>>, vector<16xi32>,
      %swap3A_623 = vector.shape_cast %swap3A_622 : vector<16xi32> to vector<16xi32>
      %swap3A_624 = vector.shape_cast %get3A_620 : vector<16xi32> to vector<16xi32>
      tpu.vector_store %arg9[%swap3A_621], %swap3A_624 {strides = array<i32>} : memref<64xi32, #tpu.memory_space<vmem>>, vector<16xi32>,
      %add3A_625 = arith.constant 2 : i32
      %add3A_626 = arith.addi %add3A_548, %add3A_625 : i32
      %dma_start3A_627 = arith.constant 0 : i32
      %dma_start3A_628 = arith.constant 0 : i32
      %dma_start3A_629 = tpu.memref_slice %arg4[%add3A, %add3A_626, %dma_start3A_627, %dma_start3A_628] : memref<32x162x2x64xi32, #tpu.memory_space<hbm>> -> memref<1x1x2x64xi32, #tpu.memory_space<hbm>>
      %dma_start3A_630 = tpu.memref_squeeze %dma_start3A_629 : memref<1x1x2x64xi32, #tpu.memory_space<hbm>> -> memref<2x64xi32, #tpu.memory_space<hbm>>
      %dma_start3A_631 = arith.constant 0 : i32
      %dma_start3A_632 = arith.constant 0 : i32
      %dma_start3A_633 = tpu.memref_slice %arg4[%add3A, %add3A_626, %dma_start3A_631, %dma_start3A_632] : memref<32x162x2x64xi32, #tpu.memory_space<hbm>> -> memref<1x1x2x64xi32, #tpu.memory_space<hbm>>
      %dma_start3A_634 = tpu.memref_squeeze %dma_start3A_633 : memref<1x1x2x64xi32, #tpu.memory_space<hbm>> -> memref<2x64xi32, #tpu.memory_space<hbm>>
      tpu.enqueue_dma source(%dma_start3A_634 : memref<2x64xi32, #tpu.memory_space<hbm>>) target(%arg7 : memref<2x64xi32, #tpu.memory_space<vmem>>) target_semaphore(%arg24 : memref<!tpu.dma_semaphore, #tpu.memory_space<semaphore_mem>>)
      %scan3A_635 = arith.constant 0 : i32
      %scan3A_636 = arith.constant 0 : i32
      %scan3A_637 = arith.constant 64 : i32
      %scan3A_638 = arith.addi %scan3A_636, %scan3A_637 : i32
      %scan3A_639 = arith.constant 1 : i32
      scf.for %scan3A_644 = %scan3A_636 to %scan3A_638 step %scan3A_639  : i32 {
        %get3A_645 = arith.index_cast %scan3A_644 : i32 to index
        %get3A_646 = arith.constant 128 : index
        %get3A_647 = tpu.vector_load %arg11[%get3A_645, %get3A_646] {strides = array<i32>} : memref<64x144xf32, #tpu.memory_space<vmem>>, vector<1x16xf32>,
        %get3A_648 = vector.shape_cast %get3A_647 : vector<1x16xf32> to vector<16xf32>
        %get3A_649 = arith.index_cast %scan3A_644 : i32 to index
        %get3A_650 = arith.constant 0 : index
        %get3A_651 = tpu.vector_load %arg13[%get3A_649, %get3A_650] {strides = array<i32>} : memref<64x16xf32, #tpu.memory_space<vmem>>, vector<1x16xf32>,
        %get3A_652 = vector.shape_cast %get3A_651 : vector<1x16xf32> to vector<16xf32>
        %add3A_653 = arith.addf %get3A_648, %get3A_652 : vector<16xf32>
        %ge3A = arith.constant 0.000000e+00 : f32
        %ge3A_654 = vector.broadcast %ge3A : f32 to vector<16xf32>
        %ge3A_655 = arith.cmpf oge, %add3A_653, %ge3A_654 : vector<16xf32>
        %mul3A_656 = arith.constant 2.000000e-01 : f32
        %mul3A_657 = vector.broadcast %mul3A_656 : f32 to vector<16xf32>
        %mul3A_658 = arith.mulf %mul3A_657, %add3A_653 : vector<16xf32>
        %select_n3A = arith.select %ge3A_655, %add3A_653, %mul3A_658 : vector<16xi1>, vector<16xf32>
        %exp3A = math.exp %select_n3A : vector<16xf32>
        %swap3A_659 = arith.index_cast %scan3A_644 : i32 to index
        %swap3A_660 = arith.constant 128 : index
        %swap3A_661 = tpu.vector_load %arg15[%swap3A_659, %swap3A_660] {strides = array<i32>} : memref<64x144xf32, #tpu.memory_space<vmem>>, vector<1x16xf32>,
        %swap3A_662 = vector.shape_cast %swap3A_661 : vector<1x16xf32> to vector<16xf32>
        %swap3A_663 = vector.shape_cast %exp3A : vector<16xf32> to vector<1x16xf32>
        tpu.vector_store %arg15[%swap3A_659, %swap3A_660], %swap3A_663 {strides = array<i32>} : memref<64x144xf32, #tpu.memory_space<vmem>>, vector<1x16xf32>,
        %slice3A = vector.extract_strided_slice %exp3A {offsets = [0], sizes = [1], strides = [1]} : vector<16xf32> to vector<1xf32>
        %squeeze3A = vector.extract %slice3A[0] : f32 from vector<1xf32>
        %get3A_664 = arith.index_cast %scan3A_644 : i32 to index
        %get3A_665 = arith.constant 0 : index
        %get3A_666 = tpu.vector_load %arg11[%get3A_664, %get3A_665] {strides = array<i32>} : memref<64x144xf32, #tpu.memory_space<vmem>>, vector<1x16xf32>,
        %get3A_667 = vector.shape_cast %get3A_666 : vector<1x16xf32> to vector<16xf32>
        %mul3A_668 = vector.broadcast %squeeze3A : f32 to vector<16xf32>
        %mul3A_669 = arith.mulf %mul3A_668, %get3A_667 : vector<16xf32>
        %swap3A_670 = arith.index_cast %scan3A_644 : i32 to index
        %swap3A_671 = arith.constant 0 : index
        %swap3A_672 = tpu.vector_load %arg15[%swap3A_670, %swap3A_671] {strides = array<i32>} : memref<64x144xf32, #tpu.memory_space<vmem>>, vector<1x16xf32>,
        %swap3A_673 = vector.shape_cast %swap3A_672 : vector<1x16xf32> to vector<16xf32>
        %swap3A_674 = vector.shape_cast %mul3A_669 : vector<16xf32> to vector<1x16xf32>
        tpu.vector_store %arg15[%swap3A_670, %swap3A_671], %swap3A_674 {strides = array<i32>} : memref<64x144xf32, #tpu.memory_space<vmem>>, vector<1x16xf32>,
        %slice3A_675 = vector.extract_strided_slice %exp3A {offsets = [1], sizes = [1], strides = [1]} : vector<16xf32> to vector<1xf32>
        %squeeze3A_676 = vector.extract %slice3A_675[0] : f32 from vector<1xf32>
        %get3A_677 = arith.index_cast %scan3A_644 : i32 to index
        %get3A_678 = arith.constant 16 : index
        %get3A_679 = tpu.vector_load %arg11[%get3A_677, %get3A_678] {strides = array<i32>} : memref<64x144xf32, #tpu.memory_space<vmem>>, vector<1x16xf32>,
        %get3A_680 = vector.shape_cast %get3A_679 : vector<1x16xf32> to vector<16xf32>
        %mul3A_681 = vector.broadcast %squeeze3A_676 : f32 to vector<16xf32>
        %mul3A_682 = arith.mulf %mul3A_681, %get3A_680 : vector<16xf32>
        %swap3A_683 = arith.index_cast %scan3A_644 : i32 to index
        %swap3A_684 = arith.constant 16 : index
        %swap3A_685 = tpu.vector_load %arg15[%swap3A_683, %swap3A_684] {strides = array<i32>} : memref<64x144xf32, #tpu.memory_space<vmem>>, vector<1x16xf32>,
        %swap3A_686 = vector.shape_cast %swap3A_685 : vector<1x16xf32> to vector<16xf32>
        %swap3A_687 = vector.shape_cast %mul3A_682 : vector<16xf32> to vector<1x16xf32>
        tpu.vector_store %arg15[%swap3A_683, %swap3A_684], %swap3A_687 {strides = array<i32>} : memref<64x144xf32, #tpu.memory_space<vmem>>, vector<1x16xf32>,
        %slice3A_688 = vector.extract_strided_slice %exp3A {offsets = [2], sizes = [1], strides = [1]} : vector<16xf32> to vector<1xf32>
        %squeeze3A_689 = vector.extract %slice3A_688[0] : f32 from vector<1xf32>
        %get3A_690 = arith.index_cast %scan3A_644 : i32 to index
        %get3A_691 = arith.constant 32 : index
        %get3A_692 = tpu.vector_load %arg11[%get3A_690, %get3A_691] {strides = array<i32>} : memref<64x144xf32, #tpu.memory_space<vmem>>, vector<1x16xf32>,
        %get3A_693 = vector.shape_cast %get3A_692 : vector<1x16xf32> to vector<16xf32>
        %mul3A_694 = vector.broadcast %squeeze3A_689 : f32 to vector<16xf32>
        %mul3A_695 = arith.mulf %mul3A_694, %get3A_693 : vector<16xf32>
        %swap3A_696 = arith.index_cast %scan3A_644 : i32 to index
        %swap3A_697 = arith.constant 32 : index
        %swap3A_698 = tpu.vector_load %arg15[%swap3A_696, %swap3A_697] {strides = array<i32>} : memref<64x144xf32, #tpu.memory_space<vmem>>, vector<1x16xf32>,
        %swap3A_699 = vector.shape_cast %swap3A_698 : vector<1x16xf32> to vector<16xf32>
        %swap3A_700 = vector.shape_cast %mul3A_695 : vector<16xf32> to vector<1x16xf32>
        tpu.vector_store %arg15[%swap3A_696, %swap3A_697], %swap3A_700 {strides = array<i32>} : memref<64x144xf32, #tpu.memory_space<vmem>>, vector<1x16xf32>,
        %slice3A_701 = vector.extract_strided_slice %exp3A {offsets = [3], sizes = [1], strides = [1]} : vector<16xf32> to vector<1xf32>
        %squeeze3A_702 = vector.extract %slice3A_701[0] : f32 from vector<1xf32>
        %get3A_703 = arith.index_cast %scan3A_644 : i32 to index
        %get3A_704 = arith.constant 48 : index
        %get3A_705 = tpu.vector_load %arg11[%get3A_703, %get3A_704] {strides = array<i32>} : memref<64x144xf32, #tpu.memory_space<vmem>>, vector<1x16xf32>,
        %get3A_706 = vector.shape_cast %get3A_705 : vector<1x16xf32> to vector<16xf32>
        %mul3A_707 = vector.broadcast %squeeze3A_702 : f32 to vector<16xf32>
        %mul3A_708 = arith.mulf %mul3A_707, %get3A_706 : vector<16xf32>
        %swap3A_709 = arith.index_cast %scan3A_644 : i32 to index
        %swap3A_710 = arith.constant 48 : index
        %swap3A_711 = tpu.vector_load %arg15[%swap3A_709, %swap3A_710] {strides = array<i32>} : memref<64x144xf32, #tpu.memory_space<vmem>>, vector<1x16xf32>,
        %swap3A_712 = vector.shape_cast %swap3A_711 : vector<1x16xf32> to vector<16xf32>
        %swap3A_713 = vector.shape_cast %mul3A_708 : vector<16xf32> to vector<1x16xf32>
        tpu.vector_store %arg15[%swap3A_709, %swap3A_710], %swap3A_713 {strides = array<i32>} : memref<64x144xf32, #tpu.memory_space<vmem>>, vector<1x16xf32>,
        %slice3A_714 = vector.extract_strided_slice %exp3A {offsets = [4], sizes = [1], strides = [1]} : vector<16xf32> to vector<1xf32>
        %squeeze3A_715 = vector.extract %slice3A_714[0] : f32 from vector<1xf32>
        %get3A_716 = arith.index_cast %scan3A_644 : i32 to index
        %get3A_717 = arith.constant 64 : index
        %get3A_718 = tpu.vector_load %arg11[%get3A_716, %get3A_717] {strides = array<i32>} : memref<64x144xf32, #tpu.memory_space<vmem>>, vector<1x16xf32>,
        %get3A_719 = vector.shape_cast %get3A_718 : vector<1x16xf32> to vector<16xf32>
        %mul3A_720 = vector.broadcast %squeeze3A_715 : f32 to vector<16xf32>
        %mul3A_721 = arith.mulf %mul3A_720, %get3A_719 : vector<16xf32>
        %swap3A_722 = arith.index_cast %scan3A_644 : i32 to index
        %swap3A_723 = arith.constant 64 : index
        %swap3A_724 = tpu.vector_load %arg15[%swap3A_722, %swap3A_723] {strides = array<i32>} : memref<64x144xf32, #tpu.memory_space<vmem>>, vector<1x16xf32>,
        %swap3A_725 = vector.shape_cast %swap3A_724 : vector<1x16xf32> to vector<16xf32>
        %swap3A_726 = vector.shape_cast %mul3A_721 : vector<16xf32> to vector<1x16xf32>
        tpu.vector_store %arg15[%swap3A_722, %swap3A_723], %swap3A_726 {strides = array<i32>} : memref<64x144xf32, #tpu.memory_space<vmem>>, vector<1x16xf32>,
        %slice3A_727 = vector.extract_strided_slice %exp3A {offsets = [5], sizes = [1], strides = [1]} : vector<16xf32> to vector<1xf32>
        %squeeze3A_728 = vector.extract %slice3A_727[0] : f32 from vector<1xf32>
        %get3A_729 = arith.index_cast %scan3A_644 : i32 to index
        %get3A_730 = arith.constant 80 : index
        %get3A_731 = tpu.vector_load %arg11[%get3A_729, %get3A_730] {strides = array<i32>} : memref<64x144xf32, #tpu.memory_space<vmem>>, vector<1x16xf32>,
        %get3A_732 = vector.shape_cast %get3A_731 : vector<1x16xf32> to vector<16xf32>
        %mul3A_733 = vector.broadcast %squeeze3A_728 : f32 to vector<16xf32>
        %mul3A_734 = arith.mulf %mul3A_733, %get3A_732 : vector<16xf32>
        %swap3A_735 = arith.index_cast %scan3A_644 : i32 to index
        %swap3A_736 = arith.constant 80 : index
        %swap3A_737 = tpu.vector_load %arg15[%swap3A_735, %swap3A_736] {strides = array<i32>} : memref<64x144xf32, #tpu.memory_space<vmem>>, vector<1x16xf32>,
        %swap3A_738 = vector.shape_cast %swap3A_737 : vector<1x16xf32> to vector<16xf32>
        %swap3A_739 = vector.shape_cast %mul3A_734 : vector<16xf32> to vector<1x16xf32>
        tpu.vector_store %arg15[%swap3A_735, %swap3A_736], %swap3A_739 {strides = array<i32>} : memref<64x144xf32, #tpu.memory_space<vmem>>, vector<1x16xf32>,
        %slice3A_740 = vector.extract_strided_slice %exp3A {offsets = [6], sizes = [1], strides = [1]} : vector<16xf32> to vector<1xf32>
        %squeeze3A_741 = vector.extract %slice3A_740[0] : f32 from vector<1xf32>
        %get3A_742 = arith.index_cast %scan3A_644 : i32 to index
        %get3A_743 = arith.constant 96 : index
        %get3A_744 = tpu.vector_load %arg11[%get3A_742, %get3A_743] {strides = array<i32>} : memref<64x144xf32, #tpu.memory_space<vmem>>, vector<1x16xf32>,
        %get3A_745 = vector.shape_cast %get3A_744 : vector<1x16xf32> to vector<16xf32>
        %mul3A_746 = vector.broadcast %squeeze3A_741 : f32 to vector<16xf32>
        %mul3A_747 = arith.mulf %mul3A_746, %get3A_745 : vector<16xf32>
        %swap3A_748 = arith.index_cast %scan3A_644 : i32 to index
        %swap3A_749 = arith.constant 96 : index
        %swap3A_750 = tpu.vector_load %arg15[%swap3A_748, %swap3A_749] {strides = array<i32>} : memref<64x144xf32, #tpu.memory_space<vmem>>, vector<1x16xf32>,
        %swap3A_751 = vector.shape_cast %swap3A_750 : vector<1x16xf32> to vector<16xf32>
        %swap3A_752 = vector.shape_cast %mul3A_747 : vector<16xf32> to vector<1x16xf32>
        tpu.vector_store %arg15[%swap3A_748, %swap3A_749], %swap3A_752 {strides = array<i32>} : memref<64x144xf32, #tpu.memory_space<vmem>>, vector<1x16xf32>,
        %slice3A_753 = vector.extract_strided_slice %exp3A {offsets = [7], sizes = [1], strides = [1]} : vector<16xf32> to vector<1xf32>
        %squeeze3A_754 = vector.extract %slice3A_753[0] : f32 from vector<1xf32>
        %get3A_755 = arith.index_cast %scan3A_644 : i32 to index
        %get3A_756 = arith.constant 112 : index
        %get3A_757 = tpu.vector_load %arg11[%get3A_755, %get3A_756] {strides = array<i32>} : memref<64x144xf32, #tpu.memory_space<vmem>>, vector<1x16xf32>,
        %get3A_758 = vector.shape_cast %get3A_757 : vector<1x16xf32> to vector<16xf32>
        %mul3A_759 = vector.broadcast %squeeze3A_754 : f32 to vector<16xf32>
        %mul3A_760 = arith.mulf %mul3A_759, %get3A_758 : vector<16xf32>
        %swap3A_761 = arith.index_cast %scan3A_644 : i32 to index
        %swap3A_762 = arith.constant 112 : index
        %swap3A_763 = tpu.vector_load %arg15[%swap3A_761, %swap3A_762] {strides = array<i32>} : memref<64x144xf32, #tpu.memory_space<vmem>>, vector<1x16xf32>,
        %swap3A_764 = vector.shape_cast %swap3A_763 : vector<1x16xf32> to vector<16xf32>
        %swap3A_765 = vector.shape_cast %mul3A_760 : vector<16xf32> to vector<1x16xf32>
        tpu.vector_store %arg15[%swap3A_761, %swap3A_762], %swap3A_765 {strides = array<i32>} : memref<64x144xf32, #tpu.memory_space<vmem>>, vector<1x16xf32>,
      }
      %scan3A_640 = arith.constant 64 : i32
      %dma_start3A_641 = arith.constant 0 : i32
      %dma_start3A_642 = arith.constant 0 : i32
      %dma_start3A_643 = tpu.memref_slice %arg16[%dma_start3A_641, %dma_start3A_642] : memref<10112x144xf32, #tpu.memory_space<vmem_shared>> -> memref<10112x144xf32, #tpu.memory_space<vmem_shared>>
      tpu.enqueue_indirect_dma source(%arg15 : memref<64x144xf32, #tpu.memory_space<vmem>>) target(%dma_start3A_643 : memref<10112x144xf32, #tpu.memory_space<vmem_shared>>) offsets(%arg9 : memref<64xi32, #tpu.memory_space<vmem>>) semaphore(%arg22 : memref<!tpu.dma_semaphore, #tpu.memory_space<semaphore_mem>>) {add = true}
    }
    %scan3A_252 = arith.constant 79 : i32
    %dma_wait3A_253 = arith.constant 0 : i32
    %dma_wait3A_254 = arith.constant 0 : i32
    %dma_wait3A_255 = tpu.memref_slice %arg16[%dma_wait3A_253, %dma_wait3A_254] : memref<10112x144xf32, #tpu.memory_space<vmem_shared>> -> memref<10112x144xf32, #tpu.memory_space<vmem_shared>>
    tpu.wait_indirect_dma semaphore(%arg21 : memref<!tpu.dma_semaphore, #tpu.memory_space<semaphore_mem>>) src(%arg14 : memref<64x144xf32, #tpu.memory_space<vmem>>) dst(%dma_wait3A_255 : memref<10112x144xf32, #tpu.memory_space<vmem_shared>>)
    %dma_wait3A_256 = arith.constant 0 : i32
    %dma_wait3A_257 = arith.constant 0 : i32
    %dma_wait3A_258 = arith.constant 0 : i32
    %dma_wait3A_259 = tpu.memref_slice %arg4[%add3A, %dma_wait3A_256, %dma_wait3A_257, %dma_wait3A_258] : memref<32x162x2x64xi32, #tpu.memory_space<hbm>> -> memref<1x1x2x64xi32, #tpu.memory_space<hbm>>
    %dma_wait3A_260 = tpu.memref_squeeze %dma_wait3A_259 : memref<1x1x2x64xi32, #tpu.memory_space<hbm>> -> memref<2x64xi32, #tpu.memory_space<hbm>>
    %dma_wait3A_261 = arith.constant 0 : i32
    %dma_wait3A_262 = arith.constant 0 : i32
    %dma_wait3A_263 = tpu.memref_slice %arg4[%add3A, %dma_wait3A_256, %dma_wait3A_261, %dma_wait3A_262] : memref<32x162x2x64xi32, #tpu.memory_space<hbm>> -> memref<1x1x2x64xi32, #tpu.memory_space<hbm>>
    %dma_wait3A_264 = tpu.memref_squeeze %dma_wait3A_263 : memref<1x1x2x64xi32, #tpu.memory_space<hbm>> -> memref<2x64xi32, #tpu.memory_space<hbm>>
    tpu.wait_dma2 semaphore(%arg24 : memref<!tpu.dma_semaphore, #tpu.memory_space<semaphore_mem>>) src(%dma_wait3A_264 : memref<2x64xi32, #tpu.memory_space<hbm>>) dst(%arg7 : memref<2x64xi32, #tpu.memory_space<vmem>>)
    %dma_start3A_265 = arith.constant 0 : i32
    %dma_start3A_266 = arith.constant 0 : i32
    %dma_start3A_267 = tpu.memref_slice %arg7[%dma_start3A_265, %dma_start3A_266] : memref<2x64xi32, #tpu.memory_space<vmem>> -> memref<1x64xi32, #tpu.memory_space<vmem>>
    %dma_start3A_268 = tpu.memref_squeeze %dma_start3A_267 : memref<1x64xi32, #tpu.memory_space<vmem>> -> memref<64xi32, #tpu.memory_space<vmem>>
    %dma_start3A_269 = arith.constant 0 : i32
    %dma_start3A_270 = arith.constant 0 : i32
    %dma_start3A_271 = tpu.memref_slice %arg2[%dma_start3A_269, %dma_start3A_270] : memref<10112x144xf32, #tpu.memory_space<hbm>> -> memref<10112x144xf32, #tpu.memory_space<hbm>>
    tpu.enqueue_indirect_dma source(%dma_start3A_271 : memref<10112x144xf32, #tpu.memory_space<hbm>>) target(%arg11 : memref<64x144xf32, #tpu.memory_space<vmem>>) offsets(%dma_start3A_268 : memref<64xi32, #tpu.memory_space<vmem>>) semaphore(%arg18 : memref<!tpu.dma_semaphore, #tpu.memory_space<semaphore_mem>>)
    %dma_start3A_272 = arith.constant 1 : i32
    %dma_start3A_273 = arith.constant 0 : i32
    %dma_start3A_274 = tpu.memref_slice %arg7[%dma_start3A_272, %dma_start3A_273] : memref<2x64xi32, #tpu.memory_space<vmem>> -> memref<1x64xi32, #tpu.memory_space<vmem>>
    %dma_start3A_275 = tpu.memref_squeeze %dma_start3A_274 : memref<1x64xi32, #tpu.memory_space<vmem>> -> memref<64xi32, #tpu.memory_space<vmem>>
    %dma_start3A_276 = arith.constant 0 : i32
    %dma_start3A_277 = arith.constant 0 : i32
    %dma_start3A_278 = tpu.memref_slice %arg3[%dma_start3A_276, %dma_start3A_277] : memref<10112x16xf32, #tpu.memory_space<hbm>> -> memref<10112x16xf32, #tpu.memory_space<hbm>>
    tpu.enqueue_indirect_dma source(%dma_start3A_278 : memref<10112x16xf32, #tpu.memory_space<hbm>>) target(%arg13 : memref<64x16xf32, #tpu.memory_space<vmem>>) offsets(%dma_start3A_275 : memref<64xi32, #tpu.memory_space<vmem>>) semaphore(%arg20 : memref<!tpu.dma_semaphore, #tpu.memory_space<semaphore_mem>>)
    %dma_wait3A_279 = arith.constant 0 : i32
    %dma_wait3A_280 = arith.constant 0 : i32
    %dma_wait3A_281 = tpu.memref_slice %arg6[%dma_wait3A_279, %dma_wait3A_280] : memref<2x64xi32, #tpu.memory_space<vmem>> -> memref<1x64xi32, #tpu.memory_space<vmem>>
    %dma_wait3A_282 = tpu.memref_squeeze %dma_wait3A_281 : memref<1x64xi32, #tpu.memory_space<vmem>> -> memref<64xi32, #tpu.memory_space<vmem>>
    %dma_wait3A_283 = arith.constant 0 : i32
    %dma_wait3A_284 = arith.constant 0 : i32
    %dma_wait3A_285 = tpu.memref_slice %arg2[%dma_wait3A_283, %dma_wait3A_284] : memref<10112x144xf32, #tpu.memory_space<hbm>> -> memref<10112x144xf32, #tpu.memory_space<hbm>>
    tpu.wait_indirect_dma semaphore(%arg17 : memref<!tpu.dma_semaphore, #tpu.memory_space<semaphore_mem>>) src(%dma_wait3A_285 : memref<10112x144xf32, #tpu.memory_space<hbm>>) dst(%arg10 : memref<64x144xf32, #tpu.memory_space<vmem>>)
    %dma_wait3A_286 = arith.constant 1 : i32
    %dma_wait3A_287 = arith.constant 0 : i32
    %dma_wait3A_288 = tpu.memref_slice %arg6[%dma_wait3A_286, %dma_wait3A_287] : memref<2x64xi32, #tpu.memory_space<vmem>> -> memref<1x64xi32, #tpu.memory_space<vmem>>
    %dma_wait3A_289 = tpu.memref_squeeze %dma_wait3A_288 : memref<1x64xi32, #tpu.memory_space<vmem>> -> memref<64xi32, #tpu.memory_space<vmem>>
    %dma_wait3A_290 = arith.constant 0 : i32
    %dma_wait3A_291 = arith.constant 0 : i32
    %dma_wait3A_292 = tpu.memref_slice %arg3[%dma_wait3A_290, %dma_wait3A_291] : memref<10112x16xf32, #tpu.memory_space<hbm>> -> memref<10112x16xf32, #tpu.memory_space<hbm>>
    tpu.wait_indirect_dma semaphore(%arg19 : memref<!tpu.dma_semaphore, #tpu.memory_space<semaphore_mem>>) src(%dma_wait3A_292 : memref<10112x16xf32, #tpu.memory_space<hbm>>) dst(%arg12 : memref<64x16xf32, #tpu.memory_space<vmem>>)
    %get3A_293 = arith.constant 1 : i32
    %get3A_294 = arith.index_cast %get3A_293 : i32 to index
    %get3A_295 = arith.constant 0 : index
    %get3A_296 = tpu.vector_load %arg6[%get3A_294, %get3A_295] {strides = array<i32>} : memref<2x64xi32, #tpu.memory_space<vmem>>, vector<1x16xi32>,
    %get3A_297 = vector.shape_cast %get3A_296 : vector<1x16xi32> to vector<16xi32>
    %swap3A_298 = arith.constant 0 : index
    %swap3A_299 = tpu.vector_load %arg8[%swap3A_298] {strides = array<i32>} : memref<64xi32, #tpu.memory_space<vmem>>, vector<16xi32>,
    %swap3A_300 = vector.shape_cast %swap3A_299 : vector<16xi32> to vector<16xi32>
    %swap3A_301 = vector.shape_cast %get3A_297 : vector<16xi32> to vector<16xi32>
    tpu.vector_store %arg8[%swap3A_298], %swap3A_301 {strides = array<i32>} : memref<64xi32, #tpu.memory_space<vmem>>, vector<16xi32>,
    %get3A_302 = arith.constant 1 : i32
    %get3A_303 = arith.index_cast %get3A_302 : i32 to index
    %get3A_304 = arith.constant 16 : index
    %get3A_305 = tpu.vector_load %arg6[%get3A_303, %get3A_304] {strides = array<i32>} : memref<2x64xi32, #tpu.memory_space<vmem>>, vector<1x16xi32>,
    %get3A_306 = vector.shape_cast %get3A_305 : vector<1x16xi32> to vector<16xi32>
    %swap3A_307 = arith.constant 16 : index
    %swap3A_308 = tpu.vector_load %arg8[%swap3A_307] {strides = array<i32>} : memref<64xi32, #tpu.memory_space<vmem>>, vector<16xi32>,
    %swap3A_309 = vector.shape_cast %swap3A_308 : vector<16xi32> to vector<16xi32>
    %swap3A_310 = vector.shape_cast %get3A_306 : vector<16xi32> to vector<16xi32>
    tpu.vector_store %arg8[%swap3A_307], %swap3A_310 {strides = array<i32>} : memref<64xi32, #tpu.memory_space<vmem>>, vector<16xi32>,
    %get3A_311 = arith.constant 1 : i32
    %get3A_312 = arith.index_cast %get3A_311 : i32 to index
    %get3A_313 = arith.constant 32 : index
    %get3A_314 = tpu.vector_load %arg6[%get3A_312, %get3A_313] {strides = array<i32>} : memref<2x64xi32, #tpu.memory_space<vmem>>, vector<1x16xi32>,
    %get3A_315 = vector.shape_cast %get3A_314 : vector<1x16xi32> to vector<16xi32>
    %swap3A_316 = arith.constant 32 : index
    %swap3A_317 = tpu.vector_load %arg8[%swap3A_316] {strides = array<i32>} : memref<64xi32, #tpu.memory_space<vmem>>, vector<16xi32>,
    %swap3A_318 = vector.shape_cast %swap3A_317 : vector<16xi32> to vector<16xi32>
    %swap3A_319 = vector.shape_cast %get3A_315 : vector<16xi32> to vector<16xi32>
    tpu.vector_store %arg8[%swap3A_316], %swap3A_319 {strides = array<i32>} : memref<64xi32, #tpu.memory_space<vmem>>, vector<16xi32>,
    %get3A_320 = arith.constant 1 : i32
    %get3A_321 = arith.index_cast %get3A_320 : i32 to index
    %get3A_322 = arith.constant 48 : index
    %get3A_323 = tpu.vector_load %arg6[%get3A_321, %get3A_322] {strides = array<i32>} : memref<2x64xi32, #tpu.memory_space<vmem>>, vector<1x16xi32>,
    %get3A_324 = vector.shape_cast %get3A_323 : vector<1x16xi32> to vector<16xi32>
    %swap3A_325 = arith.constant 48 : index
    %swap3A_326 = tpu.vector_load %arg8[%swap3A_325] {strides = array<i32>} : memref<64xi32, #tpu.memory_space<vmem>>, vector<16xi32>,
    %swap3A_327 = vector.shape_cast %swap3A_326 : vector<16xi32> to vector<16xi32>
    %swap3A_328 = vector.shape_cast %get3A_324 : vector<16xi32> to vector<16xi32>
    tpu.vector_store %arg8[%swap3A_325], %swap3A_328 {strides = array<i32>} : memref<64xi32, #tpu.memory_space<vmem>>, vector<16xi32>,
    %scan3A_329 = arith.constant 0 : i32
    %scan3A_330 = arith.constant 0 : i32
    %scan3A_331 = arith.constant 64 : i32
    %scan3A_332 = arith.addi %scan3A_330, %scan3A_331 : i32
    %scan3A_333 = arith.constant 1 : i32
    scf.for %scan3A_447 = %scan3A_330 to %scan3A_332 step %scan3A_333  : i32 {
      %get3A_448 = arith.index_cast %scan3A_447 : i32 to index
      %get3A_449 = arith.constant 128 : index
      %get3A_450 = tpu.vector_load %arg10[%get3A_448, %get3A_449] {strides = array<i32>} : memref<64x144xf32, #tpu.memory_space<vmem>>, vector<1x16xf32>,
      %get3A_451 = vector.shape_cast %get3A_450 : vector<1x16xf32> to vector<16xf32>
      %get3A_452 = arith.index_cast %scan3A_447 : i32 to index
      %get3A_453 = arith.constant 0 : index
      %get3A_454 = tpu.vector_load %arg12[%get3A_452, %get3A_453] {strides = array<i32>} : memref<64x16xf32, #tpu.memory_space<vmem>>, vector<1x16xf32>,
      %get3A_455 = vector.shape_cast %get3A_454 : vector<1x16xf32> to vector<16xf32>
      %add3A_456 = arith.addf %get3A_451, %get3A_455 : vector<16xf32>
      %ge3A = arith.constant 0.000000e+00 : f32
      %ge3A_457 = vector.broadcast %ge3A : f32 to vector<16xf32>
      %ge3A_458 = arith.cmpf oge, %add3A_456, %ge3A_457 : vector<16xf32>
      %mul3A_459 = arith.constant 2.000000e-01 : f32
      %mul3A_460 = vector.broadcast %mul3A_459 : f32 to vector<16xf32>
      %mul3A_461 = arith.mulf %mul3A_460, %add3A_456 : vector<16xf32>
      %select_n3A = arith.select %ge3A_458, %add3A_456, %mul3A_461 : vector<16xi1>, vector<16xf32>
      %exp3A = math.exp %select_n3A : vector<16xf32>
      %swap3A_462 = arith.index_cast %scan3A_447 : i32 to index
      %swap3A_463 = arith.constant 128 : index
      %swap3A_464 = tpu.vector_load %arg14[%swap3A_462, %swap3A_463] {strides = array<i32>} : memref<64x144xf32, #tpu.memory_space<vmem>>, vector<1x16xf32>,
      %swap3A_465 = vector.shape_cast %swap3A_464 : vector<1x16xf32> to vector<16xf32>
      %swap3A_466 = vector.shape_cast %exp3A : vector<16xf32> to vector<1x16xf32>
      tpu.vector_store %arg14[%swap3A_462, %swap3A_463], %swap3A_466 {strides = array<i32>} : memref<64x144xf32, #tpu.memory_space<vmem>>, vector<1x16xf32>,
      %slice3A = vector.extract_strided_slice %exp3A {offsets = [0], sizes = [1], strides = [1]} : vector<16xf32> to vector<1xf32>
      %squeeze3A = vector.extract %slice3A[0] : f32 from vector<1xf32>
      %get3A_467 = arith.index_cast %scan3A_447 : i32 to index
      %get3A_468 = arith.constant 0 : index
      %get3A_469 = tpu.vector_load %arg10[%get3A_467, %get3A_468] {strides = array<i32>} : memref<64x144xf32, #tpu.memory_space<vmem>>, vector<1x16xf32>,
      %get3A_470 = vector.shape_cast %get3A_469 : vector<1x16xf32> to vector<16xf32>
      %mul3A_471 = vector.broadcast %squeeze3A : f32 to vector<16xf32>
      %mul3A_472 = arith.mulf %mul3A_471, %get3A_470 : vector<16xf32>
      %swap3A_473 = arith.index_cast %scan3A_447 : i32 to index
      %swap3A_474 = arith.constant 0 : index
      %swap3A_475 = tpu.vector_load %arg14[%swap3A_473, %swap3A_474] {strides = array<i32>} : memref<64x144xf32, #tpu.memory_space<vmem>>, vector<1x16xf32>,
      %swap3A_476 = vector.shape_cast %swap3A_475 : vector<1x16xf32> to vector<16xf32>
      %swap3A_477 = vector.shape_cast %mul3A_472 : vector<16xf32> to vector<1x16xf32>
      tpu.vector_store %arg14[%swap3A_473, %swap3A_474], %swap3A_477 {strides = array<i32>} : memref<64x144xf32, #tpu.memory_space<vmem>>, vector<1x16xf32>,
      %slice3A_478 = vector.extract_strided_slice %exp3A {offsets = [1], sizes = [1], strides = [1]} : vector<16xf32> to vector<1xf32>
      %squeeze3A_479 = vector.extract %slice3A_478[0] : f32 from vector<1xf32>
      %get3A_480 = arith.index_cast %scan3A_447 : i32 to index
      %get3A_481 = arith.constant 16 : index
      %get3A_482 = tpu.vector_load %arg10[%get3A_480, %get3A_481] {strides = array<i32>} : memref<64x144xf32, #tpu.memory_space<vmem>>, vector<1x16xf32>,
      %get3A_483 = vector.shape_cast %get3A_482 : vector<1x16xf32> to vector<16xf32>
      %mul3A_484 = vector.broadcast %squeeze3A_479 : f32 to vector<16xf32>
      %mul3A_485 = arith.mulf %mul3A_484, %get3A_483 : vector<16xf32>
      %swap3A_486 = arith.index_cast %scan3A_447 : i32 to index
      %swap3A_487 = arith.constant 16 : index
      %swap3A_488 = tpu.vector_load %arg14[%swap3A_486, %swap3A_487] {strides = array<i32>} : memref<64x144xf32, #tpu.memory_space<vmem>>, vector<1x16xf32>,
      %swap3A_489 = vector.shape_cast %swap3A_488 : vector<1x16xf32> to vector<16xf32>
      %swap3A_490 = vector.shape_cast %mul3A_485 : vector<16xf32> to vector<1x16xf32>
      tpu.vector_store %arg14[%swap3A_486, %swap3A_487], %swap3A_490 {strides = array<i32>} : memref<64x144xf32, #tpu.memory_space<vmem>>, vector<1x16xf32>,
      %slice3A_491 = vector.extract_strided_slice %exp3A {offsets = [2], sizes = [1], strides = [1]} : vector<16xf32> to vector<1xf32>
      %squeeze3A_492 = vector.extract %slice3A_491[0] : f32 from vector<1xf32>
      %get3A_493 = arith.index_cast %scan3A_447 : i32 to index
      %get3A_494 = arith.constant 32 : index
      %get3A_495 = tpu.vector_load %arg10[%get3A_493, %get3A_494] {strides = array<i32>} : memref<64x144xf32, #tpu.memory_space<vmem>>, vector<1x16xf32>,
      %get3A_496 = vector.shape_cast %get3A_495 : vector<1x16xf32> to vector<16xf32>
      %mul3A_497 = vector.broadcast %squeeze3A_492 : f32 to vector<16xf32>
      %mul3A_498 = arith.mulf %mul3A_497, %get3A_496 : vector<16xf32>
      %swap3A_499 = arith.index_cast %scan3A_447 : i32 to index
      %swap3A_500 = arith.constant 32 : index
      %swap3A_501 = tpu.vector_load %arg14[%swap3A_499, %swap3A_500] {strides = array<i32>} : memref<64x144xf32, #tpu.memory_space<vmem>>, vector<1x16xf32>,
      %swap3A_502 = vector.shape_cast %swap3A_501 : vector<1x16xf32> to vector<16xf32>
      %swap3A_503 = vector.shape_cast %mul3A_498 : vector<16xf32> to vector<1x16xf32>
      tpu.vector_store %arg14[%swap3A_499, %swap3A_500], %swap3A_503 {strides = array<i32>} : memref<64x144xf32, #tpu.memory_space<vmem>>, vector<1x16xf32>,
      %slice3A_504 = vector.extract_strided_slice %exp3A {offsets = [3], sizes = [1], strides = [1]} : vector<16xf32> to vector<1xf32>
      %squeeze3A_505 = vector.extract %slice3A_504[0] : f32 from vector<1xf32>
      %get3A_506 = arith.index_cast %scan3A_447 : i32 to index
      %get3A_507 = arith.constant 48 : index
      %get3A_508 = tpu.vector_load %arg10[%get3A_506, %get3A_507] {strides = array<i32>} : memref<64x144xf32, #tpu.memory_space<vmem>>, vector<1x16xf32>,
      %get3A_509 = vector.shape_cast %get3A_508 : vector<1x16xf32> to vector<16xf32>
      %mul3A_510 = vector.broadcast %squeeze3A_505 : f32 to vector<16xf32>
      %mul3A_511 = arith.mulf %mul3A_510, %get3A_509 : vector<16xf32>
      %swap3A_512 = arith.index_cast %scan3A_447 : i32 to index
      %swap3A_513 = arith.constant 48 : index
      %swap3A_514 = tpu.vector_load %arg14[%swap3A_512, %swap3A_513] {strides = array<i32>} : memref<64x144xf32, #tpu.memory_space<vmem>>, vector<1x16xf32>,
      %swap3A_515 = vector.shape_cast %swap3A_514 : vector<1x16xf32> to vector<16xf32>
      %swap3A_516 = vector.shape_cast %mul3A_511 : vector<16xf32> to vector<1x16xf32>
      tpu.vector_store %arg14[%swap3A_512, %swap3A_513], %swap3A_516 {strides = array<i32>} : memref<64x144xf32, #tpu.memory_space<vmem>>, vector<1x16xf32>,
      %slice3A_517 = vector.extract_strided_slice %exp3A {offsets = [4], sizes = [1], strides = [1]} : vector<16xf32> to vector<1xf32>
      %squeeze3A_518 = vector.extract %slice3A_517[0] : f32 from vector<1xf32>
      %get3A_519 = arith.index_cast %scan3A_447 : i32 to index
      %get3A_520 = arith.constant 64 : index
      %get3A_521 = tpu.vector_load %arg10[%get3A_519, %get3A_520] {strides = array<i32>} : memref<64x144xf32, #tpu.memory_space<vmem>>, vector<1x16xf32>,
      %get3A_522 = vector.shape_cast %get3A_521 : vector<1x16xf32> to vector<16xf32>
      %mul3A_523 = vector.broadcast %squeeze3A_518 : f32 to vector<16xf32>
      %mul3A_524 = arith.mulf %mul3A_523, %get3A_522 : vector<16xf32>
      %swap3A_525 = arith.index_cast %scan3A_447 : i32 to index
      %swap3A_526 = arith.constant 64 : index
      %swap3A_527 = tpu.vector_load %arg14[%swap3A_525, %swap3A_526] {strides = array<i32>} : memref<64x144xf32, #tpu.memory_space<vmem>>, vector<1x16xf32>,
      %swap3A_528 = vector.shape_cast %swap3A_527 : vector<1x16xf32> to vector<16xf32>
      %swap3A_529 = vector.shape_cast %mul3A_524 : vector<16xf32> to vector<1x16xf32>
      tpu.vector_store %arg14[%swap3A_525, %swap3A_526], %swap3A_529 {strides = array<i32>} : memref<64x144xf32, #tpu.memory_space<vmem>>, vector<1x16xf32>,
      %slice3A_530 = vector.extract_strided_slice %exp3A {offsets = [5], sizes = [1], strides = [1]} : vector<16xf32> to vector<1xf32>
      %squeeze3A_531 = vector.extract %slice3A_530[0] : f32 from vector<1xf32>
      %get3A_532 = arith.index_cast %scan3A_447 : i32 to index
      %get3A_533 = arith.constant 80 : index
      %get3A_534 = tpu.vector_load %arg10[%get3A_532, %get3A_533] {strides = array<i32>} : memref<64x144xf32, #tpu.memory_space<vmem>>, vector<1x16xf32>,
      %get3A_535 = vector.shape_cast %get3A_534 : vector<1x16xf32> to vector<16xf32>
      %mul3A_536 = vector.broadcast %squeeze3A_531 : f32 to vector<16xf32>
      %mul3A_537 = arith.mulf %mul3A_536, %get3A_535 : vector<16xf32>
      %swap3A_538 = arith.index_cast %scan3A_447 : i32 to index
      %swap3A_539 = arith.constant 80 : index
      %swap3A_540 = tpu.vector_load %arg14[%swap3A_538, %swap3A_539] {strides = array<i32>} : memref<64x144xf32, #tpu.memory_space<vmem>>, vector<1x16xf32>,
      %swap3A_541 = vector.shape_cast %swap3A_540 : vector<1x16xf32> to vector<16xf32>
      %swap3A_542 = vector.shape_cast %mul3A_537 : vector<16xf32> to vector<1x16xf32>
      tpu.vector_store %arg14[%swap3A_538, %swap3A_539], %swap3A_542 {strides = array<i32>} : memref<64x144xf32, #tpu.memory_space<vmem>>, vector<1x16xf32>,
      %slice3A_543 = vector.extract_strided_slice %exp3A {offsets = [6], sizes = [1], strides = [1]} : vector<16xf32> to vector<1xf32>
      %squeeze3A_544 = vector.extract %slice3A_543[0] : f32 from vector<1xf32>
      %get3A_545 = arith.index_cast %scan3A_447 : i32 to index
      %get3A_546 = arith.constant 96 : index
      %get3A_547 = tpu.vector_load %arg10[%get3A_545, %get3A_546] {strides = array<i32>} : memref<64x144xf32, #tpu.memory_space<vmem>>, vector<1x16xf32>,
      %get3A_548 = vector.shape_cast %get3A_547 : vector<1x16xf32> to vector<16xf32>
      %mul3A_549 = vector.broadcast %squeeze3A_544 : f32 to vector<16xf32>
      %mul3A_550 = arith.mulf %mul3A_549, %get3A_548 : vector<16xf32>
      %swap3A_551 = arith.index_cast %scan3A_447 : i32 to index
      %swap3A_552 = arith.constant 96 : index
      %swap3A_553 = tpu.vector_load %arg14[%swap3A_551, %swap3A_552] {strides = array<i32>} : memref<64x144xf32, #tpu.memory_space<vmem>>, vector<1x16xf32>,
      %swap3A_554 = vector.shape_cast %swap3A_553 : vector<1x16xf32> to vector<16xf32>
      %swap3A_555 = vector.shape_cast %mul3A_550 : vector<16xf32> to vector<1x16xf32>
      tpu.vector_store %arg14[%swap3A_551, %swap3A_552], %swap3A_555 {strides = array<i32>} : memref<64x144xf32, #tpu.memory_space<vmem>>, vector<1x16xf32>,
      %slice3A_556 = vector.extract_strided_slice %exp3A {offsets = [7], sizes = [1], strides = [1]} : vector<16xf32> to vector<1xf32>
      %squeeze3A_557 = vector.extract %slice3A_556[0] : f32 from vector<1xf32>
      %get3A_558 = arith.index_cast %scan3A_447 : i32 to index
      %get3A_559 = arith.constant 112 : index
      %get3A_560 = tpu.vector_load %arg10[%get3A_558, %get3A_559] {strides = array<i32>} : memref<64x144xf32, #tpu.memory_space<vmem>>, vector<1x16xf32>,
      %get3A_561 = vector.shape_cast %get3A_560 : vector<1x16xf32> to vector<16xf32>
      %mul3A_562 = vector.broadcast %squeeze3A_557 : f32 to vector<16xf32>
      %mul3A_563 = arith.mulf %mul3A_562, %get3A_561 : vector<16xf32>
      %swap3A_564 = arith.index_cast %scan3A_447 : i32 to index
      %swap3A_565 = arith.constant 112 : index
      %swap3A_566 = tpu.vector_load %arg14[%swap3A_564, %swap3A_565] {strides = array<i32>} : memref<64x144xf32, #tpu.memory_space<vmem>>, vector<1x16xf32>,
      %swap3A_567 = vector.shape_cast %swap3A_566 : vector<1x16xf32> to vector<16xf32>
      %swap3A_568 = vector.shape_cast %mul3A_563 : vector<16xf32> to vector<1x16xf32>
      tpu.vector_store %arg14[%swap3A_564, %swap3A_565], %swap3A_568 {strides = array<i32>} : memref<64x144xf32, #tpu.memory_space<vmem>>, vector<1x16xf32>,
    }
    %scan3A_334 = arith.constant 64 : i32
    %dma_start3A_335 = arith.constant 0 : i32
    %dma_start3A_336 = arith.constant 0 : i32
    %dma_start3A_337 = tpu.memref_slice %arg16[%dma_start3A_335, %dma_start3A_336] : memref<10112x144xf32, #tpu.memory_space<vmem_shared>> -> memref<10112x144xf32, #tpu.memory_space<vmem_shared>>
    tpu.enqueue_indirect_dma source(%arg14 : memref<64x144xf32, #tpu.memory_space<vmem>>) target(%dma_start3A_337 : memref<10112x144xf32, #tpu.memory_space<vmem_shared>>) offsets(%arg8 : memref<64xi32, #tpu.memory_space<vmem>>) semaphore(%arg21 : memref<!tpu.dma_semaphore, #tpu.memory_space<semaphore_mem>>) {add = true}
    %dma_wait3A_338 = arith.constant 0 : i32
    %dma_wait3A_339 = arith.constant 0 : i32
    %dma_wait3A_340 = tpu.memref_slice %arg16[%dma_wait3A_338, %dma_wait3A_339] : memref<10112x144xf32, #tpu.memory_space<vmem_shared>> -> memref<10112x144xf32, #tpu.memory_space<vmem_shared>>
    tpu.wait_indirect_dma semaphore(%arg22 : memref<!tpu.dma_semaphore, #tpu.memory_space<semaphore_mem>>) src(%arg15 : memref<64x144xf32, #tpu.memory_space<vmem>>) dst(%dma_wait3A_340 : memref<10112x144xf32, #tpu.memory_space<vmem_shared>>)
    %dma_wait3A_341 = arith.constant 0 : i32
    %dma_wait3A_342 = arith.constant 0 : i32
    %dma_wait3A_343 = tpu.memref_slice %arg7[%dma_wait3A_341, %dma_wait3A_342] : memref<2x64xi32, #tpu.memory_space<vmem>> -> memref<1x64xi32, #tpu.memory_space<vmem>>
    %dma_wait3A_344 = tpu.memref_squeeze %dma_wait3A_343 : memref<1x64xi32, #tpu.memory_space<vmem>> -> memref<64xi32, #tpu.memory_space<vmem>>
    %dma_wait3A_345 = arith.constant 0 : i32
    %dma_wait3A_346 = arith.constant 0 : i32
    %dma_wait3A_347 = tpu.memref_slice %arg2[%dma_wait3A_345, %dma_wait3A_346] : memref<10112x144xf32, #tpu.memory_space<hbm>> -> memref<10112x144xf32, #tpu.memory_space<hbm>>
    tpu.wait_indirect_dma semaphore(%arg18 : memref<!tpu.dma_semaphore, #tpu.memory_space<semaphore_mem>>) src(%dma_wait3A_347 : memref<10112x144xf32, #tpu.memory_space<hbm>>) dst(%arg11 : memref<64x144xf32, #tpu.memory_space<vmem>>)
    %dma_wait3A_348 = arith.constant 1 : i32
    %dma_wait3A_349 = arith.constant 0 : i32
    %dma_wait3A_350 = tpu.memref_slice %arg7[%dma_wait3A_348, %dma_wait3A_349] : memref<2x64xi32, #tpu.memory_space<vmem>> -> memref<1x64xi32, #tpu.memory_space<vmem>>
    %dma_wait3A_351 = tpu.memref_squeeze %dma_wait3A_350 : memref<1x64xi32, #tpu.memory_space<vmem>> -> memref<64xi32, #tpu.memory_space<vmem>>
    %dma_wait3A_352 = arith.constant 0 : i32
    %dma_wait3A_353 = arith.constant 0 : i32
    %dma_wait3A_354 = tpu.memref_slice %arg3[%dma_wait3A_352, %dma_wait3A_353] : memref<10112x16xf32, #tpu.memory_space<hbm>> -> memref<10112x16xf32, #tpu.memory_space<hbm>>
    tpu.wait_indirect_dma semaphore(%arg20 : memref<!tpu.dma_semaphore, #tpu.memory_space<semaphore_mem>>) src(%dma_wait3A_354 : memref<10112x16xf32, #tpu.memory_space<hbm>>) dst(%arg13 : memref<64x16xf32, #tpu.memory_space<vmem>>)
    %get3A_355 = arith.constant 1 : i32
    %get3A_356 = arith.index_cast %get3A_355 : i32 to index
    %get3A_357 = arith.constant 0 : index
    %get3A_358 = tpu.vector_load %arg7[%get3A_356, %get3A_357] {strides = array<i32>} : memref<2x64xi32, #tpu.memory_space<vmem>>, vector<1x16xi32>,
    %get3A_359 = vector.shape_cast %get3A_358 : vector<1x16xi32> to vector<16xi32>
    %swap3A_360 = arith.constant 0 : index
    %swap3A_361 = tpu.vector_load %arg9[%swap3A_360] {strides = array<i32>} : memref<64xi32, #tpu.memory_space<vmem>>, vector<16xi32>,
    %swap3A_362 = vector.shape_cast %swap3A_361 : vector<16xi32> to vector<16xi32>
    %swap3A_363 = vector.shape_cast %get3A_359 : vector<16xi32> to vector<16xi32>
    tpu.vector_store %arg9[%swap3A_360], %swap3A_363 {strides = array<i32>} : memref<64xi32, #tpu.memory_space<vmem>>, vector<16xi32>,
    %get3A_364 = arith.constant 1 : i32
    %get3A_365 = arith.index_cast %get3A_364 : i32 to index
    %get3A_366 = arith.constant 16 : index
    %get3A_367 = tpu.vector_load %arg7[%get3A_365, %get3A_366] {strides = array<i32>} : memref<2x64xi32, #tpu.memory_space<vmem>>, vector<1x16xi32>,
    %get3A_368 = vector.shape_cast %get3A_367 : vector<1x16xi32> to vector<16xi32>
    %swap3A_369 = arith.constant 16 : index
    %swap3A_370 = tpu.vector_load %arg9[%swap3A_369] {strides = array<i32>} : memref<64xi32, #tpu.memory_space<vmem>>, vector<16xi32>,
    %swap3A_371 = vector.shape_cast %swap3A_370 : vector<16xi32> to vector<16xi32>
    %swap3A_372 = vector.shape_cast %get3A_368 : vector<16xi32> to vector<16xi32>
    tpu.vector_store %arg9[%swap3A_369], %swap3A_372 {strides = array<i32>} : memref<64xi32, #tpu.memory_space<vmem>>, vector<16xi32>,
    %get3A_373 = arith.constant 1 : i32
    %get3A_374 = arith.index_cast %get3A_373 : i32 to index
    %get3A_375 = arith.constant 32 : index
    %get3A_376 = tpu.vector_load %arg7[%get3A_374, %get3A_375] {strides = array<i32>} : memref<2x64xi32, #tpu.memory_space<vmem>>, vector<1x16xi32>,
    %get3A_377 = vector.shape_cast %get3A_376 : vector<1x16xi32> to vector<16xi32>
    %swap3A_378 = arith.constant 32 : index
    %swap3A_379 = tpu.vector_load %arg9[%swap3A_378] {strides = array<i32>} : memref<64xi32, #tpu.memory_space<vmem>>, vector<16xi32>,
    %swap3A_380 = vector.shape_cast %swap3A_379 : vector<16xi32> to vector<16xi32>
    %swap3A_381 = vector.shape_cast %get3A_377 : vector<16xi32> to vector<16xi32>
    tpu.vector_store %arg9[%swap3A_378], %swap3A_381 {strides = array<i32>} : memref<64xi32, #tpu.memory_space<vmem>>, vector<16xi32>,
    %get3A_382 = arith.constant 1 : i32
    %get3A_383 = arith.index_cast %get3A_382 : i32 to index
    %get3A_384 = arith.constant 48 : index
    %get3A_385 = tpu.vector_load %arg7[%get3A_383, %get3A_384] {strides = array<i32>} : memref<2x64xi32, #tpu.memory_space<vmem>>, vector<1x16xi32>,
    %get3A_386 = vector.shape_cast %get3A_385 : vector<1x16xi32> to vector<16xi32>
    %swap3A_387 = arith.constant 48 : index
    %swap3A_388 = tpu.vector_load %arg9[%swap3A_387] {strides = array<i32>} : memref<64xi32, #tpu.memory_space<vmem>>, vector<16xi32>,
    %swap3A_389 = vector.shape_cast %swap3A_388 : vector<16xi32> to vector<16xi32>
    %swap3A_390 = vector.shape_cast %get3A_386 : vector<16xi32> to vector<16xi32>
    tpu.vector_store %arg9[%swap3A_387], %swap3A_390 {strides = array<i32>} : memref<64xi32, #tpu.memory_space<vmem>>, vector<16xi32>,
    %scan3A_391 = arith.constant 0 : i32
    %scan3A_392 = arith.constant 0 : i32
    %scan3A_393 = arith.constant 64 : i32
    %scan3A_394 = arith.addi %scan3A_392, %scan3A_393 : i32
    %scan3A_395 = arith.constant 1 : i32
    scf.for %scan3A_447 = %scan3A_392 to %scan3A_394 step %scan3A_395  : i32 {
      %get3A_448 = arith.index_cast %scan3A_447 : i32 to index
      %get3A_449 = arith.constant 128 : index
      %get3A_450 = tpu.vector_load %arg11[%get3A_448, %get3A_449] {strides = array<i32>} : memref<64x144xf32, #tpu.memory_space<vmem>>, vector<1x16xf32>,
      %get3A_451 = vector.shape_cast %get3A_450 : vector<1x16xf32> to vector<16xf32>
      %get3A_452 = arith.index_cast %scan3A_447 : i32 to index
      %get3A_453 = arith.constant 0 : index
      %get3A_454 = tpu.vector_load %arg13[%get3A_452, %get3A_453] {strides = array<i32>} : memref<64x16xf32, #tpu.memory_space<vmem>>, vector<1x16xf32>,
      %get3A_455 = vector.shape_cast %get3A_454 : vector<1x16xf32> to vector<16xf32>
      %add3A_456 = arith.addf %get3A_451, %get3A_455 : vector<16xf32>
      %ge3A = arith.constant 0.000000e+00 : f32
      %ge3A_457 = vector.broadcast %ge3A : f32 to vector<16xf32>
      %ge3A_458 = arith.cmpf oge, %add3A_456, %ge3A_457 : vector<16xf32>
      %mul3A_459 = arith.constant 2.000000e-01 : f32
      %mul3A_460 = vector.broadcast %mul3A_459 : f32 to vector<16xf32>
      %mul3A_461 = arith.mulf %mul3A_460, %add3A_456 : vector<16xf32>
      %select_n3A = arith.select %ge3A_458, %add3A_456, %mul3A_461 : vector<16xi1>, vector<16xf32>
      %exp3A = math.exp %select_n3A : vector<16xf32>
      %swap3A_462 = arith.index_cast %scan3A_447 : i32 to index
      %swap3A_463 = arith.constant 128 : index
      %swap3A_464 = tpu.vector_load %arg15[%swap3A_462, %swap3A_463] {strides = array<i32>} : memref<64x144xf32, #tpu.memory_space<vmem>>, vector<1x16xf32>,
      %swap3A_465 = vector.shape_cast %swap3A_464 : vector<1x16xf32> to vector<16xf32>
      %swap3A_466 = vector.shape_cast %exp3A : vector<16xf32> to vector<1x16xf32>
      tpu.vector_store %arg15[%swap3A_462, %swap3A_463], %swap3A_466 {strides = array<i32>} : memref<64x144xf32, #tpu.memory_space<vmem>>, vector<1x16xf32>,
      %slice3A = vector.extract_strided_slice %exp3A {offsets = [0], sizes = [1], strides = [1]} : vector<16xf32> to vector<1xf32>
      %squeeze3A = vector.extract %slice3A[0] : f32 from vector<1xf32>
      %get3A_467 = arith.index_cast %scan3A_447 : i32 to index
      %get3A_468 = arith.constant 0 : index
      %get3A_469 = tpu.vector_load %arg11[%get3A_467, %get3A_468] {strides = array<i32>} : memref<64x144xf32, #tpu.memory_space<vmem>>, vector<1x16xf32>,
      %get3A_470 = vector.shape_cast %get3A_469 : vector<1x16xf32> to vector<16xf32>
      %mul3A_471 = vector.broadcast %squeeze3A : f32 to vector<16xf32>
      %mul3A_472 = arith.mulf %mul3A_471, %get3A_470 : vector<16xf32>
      %swap3A_473 = arith.index_cast %scan3A_447 : i32 to index
      %swap3A_474 = arith.constant 0 : index
      %swap3A_475 = tpu.vector_load %arg15[%swap3A_473, %swap3A_474] {strides = array<i32>} : memref<64x144xf32, #tpu.memory_space<vmem>>, vector<1x16xf32>,
      %swap3A_476 = vector.shape_cast %swap3A_475 : vector<1x16xf32> to vector<16xf32>
      %swap3A_477 = vector.shape_cast %mul3A_472 : vector<16xf32> to vector<1x16xf32>
      tpu.vector_store %arg15[%swap3A_473, %swap3A_474], %swap3A_477 {strides = array<i32>} : memref<64x144xf32, #tpu.memory_space<vmem>>, vector<1x16xf32>,
      %slice3A_478 = vector.extract_strided_slice %exp3A {offsets = [1], sizes = [1], strides = [1]} : vector<16xf32> to vector<1xf32>
      %squeeze3A_479 = vector.extract %slice3A_478[0] : f32 from vector<1xf32>
      %get3A_480 = arith.index_cast %scan3A_447 : i32 to index
      %get3A_481 = arith.constant 16 : index
      %get3A_482 = tpu.vector_load %arg11[%get3A_480, %get3A_481] {strides = array<i32>} : memref<64x144xf32, #tpu.memory_space<vmem>>, vector<1x16xf32>,
      %get3A_483 = vector.shape_cast %get3A_482 : vector<1x16xf32> to vector<16xf32>
      %mul3A_484 = vector.broadcast %squeeze3A_479 : f32 to vector<16xf32>
      %mul3A_485 = arith.mulf %mul3A_484, %get3A_483 : vector<16xf32>
      %swap3A_486 = arith.index_cast %scan3A_447 : i32 to index
      %swap3A_487 = arith.constant 16 : index
      %swap3A_488 = tpu.vector_load %arg15[%swap3A_486, %swap3A_487] {strides = array<i32>} : memref<64x144xf32, #tpu.memory_space<vmem>>, vector<1x16xf32>,
      %swap3A_489 = vector.shape_cast %swap3A_488 : vector<1x16xf32> to vector<16xf32>
      %swap3A_490 = vector.shape_cast %mul3A_485 : vector<16xf32> to vector<1x16xf32>
      tpu.vector_store %arg15[%swap3A_486, %swap3A_487], %swap3A_490 {strides = array<i32>} : memref<64x144xf32, #tpu.memory_space<vmem>>, vector<1x16xf32>,
      %slice3A_491 = vector.extract_strided_slice %exp3A {offsets = [2], sizes = [1], strides = [1]} : vector<16xf32> to vector<1xf32>
      %squeeze3A_492 = vector.extract %slice3A_491[0] : f32 from vector<1xf32>
      %get3A_493 = arith.index_cast %scan3A_447 : i32 to index
      %get3A_494 = arith.constant 32 : index
      %get3A_495 = tpu.vector_load %arg11[%get3A_493, %get3A_494] {strides = array<i32>} : memref<64x144xf32, #tpu.memory_space<vmem>>, vector<1x16xf32>,
      %get3A_496 = vector.shape_cast %get3A_495 : vector<1x16xf32> to vector<16xf32>
      %mul3A_497 = vector.broadcast %squeeze3A_492 : f32 to vector<16xf32>
      %mul3A_498 = arith.mulf %mul3A_497, %get3A_496 : vector<16xf32>
      %swap3A_499 = arith.index_cast %scan3A_447 : i32 to index
      %swap3A_500 = arith.constant 32 : index
      %swap3A_501 = tpu.vector_load %arg15[%swap3A_499, %swap3A_500] {strides = array<i32>} : memref<64x144xf32, #tpu.memory_space<vmem>>, vector<1x16xf32>,
      %swap3A_502 = vector.shape_cast %swap3A_501 : vector<1x16xf32> to vector<16xf32>
      %swap3A_503 = vector.shape_cast %mul3A_498 : vector<16xf32> to vector<1x16xf32>
      tpu.vector_store %arg15[%swap3A_499, %swap3A_500], %swap3A_503 {strides = array<i32>} : memref<64x144xf32, #tpu.memory_space<vmem>>, vector<1x16xf32>,
      %slice3A_504 = vector.extract_strided_slice %exp3A {offsets = [3], sizes = [1], strides = [1]} : vector<16xf32> to vector<1xf32>
      %squeeze3A_505 = vector.extract %slice3A_504[0] : f32 from vector<1xf32>
      %get3A_506 = arith.index_cast %scan3A_447 : i32 to index
      %get3A_507 = arith.constant 48 : index
      %get3A_508 = tpu.vector_load %arg11[%get3A_506, %get3A_507] {strides = array<i32>} : memref<64x144xf32, #tpu.memory_space<vmem>>, vector<1x16xf32>,
      %get3A_509 = vector.shape_cast %get3A_508 : vector<1x16xf32> to vector<16xf32>
      %mul3A_510 = vector.broadcast %squeeze3A_505 : f32 to vector<16xf32>
      %mul3A_511 = arith.mulf %mul3A_510, %get3A_509 : vector<16xf32>
      %swap3A_512 = arith.index_cast %scan3A_447 : i32 to index
      %swap3A_513 = arith.constant 48 : index
      %swap3A_514 = tpu.vector_load %arg15[%swap3A_512, %swap3A_513] {strides = array<i32>} : memref<64x144xf32, #tpu.memory_space<vmem>>, vector<1x16xf32>,
      %swap3A_515 = vector.shape_cast %swap3A_514 : vector<1x16xf32> to vector<16xf32>
      %swap3A_516 = vector.shape_cast %mul3A_511 : vector<16xf32> to vector<1x16xf32>
      tpu.vector_store %arg15[%swap3A_512, %swap3A_513], %swap3A_516 {strides = array<i32>} : memref<64x144xf32, #tpu.memory_space<vmem>>, vector<1x16xf32>,
      %slice3A_517 = vector.extract_strided_slice %exp3A {offsets = [4], sizes = [1], strides = [1]} : vector<16xf32> to vector<1xf32>
      %squeeze3A_518 = vector.extract %slice3A_517[0] : f32 from vector<1xf32>
      %get3A_519 = arith.index_cast %scan3A_447 : i32 to index
      %get3A_520 = arith.constant 64 : index
      %get3A_521 = tpu.vector_load %arg11[%get3A_519, %get3A_520] {strides = array<i32>} : memref<64x144xf32, #tpu.memory_space<vmem>>, vector<1x16xf32>,
      %get3A_522 = vector.shape_cast %get3A_521 : vector<1x16xf32> to vector<16xf32>
      %mul3A_523 = vector.broadcast %squeeze3A_518 : f32 to vector<16xf32>
      %mul3A_524 = arith.mulf %mul3A_523, %get3A_522 : vector<16xf32>
      %swap3A_525 = arith.index_cast %scan3A_447 : i32 to index
      %swap3A_526 = arith.constant 64 : index
      %swap3A_527 = tpu.vector_load %arg15[%swap3A_525, %swap3A_526] {strides = array<i32>} : memref<64x144xf32, #tpu.memory_space<vmem>>, vector<1x16xf32>,
      %swap3A_528 = vector.shape_cast %swap3A_527 : vector<1x16xf32> to vector<16xf32>
      %swap3A_529 = vector.shape_cast %mul3A_524 : vector<16xf32> to vector<1x16xf32>
      tpu.vector_store %arg15[%swap3A_525, %swap3A_526], %swap3A_529 {strides = array<i32>} : memref<64x144xf32, #tpu.memory_space<vmem>>, vector<1x16xf32>,
      %slice3A_530 = vector.extract_strided_slice %exp3A {offsets = [5], sizes = [1], strides = [1]} : vector<16xf32> to vector<1xf32>
      %squeeze3A_531 = vector.extract %slice3A_530[0] : f32 from vector<1xf32>
      %get3A_532 = arith.index_cast %scan3A_447 : i32 to index
      %get3A_533 = arith.constant 80 : index
      %get3A_534 = tpu.vector_load %arg11[%get3A_532, %get3A_533] {strides = array<i32>} : memref<64x144xf32, #tpu.memory_space<vmem>>, vector<1x16xf32>,
      %get3A_535 = vector.shape_cast %get3A_534 : vector<1x16xf32> to vector<16xf32>
      %mul3A_536 = vector.broadcast %squeeze3A_531 : f32 to vector<16xf32>
      %mul3A_537 = arith.mulf %mul3A_536, %get3A_535 : vector<16xf32>
      %swap3A_538 = arith.index_cast %scan3A_447 : i32 to index
      %swap3A_539 = arith.constant 80 : index
      %swap3A_540 = tpu.vector_load %arg15[%swap3A_538, %swap3A_539] {strides = array<i32>} : memref<64x144xf32, #tpu.memory_space<vmem>>, vector<1x16xf32>,
      %swap3A_541 = vector.shape_cast %swap3A_540 : vector<1x16xf32> to vector<16xf32>
      %swap3A_542 = vector.shape_cast %mul3A_537 : vector<16xf32> to vector<1x16xf32>
      tpu.vector_store %arg15[%swap3A_538, %swap3A_539], %swap3A_542 {strides = array<i32>} : memref<64x144xf32, #tpu.memory_space<vmem>>, vector<1x16xf32>,
      %slice3A_543 = vector.extract_strided_slice %exp3A {offsets = [6], sizes = [1], strides = [1]} : vector<16xf32> to vector<1xf32>
      %squeeze3A_544 = vector.extract %slice3A_543[0] : f32 from vector<1xf32>
      %get3A_545 = arith.index_cast %scan3A_447 : i32 to index
      %get3A_546 = arith.constant 96 : index
      %get3A_547 = tpu.vector_load %arg11[%get3A_545, %get3A_546] {strides = array<i32>} : memref<64x144xf32, #tpu.memory_space<vmem>>, vector<1x16xf32>,
      %get3A_548 = vector.shape_cast %get3A_547 : vector<1x16xf32> to vector<16xf32>
      %mul3A_549 = vector.broadcast %squeeze3A_544 : f32 to vector<16xf32>
      %mul3A_550 = arith.mulf %mul3A_549, %get3A_548 : vector<16xf32>
      %swap3A_551 = arith.index_cast %scan3A_447 : i32 to index
      %swap3A_552 = arith.constant 96 : index
      %swap3A_553 = tpu.vector_load %arg15[%swap3A_551, %swap3A_552] {strides = array<i32>} : memref<64x144xf32, #tpu.memory_space<vmem>>, vector<1x16xf32>,
      %swap3A_554 = vector.shape_cast %swap3A_553 : vector<1x16xf32> to vector<16xf32>
      %swap3A_555 = vector.shape_cast %mul3A_550 : vector<16xf32> to vector<1x16xf32>
      tpu.vector_store %arg15[%swap3A_551, %swap3A_552], %swap3A_555 {strides = array<i32>} : memref<64x144xf32, #tpu.memory_space<vmem>>, vector<1x16xf32>,
      %slice3A_556 = vector.extract_strided_slice %exp3A {offsets = [7], sizes = [1], strides = [1]} : vector<16xf32> to vector<1xf32>
      %squeeze3A_557 = vector.extract %slice3A_556[0] : f32 from vector<1xf32>
      %get3A_558 = arith.index_cast %scan3A_447 : i32 to index
      %get3A_559 = arith.constant 112 : index
      %get3A_560 = tpu.vector_load %arg11[%get3A_558, %get3A_559] {strides = array<i32>} : memref<64x144xf32, #tpu.memory_space<vmem>>, vector<1x16xf32>,
      %get3A_561 = vector.shape_cast %get3A_560 : vector<1x16xf32> to vector<16xf32>
      %mul3A_562 = vector.broadcast %squeeze3A_557 : f32 to vector<16xf32>
      %mul3A_563 = arith.mulf %mul3A_562, %get3A_561 : vector<16xf32>
      %swap3A_564 = arith.index_cast %scan3A_447 : i32 to index
      %swap3A_565 = arith.constant 112 : index
      %swap3A_566 = tpu.vector_load %arg15[%swap3A_564, %swap3A_565] {strides = array<i32>} : memref<64x144xf32, #tpu.memory_space<vmem>>, vector<1x16xf32>,
      %swap3A_567 = vector.shape_cast %swap3A_566 : vector<1x16xf32> to vector<16xf32>
      %swap3A_568 = vector.shape_cast %mul3A_563 : vector<16xf32> to vector<1x16xf32>
      tpu.vector_store %arg15[%swap3A_564, %swap3A_565], %swap3A_568 {strides = array<i32>} : memref<64x144xf32, #tpu.memory_space<vmem>>, vector<1x16xf32>,
    }
    %scan3A_396 = arith.constant 64 : i32
    %dma_start3A_397 = arith.constant 0 : i32
    %dma_start3A_398 = arith.constant 0 : i32
    %dma_start3A_399 = tpu.memref_slice %arg16[%dma_start3A_397, %dma_start3A_398] : memref<10112x144xf32, #tpu.memory_space<vmem_shared>> -> memref<10112x144xf32, #tpu.memory_space<vmem_shared>>
    tpu.enqueue_indirect_dma source(%arg15 : memref<64x144xf32, #tpu.memory_space<vmem>>) target(%dma_start3A_399 : memref<10112x144xf32, #tpu.memory_space<vmem_shared>>) offsets(%arg9 : memref<64xi32, #tpu.memory_space<vmem>>) semaphore(%arg22 : memref<!tpu.dma_semaphore, #tpu.memory_space<semaphore_mem>>) {add = true}
    %dma_wait3A_400 = arith.constant 0 : i32
    %dma_wait3A_401 = arith.constant 0 : i32
    %dma_wait3A_402 = tpu.memref_slice %arg16[%dma_wait3A_400, %dma_wait3A_401] : memref<10112x144xf32, #tpu.memory_space<vmem_shared>> -> memref<10112x144xf32, #tpu.memory_space<vmem_shared>>
    tpu.wait_indirect_dma semaphore(%arg21 : memref<!tpu.dma_semaphore, #tpu.memory_space<semaphore_mem>>) src(%arg14 : memref<64x144xf32, #tpu.memory_space<vmem>>) dst(%dma_wait3A_402 : memref<10112x144xf32, #tpu.memory_space<vmem_shared>>)
    %dma_wait3A_403 = arith.constant 0 : i32
    %dma_wait3A_404 = arith.constant 0 : i32
    %dma_wait3A_405 = tpu.memref_slice %arg16[%dma_wait3A_403, %dma_wait3A_404] : memref<10112x144xf32, #tpu.memory_space<vmem_shared>> -> memref<10112x144xf32, #tpu.memory_space<vmem_shared>>
    tpu.wait_indirect_dma semaphore(%arg22 : memref<!tpu.dma_semaphore, #tpu.memory_space<semaphore_mem>>) src(%arg15 : memref<64x144xf32, #tpu.memory_space<vmem>>) dst(%dma_wait3A_405 : memref<10112x144xf32, #tpu.memory_space<vmem_shared>>)
    %barrier3A_406 = arith.constant 0 : index
    tpu.barrier barrier_id(%barrier3A_406)
    %mul3A_407 = arith.constant 632 : i32
    %mul3A_408 = arith.muli %arg1, %mul3A_407 : i32
    %add3A_409 = arith.constant 0 : i32
    %add3A_410 = arith.addi %mul3A_408, %add3A_409 : i32
    "tpu.region"() ({
      %run_scoped3A_447 = tpu.sem_alloc : memref<!tpu.dma_semaphore, #tpu.memory_space<semaphore_mem>>
      %dma_start3A_448 = arith.constant 0 : i32
      %dma_start3A_449 = tpu.memref_slice %arg5[%arg0, %add3A_410, %dma_start3A_448] : memref<2x10112x144xf32, #tpu.memory_space<hbm>> -> memref<1x64x144xf32, #tpu.memory_space<hbm>>
      %dma_start3A_450 = tpu.memref_squeeze %dma_start3A_449 : memref<1x64x144xf32, #tpu.memory_space<hbm>> -> memref<64x144xf32, #tpu.memory_space<hbm>>
      %dma_start3A_451 = arith.constant 0 : i32
      %dma_start3A_452 = tpu.memref_slice %arg16[%add3A_410, %dma_start3A_451] : memref<10112x144xf32, #tpu.memory_space<vmem_shared>> -> memref<64x144xf32, #tpu.memory_space<vmem_shared>>
      tpu.enqueue_dma source(%dma_start3A_452 : memref<64x144xf32, #tpu.memory_space<vmem_shared>>) target(%dma_start3A_450 : memref<64x144xf32, #tpu.memory_space<hbm>>) target_semaphore(%run_scoped3A_447 : memref<!tpu.dma_semaphore, #tpu.memory_space<semaphore_mem>>)
      %dma_wait3A_453 = arith.constant 0 : i32
      %dma_wait3A_454 = tpu.memref_slice %arg5[%arg0, %add3A_410, %dma_wait3A_453] : memref<2x10112x144xf32, #tpu.memory_space<hbm>> -> memref<1x64x144xf32, #tpu.memory_space<hbm>>
      %dma_wait3A_455 = tpu.memref_squeeze %dma_wait3A_454 : memref<1x64x144xf32, #tpu.memory_space<hbm>> -> memref<64x144xf32, #tpu.memory_space<hbm>>
      %dma_wait3A_456 = arith.constant 0 : i32
      %dma_wait3A_457 = tpu.memref_slice %arg16[%add3A_410, %dma_wait3A_456] : memref<10112x144xf32, #tpu.memory_space<vmem_shared>> -> memref<64x144xf32, #tpu.memory_space<vmem_shared>>
      tpu.wait_dma2 semaphore(%run_scoped3A_447 : memref<!tpu.dma_semaphore, #tpu.memory_space<semaphore_mem>>) src(%dma_wait3A_457 : memref<64x144xf32, #tpu.memory_space<vmem_shared>>) dst(%dma_wait3A_455 : memref<64x144xf32, #tpu.memory_space<hbm>>)
      tpu.yield
    }) : () -> ()
    %mul3A_411 = arith.constant 632 : i32
    %mul3A_412 = arith.muli %arg1, %mul3A_411 : i32
    %add3A_413 = arith.constant 64 : i32
    %add3A_414 = arith.addi %mul3A_412, %add3A_413 : i32
    "tpu.region"() ({
      %run_scoped3A_447 = tpu.sem_alloc : memref<!tpu.dma_semaphore, #tpu.memory_space<semaphore_mem>>
      %dma_start3A_448 = arith.constant 0 : i32
      %dma_start3A_449 = tpu.memref_slice %arg5[%arg0, %add3A_414, %dma_start3A_448] : memref<2x10112x144xf32, #tpu.memory_space<hbm>> -> memref<1x64x144xf32, #tpu.memory_space<hbm>>
      %dma_start3A_450 = tpu.memref_squeeze %dma_start3A_449 : memref<1x64x144xf32, #tpu.memory_space<hbm>> -> memref<64x144xf32, #tpu.memory_space<hbm>>
      %dma_start3A_451 = arith.constant 0 : i32
      %dma_start3A_452 = tpu.memref_slice %arg16[%add3A_414, %dma_start3A_451] : memref<10112x144xf32, #tpu.memory_space<vmem_shared>> -> memref<64x144xf32, #tpu.memory_space<vmem_shared>>
      tpu.enqueue_dma source(%dma_start3A_452 : memref<64x144xf32, #tpu.memory_space<vmem_shared>>) target(%dma_start3A_450 : memref<64x144xf32, #tpu.memory_space<hbm>>) target_semaphore(%run_scoped3A_447 : memref<!tpu.dma_semaphore, #tpu.memory_space<semaphore_mem>>)
      %dma_wait3A_453 = arith.constant 0 : i32
      %dma_wait3A_454 = tpu.memref_slice %arg5[%arg0, %add3A_414, %dma_wait3A_453] : memref<2x10112x144xf32, #tpu.memory_space<hbm>> -> memref<1x64x144xf32, #tpu.memory_space<hbm>>
      %dma_wait3A_455 = tpu.memref_squeeze %dma_wait3A_454 : memref<1x64x144xf32, #tpu.memory_space<hbm>> -> memref<64x144xf32, #tpu.memory_space<hbm>>
      %dma_wait3A_456 = arith.constant 0 : i32
      %dma_wait3A_457 = tpu.memref_slice %arg16[%add3A_414, %dma_wait3A_456] : memref<10112x144xf32, #tpu.memory_space<vmem_shared>> -> memref<64x144xf32, #tpu.memory_space<vmem_shared>>
      tpu.wait_dma2 semaphore(%run_scoped3A_447 : memref<!tpu.dma_semaphore, #tpu.memory_space<semaphore_mem>>) src(%dma_wait3A_457 : memref<64x144xf32, #tpu.memory_space<vmem_shared>>) dst(%dma_wait3A_455 : memref<64x144xf32, #tpu.memory_space<hbm>>)
      tpu.yield
    }) : () -> ()
    %mul3A_415 = arith.constant 632 : i32
    %mul3A_416 = arith.muli %arg1, %mul3A_415 : i32
    %add3A_417 = arith.constant 128 : i32
    %add3A_418 = arith.addi %mul3A_416, %add3A_417 : i32
    "tpu.region"() ({
      %run_scoped3A_447 = tpu.sem_alloc : memref<!tpu.dma_semaphore, #tpu.memory_space<semaphore_mem>>
      %dma_start3A_448 = arith.constant 0 : i32
      %dma_start3A_449 = tpu.memref_slice %arg5[%arg0, %add3A_418, %dma_start3A_448] : memref<2x10112x144xf32, #tpu.memory_space<hbm>> -> memref<1x64x144xf32, #tpu.memory_space<hbm>>
      %dma_start3A_450 = tpu.memref_squeeze %dma_start3A_449 : memref<1x64x144xf32, #tpu.memory_space<hbm>> -> memref<64x144xf32, #tpu.memory_space<hbm>>
      %dma_start3A_451 = arith.constant 0 : i32
      %dma_start3A_452 = tpu.memref_slice %arg16[%add3A_418, %dma_start3A_451] : memref<10112x144xf32, #tpu.memory_space<vmem_shared>> -> memref<64x144xf32, #tpu.memory_space<vmem_shared>>
      tpu.enqueue_dma source(%dma_start3A_452 : memref<64x144xf32, #tpu.memory_space<vmem_shared>>) target(%dma_start3A_450 : memref<64x144xf32, #tpu.memory_space<hbm>>) target_semaphore(%run_scoped3A_447 : memref<!tpu.dma_semaphore, #tpu.memory_space<semaphore_mem>>)
      %dma_wait3A_453 = arith.constant 0 : i32
      %dma_wait3A_454 = tpu.memref_slice %arg5[%arg0, %add3A_418, %dma_wait3A_453] : memref<2x10112x144xf32, #tpu.memory_space<hbm>> -> memref<1x64x144xf32, #tpu.memory_space<hbm>>
      %dma_wait3A_455 = tpu.memref_squeeze %dma_wait3A_454 : memref<1x64x144xf32, #tpu.memory_space<hbm>> -> memref<64x144xf32, #tpu.memory_space<hbm>>
      %dma_wait3A_456 = arith.constant 0 : i32
      %dma_wait3A_457 = tpu.memref_slice %arg16[%add3A_418, %dma_wait3A_456] : memref<10112x144xf32, #tpu.memory_space<vmem_shared>> -> memref<64x144xf32, #tpu.memory_space<vmem_shared>>
      tpu.wait_dma2 semaphore(%run_scoped3A_447 : memref<!tpu.dma_semaphore, #tpu.memory_space<semaphore_mem>>) src(%dma_wait3A_457 : memref<64x144xf32, #tpu.memory_space<vmem_shared>>) dst(%dma_wait3A_455 : memref<64x144xf32, #tpu.memory_space<hbm>>)
      tpu.yield
    }) : () -> ()
    %mul3A_419 = arith.constant 632 : i32
    %mul3A_420 = arith.muli %arg1, %mul3A_419 : i32
    %add3A_421 = arith.constant 192 : i32
    %add3A_422 = arith.addi %mul3A_420, %add3A_421 : i32
    "tpu.region"() ({
      %run_scoped3A_447 = tpu.sem_alloc : memref<!tpu.dma_semaphore, #tpu.memory_space<semaphore_mem>>
      %dma_start3A_448 = arith.constant 0 : i32
      %dma_start3A_449 = tpu.memref_slice %arg5[%arg0, %add3A_422, %dma_start3A_448] : memref<2x10112x144xf32, #tpu.memory_space<hbm>> -> memref<1x64x144xf32, #tpu.memory_space<hbm>>
      %dma_start3A_450 = tpu.memref_squeeze %dma_start3A_449 : memref<1x64x144xf32, #tpu.memory_space<hbm>> -> memref<64x144xf32, #tpu.memory_space<hbm>>
      %dma_start3A_451 = arith.constant 0 : i32
      %dma_start3A_452 = tpu.memref_slice %arg16[%add3A_422, %dma_start3A_451] : memref<10112x144xf32, #tpu.memory_space<vmem_shared>> -> memref<64x144xf32, #tpu.memory_space<vmem_shared>>
      tpu.enqueue_dma source(%dma_start3A_452 : memref<64x144xf32, #tpu.memory_space<vmem_shared>>) target(%dma_start3A_450 : memref<64x144xf32, #tpu.memory_space<hbm>>) target_semaphore(%run_scoped3A_447 : memref<!tpu.dma_semaphore, #tpu.memory_space<semaphore_mem>>)
      %dma_wait3A_453 = arith.constant 0 : i32
      %dma_wait3A_454 = tpu.memref_slice %arg5[%arg0, %add3A_422, %dma_wait3A_453] : memref<2x10112x144xf32, #tpu.memory_space<hbm>> -> memref<1x64x144xf32, #tpu.memory_space<hbm>>
      %dma_wait3A_455 = tpu.memref_squeeze %dma_wait3A_454 : memref<1x64x144xf32, #tpu.memory_space<hbm>> -> memref<64x144xf32, #tpu.memory_space<hbm>>
      %dma_wait3A_456 = arith.constant 0 : i32
      %dma_wait3A_457 = tpu.memref_slice %arg16[%add3A_422, %dma_wait3A_456] : memref<10112x144xf32, #tpu.memory_space<vmem_shared>> -> memref<64x144xf32, #tpu.memory_space<vmem_shared>>
      tpu.wait_dma2 semaphore(%run_scoped3A_447 : memref<!tpu.dma_semaphore, #tpu.memory_space<semaphore_mem>>) src(%dma_wait3A_457 : memref<64x144xf32, #tpu.memory_space<vmem_shared>>) dst(%dma_wait3A_455 : memref<64x144xf32, #tpu.memory_space<hbm>>)
      tpu.yield
    }) : () -> ()
    %mul3A_423 = arith.constant 632 : i32
    %mul3A_424 = arith.muli %arg1, %mul3A_423 : i32
    %add3A_425 = arith.constant 256 : i32
    %add3A_426 = arith.addi %mul3A_424, %add3A_425 : i32
    "tpu.region"() ({
      %run_scoped3A_447 = tpu.sem_alloc : memref<!tpu.dma_semaphore, #tpu.memory_space<semaphore_mem>>
      %dma_start3A_448 = arith.constant 0 : i32
      %dma_start3A_449 = tpu.memref_slice %arg5[%arg0, %add3A_426, %dma_start3A_448] : memref<2x10112x144xf32, #tpu.memory_space<hbm>> -> memref<1x64x144xf32, #tpu.memory_space<hbm>>
      %dma_start3A_450 = tpu.memref_squeeze %dma_start3A_449 : memref<1x64x144xf32, #tpu.memory_space<hbm>> -> memref<64x144xf32, #tpu.memory_space<hbm>>
      %dma_start3A_451 = arith.constant 0 : i32
      %dma_start3A_452 = tpu.memref_slice %arg16[%add3A_426, %dma_start3A_451] : memref<10112x144xf32, #tpu.memory_space<vmem_shared>> -> memref<64x144xf32, #tpu.memory_space<vmem_shared>>
      tpu.enqueue_dma source(%dma_start3A_452 : memref<64x144xf32, #tpu.memory_space<vmem_shared>>) target(%dma_start3A_450 : memref<64x144xf32, #tpu.memory_space<hbm>>) target_semaphore(%run_scoped3A_447 : memref<!tpu.dma_semaphore, #tpu.memory_space<semaphore_mem>>)
      %dma_wait3A_453 = arith.constant 0 : i32
      %dma_wait3A_454 = tpu.memref_slice %arg5[%arg0, %add3A_426, %dma_wait3A_453] : memref<2x10112x144xf32, #tpu.memory_space<hbm>> -> memref<1x64x144xf32, #tpu.memory_space<hbm>>
      %dma_wait3A_455 = tpu.memref_squeeze %dma_wait3A_454 : memref<1x64x144xf32, #tpu.memory_space<hbm>> -> memref<64x144xf32, #tpu.memory_space<hbm>>
      %dma_wait3A_456 = arith.constant 0 : i32
      %dma_wait3A_457 = tpu.memref_slice %arg16[%add3A_426, %dma_wait3A_456] : memref<10112x144xf32, #tpu.memory_space<vmem_shared>> -> memref<64x144xf32, #tpu.memory_space<vmem_shared>>
      tpu.wait_dma2 semaphore(%run_scoped3A_447 : memref<!tpu.dma_semaphore, #tpu.memory_space<semaphore_mem>>) src(%dma_wait3A_457 : memref<64x144xf32, #tpu.memory_space<vmem_shared>>) dst(%dma_wait3A_455 : memref<64x144xf32, #tpu.memory_space<hbm>>)
      tpu.yield
    }) : () -> ()
    %mul3A_427 = arith.constant 632 : i32
    %mul3A_428 = arith.muli %arg1, %mul3A_427 : i32
    %add3A_429 = arith.constant 320 : i32
    %add3A_430 = arith.addi %mul3A_428, %add3A_429 : i32
    "tpu.region"() ({
      %run_scoped3A_447 = tpu.sem_alloc : memref<!tpu.dma_semaphore, #tpu.memory_space<semaphore_mem>>
      %dma_start3A_448 = arith.constant 0 : i32
      %dma_start3A_449 = tpu.memref_slice %arg5[%arg0, %add3A_430, %dma_start3A_448] : memref<2x10112x144xf32, #tpu.memory_space<hbm>> -> memref<1x64x144xf32, #tpu.memory_space<hbm>>
      %dma_start3A_450 = tpu.memref_squeeze %dma_start3A_449 : memref<1x64x144xf32, #tpu.memory_space<hbm>> -> memref<64x144xf32, #tpu.memory_space<hbm>>
      %dma_start3A_451 = arith.constant 0 : i32
      %dma_start3A_452 = tpu.memref_slice %arg16[%add3A_430, %dma_start3A_451] : memref<10112x144xf32, #tpu.memory_space<vmem_shared>> -> memref<64x144xf32, #tpu.memory_space<vmem_shared>>
      tpu.enqueue_dma source(%dma_start3A_452 : memref<64x144xf32, #tpu.memory_space<vmem_shared>>) target(%dma_start3A_450 : memref<64x144xf32, #tpu.memory_space<hbm>>) target_semaphore(%run_scoped3A_447 : memref<!tpu.dma_semaphore, #tpu.memory_space<semaphore_mem>>)
      %dma_wait3A_453 = arith.constant 0 : i32
      %dma_wait3A_454 = tpu.memref_slice %arg5[%arg0, %add3A_430, %dma_wait3A_453] : memref<2x10112x144xf32, #tpu.memory_space<hbm>> -> memref<1x64x144xf32, #tpu.memory_space<hbm>>
      %dma_wait3A_455 = tpu.memref_squeeze %dma_wait3A_454 : memref<1x64x144xf32, #tpu.memory_space<hbm>> -> memref<64x144xf32, #tpu.memory_space<hbm>>
      %dma_wait3A_456 = arith.constant 0 : i32
      %dma_wait3A_457 = tpu.memref_slice %arg16[%add3A_430, %dma_wait3A_456] : memref<10112x144xf32, #tpu.memory_space<vmem_shared>> -> memref<64x144xf32, #tpu.memory_space<vmem_shared>>
      tpu.wait_dma2 semaphore(%run_scoped3A_447 : memref<!tpu.dma_semaphore, #tpu.memory_space<semaphore_mem>>) src(%dma_wait3A_457 : memref<64x144xf32, #tpu.memory_space<vmem_shared>>) dst(%dma_wait3A_455 : memref<64x144xf32, #tpu.memory_space<hbm>>)
      tpu.yield
    }) : () -> ()
    %mul3A_431 = arith.constant 632 : i32
    %mul3A_432 = arith.muli %arg1, %mul3A_431 : i32
    %add3A_433 = arith.constant 384 : i32
    %add3A_434 = arith.addi %mul3A_432, %add3A_433 : i32
    "tpu.region"() ({
      %run_scoped3A_447 = tpu.sem_alloc : memref<!tpu.dma_semaphore, #tpu.memory_space<semaphore_mem>>
      %dma_start3A_448 = arith.constant 0 : i32
      %dma_start3A_449 = tpu.memref_slice %arg5[%arg0, %add3A_434, %dma_start3A_448] : memref<2x10112x144xf32, #tpu.memory_space<hbm>> -> memref<1x64x144xf32, #tpu.memory_space<hbm>>
      %dma_start3A_450 = tpu.memref_squeeze %dma_start3A_449 : memref<1x64x144xf32, #tpu.memory_space<hbm>> -> memref<64x144xf32, #tpu.memory_space<hbm>>
      %dma_start3A_451 = arith.constant 0 : i32
      %dma_start3A_452 = tpu.memref_slice %arg16[%add3A_434, %dma_start3A_451] : memref<10112x144xf32, #tpu.memory_space<vmem_shared>> -> memref<64x144xf32, #tpu.memory_space<vmem_shared>>
      tpu.enqueue_dma source(%dma_start3A_452 : memref<64x144xf32, #tpu.memory_space<vmem_shared>>) target(%dma_start3A_450 : memref<64x144xf32, #tpu.memory_space<hbm>>) target_semaphore(%run_scoped3A_447 : memref<!tpu.dma_semaphore, #tpu.memory_space<semaphore_mem>>)
      %dma_wait3A_453 = arith.constant 0 : i32
      %dma_wait3A_454 = tpu.memref_slice %arg5[%arg0, %add3A_434, %dma_wait3A_453] : memref<2x10112x144xf32, #tpu.memory_space<hbm>> -> memref<1x64x144xf32, #tpu.memory_space<hbm>>
      %dma_wait3A_455 = tpu.memref_squeeze %dma_wait3A_454 : memref<1x64x144xf32, #tpu.memory_space<hbm>> -> memref<64x144xf32, #tpu.memory_space<hbm>>
      %dma_wait3A_456 = arith.constant 0 : i32
      %dma_wait3A_457 = tpu.memref_slice %arg16[%add3A_434, %dma_wait3A_456] : memref<10112x144xf32, #tpu.memory_space<vmem_shared>> -> memref<64x144xf32, #tpu.memory_space<vmem_shared>>
      tpu.wait_dma2 semaphore(%run_scoped3A_447 : memref<!tpu.dma_semaphore, #tpu.memory_space<semaphore_mem>>) src(%dma_wait3A_457 : memref<64x144xf32, #tpu.memory_space<vmem_shared>>) dst(%dma_wait3A_455 : memref<64x144xf32, #tpu.memory_space<hbm>>)
      tpu.yield
    }) : () -> ()
    %mul3A_435 = arith.constant 632 : i32
    %mul3A_436 = arith.muli %arg1, %mul3A_435 : i32
    %add3A_437 = arith.constant 448 : i32
    %add3A_438 = arith.addi %mul3A_436, %add3A_437 : i32
    "tpu.region"() ({
      %run_scoped3A_447 = tpu.sem_alloc : memref<!tpu.dma_semaphore, #tpu.memory_space<semaphore_mem>>
      %dma_start3A_448 = arith.constant 0 : i32
      %dma_start3A_449 = tpu.memref_slice %arg5[%arg0, %add3A_438, %dma_start3A_448] : memref<2x10112x144xf32, #tpu.memory_space<hbm>> -> memref<1x64x144xf32, #tpu.memory_space<hbm>>
      %dma_start3A_450 = tpu.memref_squeeze %dma_start3A_449 : memref<1x64x144xf32, #tpu.memory_space<hbm>> -> memref<64x144xf32, #tpu.memory_space<hbm>>
      %dma_start3A_451 = arith.constant 0 : i32
      %dma_start3A_452 = tpu.memref_slice %arg16[%add3A_438, %dma_start3A_451] : memref<10112x144xf32, #tpu.memory_space<vmem_shared>> -> memref<64x144xf32, #tpu.memory_space<vmem_shared>>
      tpu.enqueue_dma source(%dma_start3A_452 : memref<64x144xf32, #tpu.memory_space<vmem_shared>>) target(%dma_start3A_450 : memref<64x144xf32, #tpu.memory_space<hbm>>) target_semaphore(%run_scoped3A_447 : memref<!tpu.dma_semaphore, #tpu.memory_space<semaphore_mem>>)
      %dma_wait3A_453 = arith.constant 0 : i32
      %dma_wait3A_454 = tpu.memref_slice %arg5[%arg0, %add3A_438, %dma_wait3A_453] : memref<2x10112x144xf32, #tpu.memory_space<hbm>> -> memref<1x64x144xf32, #tpu.memory_space<hbm>>
      %dma_wait3A_455 = tpu.memref_squeeze %dma_wait3A_454 : memref<1x64x144xf32, #tpu.memory_space<hbm>> -> memref<64x144xf32, #tpu.memory_space<hbm>>
      %dma_wait3A_456 = arith.constant 0 : i32
      %dma_wait3A_457 = tpu.memref_slice %arg16[%add3A_438, %dma_wait3A_456] : memref<10112x144xf32, #tpu.memory_space<vmem_shared>> -> memref<64x144xf32, #tpu.memory_space<vmem_shared>>
      tpu.wait_dma2 semaphore(%run_scoped3A_447 : memref<!tpu.dma_semaphore, #tpu.memory_space<semaphore_mem>>) src(%dma_wait3A_457 : memref<64x144xf32, #tpu.memory_space<vmem_shared>>) dst(%dma_wait3A_455 : memref<64x144xf32, #tpu.memory_space<hbm>>)
      tpu.yield
    }) : () -> ()
    %mul3A_439 = arith.constant 632 : i32
    %mul3A_440 = arith.muli %arg1, %mul3A_439 : i32
    %add3A_441 = arith.constant 512 : i32
    %add3A_442 = arith.addi %mul3A_440, %add3A_441 : i32
    "tpu.region"() ({
      %run_scoped3A_447 = tpu.sem_alloc : memref<!tpu.dma_semaphore, #tpu.memory_space<semaphore_mem>>
      %dma_start3A_448 = arith.constant 0 : i32
      %dma_start3A_449 = tpu.memref_slice %arg5[%arg0, %add3A_442, %dma_start3A_448] : memref<2x10112x144xf32, #tpu.memory_space<hbm>> -> memref<1x64x144xf32, #tpu.memory_space<hbm>>
      %dma_start3A_450 = tpu.memref_squeeze %dma_start3A_449 : memref<1x64x144xf32, #tpu.memory_space<hbm>> -> memref<64x144xf32, #tpu.memory_space<hbm>>
      %dma_start3A_451 = arith.constant 0 : i32
      %dma_start3A_452 = tpu.memref_slice %arg16[%add3A_442, %dma_start3A_451] : memref<10112x144xf32, #tpu.memory_space<vmem_shared>> -> memref<64x144xf32, #tpu.memory_space<vmem_shared>>
      tpu.enqueue_dma source(%dma_start3A_452 : memref<64x144xf32, #tpu.memory_space<vmem_shared>>) target(%dma_start3A_450 : memref<64x144xf32, #tpu.memory_space<hbm>>) target_semaphore(%run_scoped3A_447 : memref<!tpu.dma_semaphore, #tpu.memory_space<semaphore_mem>>)
      %dma_wait3A_453 = arith.constant 0 : i32
      %dma_wait3A_454 = tpu.memref_slice %arg5[%arg0, %add3A_442, %dma_wait3A_453] : memref<2x10112x144xf32, #tpu.memory_space<hbm>> -> memref<1x64x144xf32, #tpu.memory_space<hbm>>
      %dma_wait3A_455 = tpu.memref_squeeze %dma_wait3A_454 : memref<1x64x144xf32, #tpu.memory_space<hbm>> -> memref<64x144xf32, #tpu.memory_space<hbm>>
      %dma_wait3A_456 = arith.constant 0 : i32
      %dma_wait3A_457 = tpu.memref_slice %arg16[%add3A_442, %dma_wait3A_456] : memref<10112x144xf32, #tpu.memory_space<vmem_shared>> -> memref<64x144xf32, #tpu.memory_space<vmem_shared>>
      tpu.wait_dma2 semaphore(%run_scoped3A_447 : memref<!tpu.dma_semaphore, #tpu.memory_space<semaphore_mem>>) src(%dma_wait3A_457 : memref<64x144xf32, #tpu.memory_space<vmem_shared>>) dst(%dma_wait3A_455 : memref<64x144xf32, #tpu.memory_space<hbm>>)
      tpu.yield
    }) : () -> ()
    %mul3A_443 = arith.constant 632 : i32
    %mul3A_444 = arith.muli %arg1, %mul3A_443 : i32
    %add3A_445 = arith.constant 576 : i32
    %add3A_446 = arith.addi %mul3A_444, %add3A_445 : i32
    "tpu.region"() ({
      %run_scoped3A_447 = tpu.sem_alloc : memref<!tpu.dma_semaphore, #tpu.memory_space<semaphore_mem>>
      %dma_start3A_448 = arith.constant 0 : i32
      %dma_start3A_449 = tpu.memref_slice %arg5[%arg0, %add3A_446, %dma_start3A_448] : memref<2x10112x144xf32, #tpu.memory_space<hbm>> -> memref<1x56x144xf32, #tpu.memory_space<hbm>>
      %dma_start3A_450 = tpu.memref_squeeze %dma_start3A_449 : memref<1x56x144xf32, #tpu.memory_space<hbm>> -> memref<56x144xf32, #tpu.memory_space<hbm>>
      %dma_start3A_451 = arith.constant 0 : i32
      %dma_start3A_452 = tpu.memref_slice %arg16[%add3A_446, %dma_start3A_451] : memref<10112x144xf32, #tpu.memory_space<vmem_shared>> -> memref<56x144xf32, #tpu.memory_space<vmem_shared>>
      tpu.enqueue_dma source(%dma_start3A_452 : memref<56x144xf32, #tpu.memory_space<vmem_shared>>) target(%dma_start3A_450 : memref<56x144xf32, #tpu.memory_space<hbm>>) target_semaphore(%run_scoped3A_447 : memref<!tpu.dma_semaphore, #tpu.memory_space<semaphore_mem>>)
      %dma_wait3A_453 = arith.constant 0 : i32
      %dma_wait3A_454 = tpu.memref_slice %arg5[%arg0, %add3A_446, %dma_wait3A_453] : memref<2x10112x144xf32, #tpu.memory_space<hbm>> -> memref<1x56x144xf32, #tpu.memory_space<hbm>>
      %dma_wait3A_455 = tpu.memref_squeeze %dma_wait3A_454 : memref<1x56x144xf32, #tpu.memory_space<hbm>> -> memref<56x144xf32, #tpu.memory_space<hbm>>
      %dma_wait3A_456 = arith.constant 0 : i32
      %dma_wait3A_457 = tpu.memref_slice %arg16[%add3A_446, %dma_wait3A_456] : memref<10112x144xf32, #tpu.memory_space<vmem_shared>> -> memref<56x144xf32, #tpu.memory_space<vmem_shared>>
      tpu.wait_dma2 semaphore(%run_scoped3A_447 : memref<!tpu.dma_semaphore, #tpu.memory_space<semaphore_mem>>) src(%dma_wait3A_457 : memref<56x144xf32, #tpu.memory_space<vmem_shared>>) dst(%dma_wait3A_455 : memref<56x144xf32, #tpu.memory_space<hbm>>)
      tpu.yield
    }) : () -> ()
    return
  }
}

#map = affine_map<(d0, d1) -> (0, 0)>
#map1 = affine_map<(d0, d1) -> (0, 0, 0, 0)>
#map2 = affine_map<(d0, d1) -> (0, 0, 0)>
module attributes {stable_mosaic.version = 14 : i64} {
  func.func @edge_pass(%arg0: i32, %arg1: i32, %arg2: memref<10112x32xf32, #tpu.memory_space<hbm>>, %arg3: memref<10112x16xf32, #tpu.memory_space<hbm>>, %arg4: memref<32x108x2x96xi32, #tpu.memory_space<hbm>>, %arg5: memref<2x10112x32xf32, #tpu.memory_space<hbm>>, %arg6: memref<2x96xi32, #tpu.memory_space<vmem>>, %arg7: memref<2x96xi32, #tpu.memory_space<vmem>>, %arg8: memref<96xi32, #tpu.memory_space<vmem>>, %arg9: memref<96xi32, #tpu.memory_space<vmem>>, %arg10: memref<96x32xf32, #tpu.memory_space<vmem>>, %arg11: memref<96x32xf32, #tpu.memory_space<vmem>>, %arg12: memref<96x16xf32, #tpu.memory_space<vmem>>, %arg13: memref<96x16xf32, #tpu.memory_space<vmem>>, %arg14: memref<96x32xf32, #tpu.memory_space<vmem>>, %arg15: memref<96x32xf32, #tpu.memory_space<vmem>>, %arg16: memref<10112x32xf32, #tpu.memory_space<vmem_shared>>, %arg17: memref<!tpu.dma_semaphore, #tpu.memory_space<semaphore_mem>>, %arg18: memref<!tpu.dma_semaphore, #tpu.memory_space<semaphore_mem>>, %arg19: memref<!tpu.dma_semaphore, #tpu.memory_space<semaphore_mem>>, %arg20: memref<!tpu.dma_semaphore, #tpu.memory_space<semaphore_mem>>, %arg21: memref<!tpu.dma_semaphore, #tpu.memory_space<semaphore_mem>>, %arg22: memref<!tpu.dma_semaphore, #tpu.memory_space<semaphore_mem>>, %arg23: memref<!tpu.dma_semaphore, #tpu.memory_space<semaphore_mem>>, %arg24: memref<!tpu.dma_semaphore, #tpu.memory_space<semaphore_mem>>) attributes {dimension_semantics = [#tpu.dimension_semantics<core_parallel>, #tpu.dimension_semantics<subcore_parallel>], iteration_bounds = array<i64: 2, 16>, scalar_prefetch = 0 : i64, scratch_operands = 19 : i64, tpu.core_type = #tpu.core_type<sc_vector_subcore>, window_params = [{transform_indices = #map}, {transform_indices = #map}, {transform_indices = #map1}, {transform_indices = #map2}]} {
    %mul3A = arith.constant 16 : i32
    %mul3A_0 = arith.muli %arg0, %mul3A : i32
    %add3A = arith.addi %mul3A_0, %arg1 : i32
    %run_scoped3A = arith.constant 0 : i32
    "tpu.region"() ({
      %run_scoped3A_495 = tpu.sem_alloc : memref<!tpu.dma_semaphore, #tpu.memory_space<semaphore_mem>>
      %dma_start3A_496 = arith.constant 0 : i32
      %dma_start3A_497 = arith.constant 0 : i32
      %dma_start3A_498 = tpu.memref_slice %arg4[%add3A, %run_scoped3A, %dma_start3A_496, %dma_start3A_497] : memref<32x108x2x96xi32, #tpu.memory_space<hbm>> -> memref<1x1x2x96xi32, #tpu.memory_space<hbm>>
      %dma_start3A_499 = tpu.memref_squeeze %dma_start3A_498 : memref<1x1x2x96xi32, #tpu.memory_space<hbm>> -> memref<2x96xi32, #tpu.memory_space<hbm>>
      %dma_start3A_500 = arith.constant 0 : i32
      %dma_start3A_501 = arith.constant 0 : i32
      %dma_start3A_502 = tpu.memref_slice %arg4[%add3A, %run_scoped3A, %dma_start3A_500, %dma_start3A_501] : memref<32x108x2x96xi32, #tpu.memory_space<hbm>> -> memref<1x1x2x96xi32, #tpu.memory_space<hbm>>
      %dma_start3A_503 = tpu.memref_squeeze %dma_start3A_502 : memref<1x1x2x96xi32, #tpu.memory_space<hbm>> -> memref<2x96xi32, #tpu.memory_space<hbm>>
      tpu.enqueue_dma source(%dma_start3A_503 : memref<2x96xi32, #tpu.memory_space<hbm>>) target(%arg6 : memref<2x96xi32, #tpu.memory_space<vmem>>) target_semaphore(%run_scoped3A_495 : memref<!tpu.dma_semaphore, #tpu.memory_space<semaphore_mem>>)
      %dma_wait3A_504 = arith.constant 0 : i32
      %dma_wait3A_505 = arith.constant 0 : i32
      %dma_wait3A_506 = tpu.memref_slice %arg4[%add3A, %run_scoped3A, %dma_wait3A_504, %dma_wait3A_505] : memref<32x108x2x96xi32, #tpu.memory_space<hbm>> -> memref<1x1x2x96xi32, #tpu.memory_space<hbm>>
      %dma_wait3A_507 = tpu.memref_squeeze %dma_wait3A_506 : memref<1x1x2x96xi32, #tpu.memory_space<hbm>> -> memref<2x96xi32, #tpu.memory_space<hbm>>
      %dma_wait3A_508 = arith.constant 0 : i32
      %dma_wait3A_509 = arith.constant 0 : i32
      %dma_wait3A_510 = tpu.memref_slice %arg4[%add3A, %run_scoped3A, %dma_wait3A_508, %dma_wait3A_509] : memref<32x108x2x96xi32, #tpu.memory_space<hbm>> -> memref<1x1x2x96xi32, #tpu.memory_space<hbm>>
      %dma_wait3A_511 = tpu.memref_squeeze %dma_wait3A_510 : memref<1x1x2x96xi32, #tpu.memory_space<hbm>> -> memref<2x96xi32, #tpu.memory_space<hbm>>
      tpu.wait_dma2 semaphore(%run_scoped3A_495 : memref<!tpu.dma_semaphore, #tpu.memory_space<semaphore_mem>>) src(%dma_wait3A_511 : memref<2x96xi32, #tpu.memory_space<hbm>>) dst(%arg6 : memref<2x96xi32, #tpu.memory_space<vmem>>)
      tpu.yield
    }) : () -> ()
    %dma_start3A = arith.constant 0 : i32
    %dma_start3A_1 = arith.constant 0 : i32
    %dma_start3A_2 = tpu.memref_slice %arg6[%dma_start3A, %dma_start3A_1] : memref<2x96xi32, #tpu.memory_space<vmem>> -> memref<1x96xi32, #tpu.memory_space<vmem>>
    %dma_start3A_3 = tpu.memref_squeeze %dma_start3A_2 : memref<1x96xi32, #tpu.memory_space<vmem>> -> memref<96xi32, #tpu.memory_space<vmem>>
    %dma_start3A_4 = arith.constant 0 : i32
    %dma_start3A_5 = arith.constant 0 : i32
    %dma_start3A_6 = tpu.memref_slice %arg2[%dma_start3A_4, %dma_start3A_5] : memref<10112x32xf32, #tpu.memory_space<hbm>> -> memref<10112x32xf32, #tpu.memory_space<hbm>>
    tpu.enqueue_indirect_dma source(%dma_start3A_6 : memref<10112x32xf32, #tpu.memory_space<hbm>>) target(%arg10 : memref<96x32xf32, #tpu.memory_space<vmem>>) offsets(%dma_start3A_3 : memref<96xi32, #tpu.memory_space<vmem>>) semaphore(%arg17 : memref<!tpu.dma_semaphore, #tpu.memory_space<semaphore_mem>>)
    %dma_start3A_7 = arith.constant 1 : i32
    %dma_start3A_8 = arith.constant 0 : i32
    %dma_start3A_9 = tpu.memref_slice %arg6[%dma_start3A_7, %dma_start3A_8] : memref<2x96xi32, #tpu.memory_space<vmem>> -> memref<1x96xi32, #tpu.memory_space<vmem>>
    %dma_start3A_10 = tpu.memref_squeeze %dma_start3A_9 : memref<1x96xi32, #tpu.memory_space<vmem>> -> memref<96xi32, #tpu.memory_space<vmem>>
    %dma_start3A_11 = arith.constant 0 : i32
    %dma_start3A_12 = arith.constant 0 : i32
    %dma_start3A_13 = tpu.memref_slice %arg3[%dma_start3A_11, %dma_start3A_12] : memref<10112x16xf32, #tpu.memory_space<hbm>> -> memref<10112x16xf32, #tpu.memory_space<hbm>>
    tpu.enqueue_indirect_dma source(%dma_start3A_13 : memref<10112x16xf32, #tpu.memory_space<hbm>>) target(%arg12 : memref<96x16xf32, #tpu.memory_space<vmem>>) offsets(%dma_start3A_10 : memref<96xi32, #tpu.memory_space<vmem>>) semaphore(%arg19 : memref<!tpu.dma_semaphore, #tpu.memory_space<semaphore_mem>>)
    %dma_start3A_14 = arith.constant 1 : i32
    %dma_start3A_15 = arith.constant 0 : i32
    %dma_start3A_16 = arith.constant 0 : i32
    %dma_start3A_17 = tpu.memref_slice %arg4[%add3A, %dma_start3A_14, %dma_start3A_15, %dma_start3A_16] : memref<32x108x2x96xi32, #tpu.memory_space<hbm>> -> memref<1x1x2x96xi32, #tpu.memory_space<hbm>>
    %dma_start3A_18 = tpu.memref_squeeze %dma_start3A_17 : memref<1x1x2x96xi32, #tpu.memory_space<hbm>> -> memref<2x96xi32, #tpu.memory_space<hbm>>
    %dma_start3A_19 = arith.constant 0 : i32
    %dma_start3A_20 = arith.constant 0 : i32
    %dma_start3A_21 = tpu.memref_slice %arg4[%add3A, %dma_start3A_14, %dma_start3A_19, %dma_start3A_20] : memref<32x108x2x96xi32, #tpu.memory_space<hbm>> -> memref<1x1x2x96xi32, #tpu.memory_space<hbm>>
    %dma_start3A_22 = tpu.memref_squeeze %dma_start3A_21 : memref<1x1x2x96xi32, #tpu.memory_space<hbm>> -> memref<2x96xi32, #tpu.memory_space<hbm>>
    tpu.enqueue_dma source(%dma_start3A_22 : memref<2x96xi32, #tpu.memory_space<hbm>>) target(%arg7 : memref<2x96xi32, #tpu.memory_space<vmem>>) target_semaphore(%arg24 : memref<!tpu.dma_semaphore, #tpu.memory_space<semaphore_mem>>)
    %scan3A = arith.constant 0 : i32
    %scan3A_23 = arith.constant 0 : i32
    %scan3A_24 = arith.constant 96 : i32
    %scan3A_25 = arith.addi %scan3A_23, %scan3A_24 : i32
    %scan3A_26 = arith.constant 1 : i32
    scf.for %scan3A_495 = %scan3A_23 to %scan3A_25 step %scan3A_26  : i32 {
      %broadcast_in_dim3A = arith.constant 0.000000e+00 : f32
      %broadcast_in_dim3A_496 = vector.broadcast %broadcast_in_dim3A : f32 to vector<16xf32>
      %swap3A_497 = arith.index_cast %scan3A_495 : i32 to index
      %swap3A_498 = arith.constant 0 : index
      %swap3A_499 = tpu.vector_load %arg14[%swap3A_497, %swap3A_498] {strides = array<i32>} : memref<96x32xf32, #tpu.memory_space<vmem>>, vector<1x16xf32>,
      %swap3A_500 = vector.shape_cast %swap3A_499 : vector<1x16xf32> to vector<16xf32>
      %swap3A_501 = vector.shape_cast %broadcast_in_dim3A_496 : vector<16xf32> to vector<1x16xf32>
      tpu.vector_store %arg14[%swap3A_497, %swap3A_498], %swap3A_501 {strides = array<i32>} : memref<96x32xf32, #tpu.memory_space<vmem>>, vector<1x16xf32>,
      %broadcast_in_dim3A_502 = arith.constant 0.000000e+00 : f32
      %broadcast_in_dim3A_503 = vector.broadcast %broadcast_in_dim3A_502 : f32 to vector<16xf32>
      %swap3A_504 = arith.index_cast %scan3A_495 : i32 to index
      %swap3A_505 = arith.constant 16 : index
      %swap3A_506 = tpu.vector_load %arg14[%swap3A_504, %swap3A_505] {strides = array<i32>} : memref<96x32xf32, #tpu.memory_space<vmem>>, vector<1x16xf32>,
      %swap3A_507 = vector.shape_cast %swap3A_506 : vector<1x16xf32> to vector<16xf32>
      %swap3A_508 = vector.shape_cast %broadcast_in_dim3A_503 : vector<16xf32> to vector<1x16xf32>
      tpu.vector_store %arg14[%swap3A_504, %swap3A_505], %swap3A_508 {strides = array<i32>} : memref<96x32xf32, #tpu.memory_space<vmem>>, vector<1x16xf32>,
    }
    %scan3A_27 = arith.constant 96 : i32
    %mul3A_28 = arith.constant 632 : i32
    %mul3A_29 = arith.muli %arg1, %mul3A_28 : i32
    %add3A_30 = arith.constant 0 : i32
    %add3A_31 = arith.addi %mul3A_29, %add3A_30 : i32
    "tpu.region"() ({
      %run_scoped3A_495 = tpu.sem_alloc : memref<!tpu.dma_semaphore, #tpu.memory_space<semaphore_mem>>
      %dma_start3A_496 = arith.constant 0 : i32
      %dma_start3A_497 = arith.constant 0 : i32
      %dma_start3A_498 = tpu.memref_slice %arg14[%dma_start3A_496, %dma_start3A_497] : memref<96x32xf32, #tpu.memory_space<vmem>> -> memref<96x32xf32, #tpu.memory_space<vmem>>
      %dma_start3A_499 = arith.constant 0 : i32
      %dma_start3A_500 = tpu.memref_slice %arg16[%add3A_31, %dma_start3A_499] : memref<10112x32xf32, #tpu.memory_space<vmem_shared>> -> memref<96x32xf32, #tpu.memory_space<vmem_shared>>
      %dma_start3A_501 = arith.constant 0 : i32
      %dma_start3A_502 = tpu.memref_slice %arg16[%add3A_31, %dma_start3A_501] : memref<10112x32xf32, #tpu.memory_space<vmem_shared>> -> memref<96x32xf32, #tpu.memory_space<vmem_shared>>
      %dma_start3A_503 = arith.constant 0 : i32
      %dma_start3A_504 = arith.constant 0 : i32
      %dma_start3A_505 = tpu.memref_slice %arg14[%dma_start3A_503, %dma_start3A_504] : memref<96x32xf32, #tpu.memory_space<vmem>> -> memref<96x32xf32, #tpu.memory_space<vmem>>
      tpu.enqueue_dma source(%dma_start3A_505 : memref<96x32xf32, #tpu.memory_space<vmem>>) target(%dma_start3A_502 : memref<96x32xf32, #tpu.memory_space<vmem_shared>>) target_semaphore(%run_scoped3A_495 : memref<!tpu.dma_semaphore, #tpu.memory_space<semaphore_mem>>)
      %dma_wait3A_506 = arith.constant 0 : i32
      %dma_wait3A_507 = arith.constant 0 : i32
      %dma_wait3A_508 = tpu.memref_slice %arg14[%dma_wait3A_506, %dma_wait3A_507] : memref<96x32xf32, #tpu.memory_space<vmem>> -> memref<96x32xf32, #tpu.memory_space<vmem>>
      %dma_wait3A_509 = arith.constant 0 : i32
      %dma_wait3A_510 = tpu.memref_slice %arg16[%add3A_31, %dma_wait3A_509] : memref<10112x32xf32, #tpu.memory_space<vmem_shared>> -> memref<96x32xf32, #tpu.memory_space<vmem_shared>>
      %dma_wait3A_511 = arith.constant 0 : i32
      %dma_wait3A_512 = tpu.memref_slice %arg16[%add3A_31, %dma_wait3A_511] : memref<10112x32xf32, #tpu.memory_space<vmem_shared>> -> memref<96x32xf32, #tpu.memory_space<vmem_shared>>
      %dma_wait3A_513 = arith.constant 0 : i32
      %dma_wait3A_514 = arith.constant 0 : i32
      %dma_wait3A_515 = tpu.memref_slice %arg14[%dma_wait3A_513, %dma_wait3A_514] : memref<96x32xf32, #tpu.memory_space<vmem>> -> memref<96x32xf32, #tpu.memory_space<vmem>>
      tpu.wait_dma2 semaphore(%run_scoped3A_495 : memref<!tpu.dma_semaphore, #tpu.memory_space<semaphore_mem>>) src(%dma_wait3A_515 : memref<96x32xf32, #tpu.memory_space<vmem>>) dst(%dma_wait3A_512 : memref<96x32xf32, #tpu.memory_space<vmem_shared>>)
      tpu.yield
    }) : () -> ()
    %mul3A_32 = arith.constant 632 : i32
    %mul3A_33 = arith.muli %arg1, %mul3A_32 : i32
    %add3A_34 = arith.constant 96 : i32
    %add3A_35 = arith.addi %mul3A_33, %add3A_34 : i32
    "tpu.region"() ({
      %run_scoped3A_495 = tpu.sem_alloc : memref<!tpu.dma_semaphore, #tpu.memory_space<semaphore_mem>>
      %dma_start3A_496 = arith.constant 0 : i32
      %dma_start3A_497 = arith.constant 0 : i32
      %dma_start3A_498 = tpu.memref_slice %arg14[%dma_start3A_496, %dma_start3A_497] : memref<96x32xf32, #tpu.memory_space<vmem>> -> memref<96x32xf32, #tpu.memory_space<vmem>>
      %dma_start3A_499 = arith.constant 0 : i32
      %dma_start3A_500 = tpu.memref_slice %arg16[%add3A_35, %dma_start3A_499] : memref<10112x32xf32, #tpu.memory_space<vmem_shared>> -> memref<96x32xf32, #tpu.memory_space<vmem_shared>>
      %dma_start3A_501 = arith.constant 0 : i32
      %dma_start3A_502 = tpu.memref_slice %arg16[%add3A_35, %dma_start3A_501] : memref<10112x32xf32, #tpu.memory_space<vmem_shared>> -> memref<96x32xf32, #tpu.memory_space<vmem_shared>>
      %dma_start3A_503 = arith.constant 0 : i32
      %dma_start3A_504 = arith.constant 0 : i32
      %dma_start3A_505 = tpu.memref_slice %arg14[%dma_start3A_503, %dma_start3A_504] : memref<96x32xf32, #tpu.memory_space<vmem>> -> memref<96x32xf32, #tpu.memory_space<vmem>>
      tpu.enqueue_dma source(%dma_start3A_505 : memref<96x32xf32, #tpu.memory_space<vmem>>) target(%dma_start3A_502 : memref<96x32xf32, #tpu.memory_space<vmem_shared>>) target_semaphore(%run_scoped3A_495 : memref<!tpu.dma_semaphore, #tpu.memory_space<semaphore_mem>>)
      %dma_wait3A_506 = arith.constant 0 : i32
      %dma_wait3A_507 = arith.constant 0 : i32
      %dma_wait3A_508 = tpu.memref_slice %arg14[%dma_wait3A_506, %dma_wait3A_507] : memref<96x32xf32, #tpu.memory_space<vmem>> -> memref<96x32xf32, #tpu.memory_space<vmem>>
      %dma_wait3A_509 = arith.constant 0 : i32
      %dma_wait3A_510 = tpu.memref_slice %arg16[%add3A_35, %dma_wait3A_509] : memref<10112x32xf32, #tpu.memory_space<vmem_shared>> -> memref<96x32xf32, #tpu.memory_space<vmem_shared>>
      %dma_wait3A_511 = arith.constant 0 : i32
      %dma_wait3A_512 = tpu.memref_slice %arg16[%add3A_35, %dma_wait3A_511] : memref<10112x32xf32, #tpu.memory_space<vmem_shared>> -> memref<96x32xf32, #tpu.memory_space<vmem_shared>>
      %dma_wait3A_513 = arith.constant 0 : i32
      %dma_wait3A_514 = arith.constant 0 : i32
      %dma_wait3A_515 = tpu.memref_slice %arg14[%dma_wait3A_513, %dma_wait3A_514] : memref<96x32xf32, #tpu.memory_space<vmem>> -> memref<96x32xf32, #tpu.memory_space<vmem>>
      tpu.wait_dma2 semaphore(%run_scoped3A_495 : memref<!tpu.dma_semaphore, #tpu.memory_space<semaphore_mem>>) src(%dma_wait3A_515 : memref<96x32xf32, #tpu.memory_space<vmem>>) dst(%dma_wait3A_512 : memref<96x32xf32, #tpu.memory_space<vmem_shared>>)
      tpu.yield
    }) : () -> ()
    %mul3A_36 = arith.constant 632 : i32
    %mul3A_37 = arith.muli %arg1, %mul3A_36 : i32
    %add3A_38 = arith.constant 192 : i32
    %add3A_39 = arith.addi %mul3A_37, %add3A_38 : i32
    "tpu.region"() ({
      %run_scoped3A_495 = tpu.sem_alloc : memref<!tpu.dma_semaphore, #tpu.memory_space<semaphore_mem>>
      %dma_start3A_496 = arith.constant 0 : i32
      %dma_start3A_497 = arith.constant 0 : i32
      %dma_start3A_498 = tpu.memref_slice %arg14[%dma_start3A_496, %dma_start3A_497] : memref<96x32xf32, #tpu.memory_space<vmem>> -> memref<96x32xf32, #tpu.memory_space<vmem>>
      %dma_start3A_499 = arith.constant 0 : i32
      %dma_start3A_500 = tpu.memref_slice %arg16[%add3A_39, %dma_start3A_499] : memref<10112x32xf32, #tpu.memory_space<vmem_shared>> -> memref<96x32xf32, #tpu.memory_space<vmem_shared>>
      %dma_start3A_501 = arith.constant 0 : i32
      %dma_start3A_502 = tpu.memref_slice %arg16[%add3A_39, %dma_start3A_501] : memref<10112x32xf32, #tpu.memory_space<vmem_shared>> -> memref<96x32xf32, #tpu.memory_space<vmem_shared>>
      %dma_start3A_503 = arith.constant 0 : i32
      %dma_start3A_504 = arith.constant 0 : i32
      %dma_start3A_505 = tpu.memref_slice %arg14[%dma_start3A_503, %dma_start3A_504] : memref<96x32xf32, #tpu.memory_space<vmem>> -> memref<96x32xf32, #tpu.memory_space<vmem>>
      tpu.enqueue_dma source(%dma_start3A_505 : memref<96x32xf32, #tpu.memory_space<vmem>>) target(%dma_start3A_502 : memref<96x32xf32, #tpu.memory_space<vmem_shared>>) target_semaphore(%run_scoped3A_495 : memref<!tpu.dma_semaphore, #tpu.memory_space<semaphore_mem>>)
      %dma_wait3A_506 = arith.constant 0 : i32
      %dma_wait3A_507 = arith.constant 0 : i32
      %dma_wait3A_508 = tpu.memref_slice %arg14[%dma_wait3A_506, %dma_wait3A_507] : memref<96x32xf32, #tpu.memory_space<vmem>> -> memref<96x32xf32, #tpu.memory_space<vmem>>
      %dma_wait3A_509 = arith.constant 0 : i32
      %dma_wait3A_510 = tpu.memref_slice %arg16[%add3A_39, %dma_wait3A_509] : memref<10112x32xf32, #tpu.memory_space<vmem_shared>> -> memref<96x32xf32, #tpu.memory_space<vmem_shared>>
      %dma_wait3A_511 = arith.constant 0 : i32
      %dma_wait3A_512 = tpu.memref_slice %arg16[%add3A_39, %dma_wait3A_511] : memref<10112x32xf32, #tpu.memory_space<vmem_shared>> -> memref<96x32xf32, #tpu.memory_space<vmem_shared>>
      %dma_wait3A_513 = arith.constant 0 : i32
      %dma_wait3A_514 = arith.constant 0 : i32
      %dma_wait3A_515 = tpu.memref_slice %arg14[%dma_wait3A_513, %dma_wait3A_514] : memref<96x32xf32, #tpu.memory_space<vmem>> -> memref<96x32xf32, #tpu.memory_space<vmem>>
      tpu.wait_dma2 semaphore(%run_scoped3A_495 : memref<!tpu.dma_semaphore, #tpu.memory_space<semaphore_mem>>) src(%dma_wait3A_515 : memref<96x32xf32, #tpu.memory_space<vmem>>) dst(%dma_wait3A_512 : memref<96x32xf32, #tpu.memory_space<vmem_shared>>)
      tpu.yield
    }) : () -> ()
    %mul3A_40 = arith.constant 632 : i32
    %mul3A_41 = arith.muli %arg1, %mul3A_40 : i32
    %add3A_42 = arith.constant 288 : i32
    %add3A_43 = arith.addi %mul3A_41, %add3A_42 : i32
    "tpu.region"() ({
      %run_scoped3A_495 = tpu.sem_alloc : memref<!tpu.dma_semaphore, #tpu.memory_space<semaphore_mem>>
      %dma_start3A_496 = arith.constant 0 : i32
      %dma_start3A_497 = arith.constant 0 : i32
      %dma_start3A_498 = tpu.memref_slice %arg14[%dma_start3A_496, %dma_start3A_497] : memref<96x32xf32, #tpu.memory_space<vmem>> -> memref<96x32xf32, #tpu.memory_space<vmem>>
      %dma_start3A_499 = arith.constant 0 : i32
      %dma_start3A_500 = tpu.memref_slice %arg16[%add3A_43, %dma_start3A_499] : memref<10112x32xf32, #tpu.memory_space<vmem_shared>> -> memref<96x32xf32, #tpu.memory_space<vmem_shared>>
      %dma_start3A_501 = arith.constant 0 : i32
      %dma_start3A_502 = tpu.memref_slice %arg16[%add3A_43, %dma_start3A_501] : memref<10112x32xf32, #tpu.memory_space<vmem_shared>> -> memref<96x32xf32, #tpu.memory_space<vmem_shared>>
      %dma_start3A_503 = arith.constant 0 : i32
      %dma_start3A_504 = arith.constant 0 : i32
      %dma_start3A_505 = tpu.memref_slice %arg14[%dma_start3A_503, %dma_start3A_504] : memref<96x32xf32, #tpu.memory_space<vmem>> -> memref<96x32xf32, #tpu.memory_space<vmem>>
      tpu.enqueue_dma source(%dma_start3A_505 : memref<96x32xf32, #tpu.memory_space<vmem>>) target(%dma_start3A_502 : memref<96x32xf32, #tpu.memory_space<vmem_shared>>) target_semaphore(%run_scoped3A_495 : memref<!tpu.dma_semaphore, #tpu.memory_space<semaphore_mem>>)
      %dma_wait3A_506 = arith.constant 0 : i32
      %dma_wait3A_507 = arith.constant 0 : i32
      %dma_wait3A_508 = tpu.memref_slice %arg14[%dma_wait3A_506, %dma_wait3A_507] : memref<96x32xf32, #tpu.memory_space<vmem>> -> memref<96x32xf32, #tpu.memory_space<vmem>>
      %dma_wait3A_509 = arith.constant 0 : i32
      %dma_wait3A_510 = tpu.memref_slice %arg16[%add3A_43, %dma_wait3A_509] : memref<10112x32xf32, #tpu.memory_space<vmem_shared>> -> memref<96x32xf32, #tpu.memory_space<vmem_shared>>
      %dma_wait3A_511 = arith.constant 0 : i32
      %dma_wait3A_512 = tpu.memref_slice %arg16[%add3A_43, %dma_wait3A_511] : memref<10112x32xf32, #tpu.memory_space<vmem_shared>> -> memref<96x32xf32, #tpu.memory_space<vmem_shared>>
      %dma_wait3A_513 = arith.constant 0 : i32
      %dma_wait3A_514 = arith.constant 0 : i32
      %dma_wait3A_515 = tpu.memref_slice %arg14[%dma_wait3A_513, %dma_wait3A_514] : memref<96x32xf32, #tpu.memory_space<vmem>> -> memref<96x32xf32, #tpu.memory_space<vmem>>
      tpu.wait_dma2 semaphore(%run_scoped3A_495 : memref<!tpu.dma_semaphore, #tpu.memory_space<semaphore_mem>>) src(%dma_wait3A_515 : memref<96x32xf32, #tpu.memory_space<vmem>>) dst(%dma_wait3A_512 : memref<96x32xf32, #tpu.memory_space<vmem_shared>>)
      tpu.yield
    }) : () -> ()
    %mul3A_44 = arith.constant 632 : i32
    %mul3A_45 = arith.muli %arg1, %mul3A_44 : i32
    %add3A_46 = arith.constant 384 : i32
    %add3A_47 = arith.addi %mul3A_45, %add3A_46 : i32
    "tpu.region"() ({
      %run_scoped3A_495 = tpu.sem_alloc : memref<!tpu.dma_semaphore, #tpu.memory_space<semaphore_mem>>
      %dma_start3A_496 = arith.constant 0 : i32
      %dma_start3A_497 = arith.constant 0 : i32
      %dma_start3A_498 = tpu.memref_slice %arg14[%dma_start3A_496, %dma_start3A_497] : memref<96x32xf32, #tpu.memory_space<vmem>> -> memref<96x32xf32, #tpu.memory_space<vmem>>
      %dma_start3A_499 = arith.constant 0 : i32
      %dma_start3A_500 = tpu.memref_slice %arg16[%add3A_47, %dma_start3A_499] : memref<10112x32xf32, #tpu.memory_space<vmem_shared>> -> memref<96x32xf32, #tpu.memory_space<vmem_shared>>
      %dma_start3A_501 = arith.constant 0 : i32
      %dma_start3A_502 = tpu.memref_slice %arg16[%add3A_47, %dma_start3A_501] : memref<10112x32xf32, #tpu.memory_space<vmem_shared>> -> memref<96x32xf32, #tpu.memory_space<vmem_shared>>
      %dma_start3A_503 = arith.constant 0 : i32
      %dma_start3A_504 = arith.constant 0 : i32
      %dma_start3A_505 = tpu.memref_slice %arg14[%dma_start3A_503, %dma_start3A_504] : memref<96x32xf32, #tpu.memory_space<vmem>> -> memref<96x32xf32, #tpu.memory_space<vmem>>
      tpu.enqueue_dma source(%dma_start3A_505 : memref<96x32xf32, #tpu.memory_space<vmem>>) target(%dma_start3A_502 : memref<96x32xf32, #tpu.memory_space<vmem_shared>>) target_semaphore(%run_scoped3A_495 : memref<!tpu.dma_semaphore, #tpu.memory_space<semaphore_mem>>)
      %dma_wait3A_506 = arith.constant 0 : i32
      %dma_wait3A_507 = arith.constant 0 : i32
      %dma_wait3A_508 = tpu.memref_slice %arg14[%dma_wait3A_506, %dma_wait3A_507] : memref<96x32xf32, #tpu.memory_space<vmem>> -> memref<96x32xf32, #tpu.memory_space<vmem>>
      %dma_wait3A_509 = arith.constant 0 : i32
      %dma_wait3A_510 = tpu.memref_slice %arg16[%add3A_47, %dma_wait3A_509] : memref<10112x32xf32, #tpu.memory_space<vmem_shared>> -> memref<96x32xf32, #tpu.memory_space<vmem_shared>>
      %dma_wait3A_511 = arith.constant 0 : i32
      %dma_wait3A_512 = tpu.memref_slice %arg16[%add3A_47, %dma_wait3A_511] : memref<10112x32xf32, #tpu.memory_space<vmem_shared>> -> memref<96x32xf32, #tpu.memory_space<vmem_shared>>
      %dma_wait3A_513 = arith.constant 0 : i32
      %dma_wait3A_514 = arith.constant 0 : i32
      %dma_wait3A_515 = tpu.memref_slice %arg14[%dma_wait3A_513, %dma_wait3A_514] : memref<96x32xf32, #tpu.memory_space<vmem>> -> memref<96x32xf32, #tpu.memory_space<vmem>>
      tpu.wait_dma2 semaphore(%run_scoped3A_495 : memref<!tpu.dma_semaphore, #tpu.memory_space<semaphore_mem>>) src(%dma_wait3A_515 : memref<96x32xf32, #tpu.memory_space<vmem>>) dst(%dma_wait3A_512 : memref<96x32xf32, #tpu.memory_space<vmem_shared>>)
      tpu.yield
    }) : () -> ()
    %mul3A_48 = arith.constant 632 : i32
    %mul3A_49 = arith.muli %arg1, %mul3A_48 : i32
    %add3A_50 = arith.constant 480 : i32
    %add3A_51 = arith.addi %mul3A_49, %add3A_50 : i32
    "tpu.region"() ({
      %run_scoped3A_495 = tpu.sem_alloc : memref<!tpu.dma_semaphore, #tpu.memory_space<semaphore_mem>>
      %dma_start3A_496 = arith.constant 0 : i32
      %dma_start3A_497 = arith.constant 0 : i32
      %dma_start3A_498 = tpu.memref_slice %arg14[%dma_start3A_496, %dma_start3A_497] : memref<96x32xf32, #tpu.memory_space<vmem>> -> memref<96x32xf32, #tpu.memory_space<vmem>>
      %dma_start3A_499 = arith.constant 0 : i32
      %dma_start3A_500 = tpu.memref_slice %arg16[%add3A_51, %dma_start3A_499] : memref<10112x32xf32, #tpu.memory_space<vmem_shared>> -> memref<96x32xf32, #tpu.memory_space<vmem_shared>>
      %dma_start3A_501 = arith.constant 0 : i32
      %dma_start3A_502 = tpu.memref_slice %arg16[%add3A_51, %dma_start3A_501] : memref<10112x32xf32, #tpu.memory_space<vmem_shared>> -> memref<96x32xf32, #tpu.memory_space<vmem_shared>>
      %dma_start3A_503 = arith.constant 0 : i32
      %dma_start3A_504 = arith.constant 0 : i32
      %dma_start3A_505 = tpu.memref_slice %arg14[%dma_start3A_503, %dma_start3A_504] : memref<96x32xf32, #tpu.memory_space<vmem>> -> memref<96x32xf32, #tpu.memory_space<vmem>>
      tpu.enqueue_dma source(%dma_start3A_505 : memref<96x32xf32, #tpu.memory_space<vmem>>) target(%dma_start3A_502 : memref<96x32xf32, #tpu.memory_space<vmem_shared>>) target_semaphore(%run_scoped3A_495 : memref<!tpu.dma_semaphore, #tpu.memory_space<semaphore_mem>>)
      %dma_wait3A_506 = arith.constant 0 : i32
      %dma_wait3A_507 = arith.constant 0 : i32
      %dma_wait3A_508 = tpu.memref_slice %arg14[%dma_wait3A_506, %dma_wait3A_507] : memref<96x32xf32, #tpu.memory_space<vmem>> -> memref<96x32xf32, #tpu.memory_space<vmem>>
      %dma_wait3A_509 = arith.constant 0 : i32
      %dma_wait3A_510 = tpu.memref_slice %arg16[%add3A_51, %dma_wait3A_509] : memref<10112x32xf32, #tpu.memory_space<vmem_shared>> -> memref<96x32xf32, #tpu.memory_space<vmem_shared>>
      %dma_wait3A_511 = arith.constant 0 : i32
      %dma_wait3A_512 = tpu.memref_slice %arg16[%add3A_51, %dma_wait3A_511] : memref<10112x32xf32, #tpu.memory_space<vmem_shared>> -> memref<96x32xf32, #tpu.memory_space<vmem_shared>>
      %dma_wait3A_513 = arith.constant 0 : i32
      %dma_wait3A_514 = arith.constant 0 : i32
      %dma_wait3A_515 = tpu.memref_slice %arg14[%dma_wait3A_513, %dma_wait3A_514] : memref<96x32xf32, #tpu.memory_space<vmem>> -> memref<96x32xf32, #tpu.memory_space<vmem>>
      tpu.wait_dma2 semaphore(%run_scoped3A_495 : memref<!tpu.dma_semaphore, #tpu.memory_space<semaphore_mem>>) src(%dma_wait3A_515 : memref<96x32xf32, #tpu.memory_space<vmem>>) dst(%dma_wait3A_512 : memref<96x32xf32, #tpu.memory_space<vmem_shared>>)
      tpu.yield
    }) : () -> ()
    %mul3A_52 = arith.constant 632 : i32
    %mul3A_53 = arith.muli %arg1, %mul3A_52 : i32
    %add3A_54 = arith.constant 576 : i32
    %add3A_55 = arith.addi %mul3A_53, %add3A_54 : i32
    "tpu.region"() ({
      %run_scoped3A_495 = tpu.sem_alloc : memref<!tpu.dma_semaphore, #tpu.memory_space<semaphore_mem>>
      %dma_start3A_496 = arith.constant 0 : i32
      %dma_start3A_497 = arith.constant 0 : i32
      %dma_start3A_498 = tpu.memref_slice %arg14[%dma_start3A_496, %dma_start3A_497] : memref<96x32xf32, #tpu.memory_space<vmem>> -> memref<56x32xf32, #tpu.memory_space<vmem>>
      %dma_start3A_499 = arith.constant 0 : i32
      %dma_start3A_500 = tpu.memref_slice %arg16[%add3A_55, %dma_start3A_499] : memref<10112x32xf32, #tpu.memory_space<vmem_shared>> -> memref<56x32xf32, #tpu.memory_space<vmem_shared>>
      %dma_start3A_501 = arith.constant 0 : i32
      %dma_start3A_502 = tpu.memref_slice %arg16[%add3A_55, %dma_start3A_501] : memref<10112x32xf32, #tpu.memory_space<vmem_shared>> -> memref<56x32xf32, #tpu.memory_space<vmem_shared>>
      %dma_start3A_503 = arith.constant 0 : i32
      %dma_start3A_504 = arith.constant 0 : i32
      %dma_start3A_505 = tpu.memref_slice %arg14[%dma_start3A_503, %dma_start3A_504] : memref<96x32xf32, #tpu.memory_space<vmem>> -> memref<56x32xf32, #tpu.memory_space<vmem>>
      tpu.enqueue_dma source(%dma_start3A_505 : memref<56x32xf32, #tpu.memory_space<vmem>>) target(%dma_start3A_502 : memref<56x32xf32, #tpu.memory_space<vmem_shared>>) target_semaphore(%run_scoped3A_495 : memref<!tpu.dma_semaphore, #tpu.memory_space<semaphore_mem>>)
      %dma_wait3A_506 = arith.constant 0 : i32
      %dma_wait3A_507 = arith.constant 0 : i32
      %dma_wait3A_508 = tpu.memref_slice %arg14[%dma_wait3A_506, %dma_wait3A_507] : memref<96x32xf32, #tpu.memory_space<vmem>> -> memref<56x32xf32, #tpu.memory_space<vmem>>
      %dma_wait3A_509 = arith.constant 0 : i32
      %dma_wait3A_510 = tpu.memref_slice %arg16[%add3A_55, %dma_wait3A_509] : memref<10112x32xf32, #tpu.memory_space<vmem_shared>> -> memref<56x32xf32, #tpu.memory_space<vmem_shared>>
      %dma_wait3A_511 = arith.constant 0 : i32
      %dma_wait3A_512 = tpu.memref_slice %arg16[%add3A_55, %dma_wait3A_511] : memref<10112x32xf32, #tpu.memory_space<vmem_shared>> -> memref<56x32xf32, #tpu.memory_space<vmem_shared>>
      %dma_wait3A_513 = arith.constant 0 : i32
      %dma_wait3A_514 = arith.constant 0 : i32
      %dma_wait3A_515 = tpu.memref_slice %arg14[%dma_wait3A_513, %dma_wait3A_514] : memref<96x32xf32, #tpu.memory_space<vmem>> -> memref<56x32xf32, #tpu.memory_space<vmem>>
      tpu.wait_dma2 semaphore(%run_scoped3A_495 : memref<!tpu.dma_semaphore, #tpu.memory_space<semaphore_mem>>) src(%dma_wait3A_515 : memref<56x32xf32, #tpu.memory_space<vmem>>) dst(%dma_wait3A_512 : memref<56x32xf32, #tpu.memory_space<vmem_shared>>)
      tpu.yield
    }) : () -> ()
    %barrier3A = arith.constant 0 : index
    tpu.barrier barrier_id(%barrier3A)
    %dma_wait3A = arith.constant 0 : i32
    %dma_wait3A_56 = arith.constant 0 : i32
    %dma_wait3A_57 = arith.constant 0 : i32
    %dma_wait3A_58 = tpu.memref_slice %arg4[%add3A, %dma_wait3A, %dma_wait3A_56, %dma_wait3A_57] : memref<32x108x2x96xi32, #tpu.memory_space<hbm>> -> memref<1x1x2x96xi32, #tpu.memory_space<hbm>>
    %dma_wait3A_59 = tpu.memref_squeeze %dma_wait3A_58 : memref<1x1x2x96xi32, #tpu.memory_space<hbm>> -> memref<2x96xi32, #tpu.memory_space<hbm>>
    %dma_wait3A_60 = arith.constant 0 : i32
    %dma_wait3A_61 = arith.constant 0 : i32
    %dma_wait3A_62 = tpu.memref_slice %arg4[%add3A, %dma_wait3A, %dma_wait3A_60, %dma_wait3A_61] : memref<32x108x2x96xi32, #tpu.memory_space<hbm>> -> memref<1x1x2x96xi32, #tpu.memory_space<hbm>>
    %dma_wait3A_63 = tpu.memref_squeeze %dma_wait3A_62 : memref<1x1x2x96xi32, #tpu.memory_space<hbm>> -> memref<2x96xi32, #tpu.memory_space<hbm>>
    tpu.wait_dma2 semaphore(%arg24 : memref<!tpu.dma_semaphore, #tpu.memory_space<semaphore_mem>>) src(%dma_wait3A_63 : memref<2x96xi32, #tpu.memory_space<hbm>>) dst(%arg7 : memref<2x96xi32, #tpu.memory_space<vmem>>)
    %dma_start3A_64 = arith.constant 0 : i32
    %dma_start3A_65 = arith.constant 0 : i32
    %dma_start3A_66 = tpu.memref_slice %arg7[%dma_start3A_64, %dma_start3A_65] : memref<2x96xi32, #tpu.memory_space<vmem>> -> memref<1x96xi32, #tpu.memory_space<vmem>>
    %dma_start3A_67 = tpu.memref_squeeze %dma_start3A_66 : memref<1x96xi32, #tpu.memory_space<vmem>> -> memref<96xi32, #tpu.memory_space<vmem>>
    %dma_start3A_68 = arith.constant 0 : i32
    %dma_start3A_69 = arith.constant 0 : i32
    %dma_start3A_70 = tpu.memref_slice %arg2[%dma_start3A_68, %dma_start3A_69] : memref<10112x32xf32, #tpu.memory_space<hbm>> -> memref<10112x32xf32, #tpu.memory_space<hbm>>
    tpu.enqueue_indirect_dma source(%dma_start3A_70 : memref<10112x32xf32, #tpu.memory_space<hbm>>) target(%arg11 : memref<96x32xf32, #tpu.memory_space<vmem>>) offsets(%dma_start3A_67 : memref<96xi32, #tpu.memory_space<vmem>>) semaphore(%arg18 : memref<!tpu.dma_semaphore, #tpu.memory_space<semaphore_mem>>)
    %dma_start3A_71 = arith.constant 1 : i32
    %dma_start3A_72 = arith.constant 0 : i32
    %dma_start3A_73 = tpu.memref_slice %arg7[%dma_start3A_71, %dma_start3A_72] : memref<2x96xi32, #tpu.memory_space<vmem>> -> memref<1x96xi32, #tpu.memory_space<vmem>>
    %dma_start3A_74 = tpu.memref_squeeze %dma_start3A_73 : memref<1x96xi32, #tpu.memory_space<vmem>> -> memref<96xi32, #tpu.memory_space<vmem>>
    %dma_start3A_75 = arith.constant 0 : i32
    %dma_start3A_76 = arith.constant 0 : i32
    %dma_start3A_77 = tpu.memref_slice %arg3[%dma_start3A_75, %dma_start3A_76] : memref<10112x16xf32, #tpu.memory_space<hbm>> -> memref<10112x16xf32, #tpu.memory_space<hbm>>
    tpu.enqueue_indirect_dma source(%dma_start3A_77 : memref<10112x16xf32, #tpu.memory_space<hbm>>) target(%arg13 : memref<96x16xf32, #tpu.memory_space<vmem>>) offsets(%dma_start3A_74 : memref<96xi32, #tpu.memory_space<vmem>>) semaphore(%arg20 : memref<!tpu.dma_semaphore, #tpu.memory_space<semaphore_mem>>)
    %dma_wait3A_78 = arith.constant 0 : i32
    %dma_wait3A_79 = arith.constant 0 : i32
    %dma_wait3A_80 = tpu.memref_slice %arg6[%dma_wait3A_78, %dma_wait3A_79] : memref<2x96xi32, #tpu.memory_space<vmem>> -> memref<1x96xi32, #tpu.memory_space<vmem>>
    %dma_wait3A_81 = tpu.memref_squeeze %dma_wait3A_80 : memref<1x96xi32, #tpu.memory_space<vmem>> -> memref<96xi32, #tpu.memory_space<vmem>>
    %dma_wait3A_82 = arith.constant 0 : i32
    %dma_wait3A_83 = arith.constant 0 : i32
    %dma_wait3A_84 = tpu.memref_slice %arg2[%dma_wait3A_82, %dma_wait3A_83] : memref<10112x32xf32, #tpu.memory_space<hbm>> -> memref<10112x32xf32, #tpu.memory_space<hbm>>
    tpu.wait_indirect_dma semaphore(%arg17 : memref<!tpu.dma_semaphore, #tpu.memory_space<semaphore_mem>>) src(%dma_wait3A_84 : memref<10112x32xf32, #tpu.memory_space<hbm>>) dst(%arg10 : memref<96x32xf32, #tpu.memory_space<vmem>>)
    %dma_wait3A_85 = arith.constant 1 : i32
    %dma_wait3A_86 = arith.constant 0 : i32
    %dma_wait3A_87 = tpu.memref_slice %arg6[%dma_wait3A_85, %dma_wait3A_86] : memref<2x96xi32, #tpu.memory_space<vmem>> -> memref<1x96xi32, #tpu.memory_space<vmem>>
    %dma_wait3A_88 = tpu.memref_squeeze %dma_wait3A_87 : memref<1x96xi32, #tpu.memory_space<vmem>> -> memref<96xi32, #tpu.memory_space<vmem>>
    %dma_wait3A_89 = arith.constant 0 : i32
    %dma_wait3A_90 = arith.constant 0 : i32
    %dma_wait3A_91 = tpu.memref_slice %arg3[%dma_wait3A_89, %dma_wait3A_90] : memref<10112x16xf32, #tpu.memory_space<hbm>> -> memref<10112x16xf32, #tpu.memory_space<hbm>>
    tpu.wait_indirect_dma semaphore(%arg19 : memref<!tpu.dma_semaphore, #tpu.memory_space<semaphore_mem>>) src(%dma_wait3A_91 : memref<10112x16xf32, #tpu.memory_space<hbm>>) dst(%arg12 : memref<96x16xf32, #tpu.memory_space<vmem>>)
    %get3A = arith.constant 1 : i32
    %get3A_92 = arith.index_cast %get3A : i32 to index
    %get3A_93 = arith.constant 0 : index
    %get3A_94 = tpu.vector_load %arg6[%get3A_92, %get3A_93] {strides = array<i32>} : memref<2x96xi32, #tpu.memory_space<vmem>>, vector<1x16xi32>,
    %get3A_95 = vector.shape_cast %get3A_94 : vector<1x16xi32> to vector<16xi32>
    %swap3A = arith.constant 0 : index
    %swap3A_96 = tpu.vector_load %arg8[%swap3A] {strides = array<i32>} : memref<96xi32, #tpu.memory_space<vmem>>, vector<16xi32>,
    %swap3A_97 = vector.shape_cast %swap3A_96 : vector<16xi32> to vector<16xi32>
    %swap3A_98 = vector.shape_cast %get3A_95 : vector<16xi32> to vector<16xi32>
    tpu.vector_store %arg8[%swap3A], %swap3A_98 {strides = array<i32>} : memref<96xi32, #tpu.memory_space<vmem>>, vector<16xi32>,
    %get3A_99 = arith.constant 1 : i32
    %get3A_100 = arith.index_cast %get3A_99 : i32 to index
    %get3A_101 = arith.constant 16 : index
    %get3A_102 = tpu.vector_load %arg6[%get3A_100, %get3A_101] {strides = array<i32>} : memref<2x96xi32, #tpu.memory_space<vmem>>, vector<1x16xi32>,
    %get3A_103 = vector.shape_cast %get3A_102 : vector<1x16xi32> to vector<16xi32>
    %swap3A_104 = arith.constant 16 : index
    %swap3A_105 = tpu.vector_load %arg8[%swap3A_104] {strides = array<i32>} : memref<96xi32, #tpu.memory_space<vmem>>, vector<16xi32>,
    %swap3A_106 = vector.shape_cast %swap3A_105 : vector<16xi32> to vector<16xi32>
    %swap3A_107 = vector.shape_cast %get3A_103 : vector<16xi32> to vector<16xi32>
    tpu.vector_store %arg8[%swap3A_104], %swap3A_107 {strides = array<i32>} : memref<96xi32, #tpu.memory_space<vmem>>, vector<16xi32>,
    %get3A_108 = arith.constant 1 : i32
    %get3A_109 = arith.index_cast %get3A_108 : i32 to index
    %get3A_110 = arith.constant 32 : index
    %get3A_111 = tpu.vector_load %arg6[%get3A_109, %get3A_110] {strides = array<i32>} : memref<2x96xi32, #tpu.memory_space<vmem>>, vector<1x16xi32>,
    %get3A_112 = vector.shape_cast %get3A_111 : vector<1x16xi32> to vector<16xi32>
    %swap3A_113 = arith.constant 32 : index
    %swap3A_114 = tpu.vector_load %arg8[%swap3A_113] {strides = array<i32>} : memref<96xi32, #tpu.memory_space<vmem>>, vector<16xi32>,
    %swap3A_115 = vector.shape_cast %swap3A_114 : vector<16xi32> to vector<16xi32>
    %swap3A_116 = vector.shape_cast %get3A_112 : vector<16xi32> to vector<16xi32>
    tpu.vector_store %arg8[%swap3A_113], %swap3A_116 {strides = array<i32>} : memref<96xi32, #tpu.memory_space<vmem>>, vector<16xi32>,
    %get3A_117 = arith.constant 1 : i32
    %get3A_118 = arith.index_cast %get3A_117 : i32 to index
    %get3A_119 = arith.constant 48 : index
    %get3A_120 = tpu.vector_load %arg6[%get3A_118, %get3A_119] {strides = array<i32>} : memref<2x96xi32, #tpu.memory_space<vmem>>, vector<1x16xi32>,
    %get3A_121 = vector.shape_cast %get3A_120 : vector<1x16xi32> to vector<16xi32>
    %swap3A_122 = arith.constant 48 : index
    %swap3A_123 = tpu.vector_load %arg8[%swap3A_122] {strides = array<i32>} : memref<96xi32, #tpu.memory_space<vmem>>, vector<16xi32>,
    %swap3A_124 = vector.shape_cast %swap3A_123 : vector<16xi32> to vector<16xi32>
    %swap3A_125 = vector.shape_cast %get3A_121 : vector<16xi32> to vector<16xi32>
    tpu.vector_store %arg8[%swap3A_122], %swap3A_125 {strides = array<i32>} : memref<96xi32, #tpu.memory_space<vmem>>, vector<16xi32>,
    %get3A_126 = arith.constant 1 : i32
    %get3A_127 = arith.index_cast %get3A_126 : i32 to index
    %get3A_128 = arith.constant 64 : index
    %get3A_129 = tpu.vector_load %arg6[%get3A_127, %get3A_128] {strides = array<i32>} : memref<2x96xi32, #tpu.memory_space<vmem>>, vector<1x16xi32>,
    %get3A_130 = vector.shape_cast %get3A_129 : vector<1x16xi32> to vector<16xi32>
    %swap3A_131 = arith.constant 64 : index
    %swap3A_132 = tpu.vector_load %arg8[%swap3A_131] {strides = array<i32>} : memref<96xi32, #tpu.memory_space<vmem>>, vector<16xi32>,
    %swap3A_133 = vector.shape_cast %swap3A_132 : vector<16xi32> to vector<16xi32>
    %swap3A_134 = vector.shape_cast %get3A_130 : vector<16xi32> to vector<16xi32>
    tpu.vector_store %arg8[%swap3A_131], %swap3A_134 {strides = array<i32>} : memref<96xi32, #tpu.memory_space<vmem>>, vector<16xi32>,
    %get3A_135 = arith.constant 1 : i32
    %get3A_136 = arith.index_cast %get3A_135 : i32 to index
    %get3A_137 = arith.constant 80 : index
    %get3A_138 = tpu.vector_load %arg6[%get3A_136, %get3A_137] {strides = array<i32>} : memref<2x96xi32, #tpu.memory_space<vmem>>, vector<1x16xi32>,
    %get3A_139 = vector.shape_cast %get3A_138 : vector<1x16xi32> to vector<16xi32>
    %swap3A_140 = arith.constant 80 : index
    %swap3A_141 = tpu.vector_load %arg8[%swap3A_140] {strides = array<i32>} : memref<96xi32, #tpu.memory_space<vmem>>, vector<16xi32>,
    %swap3A_142 = vector.shape_cast %swap3A_141 : vector<16xi32> to vector<16xi32>
    %swap3A_143 = vector.shape_cast %get3A_139 : vector<16xi32> to vector<16xi32>
    tpu.vector_store %arg8[%swap3A_140], %swap3A_143 {strides = array<i32>} : memref<96xi32, #tpu.memory_space<vmem>>, vector<16xi32>,
    %dma_start3A_144 = arith.constant 2 : i32
    %dma_start3A_145 = arith.constant 0 : i32
    %dma_start3A_146 = arith.constant 0 : i32
    %dma_start3A_147 = tpu.memref_slice %arg4[%add3A, %dma_start3A_144, %dma_start3A_145, %dma_start3A_146] : memref<32x108x2x96xi32, #tpu.memory_space<hbm>> -> memref<1x1x2x96xi32, #tpu.memory_space<hbm>>
    %dma_start3A_148 = tpu.memref_squeeze %dma_start3A_147 : memref<1x1x2x96xi32, #tpu.memory_space<hbm>> -> memref<2x96xi32, #tpu.memory_space<hbm>>
    %dma_start3A_149 = arith.constant 0 : i32
    %dma_start3A_150 = arith.constant 0 : i32
    %dma_start3A_151 = tpu.memref_slice %arg4[%add3A, %dma_start3A_144, %dma_start3A_149, %dma_start3A_150] : memref<32x108x2x96xi32, #tpu.memory_space<hbm>> -> memref<1x1x2x96xi32, #tpu.memory_space<hbm>>
    %dma_start3A_152 = tpu.memref_squeeze %dma_start3A_151 : memref<1x1x2x96xi32, #tpu.memory_space<hbm>> -> memref<2x96xi32, #tpu.memory_space<hbm>>
    tpu.enqueue_dma source(%dma_start3A_152 : memref<2x96xi32, #tpu.memory_space<hbm>>) target(%arg6 : memref<2x96xi32, #tpu.memory_space<vmem>>) target_semaphore(%arg23 : memref<!tpu.dma_semaphore, #tpu.memory_space<semaphore_mem>>)
    %scan3A_153 = arith.constant 0 : i32
    %scan3A_154 = arith.constant 0 : i32
    %scan3A_155 = arith.constant 96 : i32
    %scan3A_156 = arith.addi %scan3A_154, %scan3A_155 : i32
    %scan3A_157 = arith.constant 1 : i32
    scf.for %scan3A_495 = %scan3A_154 to %scan3A_156 step %scan3A_157  : i32 {
      %get3A_496 = arith.index_cast %scan3A_495 : i32 to index
      %get3A_497 = arith.constant 16 : index
      %get3A_498 = tpu.vector_load %arg10[%get3A_496, %get3A_497] {strides = array<i32>} : memref<96x32xf32, #tpu.memory_space<vmem>>, vector<1x16xf32>,
      %get3A_499 = vector.shape_cast %get3A_498 : vector<1x16xf32> to vector<16xf32>
      %get3A_500 = arith.index_cast %scan3A_495 : i32 to index
      %get3A_501 = arith.constant 0 : index
      %get3A_502 = tpu.vector_load %arg12[%get3A_500, %get3A_501] {strides = array<i32>} : memref<96x16xf32, #tpu.memory_space<vmem>>, vector<1x16xf32>,
      %get3A_503 = vector.shape_cast %get3A_502 : vector<1x16xf32> to vector<16xf32>
      %add3A_504 = arith.addf %get3A_499, %get3A_503 : vector<16xf32>
      %ge3A = arith.constant 0.000000e+00 : f32
      %ge3A_505 = vector.broadcast %ge3A : f32 to vector<16xf32>
      %ge3A_506 = arith.cmpf oge, %add3A_504, %ge3A_505 : vector<16xf32>
      %mul3A_507 = arith.constant 2.000000e-01 : f32
      %mul3A_508 = vector.broadcast %mul3A_507 : f32 to vector<16xf32>
      %mul3A_509 = arith.mulf %mul3A_508, %add3A_504 : vector<16xf32>
      %select_n3A = arith.select %ge3A_506, %add3A_504, %mul3A_509 : vector<16xi1>, vector<16xf32>
      %exp3A = math.exp %select_n3A : vector<16xf32>
      %swap3A_510 = arith.index_cast %scan3A_495 : i32 to index
      %swap3A_511 = arith.constant 16 : index
      %swap3A_512 = tpu.vector_load %arg14[%swap3A_510, %swap3A_511] {strides = array<i32>} : memref<96x32xf32, #tpu.memory_space<vmem>>, vector<1x16xf32>,
      %swap3A_513 = vector.shape_cast %swap3A_512 : vector<1x16xf32> to vector<16xf32>
      %swap3A_514 = vector.shape_cast %exp3A : vector<16xf32> to vector<1x16xf32>
      tpu.vector_store %arg14[%swap3A_510, %swap3A_511], %swap3A_514 {strides = array<i32>} : memref<96x32xf32, #tpu.memory_space<vmem>>, vector<1x16xf32>,
      %get3A_515 = arith.index_cast %scan3A_495 : i32 to index
      %get3A_516 = arith.constant 0 : index
      %get3A_517 = tpu.vector_load %arg10[%get3A_515, %get3A_516] {strides = array<i32>} : memref<96x32xf32, #tpu.memory_space<vmem>>, vector<1x16xf32>,
      %get3A_518 = vector.shape_cast %get3A_517 : vector<1x16xf32> to vector<16xf32>
      %mul3A_519 = arith.mulf %exp3A, %get3A_518 : vector<16xf32>
      %swap3A_520 = arith.index_cast %scan3A_495 : i32 to index
      %swap3A_521 = arith.constant 0 : index
      %swap3A_522 = tpu.vector_load %arg14[%swap3A_520, %swap3A_521] {strides = array<i32>} : memref<96x32xf32, #tpu.memory_space<vmem>>, vector<1x16xf32>,
      %swap3A_523 = vector.shape_cast %swap3A_522 : vector<1x16xf32> to vector<16xf32>
      %swap3A_524 = vector.shape_cast %mul3A_519 : vector<16xf32> to vector<1x16xf32>
      tpu.vector_store %arg14[%swap3A_520, %swap3A_521], %swap3A_524 {strides = array<i32>} : memref<96x32xf32, #tpu.memory_space<vmem>>, vector<1x16xf32>,
    }
    %scan3A_158 = arith.constant 96 : i32
    %dma_start3A_159 = arith.constant 0 : i32
    %dma_start3A_160 = arith.constant 0 : i32
    %dma_start3A_161 = tpu.memref_slice %arg16[%dma_start3A_159, %dma_start3A_160] : memref<10112x32xf32, #tpu.memory_space<vmem_shared>> -> memref<10112x32xf32, #tpu.memory_space<vmem_shared>>
    tpu.enqueue_indirect_dma source(%arg14 : memref<96x32xf32, #tpu.memory_space<vmem>>) target(%dma_start3A_161 : memref<10112x32xf32, #tpu.memory_space<vmem_shared>>) offsets(%arg8 : memref<96xi32, #tpu.memory_space<vmem>>) semaphore(%arg21 : memref<!tpu.dma_semaphore, #tpu.memory_space<semaphore_mem>>) {add = true}
    %dma_wait3A_162 = arith.constant 0 : i32
    %dma_wait3A_163 = arith.constant 0 : i32
    %dma_wait3A_164 = arith.constant 0 : i32
    %dma_wait3A_165 = tpu.memref_slice %arg4[%add3A, %dma_wait3A_162, %dma_wait3A_163, %dma_wait3A_164] : memref<32x108x2x96xi32, #tpu.memory_space<hbm>> -> memref<1x1x2x96xi32, #tpu.memory_space<hbm>>
    %dma_wait3A_166 = tpu.memref_squeeze %dma_wait3A_165 : memref<1x1x2x96xi32, #tpu.memory_space<hbm>> -> memref<2x96xi32, #tpu.memory_space<hbm>>
    %dma_wait3A_167 = arith.constant 0 : i32
    %dma_wait3A_168 = arith.constant 0 : i32
    %dma_wait3A_169 = tpu.memref_slice %arg4[%add3A, %dma_wait3A_162, %dma_wait3A_167, %dma_wait3A_168] : memref<32x108x2x96xi32, #tpu.memory_space<hbm>> -> memref<1x1x2x96xi32, #tpu.memory_space<hbm>>
    %dma_wait3A_170 = tpu.memref_squeeze %dma_wait3A_169 : memref<1x1x2x96xi32, #tpu.memory_space<hbm>> -> memref<2x96xi32, #tpu.memory_space<hbm>>
    tpu.wait_dma2 semaphore(%arg23 : memref<!tpu.dma_semaphore, #tpu.memory_space<semaphore_mem>>) src(%dma_wait3A_170 : memref<2x96xi32, #tpu.memory_space<hbm>>) dst(%arg6 : memref<2x96xi32, #tpu.memory_space<vmem>>)
    %dma_start3A_171 = arith.constant 0 : i32
    %dma_start3A_172 = arith.constant 0 : i32
    %dma_start3A_173 = tpu.memref_slice %arg6[%dma_start3A_171, %dma_start3A_172] : memref<2x96xi32, #tpu.memory_space<vmem>> -> memref<1x96xi32, #tpu.memory_space<vmem>>
    %dma_start3A_174 = tpu.memref_squeeze %dma_start3A_173 : memref<1x96xi32, #tpu.memory_space<vmem>> -> memref<96xi32, #tpu.memory_space<vmem>>
    %dma_start3A_175 = arith.constant 0 : i32
    %dma_start3A_176 = arith.constant 0 : i32
    %dma_start3A_177 = tpu.memref_slice %arg2[%dma_start3A_175, %dma_start3A_176] : memref<10112x32xf32, #tpu.memory_space<hbm>> -> memref<10112x32xf32, #tpu.memory_space<hbm>>
    tpu.enqueue_indirect_dma source(%dma_start3A_177 : memref<10112x32xf32, #tpu.memory_space<hbm>>) target(%arg10 : memref<96x32xf32, #tpu.memory_space<vmem>>) offsets(%dma_start3A_174 : memref<96xi32, #tpu.memory_space<vmem>>) semaphore(%arg17 : memref<!tpu.dma_semaphore, #tpu.memory_space<semaphore_mem>>)
    %dma_start3A_178 = arith.constant 1 : i32
    %dma_start3A_179 = arith.constant 0 : i32
    %dma_start3A_180 = tpu.memref_slice %arg6[%dma_start3A_178, %dma_start3A_179] : memref<2x96xi32, #tpu.memory_space<vmem>> -> memref<1x96xi32, #tpu.memory_space<vmem>>
    %dma_start3A_181 = tpu.memref_squeeze %dma_start3A_180 : memref<1x96xi32, #tpu.memory_space<vmem>> -> memref<96xi32, #tpu.memory_space<vmem>>
    %dma_start3A_182 = arith.constant 0 : i32
    %dma_start3A_183 = arith.constant 0 : i32
    %dma_start3A_184 = tpu.memref_slice %arg3[%dma_start3A_182, %dma_start3A_183] : memref<10112x16xf32, #tpu.memory_space<hbm>> -> memref<10112x16xf32, #tpu.memory_space<hbm>>
    tpu.enqueue_indirect_dma source(%dma_start3A_184 : memref<10112x16xf32, #tpu.memory_space<hbm>>) target(%arg12 : memref<96x16xf32, #tpu.memory_space<vmem>>) offsets(%dma_start3A_181 : memref<96xi32, #tpu.memory_space<vmem>>) semaphore(%arg19 : memref<!tpu.dma_semaphore, #tpu.memory_space<semaphore_mem>>)
    %dma_wait3A_185 = arith.constant 0 : i32
    %dma_wait3A_186 = arith.constant 0 : i32
    %dma_wait3A_187 = tpu.memref_slice %arg7[%dma_wait3A_185, %dma_wait3A_186] : memref<2x96xi32, #tpu.memory_space<vmem>> -> memref<1x96xi32, #tpu.memory_space<vmem>>
    %dma_wait3A_188 = tpu.memref_squeeze %dma_wait3A_187 : memref<1x96xi32, #tpu.memory_space<vmem>> -> memref<96xi32, #tpu.memory_space<vmem>>
    %dma_wait3A_189 = arith.constant 0 : i32
    %dma_wait3A_190 = arith.constant 0 : i32
    %dma_wait3A_191 = tpu.memref_slice %arg2[%dma_wait3A_189, %dma_wait3A_190] : memref<10112x32xf32, #tpu.memory_space<hbm>> -> memref<10112x32xf32, #tpu.memory_space<hbm>>
    tpu.wait_indirect_dma semaphore(%arg18 : memref<!tpu.dma_semaphore, #tpu.memory_space<semaphore_mem>>) src(%dma_wait3A_191 : memref<10112x32xf32, #tpu.memory_space<hbm>>) dst(%arg11 : memref<96x32xf32, #tpu.memory_space<vmem>>)
    %dma_wait3A_192 = arith.constant 1 : i32
    %dma_wait3A_193 = arith.constant 0 : i32
    %dma_wait3A_194 = tpu.memref_slice %arg7[%dma_wait3A_192, %dma_wait3A_193] : memref<2x96xi32, #tpu.memory_space<vmem>> -> memref<1x96xi32, #tpu.memory_space<vmem>>
    %dma_wait3A_195 = tpu.memref_squeeze %dma_wait3A_194 : memref<1x96xi32, #tpu.memory_space<vmem>> -> memref<96xi32, #tpu.memory_space<vmem>>
    %dma_wait3A_196 = arith.constant 0 : i32
    %dma_wait3A_197 = arith.constant 0 : i32
    %dma_wait3A_198 = tpu.memref_slice %arg3[%dma_wait3A_196, %dma_wait3A_197] : memref<10112x16xf32, #tpu.memory_space<hbm>> -> memref<10112x16xf32, #tpu.memory_space<hbm>>
    tpu.wait_indirect_dma semaphore(%arg20 : memref<!tpu.dma_semaphore, #tpu.memory_space<semaphore_mem>>) src(%dma_wait3A_198 : memref<10112x16xf32, #tpu.memory_space<hbm>>) dst(%arg13 : memref<96x16xf32, #tpu.memory_space<vmem>>)
    %get3A_199 = arith.constant 1 : i32
    %get3A_200 = arith.index_cast %get3A_199 : i32 to index
    %get3A_201 = arith.constant 0 : index
    %get3A_202 = tpu.vector_load %arg7[%get3A_200, %get3A_201] {strides = array<i32>} : memref<2x96xi32, #tpu.memory_space<vmem>>, vector<1x16xi32>,
    %get3A_203 = vector.shape_cast %get3A_202 : vector<1x16xi32> to vector<16xi32>
    %swap3A_204 = arith.constant 0 : index
    %swap3A_205 = tpu.vector_load %arg9[%swap3A_204] {strides = array<i32>} : memref<96xi32, #tpu.memory_space<vmem>>, vector<16xi32>,
    %swap3A_206 = vector.shape_cast %swap3A_205 : vector<16xi32> to vector<16xi32>
    %swap3A_207 = vector.shape_cast %get3A_203 : vector<16xi32> to vector<16xi32>
    tpu.vector_store %arg9[%swap3A_204], %swap3A_207 {strides = array<i32>} : memref<96xi32, #tpu.memory_space<vmem>>, vector<16xi32>,
    %get3A_208 = arith.constant 1 : i32
    %get3A_209 = arith.index_cast %get3A_208 : i32 to index
    %get3A_210 = arith.constant 16 : index
    %get3A_211 = tpu.vector_load %arg7[%get3A_209, %get3A_210] {strides = array<i32>} : memref<2x96xi32, #tpu.memory_space<vmem>>, vector<1x16xi32>,
    %get3A_212 = vector.shape_cast %get3A_211 : vector<1x16xi32> to vector<16xi32>
    %swap3A_213 = arith.constant 16 : index
    %swap3A_214 = tpu.vector_load %arg9[%swap3A_213] {strides = array<i32>} : memref<96xi32, #tpu.memory_space<vmem>>, vector<16xi32>,
    %swap3A_215 = vector.shape_cast %swap3A_214 : vector<16xi32> to vector<16xi32>
    %swap3A_216 = vector.shape_cast %get3A_212 : vector<16xi32> to vector<16xi32>
    tpu.vector_store %arg9[%swap3A_213], %swap3A_216 {strides = array<i32>} : memref<96xi32, #tpu.memory_space<vmem>>, vector<16xi32>,
    %get3A_217 = arith.constant 1 : i32
    %get3A_218 = arith.index_cast %get3A_217 : i32 to index
    %get3A_219 = arith.constant 32 : index
    %get3A_220 = tpu.vector_load %arg7[%get3A_218, %get3A_219] {strides = array<i32>} : memref<2x96xi32, #tpu.memory_space<vmem>>, vector<1x16xi32>,
    %get3A_221 = vector.shape_cast %get3A_220 : vector<1x16xi32> to vector<16xi32>
    %swap3A_222 = arith.constant 32 : index
    %swap3A_223 = tpu.vector_load %arg9[%swap3A_222] {strides = array<i32>} : memref<96xi32, #tpu.memory_space<vmem>>, vector<16xi32>,
    %swap3A_224 = vector.shape_cast %swap3A_223 : vector<16xi32> to vector<16xi32>
    %swap3A_225 = vector.shape_cast %get3A_221 : vector<16xi32> to vector<16xi32>
    tpu.vector_store %arg9[%swap3A_222], %swap3A_225 {strides = array<i32>} : memref<96xi32, #tpu.memory_space<vmem>>, vector<16xi32>,
    %get3A_226 = arith.constant 1 : i32
    %get3A_227 = arith.index_cast %get3A_226 : i32 to index
    %get3A_228 = arith.constant 48 : index
    %get3A_229 = tpu.vector_load %arg7[%get3A_227, %get3A_228] {strides = array<i32>} : memref<2x96xi32, #tpu.memory_space<vmem>>, vector<1x16xi32>,
    %get3A_230 = vector.shape_cast %get3A_229 : vector<1x16xi32> to vector<16xi32>
    %swap3A_231 = arith.constant 48 : index
    %swap3A_232 = tpu.vector_load %arg9[%swap3A_231] {strides = array<i32>} : memref<96xi32, #tpu.memory_space<vmem>>, vector<16xi32>,
    %swap3A_233 = vector.shape_cast %swap3A_232 : vector<16xi32> to vector<16xi32>
    %swap3A_234 = vector.shape_cast %get3A_230 : vector<16xi32> to vector<16xi32>
    tpu.vector_store %arg9[%swap3A_231], %swap3A_234 {strides = array<i32>} : memref<96xi32, #tpu.memory_space<vmem>>, vector<16xi32>,
    %get3A_235 = arith.constant 1 : i32
    %get3A_236 = arith.index_cast %get3A_235 : i32 to index
    %get3A_237 = arith.constant 64 : index
    %get3A_238 = tpu.vector_load %arg7[%get3A_236, %get3A_237] {strides = array<i32>} : memref<2x96xi32, #tpu.memory_space<vmem>>, vector<1x16xi32>,
    %get3A_239 = vector.shape_cast %get3A_238 : vector<1x16xi32> to vector<16xi32>
    %swap3A_240 = arith.constant 64 : index
    %swap3A_241 = tpu.vector_load %arg9[%swap3A_240] {strides = array<i32>} : memref<96xi32, #tpu.memory_space<vmem>>, vector<16xi32>,
    %swap3A_242 = vector.shape_cast %swap3A_241 : vector<16xi32> to vector<16xi32>
    %swap3A_243 = vector.shape_cast %get3A_239 : vector<16xi32> to vector<16xi32>
    tpu.vector_store %arg9[%swap3A_240], %swap3A_243 {strides = array<i32>} : memref<96xi32, #tpu.memory_space<vmem>>, vector<16xi32>,
    %get3A_244 = arith.constant 1 : i32
    %get3A_245 = arith.index_cast %get3A_244 : i32 to index
    %get3A_246 = arith.constant 80 : index
    %get3A_247 = tpu.vector_load %arg7[%get3A_245, %get3A_246] {strides = array<i32>} : memref<2x96xi32, #tpu.memory_space<vmem>>, vector<1x16xi32>,
    %get3A_248 = vector.shape_cast %get3A_247 : vector<1x16xi32> to vector<16xi32>
    %swap3A_249 = arith.constant 80 : index
    %swap3A_250 = tpu.vector_load %arg9[%swap3A_249] {strides = array<i32>} : memref<96xi32, #tpu.memory_space<vmem>>, vector<16xi32>,
    %swap3A_251 = vector.shape_cast %swap3A_250 : vector<16xi32> to vector<16xi32>
    %swap3A_252 = vector.shape_cast %get3A_248 : vector<16xi32> to vector<16xi32>
    tpu.vector_store %arg9[%swap3A_249], %swap3A_252 {strides = array<i32>} : memref<96xi32, #tpu.memory_space<vmem>>, vector<16xi32>,
    %dma_start3A_253 = arith.constant 3 : i32
    %dma_start3A_254 = arith.constant 0 : i32
    %dma_start3A_255 = arith.constant 0 : i32
    %dma_start3A_256 = tpu.memref_slice %arg4[%add3A, %dma_start3A_253, %dma_start3A_254, %dma_start3A_255] : memref<32x108x2x96xi32, #tpu.memory_space<hbm>> -> memref<1x1x2x96xi32, #tpu.memory_space<hbm>>
    %dma_start3A_257 = tpu.memref_squeeze %dma_start3A_256 : memref<1x1x2x96xi32, #tpu.memory_space<hbm>> -> memref<2x96xi32, #tpu.memory_space<hbm>>
    %dma_start3A_258 = arith.constant 0 : i32
    %dma_start3A_259 = arith.constant 0 : i32
    %dma_start3A_260 = tpu.memref_slice %arg4[%add3A, %dma_start3A_253, %dma_start3A_258, %dma_start3A_259] : memref<32x108x2x96xi32, #tpu.memory_space<hbm>> -> memref<1x1x2x96xi32, #tpu.memory_space<hbm>>
    %dma_start3A_261 = tpu.memref_squeeze %dma_start3A_260 : memref<1x1x2x96xi32, #tpu.memory_space<hbm>> -> memref<2x96xi32, #tpu.memory_space<hbm>>
    tpu.enqueue_dma source(%dma_start3A_261 : memref<2x96xi32, #tpu.memory_space<hbm>>) target(%arg7 : memref<2x96xi32, #tpu.memory_space<vmem>>) target_semaphore(%arg24 : memref<!tpu.dma_semaphore, #tpu.memory_space<semaphore_mem>>)
    %scan3A_262 = arith.constant 0 : i32
    %scan3A_263 = arith.constant 0 : i32
    %scan3A_264 = arith.constant 96 : i32
    %scan3A_265 = arith.addi %scan3A_263, %scan3A_264 : i32
    %scan3A_266 = arith.constant 1 : i32
    scf.for %scan3A_495 = %scan3A_263 to %scan3A_265 step %scan3A_266  : i32 {
      %get3A_496 = arith.index_cast %scan3A_495 : i32 to index
      %get3A_497 = arith.constant 16 : index
      %get3A_498 = tpu.vector_load %arg11[%get3A_496, %get3A_497] {strides = array<i32>} : memref<96x32xf32, #tpu.memory_space<vmem>>, vector<1x16xf32>,
      %get3A_499 = vector.shape_cast %get3A_498 : vector<1x16xf32> to vector<16xf32>
      %get3A_500 = arith.index_cast %scan3A_495 : i32 to index
      %get3A_501 = arith.constant 0 : index
      %get3A_502 = tpu.vector_load %arg13[%get3A_500, %get3A_501] {strides = array<i32>} : memref<96x16xf32, #tpu.memory_space<vmem>>, vector<1x16xf32>,
      %get3A_503 = vector.shape_cast %get3A_502 : vector<1x16xf32> to vector<16xf32>
      %add3A_504 = arith.addf %get3A_499, %get3A_503 : vector<16xf32>
      %ge3A = arith.constant 0.000000e+00 : f32
      %ge3A_505 = vector.broadcast %ge3A : f32 to vector<16xf32>
      %ge3A_506 = arith.cmpf oge, %add3A_504, %ge3A_505 : vector<16xf32>
      %mul3A_507 = arith.constant 2.000000e-01 : f32
      %mul3A_508 = vector.broadcast %mul3A_507 : f32 to vector<16xf32>
      %mul3A_509 = arith.mulf %mul3A_508, %add3A_504 : vector<16xf32>
      %select_n3A = arith.select %ge3A_506, %add3A_504, %mul3A_509 : vector<16xi1>, vector<16xf32>
      %exp3A = math.exp %select_n3A : vector<16xf32>
      %swap3A_510 = arith.index_cast %scan3A_495 : i32 to index
      %swap3A_511 = arith.constant 16 : index
      %swap3A_512 = tpu.vector_load %arg15[%swap3A_510, %swap3A_511] {strides = array<i32>} : memref<96x32xf32, #tpu.memory_space<vmem>>, vector<1x16xf32>,
      %swap3A_513 = vector.shape_cast %swap3A_512 : vector<1x16xf32> to vector<16xf32>
      %swap3A_514 = vector.shape_cast %exp3A : vector<16xf32> to vector<1x16xf32>
      tpu.vector_store %arg15[%swap3A_510, %swap3A_511], %swap3A_514 {strides = array<i32>} : memref<96x32xf32, #tpu.memory_space<vmem>>, vector<1x16xf32>,
      %get3A_515 = arith.index_cast %scan3A_495 : i32 to index
      %get3A_516 = arith.constant 0 : index
      %get3A_517 = tpu.vector_load %arg11[%get3A_515, %get3A_516] {strides = array<i32>} : memref<96x32xf32, #tpu.memory_space<vmem>>, vector<1x16xf32>,
      %get3A_518 = vector.shape_cast %get3A_517 : vector<1x16xf32> to vector<16xf32>
      %mul3A_519 = arith.mulf %exp3A, %get3A_518 : vector<16xf32>
      %swap3A_520 = arith.index_cast %scan3A_495 : i32 to index
      %swap3A_521 = arith.constant 0 : index
      %swap3A_522 = tpu.vector_load %arg15[%swap3A_520, %swap3A_521] {strides = array<i32>} : memref<96x32xf32, #tpu.memory_space<vmem>>, vector<1x16xf32>,
      %swap3A_523 = vector.shape_cast %swap3A_522 : vector<1x16xf32> to vector<16xf32>
      %swap3A_524 = vector.shape_cast %mul3A_519 : vector<16xf32> to vector<1x16xf32>
      tpu.vector_store %arg15[%swap3A_520, %swap3A_521], %swap3A_524 {strides = array<i32>} : memref<96x32xf32, #tpu.memory_space<vmem>>, vector<1x16xf32>,
    }
    %scan3A_267 = arith.constant 96 : i32
    %dma_start3A_268 = arith.constant 0 : i32
    %dma_start3A_269 = arith.constant 0 : i32
    %dma_start3A_270 = tpu.memref_slice %arg16[%dma_start3A_268, %dma_start3A_269] : memref<10112x32xf32, #tpu.memory_space<vmem_shared>> -> memref<10112x32xf32, #tpu.memory_space<vmem_shared>>
    tpu.enqueue_indirect_dma source(%arg15 : memref<96x32xf32, #tpu.memory_space<vmem>>) target(%dma_start3A_270 : memref<10112x32xf32, #tpu.memory_space<vmem_shared>>) offsets(%arg9 : memref<96xi32, #tpu.memory_space<vmem>>) semaphore(%arg22 : memref<!tpu.dma_semaphore, #tpu.memory_space<semaphore_mem>>) {add = true}
    %scan3A_271 = arith.constant 0 : i32
    %scan3A_272 = arith.constant 1 : i32
    %scan3A_273 = arith.constant 52 : i32
    %scan3A_274 = arith.addi %scan3A_272, %scan3A_273 : i32
    %scan3A_275 = arith.constant 1 : i32
    scf.for %scan3A_495 = %scan3A_272 to %scan3A_274 step %scan3A_275  : i32 {
      %mul3A_496 = arith.constant 2 : i32
      %mul3A_497 = arith.muli %mul3A_496, %scan3A_495 : i32
      %dma_wait3A_498 = arith.constant 0 : i32
      %dma_wait3A_499 = arith.constant 0 : i32
      %dma_wait3A_500 = tpu.memref_slice %arg16[%dma_wait3A_498, %dma_wait3A_499] : memref<10112x32xf32, #tpu.memory_space<vmem_shared>> -> memref<10112x32xf32, #tpu.memory_space<vmem_shared>>
      tpu.wait_indirect_dma semaphore(%arg21 : memref<!tpu.dma_semaphore, #tpu.memory_space<semaphore_mem>>) src(%arg14 : memref<96x32xf32, #tpu.memory_space<vmem>>) dst(%dma_wait3A_500 : memref<10112x32xf32, #tpu.memory_space<vmem_shared>>)
      %dma_wait3A_501 = arith.constant 0 : i32
      %dma_wait3A_502 = arith.constant 0 : i32
      %dma_wait3A_503 = arith.constant 0 : i32
      %dma_wait3A_504 = tpu.memref_slice %arg4[%add3A, %dma_wait3A_501, %dma_wait3A_502, %dma_wait3A_503] : memref<32x108x2x96xi32, #tpu.memory_space<hbm>> -> memref<1x1x2x96xi32, #tpu.memory_space<hbm>>
      %dma_wait3A_505 = tpu.memref_squeeze %dma_wait3A_504 : memref<1x1x2x96xi32, #tpu.memory_space<hbm>> -> memref<2x96xi32, #tpu.memory_space<hbm>>
      %dma_wait3A_506 = arith.constant 0 : i32
      %dma_wait3A_507 = arith.constant 0 : i32
      %dma_wait3A_508 = tpu.memref_slice %arg4[%add3A, %dma_wait3A_501, %dma_wait3A_506, %dma_wait3A_507] : memref<32x108x2x96xi32, #tpu.memory_space<hbm>> -> memref<1x1x2x96xi32, #tpu.memory_space<hbm>>
      %dma_wait3A_509 = tpu.memref_squeeze %dma_wait3A_508 : memref<1x1x2x96xi32, #tpu.memory_space<hbm>> -> memref<2x96xi32, #tpu.memory_space<hbm>>
      tpu.wait_dma2 semaphore(%arg24 : memref<!tpu.dma_semaphore, #tpu.memory_space<semaphore_mem>>) src(%dma_wait3A_509 : memref<2x96xi32, #tpu.memory_space<hbm>>) dst(%arg7 : memref<2x96xi32, #tpu.memory_space<vmem>>)
      %dma_start3A_510 = arith.constant 0 : i32
      %dma_start3A_511 = arith.constant 0 : i32
      %dma_start3A_512 = tpu.memref_slice %arg7[%dma_start3A_510, %dma_start3A_511] : memref<2x96xi32, #tpu.memory_space<vmem>> -> memref<1x96xi32, #tpu.memory_space<vmem>>
      %dma_start3A_513 = tpu.memref_squeeze %dma_start3A_512 : memref<1x96xi32, #tpu.memory_space<vmem>> -> memref<96xi32, #tpu.memory_space<vmem>>
      %dma_start3A_514 = arith.constant 0 : i32
      %dma_start3A_515 = arith.constant 0 : i32
      %dma_start3A_516 = tpu.memref_slice %arg2[%dma_start3A_514, %dma_start3A_515] : memref<10112x32xf32, #tpu.memory_space<hbm>> -> memref<10112x32xf32, #tpu.memory_space<hbm>>
      tpu.enqueue_indirect_dma source(%dma_start3A_516 : memref<10112x32xf32, #tpu.memory_space<hbm>>) target(%arg11 : memref<96x32xf32, #tpu.memory_space<vmem>>) offsets(%dma_start3A_513 : memref<96xi32, #tpu.memory_space<vmem>>) semaphore(%arg18 : memref<!tpu.dma_semaphore, #tpu.memory_space<semaphore_mem>>)
      %dma_start3A_517 = arith.constant 1 : i32
      %dma_start3A_518 = arith.constant 0 : i32
      %dma_start3A_519 = tpu.memref_slice %arg7[%dma_start3A_517, %dma_start3A_518] : memref<2x96xi32, #tpu.memory_space<vmem>> -> memref<1x96xi32, #tpu.memory_space<vmem>>
      %dma_start3A_520 = tpu.memref_squeeze %dma_start3A_519 : memref<1x96xi32, #tpu.memory_space<vmem>> -> memref<96xi32, #tpu.memory_space<vmem>>
      %dma_start3A_521 = arith.constant 0 : i32
      %dma_start3A_522 = arith.constant 0 : i32
      %dma_start3A_523 = tpu.memref_slice %arg3[%dma_start3A_521, %dma_start3A_522] : memref<10112x16xf32, #tpu.memory_space<hbm>> -> memref<10112x16xf32, #tpu.memory_space<hbm>>
      tpu.enqueue_indirect_dma source(%dma_start3A_523 : memref<10112x16xf32, #tpu.memory_space<hbm>>) target(%arg13 : memref<96x16xf32, #tpu.memory_space<vmem>>) offsets(%dma_start3A_520 : memref<96xi32, #tpu.memory_space<vmem>>) semaphore(%arg20 : memref<!tpu.dma_semaphore, #tpu.memory_space<semaphore_mem>>)
      %dma_wait3A_524 = arith.constant 0 : i32
      %dma_wait3A_525 = arith.constant 0 : i32
      %dma_wait3A_526 = tpu.memref_slice %arg6[%dma_wait3A_524, %dma_wait3A_525] : memref<2x96xi32, #tpu.memory_space<vmem>> -> memref<1x96xi32, #tpu.memory_space<vmem>>
      %dma_wait3A_527 = tpu.memref_squeeze %dma_wait3A_526 : memref<1x96xi32, #tpu.memory_space<vmem>> -> memref<96xi32, #tpu.memory_space<vmem>>
      %dma_wait3A_528 = arith.constant 0 : i32
      %dma_wait3A_529 = arith.constant 0 : i32
      %dma_wait3A_530 = tpu.memref_slice %arg2[%dma_wait3A_528, %dma_wait3A_529] : memref<10112x32xf32, #tpu.memory_space<hbm>> -> memref<10112x32xf32, #tpu.memory_space<hbm>>
      tpu.wait_indirect_dma semaphore(%arg17 : memref<!tpu.dma_semaphore, #tpu.memory_space<semaphore_mem>>) src(%dma_wait3A_530 : memref<10112x32xf32, #tpu.memory_space<hbm>>) dst(%arg10 : memref<96x32xf32, #tpu.memory_space<vmem>>)
      %dma_wait3A_531 = arith.constant 1 : i32
      %dma_wait3A_532 = arith.constant 0 : i32
      %dma_wait3A_533 = tpu.memref_slice %arg6[%dma_wait3A_531, %dma_wait3A_532] : memref<2x96xi32, #tpu.memory_space<vmem>> -> memref<1x96xi32, #tpu.memory_space<vmem>>
      %dma_wait3A_534 = tpu.memref_squeeze %dma_wait3A_533 : memref<1x96xi32, #tpu.memory_space<vmem>> -> memref<96xi32, #tpu.memory_space<vmem>>
      %dma_wait3A_535 = arith.constant 0 : i32
      %dma_wait3A_536 = arith.constant 0 : i32
      %dma_wait3A_537 = tpu.memref_slice %arg3[%dma_wait3A_535, %dma_wait3A_536] : memref<10112x16xf32, #tpu.memory_space<hbm>> -> memref<10112x16xf32, #tpu.memory_space<hbm>>
      tpu.wait_indirect_dma semaphore(%arg19 : memref<!tpu.dma_semaphore, #tpu.memory_space<semaphore_mem>>) src(%dma_wait3A_537 : memref<10112x16xf32, #tpu.memory_space<hbm>>) dst(%arg12 : memref<96x16xf32, #tpu.memory_space<vmem>>)
      %get3A_538 = arith.constant 1 : i32
      %get3A_539 = arith.index_cast %get3A_538 : i32 to index
      %get3A_540 = arith.constant 0 : index
      %get3A_541 = tpu.vector_load %arg6[%get3A_539, %get3A_540] {strides = array<i32>} : memref<2x96xi32, #tpu.memory_space<vmem>>, vector<1x16xi32>,
      %get3A_542 = vector.shape_cast %get3A_541 : vector<1x16xi32> to vector<16xi32>
      %swap3A_543 = arith.constant 0 : index
      %swap3A_544 = tpu.vector_load %arg8[%swap3A_543] {strides = array<i32>} : memref<96xi32, #tpu.memory_space<vmem>>, vector<16xi32>,
      %swap3A_545 = vector.shape_cast %swap3A_544 : vector<16xi32> to vector<16xi32>
      %swap3A_546 = vector.shape_cast %get3A_542 : vector<16xi32> to vector<16xi32>
      tpu.vector_store %arg8[%swap3A_543], %swap3A_546 {strides = array<i32>} : memref<96xi32, #tpu.memory_space<vmem>>, vector<16xi32>,
      %get3A_547 = arith.constant 1 : i32
      %get3A_548 = arith.index_cast %get3A_547 : i32 to index
      %get3A_549 = arith.constant 16 : index
      %get3A_550 = tpu.vector_load %arg6[%get3A_548, %get3A_549] {strides = array<i32>} : memref<2x96xi32, #tpu.memory_space<vmem>>, vector<1x16xi32>,
      %get3A_551 = vector.shape_cast %get3A_550 : vector<1x16xi32> to vector<16xi32>
      %swap3A_552 = arith.constant 16 : index
      %swap3A_553 = tpu.vector_load %arg8[%swap3A_552] {strides = array<i32>} : memref<96xi32, #tpu.memory_space<vmem>>, vector<16xi32>,
      %swap3A_554 = vector.shape_cast %swap3A_553 : vector<16xi32> to vector<16xi32>
      %swap3A_555 = vector.shape_cast %get3A_551 : vector<16xi32> to vector<16xi32>
      tpu.vector_store %arg8[%swap3A_552], %swap3A_555 {strides = array<i32>} : memref<96xi32, #tpu.memory_space<vmem>>, vector<16xi32>,
      %get3A_556 = arith.constant 1 : i32
      %get3A_557 = arith.index_cast %get3A_556 : i32 to index
      %get3A_558 = arith.constant 32 : index
      %get3A_559 = tpu.vector_load %arg6[%get3A_557, %get3A_558] {strides = array<i32>} : memref<2x96xi32, #tpu.memory_space<vmem>>, vector<1x16xi32>,
      %get3A_560 = vector.shape_cast %get3A_559 : vector<1x16xi32> to vector<16xi32>
      %swap3A_561 = arith.constant 32 : index
      %swap3A_562 = tpu.vector_load %arg8[%swap3A_561] {strides = array<i32>} : memref<96xi32, #tpu.memory_space<vmem>>, vector<16xi32>,
      %swap3A_563 = vector.shape_cast %swap3A_562 : vector<16xi32> to vector<16xi32>
      %swap3A_564 = vector.shape_cast %get3A_560 : vector<16xi32> to vector<16xi32>
      tpu.vector_store %arg8[%swap3A_561], %swap3A_564 {strides = array<i32>} : memref<96xi32, #tpu.memory_space<vmem>>, vector<16xi32>,
      %get3A_565 = arith.constant 1 : i32
      %get3A_566 = arith.index_cast %get3A_565 : i32 to index
      %get3A_567 = arith.constant 48 : index
      %get3A_568 = tpu.vector_load %arg6[%get3A_566, %get3A_567] {strides = array<i32>} : memref<2x96xi32, #tpu.memory_space<vmem>>, vector<1x16xi32>,
      %get3A_569 = vector.shape_cast %get3A_568 : vector<1x16xi32> to vector<16xi32>
      %swap3A_570 = arith.constant 48 : index
      %swap3A_571 = tpu.vector_load %arg8[%swap3A_570] {strides = array<i32>} : memref<96xi32, #tpu.memory_space<vmem>>, vector<16xi32>,
      %swap3A_572 = vector.shape_cast %swap3A_571 : vector<16xi32> to vector<16xi32>
      %swap3A_573 = vector.shape_cast %get3A_569 : vector<16xi32> to vector<16xi32>
      tpu.vector_store %arg8[%swap3A_570], %swap3A_573 {strides = array<i32>} : memref<96xi32, #tpu.memory_space<vmem>>, vector<16xi32>,
      %get3A_574 = arith.constant 1 : i32
      %get3A_575 = arith.index_cast %get3A_574 : i32 to index
      %get3A_576 = arith.constant 64 : index
      %get3A_577 = tpu.vector_load %arg6[%get3A_575, %get3A_576] {strides = array<i32>} : memref<2x96xi32, #tpu.memory_space<vmem>>, vector<1x16xi32>,
      %get3A_578 = vector.shape_cast %get3A_577 : vector<1x16xi32> to vector<16xi32>
      %swap3A_579 = arith.constant 64 : index
      %swap3A_580 = tpu.vector_load %arg8[%swap3A_579] {strides = array<i32>} : memref<96xi32, #tpu.memory_space<vmem>>, vector<16xi32>,
      %swap3A_581 = vector.shape_cast %swap3A_580 : vector<16xi32> to vector<16xi32>
      %swap3A_582 = vector.shape_cast %get3A_578 : vector<16xi32> to vector<16xi32>
      tpu.vector_store %arg8[%swap3A_579], %swap3A_582 {strides = array<i32>} : memref<96xi32, #tpu.memory_space<vmem>>, vector<16xi32>,
      %get3A_583 = arith.constant 1 : i32
      %get3A_584 = arith.index_cast %get3A_583 : i32 to index
      %get3A_585 = arith.constant 80 : index
      %get3A_586 = tpu.vector_load %arg6[%get3A_584, %get3A_585] {strides = array<i32>} : memref<2x96xi32, #tpu.memory_space<vmem>>, vector<1x16xi32>,
      %get3A_587 = vector.shape_cast %get3A_586 : vector<1x16xi32> to vector<16xi32>
      %swap3A_588 = arith.constant 80 : index
      %swap3A_589 = tpu.vector_load %arg8[%swap3A_588] {strides = array<i32>} : memref<96xi32, #tpu.memory_space<vmem>>, vector<16xi32>,
      %swap3A_590 = vector.shape_cast %swap3A_589 : vector<16xi32> to vector<16xi32>
      %swap3A_591 = vector.shape_cast %get3A_587 : vector<16xi32> to vector<16xi32>
      tpu.vector_store %arg8[%swap3A_588], %swap3A_591 {strides = array<i32>} : memref<96xi32, #tpu.memory_space<vmem>>, vector<16xi32>,
      %add3A_592 = arith.constant 2 : i32
      %add3A_593 = arith.addi %mul3A_497, %add3A_592 : i32
      %dma_start3A_594 = arith.constant 0 : i32
      %dma_start3A_595 = arith.constant 0 : i32
      %dma_start3A_596 = tpu.memref_slice %arg4[%add3A, %add3A_593, %dma_start3A_594, %dma_start3A_595] : memref<32x108x2x96xi32, #tpu.memory_space<hbm>> -> memref<1x1x2x96xi32, #tpu.memory_space<hbm>>
      %dma_start3A_597 = tpu.memref_squeeze %dma_start3A_596 : memref<1x1x2x96xi32, #tpu.memory_space<hbm>> -> memref<2x96xi32, #tpu.memory_space<hbm>>
      %dma_start3A_598 = arith.constant 0 : i32
      %dma_start3A_599 = arith.constant 0 : i32
      %dma_start3A_600 = tpu.memref_slice %arg4[%add3A, %add3A_593, %dma_start3A_598, %dma_start3A_599] : memref<32x108x2x96xi32, #tpu.memory_space<hbm>> -> memref<1x1x2x96xi32, #tpu.memory_space<hbm>>
      %dma_start3A_601 = tpu.memref_squeeze %dma_start3A_600 : memref<1x1x2x96xi32, #tpu.memory_space<hbm>> -> memref<2x96xi32, #tpu.memory_space<hbm>>
      tpu.enqueue_dma source(%dma_start3A_601 : memref<2x96xi32, #tpu.memory_space<hbm>>) target(%arg6 : memref<2x96xi32, #tpu.memory_space<vmem>>) target_semaphore(%arg23 : memref<!tpu.dma_semaphore, #tpu.memory_space<semaphore_mem>>)
      %scan3A_602 = arith.constant 0 : i32
      %scan3A_603 = arith.constant 0 : i32
      %scan3A_604 = arith.constant 96 : i32
      %scan3A_605 = arith.addi %scan3A_603, %scan3A_604 : i32
      %scan3A_606 = arith.constant 1 : i32
      scf.for %scan3A_728 = %scan3A_603 to %scan3A_605 step %scan3A_606  : i32 {
        %get3A_729 = arith.index_cast %scan3A_728 : i32 to index
        %get3A_730 = arith.constant 16 : index
        %get3A_731 = tpu.vector_load %arg10[%get3A_729, %get3A_730] {strides = array<i32>} : memref<96x32xf32, #tpu.memory_space<vmem>>, vector<1x16xf32>,
        %get3A_732 = vector.shape_cast %get3A_731 : vector<1x16xf32> to vector<16xf32>
        %get3A_733 = arith.index_cast %scan3A_728 : i32 to index
        %get3A_734 = arith.constant 0 : index
        %get3A_735 = tpu.vector_load %arg12[%get3A_733, %get3A_734] {strides = array<i32>} : memref<96x16xf32, #tpu.memory_space<vmem>>, vector<1x16xf32>,
        %get3A_736 = vector.shape_cast %get3A_735 : vector<1x16xf32> to vector<16xf32>
        %add3A_737 = arith.addf %get3A_732, %get3A_736 : vector<16xf32>
        %ge3A = arith.constant 0.000000e+00 : f32
        %ge3A_738 = vector.broadcast %ge3A : f32 to vector<16xf32>
        %ge3A_739 = arith.cmpf oge, %add3A_737, %ge3A_738 : vector<16xf32>
        %mul3A_740 = arith.constant 2.000000e-01 : f32
        %mul3A_741 = vector.broadcast %mul3A_740 : f32 to vector<16xf32>
        %mul3A_742 = arith.mulf %mul3A_741, %add3A_737 : vector<16xf32>
        %select_n3A = arith.select %ge3A_739, %add3A_737, %mul3A_742 : vector<16xi1>, vector<16xf32>
        %exp3A = math.exp %select_n3A : vector<16xf32>
        %swap3A_743 = arith.index_cast %scan3A_728 : i32 to index
        %swap3A_744 = arith.constant 16 : index
        %swap3A_745 = tpu.vector_load %arg14[%swap3A_743, %swap3A_744] {strides = array<i32>} : memref<96x32xf32, #tpu.memory_space<vmem>>, vector<1x16xf32>,
        %swap3A_746 = vector.shape_cast %swap3A_745 : vector<1x16xf32> to vector<16xf32>
        %swap3A_747 = vector.shape_cast %exp3A : vector<16xf32> to vector<1x16xf32>
        tpu.vector_store %arg14[%swap3A_743, %swap3A_744], %swap3A_747 {strides = array<i32>} : memref<96x32xf32, #tpu.memory_space<vmem>>, vector<1x16xf32>,
        %get3A_748 = arith.index_cast %scan3A_728 : i32 to index
        %get3A_749 = arith.constant 0 : index
        %get3A_750 = tpu.vector_load %arg10[%get3A_748, %get3A_749] {strides = array<i32>} : memref<96x32xf32, #tpu.memory_space<vmem>>, vector<1x16xf32>,
        %get3A_751 = vector.shape_cast %get3A_750 : vector<1x16xf32> to vector<16xf32>
        %mul3A_752 = arith.mulf %exp3A, %get3A_751 : vector<16xf32>
        %swap3A_753 = arith.index_cast %scan3A_728 : i32 to index
        %swap3A_754 = arith.constant 0 : index
        %swap3A_755 = tpu.vector_load %arg14[%swap3A_753, %swap3A_754] {strides = array<i32>} : memref<96x32xf32, #tpu.memory_space<vmem>>, vector<1x16xf32>,
        %swap3A_756 = vector.shape_cast %swap3A_755 : vector<1x16xf32> to vector<16xf32>
        %swap3A_757 = vector.shape_cast %mul3A_752 : vector<16xf32> to vector<1x16xf32>
        tpu.vector_store %arg14[%swap3A_753, %swap3A_754], %swap3A_757 {strides = array<i32>} : memref<96x32xf32, #tpu.memory_space<vmem>>, vector<1x16xf32>,
      }
      %scan3A_607 = arith.constant 96 : i32
      %dma_start3A_608 = arith.constant 0 : i32
      %dma_start3A_609 = arith.constant 0 : i32
      %dma_start3A_610 = tpu.memref_slice %arg16[%dma_start3A_608, %dma_start3A_609] : memref<10112x32xf32, #tpu.memory_space<vmem_shared>> -> memref<10112x32xf32, #tpu.memory_space<vmem_shared>>
      tpu.enqueue_indirect_dma source(%arg14 : memref<96x32xf32, #tpu.memory_space<vmem>>) target(%dma_start3A_610 : memref<10112x32xf32, #tpu.memory_space<vmem_shared>>) offsets(%arg8 : memref<96xi32, #tpu.memory_space<vmem>>) semaphore(%arg21 : memref<!tpu.dma_semaphore, #tpu.memory_space<semaphore_mem>>) {add = true}
      %mul3A_611 = arith.constant 2 : i32
      %mul3A_612 = arith.muli %mul3A_611, %scan3A_495 : i32
      %add3A_613 = arith.constant 1 : i32
      %add3A_614 = arith.addi %mul3A_612, %add3A_613 : i32
      %dma_wait3A_615 = arith.constant 0 : i32
      %dma_wait3A_616 = arith.constant 0 : i32
      %dma_wait3A_617 = tpu.memref_slice %arg16[%dma_wait3A_615, %dma_wait3A_616] : memref<10112x32xf32, #tpu.memory_space<vmem_shared>> -> memref<10112x32xf32, #tpu.memory_space<vmem_shared>>
      tpu.wait_indirect_dma semaphore(%arg22 : memref<!tpu.dma_semaphore, #tpu.memory_space<semaphore_mem>>) src(%arg15 : memref<96x32xf32, #tpu.memory_space<vmem>>) dst(%dma_wait3A_617 : memref<10112x32xf32, #tpu.memory_space<vmem_shared>>)
      %dma_wait3A_618 = arith.constant 0 : i32
      %dma_wait3A_619 = arith.constant 0 : i32
      %dma_wait3A_620 = arith.constant 0 : i32
      %dma_wait3A_621 = tpu.memref_slice %arg4[%add3A, %dma_wait3A_618, %dma_wait3A_619, %dma_wait3A_620] : memref<32x108x2x96xi32, #tpu.memory_space<hbm>> -> memref<1x1x2x96xi32, #tpu.memory_space<hbm>>
      %dma_wait3A_622 = tpu.memref_squeeze %dma_wait3A_621 : memref<1x1x2x96xi32, #tpu.memory_space<hbm>> -> memref<2x96xi32, #tpu.memory_space<hbm>>
      %dma_wait3A_623 = arith.constant 0 : i32
      %dma_wait3A_624 = arith.constant 0 : i32
      %dma_wait3A_625 = tpu.memref_slice %arg4[%add3A, %dma_wait3A_618, %dma_wait3A_623, %dma_wait3A_624] : memref<32x108x2x96xi32, #tpu.memory_space<hbm>> -> memref<1x1x2x96xi32, #tpu.memory_space<hbm>>
      %dma_wait3A_626 = tpu.memref_squeeze %dma_wait3A_625 : memref<1x1x2x96xi32, #tpu.memory_space<hbm>> -> memref<2x96xi32, #tpu.memory_space<hbm>>
      tpu.wait_dma2 semaphore(%arg23 : memref<!tpu.dma_semaphore, #tpu.memory_space<semaphore_mem>>) src(%dma_wait3A_626 : memref<2x96xi32, #tpu.memory_space<hbm>>) dst(%arg6 : memref<2x96xi32, #tpu.memory_space<vmem>>)
      %dma_start3A_627 = arith.constant 0 : i32
      %dma_start3A_628 = arith.constant 0 : i32
      %dma_start3A_629 = tpu.memref_slice %arg6[%dma_start3A_627, %dma_start3A_628] : memref<2x96xi32, #tpu.memory_space<vmem>> -> memref<1x96xi32, #tpu.memory_space<vmem>>
      %dma_start3A_630 = tpu.memref_squeeze %dma_start3A_629 : memref<1x96xi32, #tpu.memory_space<vmem>> -> memref<96xi32, #tpu.memory_space<vmem>>
      %dma_start3A_631 = arith.constant 0 : i32
      %dma_start3A_632 = arith.constant 0 : i32
      %dma_start3A_633 = tpu.memref_slice %arg2[%dma_start3A_631, %dma_start3A_632] : memref<10112x32xf32, #tpu.memory_space<hbm>> -> memref<10112x32xf32, #tpu.memory_space<hbm>>
      tpu.enqueue_indirect_dma source(%dma_start3A_633 : memref<10112x32xf32, #tpu.memory_space<hbm>>) target(%arg10 : memref<96x32xf32, #tpu.memory_space<vmem>>) offsets(%dma_start3A_630 : memref<96xi32, #tpu.memory_space<vmem>>) semaphore(%arg17 : memref<!tpu.dma_semaphore, #tpu.memory_space<semaphore_mem>>)
      %dma_start3A_634 = arith.constant 1 : i32
      %dma_start3A_635 = arith.constant 0 : i32
      %dma_start3A_636 = tpu.memref_slice %arg6[%dma_start3A_634, %dma_start3A_635] : memref<2x96xi32, #tpu.memory_space<vmem>> -> memref<1x96xi32, #tpu.memory_space<vmem>>
      %dma_start3A_637 = tpu.memref_squeeze %dma_start3A_636 : memref<1x96xi32, #tpu.memory_space<vmem>> -> memref<96xi32, #tpu.memory_space<vmem>>
      %dma_start3A_638 = arith.constant 0 : i32
      %dma_start3A_639 = arith.constant 0 : i32
      %dma_start3A_640 = tpu.memref_slice %arg3[%dma_start3A_638, %dma_start3A_639] : memref<10112x16xf32, #tpu.memory_space<hbm>> -> memref<10112x16xf32, #tpu.memory_space<hbm>>
      tpu.enqueue_indirect_dma source(%dma_start3A_640 : memref<10112x16xf32, #tpu.memory_space<hbm>>) target(%arg12 : memref<96x16xf32, #tpu.memory_space<vmem>>) offsets(%dma_start3A_637 : memref<96xi32, #tpu.memory_space<vmem>>) semaphore(%arg19 : memref<!tpu.dma_semaphore, #tpu.memory_space<semaphore_mem>>)
      %dma_wait3A_641 = arith.constant 0 : i32
      %dma_wait3A_642 = arith.constant 0 : i32
      %dma_wait3A_643 = tpu.memref_slice %arg7[%dma_wait3A_641, %dma_wait3A_642] : memref<2x96xi32, #tpu.memory_space<vmem>> -> memref<1x96xi32, #tpu.memory_space<vmem>>
      %dma_wait3A_644 = tpu.memref_squeeze %dma_wait3A_643 : memref<1x96xi32, #tpu.memory_space<vmem>> -> memref<96xi32, #tpu.memory_space<vmem>>
      %dma_wait3A_645 = arith.constant 0 : i32
      %dma_wait3A_646 = arith.constant 0 : i32
      %dma_wait3A_647 = tpu.memref_slice %arg2[%dma_wait3A_645, %dma_wait3A_646] : memref<10112x32xf32, #tpu.memory_space<hbm>> -> memref<10112x32xf32, #tpu.memory_space<hbm>>
      tpu.wait_indirect_dma semaphore(%arg18 : memref<!tpu.dma_semaphore, #tpu.memory_space<semaphore_mem>>) src(%dma_wait3A_647 : memref<10112x32xf32, #tpu.memory_space<hbm>>) dst(%arg11 : memref<96x32xf32, #tpu.memory_space<vmem>>)
      %dma_wait3A_648 = arith.constant 1 : i32
      %dma_wait3A_649 = arith.constant 0 : i32
      %dma_wait3A_650 = tpu.memref_slice %arg7[%dma_wait3A_648, %dma_wait3A_649] : memref<2x96xi32, #tpu.memory_space<vmem>> -> memref<1x96xi32, #tpu.memory_space<vmem>>
      %dma_wait3A_651 = tpu.memref_squeeze %dma_wait3A_650 : memref<1x96xi32, #tpu.memory_space<vmem>> -> memref<96xi32, #tpu.memory_space<vmem>>
      %dma_wait3A_652 = arith.constant 0 : i32
      %dma_wait3A_653 = arith.constant 0 : i32
      %dma_wait3A_654 = tpu.memref_slice %arg3[%dma_wait3A_652, %dma_wait3A_653] : memref<10112x16xf32, #tpu.memory_space<hbm>> -> memref<10112x16xf32, #tpu.memory_space<hbm>>
      tpu.wait_indirect_dma semaphore(%arg20 : memref<!tpu.dma_semaphore, #tpu.memory_space<semaphore_mem>>) src(%dma_wait3A_654 : memref<10112x16xf32, #tpu.memory_space<hbm>>) dst(%arg13 : memref<96x16xf32, #tpu.memory_space<vmem>>)
      %get3A_655 = arith.constant 1 : i32
      %get3A_656 = arith.index_cast %get3A_655 : i32 to index
      %get3A_657 = arith.constant 0 : index
      %get3A_658 = tpu.vector_load %arg7[%get3A_656, %get3A_657] {strides = array<i32>} : memref<2x96xi32, #tpu.memory_space<vmem>>, vector<1x16xi32>,
      %get3A_659 = vector.shape_cast %get3A_658 : vector<1x16xi32> to vector<16xi32>
      %swap3A_660 = arith.constant 0 : index
      %swap3A_661 = tpu.vector_load %arg9[%swap3A_660] {strides = array<i32>} : memref<96xi32, #tpu.memory_space<vmem>>, vector<16xi32>,
      %swap3A_662 = vector.shape_cast %swap3A_661 : vector<16xi32> to vector<16xi32>
      %swap3A_663 = vector.shape_cast %get3A_659 : vector<16xi32> to vector<16xi32>
      tpu.vector_store %arg9[%swap3A_660], %swap3A_663 {strides = array<i32>} : memref<96xi32, #tpu.memory_space<vmem>>, vector<16xi32>,
      %get3A_664 = arith.constant 1 : i32
      %get3A_665 = arith.index_cast %get3A_664 : i32 to index
      %get3A_666 = arith.constant 16 : index
      %get3A_667 = tpu.vector_load %arg7[%get3A_665, %get3A_666] {strides = array<i32>} : memref<2x96xi32, #tpu.memory_space<vmem>>, vector<1x16xi32>,
      %get3A_668 = vector.shape_cast %get3A_667 : vector<1x16xi32> to vector<16xi32>
      %swap3A_669 = arith.constant 16 : index
      %swap3A_670 = tpu.vector_load %arg9[%swap3A_669] {strides = array<i32>} : memref<96xi32, #tpu.memory_space<vmem>>, vector<16xi32>,
      %swap3A_671 = vector.shape_cast %swap3A_670 : vector<16xi32> to vector<16xi32>
      %swap3A_672 = vector.shape_cast %get3A_668 : vector<16xi32> to vector<16xi32>
      tpu.vector_store %arg9[%swap3A_669], %swap3A_672 {strides = array<i32>} : memref<96xi32, #tpu.memory_space<vmem>>, vector<16xi32>,
      %get3A_673 = arith.constant 1 : i32
      %get3A_674 = arith.index_cast %get3A_673 : i32 to index
      %get3A_675 = arith.constant 32 : index
      %get3A_676 = tpu.vector_load %arg7[%get3A_674, %get3A_675] {strides = array<i32>} : memref<2x96xi32, #tpu.memory_space<vmem>>, vector<1x16xi32>,
      %get3A_677 = vector.shape_cast %get3A_676 : vector<1x16xi32> to vector<16xi32>
      %swap3A_678 = arith.constant 32 : index
      %swap3A_679 = tpu.vector_load %arg9[%swap3A_678] {strides = array<i32>} : memref<96xi32, #tpu.memory_space<vmem>>, vector<16xi32>,
      %swap3A_680 = vector.shape_cast %swap3A_679 : vector<16xi32> to vector<16xi32>
      %swap3A_681 = vector.shape_cast %get3A_677 : vector<16xi32> to vector<16xi32>
      tpu.vector_store %arg9[%swap3A_678], %swap3A_681 {strides = array<i32>} : memref<96xi32, #tpu.memory_space<vmem>>, vector<16xi32>,
      %get3A_682 = arith.constant 1 : i32
      %get3A_683 = arith.index_cast %get3A_682 : i32 to index
      %get3A_684 = arith.constant 48 : index
      %get3A_685 = tpu.vector_load %arg7[%get3A_683, %get3A_684] {strides = array<i32>} : memref<2x96xi32, #tpu.memory_space<vmem>>, vector<1x16xi32>,
      %get3A_686 = vector.shape_cast %get3A_685 : vector<1x16xi32> to vector<16xi32>
      %swap3A_687 = arith.constant 48 : index
      %swap3A_688 = tpu.vector_load %arg9[%swap3A_687] {strides = array<i32>} : memref<96xi32, #tpu.memory_space<vmem>>, vector<16xi32>,
      %swap3A_689 = vector.shape_cast %swap3A_688 : vector<16xi32> to vector<16xi32>
      %swap3A_690 = vector.shape_cast %get3A_686 : vector<16xi32> to vector<16xi32>
      tpu.vector_store %arg9[%swap3A_687], %swap3A_690 {strides = array<i32>} : memref<96xi32, #tpu.memory_space<vmem>>, vector<16xi32>,
      %get3A_691 = arith.constant 1 : i32
      %get3A_692 = arith.index_cast %get3A_691 : i32 to index
      %get3A_693 = arith.constant 64 : index
      %get3A_694 = tpu.vector_load %arg7[%get3A_692, %get3A_693] {strides = array<i32>} : memref<2x96xi32, #tpu.memory_space<vmem>>, vector<1x16xi32>,
      %get3A_695 = vector.shape_cast %get3A_694 : vector<1x16xi32> to vector<16xi32>
      %swap3A_696 = arith.constant 64 : index
      %swap3A_697 = tpu.vector_load %arg9[%swap3A_696] {strides = array<i32>} : memref<96xi32, #tpu.memory_space<vmem>>, vector<16xi32>,
      %swap3A_698 = vector.shape_cast %swap3A_697 : vector<16xi32> to vector<16xi32>
      %swap3A_699 = vector.shape_cast %get3A_695 : vector<16xi32> to vector<16xi32>
      tpu.vector_store %arg9[%swap3A_696], %swap3A_699 {strides = array<i32>} : memref<96xi32, #tpu.memory_space<vmem>>, vector<16xi32>,
      %get3A_700 = arith.constant 1 : i32
      %get3A_701 = arith.index_cast %get3A_700 : i32 to index
      %get3A_702 = arith.constant 80 : index
      %get3A_703 = tpu.vector_load %arg7[%get3A_701, %get3A_702] {strides = array<i32>} : memref<2x96xi32, #tpu.memory_space<vmem>>, vector<1x16xi32>,
      %get3A_704 = vector.shape_cast %get3A_703 : vector<1x16xi32> to vector<16xi32>
      %swap3A_705 = arith.constant 80 : index
      %swap3A_706 = tpu.vector_load %arg9[%swap3A_705] {strides = array<i32>} : memref<96xi32, #tpu.memory_space<vmem>>, vector<16xi32>,
      %swap3A_707 = vector.shape_cast %swap3A_706 : vector<16xi32> to vector<16xi32>
      %swap3A_708 = vector.shape_cast %get3A_704 : vector<16xi32> to vector<16xi32>
      tpu.vector_store %arg9[%swap3A_705], %swap3A_708 {strides = array<i32>} : memref<96xi32, #tpu.memory_space<vmem>>, vector<16xi32>,
      %add3A_709 = arith.constant 2 : i32
      %add3A_710 = arith.addi %add3A_614, %add3A_709 : i32
      %dma_start3A_711 = arith.constant 0 : i32
      %dma_start3A_712 = arith.constant 0 : i32
      %dma_start3A_713 = tpu.memref_slice %arg4[%add3A, %add3A_710, %dma_start3A_711, %dma_start3A_712] : memref<32x108x2x96xi32, #tpu.memory_space<hbm>> -> memref<1x1x2x96xi32, #tpu.memory_space<hbm>>
      %dma_start3A_714 = tpu.memref_squeeze %dma_start3A_713 : memref<1x1x2x96xi32, #tpu.memory_space<hbm>> -> memref<2x96xi32, #tpu.memory_space<hbm>>
      %dma_start3A_715 = arith.constant 0 : i32
      %dma_start3A_716 = arith.constant 0 : i32
      %dma_start3A_717 = tpu.memref_slice %arg4[%add3A, %add3A_710, %dma_start3A_715, %dma_start3A_716] : memref<32x108x2x96xi32, #tpu.memory_space<hbm>> -> memref<1x1x2x96xi32, #tpu.memory_space<hbm>>
      %dma_start3A_718 = tpu.memref_squeeze %dma_start3A_717 : memref<1x1x2x96xi32, #tpu.memory_space<hbm>> -> memref<2x96xi32, #tpu.memory_space<hbm>>
      tpu.enqueue_dma source(%dma_start3A_718 : memref<2x96xi32, #tpu.memory_space<hbm>>) target(%arg7 : memref<2x96xi32, #tpu.memory_space<vmem>>) target_semaphore(%arg24 : memref<!tpu.dma_semaphore, #tpu.memory_space<semaphore_mem>>)
      %scan3A_719 = arith.constant 0 : i32
      %scan3A_720 = arith.constant 0 : i32
      %scan3A_721 = arith.constant 96 : i32
      %scan3A_722 = arith.addi %scan3A_720, %scan3A_721 : i32
      %scan3A_723 = arith.constant 1 : i32
      scf.for %scan3A_728 = %scan3A_720 to %scan3A_722 step %scan3A_723  : i32 {
        %get3A_729 = arith.index_cast %scan3A_728 : i32 to index
        %get3A_730 = arith.constant 16 : index
        %get3A_731 = tpu.vector_load %arg11[%get3A_729, %get3A_730] {strides = array<i32>} : memref<96x32xf32, #tpu.memory_space<vmem>>, vector<1x16xf32>,
        %get3A_732 = vector.shape_cast %get3A_731 : vector<1x16xf32> to vector<16xf32>
        %get3A_733 = arith.index_cast %scan3A_728 : i32 to index
        %get3A_734 = arith.constant 0 : index
        %get3A_735 = tpu.vector_load %arg13[%get3A_733, %get3A_734] {strides = array<i32>} : memref<96x16xf32, #tpu.memory_space<vmem>>, vector<1x16xf32>,
        %get3A_736 = vector.shape_cast %get3A_735 : vector<1x16xf32> to vector<16xf32>
        %add3A_737 = arith.addf %get3A_732, %get3A_736 : vector<16xf32>
        %ge3A = arith.constant 0.000000e+00 : f32
        %ge3A_738 = vector.broadcast %ge3A : f32 to vector<16xf32>
        %ge3A_739 = arith.cmpf oge, %add3A_737, %ge3A_738 : vector<16xf32>
        %mul3A_740 = arith.constant 2.000000e-01 : f32
        %mul3A_741 = vector.broadcast %mul3A_740 : f32 to vector<16xf32>
        %mul3A_742 = arith.mulf %mul3A_741, %add3A_737 : vector<16xf32>
        %select_n3A = arith.select %ge3A_739, %add3A_737, %mul3A_742 : vector<16xi1>, vector<16xf32>
        %exp3A = math.exp %select_n3A : vector<16xf32>
        %swap3A_743 = arith.index_cast %scan3A_728 : i32 to index
        %swap3A_744 = arith.constant 16 : index
        %swap3A_745 = tpu.vector_load %arg15[%swap3A_743, %swap3A_744] {strides = array<i32>} : memref<96x32xf32, #tpu.memory_space<vmem>>, vector<1x16xf32>,
        %swap3A_746 = vector.shape_cast %swap3A_745 : vector<1x16xf32> to vector<16xf32>
        %swap3A_747 = vector.shape_cast %exp3A : vector<16xf32> to vector<1x16xf32>
        tpu.vector_store %arg15[%swap3A_743, %swap3A_744], %swap3A_747 {strides = array<i32>} : memref<96x32xf32, #tpu.memory_space<vmem>>, vector<1x16xf32>,
        %get3A_748 = arith.index_cast %scan3A_728 : i32 to index
        %get3A_749 = arith.constant 0 : index
        %get3A_750 = tpu.vector_load %arg11[%get3A_748, %get3A_749] {strides = array<i32>} : memref<96x32xf32, #tpu.memory_space<vmem>>, vector<1x16xf32>,
        %get3A_751 = vector.shape_cast %get3A_750 : vector<1x16xf32> to vector<16xf32>
        %mul3A_752 = arith.mulf %exp3A, %get3A_751 : vector<16xf32>
        %swap3A_753 = arith.index_cast %scan3A_728 : i32 to index
        %swap3A_754 = arith.constant 0 : index
        %swap3A_755 = tpu.vector_load %arg15[%swap3A_753, %swap3A_754] {strides = array<i32>} : memref<96x32xf32, #tpu.memory_space<vmem>>, vector<1x16xf32>,
        %swap3A_756 = vector.shape_cast %swap3A_755 : vector<1x16xf32> to vector<16xf32>
        %swap3A_757 = vector.shape_cast %mul3A_752 : vector<16xf32> to vector<1x16xf32>
        tpu.vector_store %arg15[%swap3A_753, %swap3A_754], %swap3A_757 {strides = array<i32>} : memref<96x32xf32, #tpu.memory_space<vmem>>, vector<1x16xf32>,
      }
      %scan3A_724 = arith.constant 96 : i32
      %dma_start3A_725 = arith.constant 0 : i32
      %dma_start3A_726 = arith.constant 0 : i32
      %dma_start3A_727 = tpu.memref_slice %arg16[%dma_start3A_725, %dma_start3A_726] : memref<10112x32xf32, #tpu.memory_space<vmem_shared>> -> memref<10112x32xf32, #tpu.memory_space<vmem_shared>>
      tpu.enqueue_indirect_dma source(%arg15 : memref<96x32xf32, #tpu.memory_space<vmem>>) target(%dma_start3A_727 : memref<10112x32xf32, #tpu.memory_space<vmem_shared>>) offsets(%arg9 : memref<96xi32, #tpu.memory_space<vmem>>) semaphore(%arg22 : memref<!tpu.dma_semaphore, #tpu.memory_space<semaphore_mem>>) {add = true}
    }
    %scan3A_276 = arith.constant 52 : i32
    %dma_wait3A_277 = arith.constant 0 : i32
    %dma_wait3A_278 = arith.constant 0 : i32
    %dma_wait3A_279 = tpu.memref_slice %arg16[%dma_wait3A_277, %dma_wait3A_278] : memref<10112x32xf32, #tpu.memory_space<vmem_shared>> -> memref<10112x32xf32, #tpu.memory_space<vmem_shared>>
    tpu.wait_indirect_dma semaphore(%arg21 : memref<!tpu.dma_semaphore, #tpu.memory_space<semaphore_mem>>) src(%arg14 : memref<96x32xf32, #tpu.memory_space<vmem>>) dst(%dma_wait3A_279 : memref<10112x32xf32, #tpu.memory_space<vmem_shared>>)
    %dma_wait3A_280 = arith.constant 0 : i32
    %dma_wait3A_281 = arith.constant 0 : i32
    %dma_wait3A_282 = arith.constant 0 : i32
    %dma_wait3A_283 = tpu.memref_slice %arg4[%add3A, %dma_wait3A_280, %dma_wait3A_281, %dma_wait3A_282] : memref<32x108x2x96xi32, #tpu.memory_space<hbm>> -> memref<1x1x2x96xi32, #tpu.memory_space<hbm>>
    %dma_wait3A_284 = tpu.memref_squeeze %dma_wait3A_283 : memref<1x1x2x96xi32, #tpu.memory_space<hbm>> -> memref<2x96xi32, #tpu.memory_space<hbm>>
    %dma_wait3A_285 = arith.constant 0 : i32
    %dma_wait3A_286 = arith.constant 0 : i32
    %dma_wait3A_287 = tpu.memref_slice %arg4[%add3A, %dma_wait3A_280, %dma_wait3A_285, %dma_wait3A_286] : memref<32x108x2x96xi32, #tpu.memory_space<hbm>> -> memref<1x1x2x96xi32, #tpu.memory_space<hbm>>
    %dma_wait3A_288 = tpu.memref_squeeze %dma_wait3A_287 : memref<1x1x2x96xi32, #tpu.memory_space<hbm>> -> memref<2x96xi32, #tpu.memory_space<hbm>>
    tpu.wait_dma2 semaphore(%arg24 : memref<!tpu.dma_semaphore, #tpu.memory_space<semaphore_mem>>) src(%dma_wait3A_288 : memref<2x96xi32, #tpu.memory_space<hbm>>) dst(%arg7 : memref<2x96xi32, #tpu.memory_space<vmem>>)
    %dma_start3A_289 = arith.constant 0 : i32
    %dma_start3A_290 = arith.constant 0 : i32
    %dma_start3A_291 = tpu.memref_slice %arg7[%dma_start3A_289, %dma_start3A_290] : memref<2x96xi32, #tpu.memory_space<vmem>> -> memref<1x96xi32, #tpu.memory_space<vmem>>
    %dma_start3A_292 = tpu.memref_squeeze %dma_start3A_291 : memref<1x96xi32, #tpu.memory_space<vmem>> -> memref<96xi32, #tpu.memory_space<vmem>>
    %dma_start3A_293 = arith.constant 0 : i32
    %dma_start3A_294 = arith.constant 0 : i32
    %dma_start3A_295 = tpu.memref_slice %arg2[%dma_start3A_293, %dma_start3A_294] : memref<10112x32xf32, #tpu.memory_space<hbm>> -> memref<10112x32xf32, #tpu.memory_space<hbm>>
    tpu.enqueue_indirect_dma source(%dma_start3A_295 : memref<10112x32xf32, #tpu.memory_space<hbm>>) target(%arg11 : memref<96x32xf32, #tpu.memory_space<vmem>>) offsets(%dma_start3A_292 : memref<96xi32, #tpu.memory_space<vmem>>) semaphore(%arg18 : memref<!tpu.dma_semaphore, #tpu.memory_space<semaphore_mem>>)
    %dma_start3A_296 = arith.constant 1 : i32
    %dma_start3A_297 = arith.constant 0 : i32
    %dma_start3A_298 = tpu.memref_slice %arg7[%dma_start3A_296, %dma_start3A_297] : memref<2x96xi32, #tpu.memory_space<vmem>> -> memref<1x96xi32, #tpu.memory_space<vmem>>
    %dma_start3A_299 = tpu.memref_squeeze %dma_start3A_298 : memref<1x96xi32, #tpu.memory_space<vmem>> -> memref<96xi32, #tpu.memory_space<vmem>>
    %dma_start3A_300 = arith.constant 0 : i32
    %dma_start3A_301 = arith.constant 0 : i32
    %dma_start3A_302 = tpu.memref_slice %arg3[%dma_start3A_300, %dma_start3A_301] : memref<10112x16xf32, #tpu.memory_space<hbm>> -> memref<10112x16xf32, #tpu.memory_space<hbm>>
    tpu.enqueue_indirect_dma source(%dma_start3A_302 : memref<10112x16xf32, #tpu.memory_space<hbm>>) target(%arg13 : memref<96x16xf32, #tpu.memory_space<vmem>>) offsets(%dma_start3A_299 : memref<96xi32, #tpu.memory_space<vmem>>) semaphore(%arg20 : memref<!tpu.dma_semaphore, #tpu.memory_space<semaphore_mem>>)
    %dma_wait3A_303 = arith.constant 0 : i32
    %dma_wait3A_304 = arith.constant 0 : i32
    %dma_wait3A_305 = tpu.memref_slice %arg6[%dma_wait3A_303, %dma_wait3A_304] : memref<2x96xi32, #tpu.memory_space<vmem>> -> memref<1x96xi32, #tpu.memory_space<vmem>>
    %dma_wait3A_306 = tpu.memref_squeeze %dma_wait3A_305 : memref<1x96xi32, #tpu.memory_space<vmem>> -> memref<96xi32, #tpu.memory_space<vmem>>
    %dma_wait3A_307 = arith.constant 0 : i32
    %dma_wait3A_308 = arith.constant 0 : i32
    %dma_wait3A_309 = tpu.memref_slice %arg2[%dma_wait3A_307, %dma_wait3A_308] : memref<10112x32xf32, #tpu.memory_space<hbm>> -> memref<10112x32xf32, #tpu.memory_space<hbm>>
    tpu.wait_indirect_dma semaphore(%arg17 : memref<!tpu.dma_semaphore, #tpu.memory_space<semaphore_mem>>) src(%dma_wait3A_309 : memref<10112x32xf32, #tpu.memory_space<hbm>>) dst(%arg10 : memref<96x32xf32, #tpu.memory_space<vmem>>)
    %dma_wait3A_310 = arith.constant 1 : i32
    %dma_wait3A_311 = arith.constant 0 : i32
    %dma_wait3A_312 = tpu.memref_slice %arg6[%dma_wait3A_310, %dma_wait3A_311] : memref<2x96xi32, #tpu.memory_space<vmem>> -> memref<1x96xi32, #tpu.memory_space<vmem>>
    %dma_wait3A_313 = tpu.memref_squeeze %dma_wait3A_312 : memref<1x96xi32, #tpu.memory_space<vmem>> -> memref<96xi32, #tpu.memory_space<vmem>>
    %dma_wait3A_314 = arith.constant 0 : i32
    %dma_wait3A_315 = arith.constant 0 : i32
    %dma_wait3A_316 = tpu.memref_slice %arg3[%dma_wait3A_314, %dma_wait3A_315] : memref<10112x16xf32, #tpu.memory_space<hbm>> -> memref<10112x16xf32, #tpu.memory_space<hbm>>
    tpu.wait_indirect_dma semaphore(%arg19 : memref<!tpu.dma_semaphore, #tpu.memory_space<semaphore_mem>>) src(%dma_wait3A_316 : memref<10112x16xf32, #tpu.memory_space<hbm>>) dst(%arg12 : memref<96x16xf32, #tpu.memory_space<vmem>>)
    %get3A_317 = arith.constant 1 : i32
    %get3A_318 = arith.index_cast %get3A_317 : i32 to index
    %get3A_319 = arith.constant 0 : index
    %get3A_320 = tpu.vector_load %arg6[%get3A_318, %get3A_319] {strides = array<i32>} : memref<2x96xi32, #tpu.memory_space<vmem>>, vector<1x16xi32>,
    %get3A_321 = vector.shape_cast %get3A_320 : vector<1x16xi32> to vector<16xi32>
    %swap3A_322 = arith.constant 0 : index
    %swap3A_323 = tpu.vector_load %arg8[%swap3A_322] {strides = array<i32>} : memref<96xi32, #tpu.memory_space<vmem>>, vector<16xi32>,
    %swap3A_324 = vector.shape_cast %swap3A_323 : vector<16xi32> to vector<16xi32>
    %swap3A_325 = vector.shape_cast %get3A_321 : vector<16xi32> to vector<16xi32>
    tpu.vector_store %arg8[%swap3A_322], %swap3A_325 {strides = array<i32>} : memref<96xi32, #tpu.memory_space<vmem>>, vector<16xi32>,
    %get3A_326 = arith.constant 1 : i32
    %get3A_327 = arith.index_cast %get3A_326 : i32 to index
    %get3A_328 = arith.constant 16 : index
    %get3A_329 = tpu.vector_load %arg6[%get3A_327, %get3A_328] {strides = array<i32>} : memref<2x96xi32, #tpu.memory_space<vmem>>, vector<1x16xi32>,
    %get3A_330 = vector.shape_cast %get3A_329 : vector<1x16xi32> to vector<16xi32>
    %swap3A_331 = arith.constant 16 : index
    %swap3A_332 = tpu.vector_load %arg8[%swap3A_331] {strides = array<i32>} : memref<96xi32, #tpu.memory_space<vmem>>, vector<16xi32>,
    %swap3A_333 = vector.shape_cast %swap3A_332 : vector<16xi32> to vector<16xi32>
    %swap3A_334 = vector.shape_cast %get3A_330 : vector<16xi32> to vector<16xi32>
    tpu.vector_store %arg8[%swap3A_331], %swap3A_334 {strides = array<i32>} : memref<96xi32, #tpu.memory_space<vmem>>, vector<16xi32>,
    %get3A_335 = arith.constant 1 : i32
    %get3A_336 = arith.index_cast %get3A_335 : i32 to index
    %get3A_337 = arith.constant 32 : index
    %get3A_338 = tpu.vector_load %arg6[%get3A_336, %get3A_337] {strides = array<i32>} : memref<2x96xi32, #tpu.memory_space<vmem>>, vector<1x16xi32>,
    %get3A_339 = vector.shape_cast %get3A_338 : vector<1x16xi32> to vector<16xi32>
    %swap3A_340 = arith.constant 32 : index
    %swap3A_341 = tpu.vector_load %arg8[%swap3A_340] {strides = array<i32>} : memref<96xi32, #tpu.memory_space<vmem>>, vector<16xi32>,
    %swap3A_342 = vector.shape_cast %swap3A_341 : vector<16xi32> to vector<16xi32>
    %swap3A_343 = vector.shape_cast %get3A_339 : vector<16xi32> to vector<16xi32>
    tpu.vector_store %arg8[%swap3A_340], %swap3A_343 {strides = array<i32>} : memref<96xi32, #tpu.memory_space<vmem>>, vector<16xi32>,
    %get3A_344 = arith.constant 1 : i32
    %get3A_345 = arith.index_cast %get3A_344 : i32 to index
    %get3A_346 = arith.constant 48 : index
    %get3A_347 = tpu.vector_load %arg6[%get3A_345, %get3A_346] {strides = array<i32>} : memref<2x96xi32, #tpu.memory_space<vmem>>, vector<1x16xi32>,
    %get3A_348 = vector.shape_cast %get3A_347 : vector<1x16xi32> to vector<16xi32>
    %swap3A_349 = arith.constant 48 : index
    %swap3A_350 = tpu.vector_load %arg8[%swap3A_349] {strides = array<i32>} : memref<96xi32, #tpu.memory_space<vmem>>, vector<16xi32>,
    %swap3A_351 = vector.shape_cast %swap3A_350 : vector<16xi32> to vector<16xi32>
    %swap3A_352 = vector.shape_cast %get3A_348 : vector<16xi32> to vector<16xi32>
    tpu.vector_store %arg8[%swap3A_349], %swap3A_352 {strides = array<i32>} : memref<96xi32, #tpu.memory_space<vmem>>, vector<16xi32>,
    %get3A_353 = arith.constant 1 : i32
    %get3A_354 = arith.index_cast %get3A_353 : i32 to index
    %get3A_355 = arith.constant 64 : index
    %get3A_356 = tpu.vector_load %arg6[%get3A_354, %get3A_355] {strides = array<i32>} : memref<2x96xi32, #tpu.memory_space<vmem>>, vector<1x16xi32>,
    %get3A_357 = vector.shape_cast %get3A_356 : vector<1x16xi32> to vector<16xi32>
    %swap3A_358 = arith.constant 64 : index
    %swap3A_359 = tpu.vector_load %arg8[%swap3A_358] {strides = array<i32>} : memref<96xi32, #tpu.memory_space<vmem>>, vector<16xi32>,
    %swap3A_360 = vector.shape_cast %swap3A_359 : vector<16xi32> to vector<16xi32>
    %swap3A_361 = vector.shape_cast %get3A_357 : vector<16xi32> to vector<16xi32>
    tpu.vector_store %arg8[%swap3A_358], %swap3A_361 {strides = array<i32>} : memref<96xi32, #tpu.memory_space<vmem>>, vector<16xi32>,
    %get3A_362 = arith.constant 1 : i32
    %get3A_363 = arith.index_cast %get3A_362 : i32 to index
    %get3A_364 = arith.constant 80 : index
    %get3A_365 = tpu.vector_load %arg6[%get3A_363, %get3A_364] {strides = array<i32>} : memref<2x96xi32, #tpu.memory_space<vmem>>, vector<1x16xi32>,
    %get3A_366 = vector.shape_cast %get3A_365 : vector<1x16xi32> to vector<16xi32>
    %swap3A_367 = arith.constant 80 : index
    %swap3A_368 = tpu.vector_load %arg8[%swap3A_367] {strides = array<i32>} : memref<96xi32, #tpu.memory_space<vmem>>, vector<16xi32>,
    %swap3A_369 = vector.shape_cast %swap3A_368 : vector<16xi32> to vector<16xi32>
    %swap3A_370 = vector.shape_cast %get3A_366 : vector<16xi32> to vector<16xi32>
    tpu.vector_store %arg8[%swap3A_367], %swap3A_370 {strides = array<i32>} : memref<96xi32, #tpu.memory_space<vmem>>, vector<16xi32>,
    %scan3A_371 = arith.constant 0 : i32
    %scan3A_372 = arith.constant 0 : i32
    %scan3A_373 = arith.constant 96 : i32
    %scan3A_374 = arith.addi %scan3A_372, %scan3A_373 : i32
    %scan3A_375 = arith.constant 1 : i32
    scf.for %scan3A_495 = %scan3A_372 to %scan3A_374 step %scan3A_375  : i32 {
      %get3A_496 = arith.index_cast %scan3A_495 : i32 to index
      %get3A_497 = arith.constant 16 : index
      %get3A_498 = tpu.vector_load %arg10[%get3A_496, %get3A_497] {strides = array<i32>} : memref<96x32xf32, #tpu.memory_space<vmem>>, vector<1x16xf32>,
      %get3A_499 = vector.shape_cast %get3A_498 : vector<1x16xf32> to vector<16xf32>
      %get3A_500 = arith.index_cast %scan3A_495 : i32 to index
      %get3A_501 = arith.constant 0 : index
      %get3A_502 = tpu.vector_load %arg12[%get3A_500, %get3A_501] {strides = array<i32>} : memref<96x16xf32, #tpu.memory_space<vmem>>, vector<1x16xf32>,
      %get3A_503 = vector.shape_cast %get3A_502 : vector<1x16xf32> to vector<16xf32>
      %add3A_504 = arith.addf %get3A_499, %get3A_503 : vector<16xf32>
      %ge3A = arith.constant 0.000000e+00 : f32
      %ge3A_505 = vector.broadcast %ge3A : f32 to vector<16xf32>
      %ge3A_506 = arith.cmpf oge, %add3A_504, %ge3A_505 : vector<16xf32>
      %mul3A_507 = arith.constant 2.000000e-01 : f32
      %mul3A_508 = vector.broadcast %mul3A_507 : f32 to vector<16xf32>
      %mul3A_509 = arith.mulf %mul3A_508, %add3A_504 : vector<16xf32>
      %select_n3A = arith.select %ge3A_506, %add3A_504, %mul3A_509 : vector<16xi1>, vector<16xf32>
      %exp3A = math.exp %select_n3A : vector<16xf32>
      %swap3A_510 = arith.index_cast %scan3A_495 : i32 to index
      %swap3A_511 = arith.constant 16 : index
      %swap3A_512 = tpu.vector_load %arg14[%swap3A_510, %swap3A_511] {strides = array<i32>} : memref<96x32xf32, #tpu.memory_space<vmem>>, vector<1x16xf32>,
      %swap3A_513 = vector.shape_cast %swap3A_512 : vector<1x16xf32> to vector<16xf32>
      %swap3A_514 = vector.shape_cast %exp3A : vector<16xf32> to vector<1x16xf32>
      tpu.vector_store %arg14[%swap3A_510, %swap3A_511], %swap3A_514 {strides = array<i32>} : memref<96x32xf32, #tpu.memory_space<vmem>>, vector<1x16xf32>,
      %get3A_515 = arith.index_cast %scan3A_495 : i32 to index
      %get3A_516 = arith.constant 0 : index
      %get3A_517 = tpu.vector_load %arg10[%get3A_515, %get3A_516] {strides = array<i32>} : memref<96x32xf32, #tpu.memory_space<vmem>>, vector<1x16xf32>,
      %get3A_518 = vector.shape_cast %get3A_517 : vector<1x16xf32> to vector<16xf32>
      %mul3A_519 = arith.mulf %exp3A, %get3A_518 : vector<16xf32>
      %swap3A_520 = arith.index_cast %scan3A_495 : i32 to index
      %swap3A_521 = arith.constant 0 : index
      %swap3A_522 = tpu.vector_load %arg14[%swap3A_520, %swap3A_521] {strides = array<i32>} : memref<96x32xf32, #tpu.memory_space<vmem>>, vector<1x16xf32>,
      %swap3A_523 = vector.shape_cast %swap3A_522 : vector<1x16xf32> to vector<16xf32>
      %swap3A_524 = vector.shape_cast %mul3A_519 : vector<16xf32> to vector<1x16xf32>
      tpu.vector_store %arg14[%swap3A_520, %swap3A_521], %swap3A_524 {strides = array<i32>} : memref<96x32xf32, #tpu.memory_space<vmem>>, vector<1x16xf32>,
    }
    %scan3A_376 = arith.constant 96 : i32
    %dma_start3A_377 = arith.constant 0 : i32
    %dma_start3A_378 = arith.constant 0 : i32
    %dma_start3A_379 = tpu.memref_slice %arg16[%dma_start3A_377, %dma_start3A_378] : memref<10112x32xf32, #tpu.memory_space<vmem_shared>> -> memref<10112x32xf32, #tpu.memory_space<vmem_shared>>
    tpu.enqueue_indirect_dma source(%arg14 : memref<96x32xf32, #tpu.memory_space<vmem>>) target(%dma_start3A_379 : memref<10112x32xf32, #tpu.memory_space<vmem_shared>>) offsets(%arg8 : memref<96xi32, #tpu.memory_space<vmem>>) semaphore(%arg21 : memref<!tpu.dma_semaphore, #tpu.memory_space<semaphore_mem>>) {add = true}
    %dma_wait3A_380 = arith.constant 0 : i32
    %dma_wait3A_381 = arith.constant 0 : i32
    %dma_wait3A_382 = tpu.memref_slice %arg16[%dma_wait3A_380, %dma_wait3A_381] : memref<10112x32xf32, #tpu.memory_space<vmem_shared>> -> memref<10112x32xf32, #tpu.memory_space<vmem_shared>>
    tpu.wait_indirect_dma semaphore(%arg22 : memref<!tpu.dma_semaphore, #tpu.memory_space<semaphore_mem>>) src(%arg15 : memref<96x32xf32, #tpu.memory_space<vmem>>) dst(%dma_wait3A_382 : memref<10112x32xf32, #tpu.memory_space<vmem_shared>>)
    %dma_wait3A_383 = arith.constant 0 : i32
    %dma_wait3A_384 = arith.constant 0 : i32
    %dma_wait3A_385 = tpu.memref_slice %arg7[%dma_wait3A_383, %dma_wait3A_384] : memref<2x96xi32, #tpu.memory_space<vmem>> -> memref<1x96xi32, #tpu.memory_space<vmem>>
    %dma_wait3A_386 = tpu.memref_squeeze %dma_wait3A_385 : memref<1x96xi32, #tpu.memory_space<vmem>> -> memref<96xi32, #tpu.memory_space<vmem>>
    %dma_wait3A_387 = arith.constant 0 : i32
    %dma_wait3A_388 = arith.constant 0 : i32
    %dma_wait3A_389 = tpu.memref_slice %arg2[%dma_wait3A_387, %dma_wait3A_388] : memref<10112x32xf32, #tpu.memory_space<hbm>> -> memref<10112x32xf32, #tpu.memory_space<hbm>>
    tpu.wait_indirect_dma semaphore(%arg18 : memref<!tpu.dma_semaphore, #tpu.memory_space<semaphore_mem>>) src(%dma_wait3A_389 : memref<10112x32xf32, #tpu.memory_space<hbm>>) dst(%arg11 : memref<96x32xf32, #tpu.memory_space<vmem>>)
    %dma_wait3A_390 = arith.constant 1 : i32
    %dma_wait3A_391 = arith.constant 0 : i32
    %dma_wait3A_392 = tpu.memref_slice %arg7[%dma_wait3A_390, %dma_wait3A_391] : memref<2x96xi32, #tpu.memory_space<vmem>> -> memref<1x96xi32, #tpu.memory_space<vmem>>
    %dma_wait3A_393 = tpu.memref_squeeze %dma_wait3A_392 : memref<1x96xi32, #tpu.memory_space<vmem>> -> memref<96xi32, #tpu.memory_space<vmem>>
    %dma_wait3A_394 = arith.constant 0 : i32
    %dma_wait3A_395 = arith.constant 0 : i32
    %dma_wait3A_396 = tpu.memref_slice %arg3[%dma_wait3A_394, %dma_wait3A_395] : memref<10112x16xf32, #tpu.memory_space<hbm>> -> memref<10112x16xf32, #tpu.memory_space<hbm>>
    tpu.wait_indirect_dma semaphore(%arg20 : memref<!tpu.dma_semaphore, #tpu.memory_space<semaphore_mem>>) src(%dma_wait3A_396 : memref<10112x16xf32, #tpu.memory_space<hbm>>) dst(%arg13 : memref<96x16xf32, #tpu.memory_space<vmem>>)
    %get3A_397 = arith.constant 1 : i32
    %get3A_398 = arith.index_cast %get3A_397 : i32 to index
    %get3A_399 = arith.constant 0 : index
    %get3A_400 = tpu.vector_load %arg7[%get3A_398, %get3A_399] {strides = array<i32>} : memref<2x96xi32, #tpu.memory_space<vmem>>, vector<1x16xi32>,
    %get3A_401 = vector.shape_cast %get3A_400 : vector<1x16xi32> to vector<16xi32>
    %swap3A_402 = arith.constant 0 : index
    %swap3A_403 = tpu.vector_load %arg9[%swap3A_402] {strides = array<i32>} : memref<96xi32, #tpu.memory_space<vmem>>, vector<16xi32>,
    %swap3A_404 = vector.shape_cast %swap3A_403 : vector<16xi32> to vector<16xi32>
    %swap3A_405 = vector.shape_cast %get3A_401 : vector<16xi32> to vector<16xi32>
    tpu.vector_store %arg9[%swap3A_402], %swap3A_405 {strides = array<i32>} : memref<96xi32, #tpu.memory_space<vmem>>, vector<16xi32>,
    %get3A_406 = arith.constant 1 : i32
    %get3A_407 = arith.index_cast %get3A_406 : i32 to index
    %get3A_408 = arith.constant 16 : index
    %get3A_409 = tpu.vector_load %arg7[%get3A_407, %get3A_408] {strides = array<i32>} : memref<2x96xi32, #tpu.memory_space<vmem>>, vector<1x16xi32>,
    %get3A_410 = vector.shape_cast %get3A_409 : vector<1x16xi32> to vector<16xi32>
    %swap3A_411 = arith.constant 16 : index
    %swap3A_412 = tpu.vector_load %arg9[%swap3A_411] {strides = array<i32>} : memref<96xi32, #tpu.memory_space<vmem>>, vector<16xi32>,
    %swap3A_413 = vector.shape_cast %swap3A_412 : vector<16xi32> to vector<16xi32>
    %swap3A_414 = vector.shape_cast %get3A_410 : vector<16xi32> to vector<16xi32>
    tpu.vector_store %arg9[%swap3A_411], %swap3A_414 {strides = array<i32>} : memref<96xi32, #tpu.memory_space<vmem>>, vector<16xi32>,
    %get3A_415 = arith.constant 1 : i32
    %get3A_416 = arith.index_cast %get3A_415 : i32 to index
    %get3A_417 = arith.constant 32 : index
    %get3A_418 = tpu.vector_load %arg7[%get3A_416, %get3A_417] {strides = array<i32>} : memref<2x96xi32, #tpu.memory_space<vmem>>, vector<1x16xi32>,
    %get3A_419 = vector.shape_cast %get3A_418 : vector<1x16xi32> to vector<16xi32>
    %swap3A_420 = arith.constant 32 : index
    %swap3A_421 = tpu.vector_load %arg9[%swap3A_420] {strides = array<i32>} : memref<96xi32, #tpu.memory_space<vmem>>, vector<16xi32>,
    %swap3A_422 = vector.shape_cast %swap3A_421 : vector<16xi32> to vector<16xi32>
    %swap3A_423 = vector.shape_cast %get3A_419 : vector<16xi32> to vector<16xi32>
    tpu.vector_store %arg9[%swap3A_420], %swap3A_423 {strides = array<i32>} : memref<96xi32, #tpu.memory_space<vmem>>, vector<16xi32>,
    %get3A_424 = arith.constant 1 : i32
    %get3A_425 = arith.index_cast %get3A_424 : i32 to index
    %get3A_426 = arith.constant 48 : index
    %get3A_427 = tpu.vector_load %arg7[%get3A_425, %get3A_426] {strides = array<i32>} : memref<2x96xi32, #tpu.memory_space<vmem>>, vector<1x16xi32>,
    %get3A_428 = vector.shape_cast %get3A_427 : vector<1x16xi32> to vector<16xi32>
    %swap3A_429 = arith.constant 48 : index
    %swap3A_430 = tpu.vector_load %arg9[%swap3A_429] {strides = array<i32>} : memref<96xi32, #tpu.memory_space<vmem>>, vector<16xi32>,
    %swap3A_431 = vector.shape_cast %swap3A_430 : vector<16xi32> to vector<16xi32>
    %swap3A_432 = vector.shape_cast %get3A_428 : vector<16xi32> to vector<16xi32>
    tpu.vector_store %arg9[%swap3A_429], %swap3A_432 {strides = array<i32>} : memref<96xi32, #tpu.memory_space<vmem>>, vector<16xi32>,
    %get3A_433 = arith.constant 1 : i32
    %get3A_434 = arith.index_cast %get3A_433 : i32 to index
    %get3A_435 = arith.constant 64 : index
    %get3A_436 = tpu.vector_load %arg7[%get3A_434, %get3A_435] {strides = array<i32>} : memref<2x96xi32, #tpu.memory_space<vmem>>, vector<1x16xi32>,
    %get3A_437 = vector.shape_cast %get3A_436 : vector<1x16xi32> to vector<16xi32>
    %swap3A_438 = arith.constant 64 : index
    %swap3A_439 = tpu.vector_load %arg9[%swap3A_438] {strides = array<i32>} : memref<96xi32, #tpu.memory_space<vmem>>, vector<16xi32>,
    %swap3A_440 = vector.shape_cast %swap3A_439 : vector<16xi32> to vector<16xi32>
    %swap3A_441 = vector.shape_cast %get3A_437 : vector<16xi32> to vector<16xi32>
    tpu.vector_store %arg9[%swap3A_438], %swap3A_441 {strides = array<i32>} : memref<96xi32, #tpu.memory_space<vmem>>, vector<16xi32>,
    %get3A_442 = arith.constant 1 : i32
    %get3A_443 = arith.index_cast %get3A_442 : i32 to index
    %get3A_444 = arith.constant 80 : index
    %get3A_445 = tpu.vector_load %arg7[%get3A_443, %get3A_444] {strides = array<i32>} : memref<2x96xi32, #tpu.memory_space<vmem>>, vector<1x16xi32>,
    %get3A_446 = vector.shape_cast %get3A_445 : vector<1x16xi32> to vector<16xi32>
    %swap3A_447 = arith.constant 80 : index
    %swap3A_448 = tpu.vector_load %arg9[%swap3A_447] {strides = array<i32>} : memref<96xi32, #tpu.memory_space<vmem>>, vector<16xi32>,
    %swap3A_449 = vector.shape_cast %swap3A_448 : vector<16xi32> to vector<16xi32>
    %swap3A_450 = vector.shape_cast %get3A_446 : vector<16xi32> to vector<16xi32>
    tpu.vector_store %arg9[%swap3A_447], %swap3A_450 {strides = array<i32>} : memref<96xi32, #tpu.memory_space<vmem>>, vector<16xi32>,
    %scan3A_451 = arith.constant 0 : i32
    %scan3A_452 = arith.constant 0 : i32
    %scan3A_453 = arith.constant 96 : i32
    %scan3A_454 = arith.addi %scan3A_452, %scan3A_453 : i32
    %scan3A_455 = arith.constant 1 : i32
    scf.for %scan3A_495 = %scan3A_452 to %scan3A_454 step %scan3A_455  : i32 {
      %get3A_496 = arith.index_cast %scan3A_495 : i32 to index
      %get3A_497 = arith.constant 16 : index
      %get3A_498 = tpu.vector_load %arg11[%get3A_496, %get3A_497] {strides = array<i32>} : memref<96x32xf32, #tpu.memory_space<vmem>>, vector<1x16xf32>,
      %get3A_499 = vector.shape_cast %get3A_498 : vector<1x16xf32> to vector<16xf32>
      %get3A_500 = arith.index_cast %scan3A_495 : i32 to index
      %get3A_501 = arith.constant 0 : index
      %get3A_502 = tpu.vector_load %arg13[%get3A_500, %get3A_501] {strides = array<i32>} : memref<96x16xf32, #tpu.memory_space<vmem>>, vector<1x16xf32>,
      %get3A_503 = vector.shape_cast %get3A_502 : vector<1x16xf32> to vector<16xf32>
      %add3A_504 = arith.addf %get3A_499, %get3A_503 : vector<16xf32>
      %ge3A = arith.constant 0.000000e+00 : f32
      %ge3A_505 = vector.broadcast %ge3A : f32 to vector<16xf32>
      %ge3A_506 = arith.cmpf oge, %add3A_504, %ge3A_505 : vector<16xf32>
      %mul3A_507 = arith.constant 2.000000e-01 : f32
      %mul3A_508 = vector.broadcast %mul3A_507 : f32 to vector<16xf32>
      %mul3A_509 = arith.mulf %mul3A_508, %add3A_504 : vector<16xf32>
      %select_n3A = arith.select %ge3A_506, %add3A_504, %mul3A_509 : vector<16xi1>, vector<16xf32>
      %exp3A = math.exp %select_n3A : vector<16xf32>
      %swap3A_510 = arith.index_cast %scan3A_495 : i32 to index
      %swap3A_511 = arith.constant 16 : index
      %swap3A_512 = tpu.vector_load %arg15[%swap3A_510, %swap3A_511] {strides = array<i32>} : memref<96x32xf32, #tpu.memory_space<vmem>>, vector<1x16xf32>,
      %swap3A_513 = vector.shape_cast %swap3A_512 : vector<1x16xf32> to vector<16xf32>
      %swap3A_514 = vector.shape_cast %exp3A : vector<16xf32> to vector<1x16xf32>
      tpu.vector_store %arg15[%swap3A_510, %swap3A_511], %swap3A_514 {strides = array<i32>} : memref<96x32xf32, #tpu.memory_space<vmem>>, vector<1x16xf32>,
      %get3A_515 = arith.index_cast %scan3A_495 : i32 to index
      %get3A_516 = arith.constant 0 : index
      %get3A_517 = tpu.vector_load %arg11[%get3A_515, %get3A_516] {strides = array<i32>} : memref<96x32xf32, #tpu.memory_space<vmem>>, vector<1x16xf32>,
      %get3A_518 = vector.shape_cast %get3A_517 : vector<1x16xf32> to vector<16xf32>
      %mul3A_519 = arith.mulf %exp3A, %get3A_518 : vector<16xf32>
      %swap3A_520 = arith.index_cast %scan3A_495 : i32 to index
      %swap3A_521 = arith.constant 0 : index
      %swap3A_522 = tpu.vector_load %arg15[%swap3A_520, %swap3A_521] {strides = array<i32>} : memref<96x32xf32, #tpu.memory_space<vmem>>, vector<1x16xf32>,
      %swap3A_523 = vector.shape_cast %swap3A_522 : vector<1x16xf32> to vector<16xf32>
      %swap3A_524 = vector.shape_cast %mul3A_519 : vector<16xf32> to vector<1x16xf32>
      tpu.vector_store %arg15[%swap3A_520, %swap3A_521], %swap3A_524 {strides = array<i32>} : memref<96x32xf32, #tpu.memory_space<vmem>>, vector<1x16xf32>,
    }
    %scan3A_456 = arith.constant 96 : i32
    %dma_start3A_457 = arith.constant 0 : i32
    %dma_start3A_458 = arith.constant 0 : i32
    %dma_start3A_459 = tpu.memref_slice %arg16[%dma_start3A_457, %dma_start3A_458] : memref<10112x32xf32, #tpu.memory_space<vmem_shared>> -> memref<10112x32xf32, #tpu.memory_space<vmem_shared>>
    tpu.enqueue_indirect_dma source(%arg15 : memref<96x32xf32, #tpu.memory_space<vmem>>) target(%dma_start3A_459 : memref<10112x32xf32, #tpu.memory_space<vmem_shared>>) offsets(%arg9 : memref<96xi32, #tpu.memory_space<vmem>>) semaphore(%arg22 : memref<!tpu.dma_semaphore, #tpu.memory_space<semaphore_mem>>) {add = true}
    %dma_wait3A_460 = arith.constant 0 : i32
    %dma_wait3A_461 = arith.constant 0 : i32
    %dma_wait3A_462 = tpu.memref_slice %arg16[%dma_wait3A_460, %dma_wait3A_461] : memref<10112x32xf32, #tpu.memory_space<vmem_shared>> -> memref<10112x32xf32, #tpu.memory_space<vmem_shared>>
    tpu.wait_indirect_dma semaphore(%arg21 : memref<!tpu.dma_semaphore, #tpu.memory_space<semaphore_mem>>) src(%arg14 : memref<96x32xf32, #tpu.memory_space<vmem>>) dst(%dma_wait3A_462 : memref<10112x32xf32, #tpu.memory_space<vmem_shared>>)
    %dma_wait3A_463 = arith.constant 0 : i32
    %dma_wait3A_464 = arith.constant 0 : i32
    %dma_wait3A_465 = tpu.memref_slice %arg16[%dma_wait3A_463, %dma_wait3A_464] : memref<10112x32xf32, #tpu.memory_space<vmem_shared>> -> memref<10112x32xf32, #tpu.memory_space<vmem_shared>>
    tpu.wait_indirect_dma semaphore(%arg22 : memref<!tpu.dma_semaphore, #tpu.memory_space<semaphore_mem>>) src(%arg15 : memref<96x32xf32, #tpu.memory_space<vmem>>) dst(%dma_wait3A_465 : memref<10112x32xf32, #tpu.memory_space<vmem_shared>>)
    %barrier3A_466 = arith.constant 0 : index
    tpu.barrier barrier_id(%barrier3A_466)
    %mul3A_467 = arith.constant 632 : i32
    %mul3A_468 = arith.muli %arg1, %mul3A_467 : i32
    %add3A_469 = arith.constant 0 : i32
    %add3A_470 = arith.addi %mul3A_468, %add3A_469 : i32
    "tpu.region"() ({
      %run_scoped3A_495 = tpu.sem_alloc : memref<!tpu.dma_semaphore, #tpu.memory_space<semaphore_mem>>
      %dma_start3A_496 = arith.constant 0 : i32
      %dma_start3A_497 = tpu.memref_slice %arg5[%arg0, %add3A_470, %dma_start3A_496] : memref<2x10112x32xf32, #tpu.memory_space<hbm>> -> memref<1x96x32xf32, #tpu.memory_space<hbm>>
      %dma_start3A_498 = tpu.memref_squeeze %dma_start3A_497 : memref<1x96x32xf32, #tpu.memory_space<hbm>> -> memref<96x32xf32, #tpu.memory_space<hbm>>
      %dma_start3A_499 = arith.constant 0 : i32
      %dma_start3A_500 = tpu.memref_slice %arg16[%add3A_470, %dma_start3A_499] : memref<10112x32xf32, #tpu.memory_space<vmem_shared>> -> memref<96x32xf32, #tpu.memory_space<vmem_shared>>
      tpu.enqueue_dma source(%dma_start3A_500 : memref<96x32xf32, #tpu.memory_space<vmem_shared>>) target(%dma_start3A_498 : memref<96x32xf32, #tpu.memory_space<hbm>>) target_semaphore(%run_scoped3A_495 : memref<!tpu.dma_semaphore, #tpu.memory_space<semaphore_mem>>)
      %dma_wait3A_501 = arith.constant 0 : i32
      %dma_wait3A_502 = tpu.memref_slice %arg5[%arg0, %add3A_470, %dma_wait3A_501] : memref<2x10112x32xf32, #tpu.memory_space<hbm>> -> memref<1x96x32xf32, #tpu.memory_space<hbm>>
      %dma_wait3A_503 = tpu.memref_squeeze %dma_wait3A_502 : memref<1x96x32xf32, #tpu.memory_space<hbm>> -> memref<96x32xf32, #tpu.memory_space<hbm>>
      %dma_wait3A_504 = arith.constant 0 : i32
      %dma_wait3A_505 = tpu.memref_slice %arg16[%add3A_470, %dma_wait3A_504] : memref<10112x32xf32, #tpu.memory_space<vmem_shared>> -> memref<96x32xf32, #tpu.memory_space<vmem_shared>>
      tpu.wait_dma2 semaphore(%run_scoped3A_495 : memref<!tpu.dma_semaphore, #tpu.memory_space<semaphore_mem>>) src(%dma_wait3A_505 : memref<96x32xf32, #tpu.memory_space<vmem_shared>>) dst(%dma_wait3A_503 : memref<96x32xf32, #tpu.memory_space<hbm>>)
      tpu.yield
    }) : () -> ()
    %mul3A_471 = arith.constant 632 : i32
    %mul3A_472 = arith.muli %arg1, %mul3A_471 : i32
    %add3A_473 = arith.constant 96 : i32
    %add3A_474 = arith.addi %mul3A_472, %add3A_473 : i32
    "tpu.region"() ({
      %run_scoped3A_495 = tpu.sem_alloc : memref<!tpu.dma_semaphore, #tpu.memory_space<semaphore_mem>>
      %dma_start3A_496 = arith.constant 0 : i32
      %dma_start3A_497 = tpu.memref_slice %arg5[%arg0, %add3A_474, %dma_start3A_496] : memref<2x10112x32xf32, #tpu.memory_space<hbm>> -> memref<1x96x32xf32, #tpu.memory_space<hbm>>
      %dma_start3A_498 = tpu.memref_squeeze %dma_start3A_497 : memref<1x96x32xf32, #tpu.memory_space<hbm>> -> memref<96x32xf32, #tpu.memory_space<hbm>>
      %dma_start3A_499 = arith.constant 0 : i32
      %dma_start3A_500 = tpu.memref_slice %arg16[%add3A_474, %dma_start3A_499] : memref<10112x32xf32, #tpu.memory_space<vmem_shared>> -> memref<96x32xf32, #tpu.memory_space<vmem_shared>>
      tpu.enqueue_dma source(%dma_start3A_500 : memref<96x32xf32, #tpu.memory_space<vmem_shared>>) target(%dma_start3A_498 : memref<96x32xf32, #tpu.memory_space<hbm>>) target_semaphore(%run_scoped3A_495 : memref<!tpu.dma_semaphore, #tpu.memory_space<semaphore_mem>>)
      %dma_wait3A_501 = arith.constant 0 : i32
      %dma_wait3A_502 = tpu.memref_slice %arg5[%arg0, %add3A_474, %dma_wait3A_501] : memref<2x10112x32xf32, #tpu.memory_space<hbm>> -> memref<1x96x32xf32, #tpu.memory_space<hbm>>
      %dma_wait3A_503 = tpu.memref_squeeze %dma_wait3A_502 : memref<1x96x32xf32, #tpu.memory_space<hbm>> -> memref<96x32xf32, #tpu.memory_space<hbm>>
      %dma_wait3A_504 = arith.constant 0 : i32
      %dma_wait3A_505 = tpu.memref_slice %arg16[%add3A_474, %dma_wait3A_504] : memref<10112x32xf32, #tpu.memory_space<vmem_shared>> -> memref<96x32xf32, #tpu.memory_space<vmem_shared>>
      tpu.wait_dma2 semaphore(%run_scoped3A_495 : memref<!tpu.dma_semaphore, #tpu.memory_space<semaphore_mem>>) src(%dma_wait3A_505 : memref<96x32xf32, #tpu.memory_space<vmem_shared>>) dst(%dma_wait3A_503 : memref<96x32xf32, #tpu.memory_space<hbm>>)
      tpu.yield
    }) : () -> ()
    %mul3A_475 = arith.constant 632 : i32
    %mul3A_476 = arith.muli %arg1, %mul3A_475 : i32
    %add3A_477 = arith.constant 192 : i32
    %add3A_478 = arith.addi %mul3A_476, %add3A_477 : i32
    "tpu.region"() ({
      %run_scoped3A_495 = tpu.sem_alloc : memref<!tpu.dma_semaphore, #tpu.memory_space<semaphore_mem>>
      %dma_start3A_496 = arith.constant 0 : i32
      %dma_start3A_497 = tpu.memref_slice %arg5[%arg0, %add3A_478, %dma_start3A_496] : memref<2x10112x32xf32, #tpu.memory_space<hbm>> -> memref<1x96x32xf32, #tpu.memory_space<hbm>>
      %dma_start3A_498 = tpu.memref_squeeze %dma_start3A_497 : memref<1x96x32xf32, #tpu.memory_space<hbm>> -> memref<96x32xf32, #tpu.memory_space<hbm>>
      %dma_start3A_499 = arith.constant 0 : i32
      %dma_start3A_500 = tpu.memref_slice %arg16[%add3A_478, %dma_start3A_499] : memref<10112x32xf32, #tpu.memory_space<vmem_shared>> -> memref<96x32xf32, #tpu.memory_space<vmem_shared>>
      tpu.enqueue_dma source(%dma_start3A_500 : memref<96x32xf32, #tpu.memory_space<vmem_shared>>) target(%dma_start3A_498 : memref<96x32xf32, #tpu.memory_space<hbm>>) target_semaphore(%run_scoped3A_495 : memref<!tpu.dma_semaphore, #tpu.memory_space<semaphore_mem>>)
      %dma_wait3A_501 = arith.constant 0 : i32
      %dma_wait3A_502 = tpu.memref_slice %arg5[%arg0, %add3A_478, %dma_wait3A_501] : memref<2x10112x32xf32, #tpu.memory_space<hbm>> -> memref<1x96x32xf32, #tpu.memory_space<hbm>>
      %dma_wait3A_503 = tpu.memref_squeeze %dma_wait3A_502 : memref<1x96x32xf32, #tpu.memory_space<hbm>> -> memref<96x32xf32, #tpu.memory_space<hbm>>
      %dma_wait3A_504 = arith.constant 0 : i32
      %dma_wait3A_505 = tpu.memref_slice %arg16[%add3A_478, %dma_wait3A_504] : memref<10112x32xf32, #tpu.memory_space<vmem_shared>> -> memref<96x32xf32, #tpu.memory_space<vmem_shared>>
      tpu.wait_dma2 semaphore(%run_scoped3A_495 : memref<!tpu.dma_semaphore, #tpu.memory_space<semaphore_mem>>) src(%dma_wait3A_505 : memref<96x32xf32, #tpu.memory_space<vmem_shared>>) dst(%dma_wait3A_503 : memref<96x32xf32, #tpu.memory_space<hbm>>)
      tpu.yield
    }) : () -> ()
    %mul3A_479 = arith.constant 632 : i32
    %mul3A_480 = arith.muli %arg1, %mul3A_479 : i32
    %add3A_481 = arith.constant 288 : i32
    %add3A_482 = arith.addi %mul3A_480, %add3A_481 : i32
    "tpu.region"() ({
      %run_scoped3A_495 = tpu.sem_alloc : memref<!tpu.dma_semaphore, #tpu.memory_space<semaphore_mem>>
      %dma_start3A_496 = arith.constant 0 : i32
      %dma_start3A_497 = tpu.memref_slice %arg5[%arg0, %add3A_482, %dma_start3A_496] : memref<2x10112x32xf32, #tpu.memory_space<hbm>> -> memref<1x96x32xf32, #tpu.memory_space<hbm>>
      %dma_start3A_498 = tpu.memref_squeeze %dma_start3A_497 : memref<1x96x32xf32, #tpu.memory_space<hbm>> -> memref<96x32xf32, #tpu.memory_space<hbm>>
      %dma_start3A_499 = arith.constant 0 : i32
      %dma_start3A_500 = tpu.memref_slice %arg16[%add3A_482, %dma_start3A_499] : memref<10112x32xf32, #tpu.memory_space<vmem_shared>> -> memref<96x32xf32, #tpu.memory_space<vmem_shared>>
      tpu.enqueue_dma source(%dma_start3A_500 : memref<96x32xf32, #tpu.memory_space<vmem_shared>>) target(%dma_start3A_498 : memref<96x32xf32, #tpu.memory_space<hbm>>) target_semaphore(%run_scoped3A_495 : memref<!tpu.dma_semaphore, #tpu.memory_space<semaphore_mem>>)
      %dma_wait3A_501 = arith.constant 0 : i32
      %dma_wait3A_502 = tpu.memref_slice %arg5[%arg0, %add3A_482, %dma_wait3A_501] : memref<2x10112x32xf32, #tpu.memory_space<hbm>> -> memref<1x96x32xf32, #tpu.memory_space<hbm>>
      %dma_wait3A_503 = tpu.memref_squeeze %dma_wait3A_502 : memref<1x96x32xf32, #tpu.memory_space<hbm>> -> memref<96x32xf32, #tpu.memory_space<hbm>>
      %dma_wait3A_504 = arith.constant 0 : i32
      %dma_wait3A_505 = tpu.memref_slice %arg16[%add3A_482, %dma_wait3A_504] : memref<10112x32xf32, #tpu.memory_space<vmem_shared>> -> memref<96x32xf32, #tpu.memory_space<vmem_shared>>
      tpu.wait_dma2 semaphore(%run_scoped3A_495 : memref<!tpu.dma_semaphore, #tpu.memory_space<semaphore_mem>>) src(%dma_wait3A_505 : memref<96x32xf32, #tpu.memory_space<vmem_shared>>) dst(%dma_wait3A_503 : memref<96x32xf32, #tpu.memory_space<hbm>>)
      tpu.yield
    }) : () -> ()
    %mul3A_483 = arith.constant 632 : i32
    %mul3A_484 = arith.muli %arg1, %mul3A_483 : i32
    %add3A_485 = arith.constant 384 : i32
    %add3A_486 = arith.addi %mul3A_484, %add3A_485 : i32
    "tpu.region"() ({
      %run_scoped3A_495 = tpu.sem_alloc : memref<!tpu.dma_semaphore, #tpu.memory_space<semaphore_mem>>
      %dma_start3A_496 = arith.constant 0 : i32
      %dma_start3A_497 = tpu.memref_slice %arg5[%arg0, %add3A_486, %dma_start3A_496] : memref<2x10112x32xf32, #tpu.memory_space<hbm>> -> memref<1x96x32xf32, #tpu.memory_space<hbm>>
      %dma_start3A_498 = tpu.memref_squeeze %dma_start3A_497 : memref<1x96x32xf32, #tpu.memory_space<hbm>> -> memref<96x32xf32, #tpu.memory_space<hbm>>
      %dma_start3A_499 = arith.constant 0 : i32
      %dma_start3A_500 = tpu.memref_slice %arg16[%add3A_486, %dma_start3A_499] : memref<10112x32xf32, #tpu.memory_space<vmem_shared>> -> memref<96x32xf32, #tpu.memory_space<vmem_shared>>
      tpu.enqueue_dma source(%dma_start3A_500 : memref<96x32xf32, #tpu.memory_space<vmem_shared>>) target(%dma_start3A_498 : memref<96x32xf32, #tpu.memory_space<hbm>>) target_semaphore(%run_scoped3A_495 : memref<!tpu.dma_semaphore, #tpu.memory_space<semaphore_mem>>)
      %dma_wait3A_501 = arith.constant 0 : i32
      %dma_wait3A_502 = tpu.memref_slice %arg5[%arg0, %add3A_486, %dma_wait3A_501] : memref<2x10112x32xf32, #tpu.memory_space<hbm>> -> memref<1x96x32xf32, #tpu.memory_space<hbm>>
      %dma_wait3A_503 = tpu.memref_squeeze %dma_wait3A_502 : memref<1x96x32xf32, #tpu.memory_space<hbm>> -> memref<96x32xf32, #tpu.memory_space<hbm>>
      %dma_wait3A_504 = arith.constant 0 : i32
      %dma_wait3A_505 = tpu.memref_slice %arg16[%add3A_486, %dma_wait3A_504] : memref<10112x32xf32, #tpu.memory_space<vmem_shared>> -> memref<96x32xf32, #tpu.memory_space<vmem_shared>>
      tpu.wait_dma2 semaphore(%run_scoped3A_495 : memref<!tpu.dma_semaphore, #tpu.memory_space<semaphore_mem>>) src(%dma_wait3A_505 : memref<96x32xf32, #tpu.memory_space<vmem_shared>>) dst(%dma_wait3A_503 : memref<96x32xf32, #tpu.memory_space<hbm>>)
      tpu.yield
    }) : () -> ()
    %mul3A_487 = arith.constant 632 : i32
    %mul3A_488 = arith.muli %arg1, %mul3A_487 : i32
    %add3A_489 = arith.constant 480 : i32
    %add3A_490 = arith.addi %mul3A_488, %add3A_489 : i32
    "tpu.region"() ({
      %run_scoped3A_495 = tpu.sem_alloc : memref<!tpu.dma_semaphore, #tpu.memory_space<semaphore_mem>>
      %dma_start3A_496 = arith.constant 0 : i32
      %dma_start3A_497 = tpu.memref_slice %arg5[%arg0, %add3A_490, %dma_start3A_496] : memref<2x10112x32xf32, #tpu.memory_space<hbm>> -> memref<1x96x32xf32, #tpu.memory_space<hbm>>
      %dma_start3A_498 = tpu.memref_squeeze %dma_start3A_497 : memref<1x96x32xf32, #tpu.memory_space<hbm>> -> memref<96x32xf32, #tpu.memory_space<hbm>>
      %dma_start3A_499 = arith.constant 0 : i32
      %dma_start3A_500 = tpu.memref_slice %arg16[%add3A_490, %dma_start3A_499] : memref<10112x32xf32, #tpu.memory_space<vmem_shared>> -> memref<96x32xf32, #tpu.memory_space<vmem_shared>>
      tpu.enqueue_dma source(%dma_start3A_500 : memref<96x32xf32, #tpu.memory_space<vmem_shared>>) target(%dma_start3A_498 : memref<96x32xf32, #tpu.memory_space<hbm>>) target_semaphore(%run_scoped3A_495 : memref<!tpu.dma_semaphore, #tpu.memory_space<semaphore_mem>>)
      %dma_wait3A_501 = arith.constant 0 : i32
      %dma_wait3A_502 = tpu.memref_slice %arg5[%arg0, %add3A_490, %dma_wait3A_501] : memref<2x10112x32xf32, #tpu.memory_space<hbm>> -> memref<1x96x32xf32, #tpu.memory_space<hbm>>
      %dma_wait3A_503 = tpu.memref_squeeze %dma_wait3A_502 : memref<1x96x32xf32, #tpu.memory_space<hbm>> -> memref<96x32xf32, #tpu.memory_space<hbm>>
      %dma_wait3A_504 = arith.constant 0 : i32
      %dma_wait3A_505 = tpu.memref_slice %arg16[%add3A_490, %dma_wait3A_504] : memref<10112x32xf32, #tpu.memory_space<vmem_shared>> -> memref<96x32xf32, #tpu.memory_space<vmem_shared>>
      tpu.wait_dma2 semaphore(%run_scoped3A_495 : memref<!tpu.dma_semaphore, #tpu.memory_space<semaphore_mem>>) src(%dma_wait3A_505 : memref<96x32xf32, #tpu.memory_space<vmem_shared>>) dst(%dma_wait3A_503 : memref<96x32xf32, #tpu.memory_space<hbm>>)
      tpu.yield
    }) : () -> ()
    %mul3A_491 = arith.constant 632 : i32
    %mul3A_492 = arith.muli %arg1, %mul3A_491 : i32
    %add3A_493 = arith.constant 576 : i32
    %add3A_494 = arith.addi %mul3A_492, %add3A_493 : i32
    "tpu.region"() ({
      %run_scoped3A_495 = tpu.sem_alloc : memref<!tpu.dma_semaphore, #tpu.memory_space<semaphore_mem>>
      %dma_start3A_496 = arith.constant 0 : i32
      %dma_start3A_497 = tpu.memref_slice %arg5[%arg0, %add3A_494, %dma_start3A_496] : memref<2x10112x32xf32, #tpu.memory_space<hbm>> -> memref<1x56x32xf32, #tpu.memory_space<hbm>>
      %dma_start3A_498 = tpu.memref_squeeze %dma_start3A_497 : memref<1x56x32xf32, #tpu.memory_space<hbm>> -> memref<56x32xf32, #tpu.memory_space<hbm>>
      %dma_start3A_499 = arith.constant 0 : i32
      %dma_start3A_500 = tpu.memref_slice %arg16[%add3A_494, %dma_start3A_499] : memref<10112x32xf32, #tpu.memory_space<vmem_shared>> -> memref<56x32xf32, #tpu.memory_space<vmem_shared>>
      tpu.enqueue_dma source(%dma_start3A_500 : memref<56x32xf32, #tpu.memory_space<vmem_shared>>) target(%dma_start3A_498 : memref<56x32xf32, #tpu.memory_space<hbm>>) target_semaphore(%run_scoped3A_495 : memref<!tpu.dma_semaphore, #tpu.memory_space<semaphore_mem>>)
      %dma_wait3A_501 = arith.constant 0 : i32
      %dma_wait3A_502 = tpu.memref_slice %arg5[%arg0, %add3A_494, %dma_wait3A_501] : memref<2x10112x32xf32, #tpu.memory_space<hbm>> -> memref<1x56x32xf32, #tpu.memory_space<hbm>>
      %dma_wait3A_503 = tpu.memref_squeeze %dma_wait3A_502 : memref<1x56x32xf32, #tpu.memory_space<hbm>> -> memref<56x32xf32, #tpu.memory_space<hbm>>
      %dma_wait3A_504 = arith.constant 0 : i32
      %dma_wait3A_505 = tpu.memref_slice %arg16[%add3A_494, %dma_wait3A_504] : memref<10112x32xf32, #tpu.memory_space<vmem_shared>> -> memref<56x32xf32, #tpu.memory_space<vmem_shared>>
      tpu.wait_dma2 semaphore(%run_scoped3A_495 : memref<!tpu.dma_semaphore, #tpu.memory_space<semaphore_mem>>) src(%dma_wait3A_505 : memref<56x32xf32, #tpu.memory_space<vmem_shared>>) dst(%dma_wait3A_503 : memref<56x32xf32, #tpu.memory_space<hbm>>)
      tpu.yield
    }) : () -> ()
    return
  }
}

module attributes {stable_mosaic.version = 14 : i64} {
  func.func @_prep1_body(%arg0: i32, %arg1: memref<128x128xf32, #tpu.memory_space<vmem>>, %arg2: memref<128x128xf32, #tpu.memory_space<vmem>>, %arg3: memref<128x16xf32, #tpu.memory_space<vmem>>, %arg4: memref<128x16xf32, #tpu.memory_space<vmem>>, %arg5: memref<128x144xf32, #tpu.memory_space<vmem>>, %arg6: memref<128x16xf32, #tpu.memory_space<vmem>>) attributes {dimension_semantics = [#tpu.dimension_semantics<arbitrary>], iteration_bounds = array<i64: 79>, scalar_prefetch = 0 : i64, scratch_operands = 0 : i64, tpu.core_type = #tpu.core_type<tc>, window_params = [{transform_indices = @transform_0, window_bounds = array<i64: 128, 128>}, {pipeline_mode = #tpu.pipeline_mode<synchronous>, transform_indices = @transform_1, window_bounds = array<i64: 128, 128>}, {pipeline_mode = #tpu.pipeline_mode<synchronous>, transform_indices = @transform_2, window_bounds = array<i64: 128, 16>}, {pipeline_mode = #tpu.pipeline_mode<synchronous>, transform_indices = @transform_3, window_bounds = array<i64: 128, 16>}, {transform_indices = @transform_4, window_bounds = array<i64: 128, 144>}, {transform_indices = @transform_5, window_bounds = array<i64: 128, 16>}]} {
    %get3A = arith.constant 0 : index
    %get3A_0 = arith.constant 0 : index
    %get3A_1 = vector.load %arg1[%get3A, %get3A_0] : memref<128x128xf32, #tpu.memory_space<vmem>>, vector<128x128xf32>
    %get3A_2 = arith.constant 0 : index
    %get3A_3 = arith.constant 0 : index
    %get3A_4 = vector.load %arg2[%get3A_2, %get3A_3] : memref<128x128xf32, #tpu.memory_space<vmem>>, vector<128x128xf32>
    %dot_general3A = arith.constant dense<0.000000e+00> : vector<128x128xf32>
    %dot_general3A_5 = tpu.matmul %get3A_1, %get3A_4, %dot_general3A {dimension_numbers = #tpu.dot_dimension_numbers<[1], [0], [0], [1], [0, 0, 1, 1], [], []>, transpose_lhs_hint = false} : vector<128x128xf32>, vector<128x128xf32>, vector<128x128xf32> -> vector<128x128xf32>
    %get3A_6 = arith.constant 0 : index
    %get3A_7 = arith.constant 0 : index
    %get3A_8 = vector.load %arg3[%get3A_6, %get3A_7] : memref<128x16xf32, #tpu.memory_space<vmem>>, vector<128x16xf32>
    %dot_general3A_9 = arith.constant dense<0.000000e+00> : vector<128x16xf32>
    %dot_general3A_10 = tpu.matmul %dot_general3A_5, %get3A_8, %dot_general3A_9 {dimension_numbers = #tpu.dot_dimension_numbers<[1], [0], [0], [1], [0, 0, 1, 1], [], []>, transpose_lhs_hint = false} : vector<128x128xf32>, vector<128x16xf32>, vector<128x16xf32> -> vector<128x16xf32>
    %get3A_11 = arith.constant 0 : index
    %get3A_12 = arith.constant 0 : index
    %get3A_13 = vector.load %arg4[%get3A_11, %get3A_12] : memref<128x16xf32, #tpu.memory_space<vmem>>, vector<128x16xf32>
    %dot_general3A_14 = arith.constant dense<0.000000e+00> : vector<128x16xf32>
    %dot_general3A_15 = tpu.matmul %dot_general3A_5, %get3A_13, %dot_general3A_14 {dimension_numbers = #tpu.dot_dimension_numbers<[1], [0], [0], [1], [0, 0, 1, 1], [], []>, transpose_lhs_hint = false} : vector<128x128xf32>, vector<128x16xf32>, vector<128x16xf32> -> vector<128x16xf32>
    %concatenate3A = tpu.concatenate %dot_general3A_5, %dot_general3A_10 in 1 : vector<128x128xf32>, vector<128x16xf32> -> vector<128x144xf32>
    %swap3A = arith.constant 0 : index
    %swap3A_16 = arith.constant 0 : index
    %swap3A_17 = vector.load %arg5[%swap3A, %swap3A_16] : memref<128x144xf32, #tpu.memory_space<vmem>>, vector<128x144xf32>
    tpu.vector_store %arg5[%swap3A, %swap3A_16], %concatenate3A {strides = array<i32>} : memref<128x144xf32, #tpu.memory_space<vmem>>, vector<128x144xf32>,
    %swap3A_18 = arith.constant 0 : index
    %swap3A_19 = arith.constant 0 : index
    %swap3A_20 = vector.load %arg6[%swap3A_18, %swap3A_19] : memref<128x16xf32, #tpu.memory_space<vmem>>, vector<128x16xf32>
    tpu.vector_store %arg6[%swap3A_18, %swap3A_19], %dot_general3A_15 {strides = array<i32>} : memref<128x16xf32, #tpu.memory_space<vmem>>, vector<128x16xf32>,
    return
  }
  func.func @transform_0(%arg0: i32) -> (i32, i32) {
    %c0_i32 = arith.constant 0 : i32
    %c0_i32_0 = arith.constant 0 : i32
    return %arg0, %c0_i32 : i32, i32
  }
  func.func @transform_1(%arg0: i32) -> (i32, i32) {
    %c0_i32 = arith.constant 0 : i32
    %c0_i32_0 = arith.constant 0 : i32
    %c0_i32_1 = arith.constant 0 : i32
    return %c0_i32, %c0_i32_0 : i32, i32
  }
  func.func @transform_2(%arg0: i32) -> (i32, i32) {
    %c0_i32 = arith.constant 0 : i32
    %c0_i32_0 = arith.constant 0 : i32
    %c0_i32_1 = arith.constant 0 : i32
    return %c0_i32, %c0_i32_0 : i32, i32
  }
  func.func @transform_3(%arg0: i32) -> (i32, i32) {
    %c0_i32 = arith.constant 0 : i32
    %c0_i32_0 = arith.constant 0 : i32
    %c0_i32_1 = arith.constant 0 : i32
    return %c0_i32, %c0_i32_0 : i32, i32
  }
  func.func @transform_4(%arg0: i32) -> (i32, i32) {
    %c0_i32 = arith.constant 0 : i32
    %c0_i32_0 = arith.constant 0 : i32
    return %arg0, %c0_i32 : i32, i32
  }
  func.func @transform_5(%arg0: i32) -> (i32, i32) {
    %c0_i32 = arith.constant 0 : i32
    %c0_i32_0 = arith.constant 0 : i32
    return %arg0, %c0_i32 : i32, i32
  }
}

module attributes {stable_mosaic.version = 14 : i64} {
  func.func @_mid_body(%arg0: i32, %arg1: memref<128x144xf32, #tpu.memory_space<vmem>>, %arg2: memref<128x144xf32, #tpu.memory_space<vmem>>, %arg3: memref<128x16xf32, #tpu.memory_space<vmem>>, %arg4: memref<1x16xf32, #tpu.memory_space<vmem>>, %arg5: memref<1x16xf32, #tpu.memory_space<vmem>>, %arg6: memref<8x128xf32, #tpu.memory_space<vmem>>, %arg7: memref<1x128xf32, #tpu.memory_space<vmem>>, %arg8: memref<128x32xf32, #tpu.memory_space<vmem>>, %arg9: memref<128x16xf32, #tpu.memory_space<vmem>>) attributes {dimension_semantics = [#tpu.dimension_semantics<arbitrary>], iteration_bounds = array<i64: 79>, scalar_prefetch = 0 : i64, scratch_operands = 0 : i64, tpu.core_type = #tpu.core_type<tc>, window_params = [{transform_indices = @transform_0, window_bounds = array<i64: 128, 144>}, {transform_indices = @transform_1, window_bounds = array<i64: 128, 144>}, {pipeline_mode = #tpu.pipeline_mode<synchronous>, transform_indices = @transform_2, window_bounds = array<i64: 128, 16>}, {pipeline_mode = #tpu.pipeline_mode<synchronous>, transform_indices = @transform_3, window_bounds = array<i64: 1, 16>}, {pipeline_mode = #tpu.pipeline_mode<synchronous>, transform_indices = @transform_4, window_bounds = array<i64: 1, 16>}, {pipeline_mode = #tpu.pipeline_mode<synchronous>, transform_indices = @transform_5, window_bounds = array<i64: 8, 128>}, {pipeline_mode = #tpu.pipeline_mode<synchronous>, transform_indices = @transform_6, window_bounds = array<i64: 1, 128>}, {transform_indices = @transform_7, window_bounds = array<i64: 128, 32>}, {transform_indices = @transform_8, window_bounds = array<i64: 128, 16>}]} {
    %get3A = arith.constant 0 : index
    %get3A_0 = arith.constant 0 : index
    %get3A_1 = vector.load %arg1[%get3A, %get3A_0] : memref<128x144xf32, #tpu.memory_space<vmem>>, vector<128x144xf32>
    %get3A_2 = arith.constant 0 : index
    %get3A_3 = arith.constant 0 : index
    %get3A_4 = vector.load %arg2[%get3A_2, %get3A_3] : memref<128x144xf32, #tpu.memory_space<vmem>>, vector<128x144xf32>
    %add3A = arith.addf %get3A_1, %get3A_4 : vector<128x144xf32>
    %slice3A = vector.extract_strided_slice %add3A {offsets = [0, 128], sizes = [128, 8], strides = [1, 1]} : vector<128x144xf32> to vector<128x8xf32>
    %max3A = arith.constant 1.000000e-30 : f32
    %max3A_5 = vector.broadcast %max3A : f32 to vector<128x8xf32>
    %max3A_6 = arith.maximumf %slice3A, %max3A_5 : vector<128x8xf32>
    %div3A = arith.constant 1.000000e+00 : f32
    %div3A_7 = vector.broadcast %div3A : f32 to vector<128x8xf32>
    %div3A_8 = arith.divf %div3A_7, %max3A_6 : vector<128x8xf32>
    %get3A_9 = arith.constant 0 : index
    %get3A_10 = arith.constant 0 : index
    %get3A_11 = vector.load %arg6[%get3A_9, %get3A_10] : memref<8x128xf32, #tpu.memory_space<vmem>>, vector<8x128xf32>
    %dot_general3A = arith.constant dense<0.000000e+00> : vector<128x128xf32>
    %dot_general3A_12 = tpu.matmul %div3A_8, %get3A_11, %dot_general3A {dimension_numbers = #tpu.dot_dimension_numbers<[1], [0], [0], [1], [0, 0, 1, 1], [], []>, transpose_lhs_hint = false} : vector<128x8xf32>, vector<8x128xf32>, vector<128x128xf32> -> vector<128x128xf32>
    %slice3A_13 = vector.extract_strided_slice %add3A {offsets = [0, 0], sizes = [128, 128], strides = [1, 1]} : vector<128x144xf32> to vector<128x128xf32>
    %mul3A = arith.mulf %slice3A_13, %dot_general3A_12 : vector<128x128xf32>
    %get3A_14 = arith.constant 0 : index
    %get3A_15 = arith.constant 0 : index
    %get3A_16 = vector.load %arg7[%get3A_14, %get3A_15] : memref<1x128xf32, #tpu.memory_space<vmem>>, vector<1x128xf32>
    %add3A_17 = vector.broadcast %get3A_16 : vector<1x128xf32> to vector<128x128xf32>
    %add3A_18 = arith.addf %mul3A, %add3A_17 : vector<128x128xf32>
    %max3A_19 = arith.constant 0.000000e+00 : f32
    %max3A_20 = vector.broadcast %max3A_19 : f32 to vector<128x128xf32>
    %max3A_21 = arith.maximumf %add3A_18, %max3A_20 : vector<128x128xf32>
    %get3A_22 = arith.constant 0 : index
    %get3A_23 = arith.constant 0 : index
    %get3A_24 = vector.load %arg3[%get3A_22, %get3A_23] : memref<128x16xf32, #tpu.memory_space<vmem>>, vector<128x16xf32>
    %dot_general3A_25 = arith.constant dense<0.000000e+00> : vector<128x16xf32>
    %dot_general3A_26 = tpu.matmul %max3A_21, %get3A_24, %dot_general3A_25 {dimension_numbers = #tpu.dot_dimension_numbers<[1], [0], [0], [1], [0, 0, 1, 1], [], []>, transpose_lhs_hint = false} : vector<128x128xf32>, vector<128x16xf32>, vector<128x16xf32> -> vector<128x16xf32>
    %get3A_27 = arith.constant 0 : index
    %get3A_28 = arith.constant 0 : index
    %get3A_29 = vector.load %arg4[%get3A_27, %get3A_28] : memref<1x16xf32, #tpu.memory_space<vmem>>, vector<1x16xf32>
    %mul3A_30 = vector.broadcast %get3A_29 : vector<1x16xf32> to vector<128x16xf32>
    %mul3A_31 = arith.mulf %dot_general3A_26, %mul3A_30 : vector<128x16xf32>
    %reduce_sum3A = arith.constant dense<0.000000e+00> : vector<128xf32>
    %reduce_sum3A_32 = vector.multi_reduction <add>, %mul3A_31, %reduce_sum3A [1] : vector<128x16xf32> to vector<128xf32>
    %broadcast_in_dim3A = vector.shape_cast %reduce_sum3A_32 : vector<128xf32> to vector<128x1xf32>
    %get3A_33 = arith.constant 0 : index
    %get3A_34 = arith.constant 0 : index
    %get3A_35 = vector.load %arg5[%get3A_33, %get3A_34] : memref<1x16xf32, #tpu.memory_space<vmem>>, vector<1x16xf32>
    %mul3A_36 = vector.broadcast %get3A_35 : vector<1x16xf32> to vector<128x16xf32>
    %mul3A_37 = arith.mulf %dot_general3A_26, %mul3A_36 : vector<128x16xf32>
    %reduce_sum3A_38 = arith.constant dense<0.000000e+00> : vector<128xf32>
    %reduce_sum3A_39 = vector.multi_reduction <add>, %mul3A_37, %reduce_sum3A_38 [1] : vector<128x16xf32> to vector<128xf32>
    %broadcast_in_dim3A_40 = vector.shape_cast %reduce_sum3A_39 : vector<128xf32> to vector<128x1xf32>
    %broadcast_in_dim3A_41 = vector.shape_cast %broadcast_in_dim3A : vector<128x1xf32> to vector<128x1xf32>
    %broadcast_in_dim3A_42 = vector.broadcast %broadcast_in_dim3A_41 : vector<128x1xf32> to vector<128x16xf32>
    %concatenate3A = tpu.concatenate %dot_general3A_26, %broadcast_in_dim3A_42 in 1 : vector<128x16xf32>, vector<128x16xf32> -> vector<128x32xf32>
    %swap3A = arith.constant 0 : index
    %swap3A_43 = arith.constant 0 : index
    %swap3A_44 = vector.load %arg8[%swap3A, %swap3A_43] : memref<128x32xf32, #tpu.memory_space<vmem>>, vector<128x32xf32>
    tpu.vector_store %arg8[%swap3A, %swap3A_43], %concatenate3A {strides = array<i32>} : memref<128x32xf32, #tpu.memory_space<vmem>>, vector<128x32xf32>,
    %broadcast_in_dim3A_45 = vector.shape_cast %broadcast_in_dim3A_40 : vector<128x1xf32> to vector<128x1xf32>
    %broadcast_in_dim3A_46 = vector.broadcast %broadcast_in_dim3A_45 : vector<128x1xf32> to vector<128x16xf32>
    %swap3A_47 = arith.constant 0 : index
    %swap3A_48 = arith.constant 0 : index
    %swap3A_49 = vector.load %arg9[%swap3A_47, %swap3A_48] : memref<128x16xf32, #tpu.memory_space<vmem>>, vector<128x16xf32>
    tpu.vector_store %arg9[%swap3A_47, %swap3A_48], %broadcast_in_dim3A_46 {strides = array<i32>} : memref<128x16xf32, #tpu.memory_space<vmem>>, vector<128x16xf32>,
    return
  }
  func.func @transform_0(%arg0: i32) -> (i32, i32) {
    %c0_i32 = arith.constant 0 : i32
    %c0_i32_0 = arith.constant 0 : i32
    return %arg0, %c0_i32 : i32, i32
  }
  func.func @transform_1(%arg0: i32) -> (i32, i32) {
    %c0_i32 = arith.constant 0 : i32
    %c0_i32_0 = arith.constant 0 : i32
    return %arg0, %c0_i32 : i32, i32
  }
  func.func @transform_2(%arg0: i32) -> (i32, i32) {
    %c0_i32 = arith.constant 0 : i32
    %c0_i32_0 = arith.constant 0 : i32
    %c0_i32_1 = arith.constant 0 : i32
    return %c0_i32, %c0_i32_0 : i32, i32
  }
  func.func @transform_3(%arg0: i32) -> (i32, i32) {
    %c0_i32 = arith.constant 0 : i32
    %c0_i32_0 = arith.constant 0 : i32
    %c0_i32_1 = arith.constant 0 : i32
    return %c0_i32, %c0_i32_0 : i32, i32
  }
  func.func @transform_4(%arg0: i32) -> (i32, i32) {
    %c0_i32 = arith.constant 0 : i32
    %c0_i32_0 = arith.constant 0 : i32
    %c0_i32_1 = arith.constant 0 : i32
    return %c0_i32, %c0_i32_0 : i32, i32
  }
  func.func @transform_5(%arg0: i32) -> (i32, i32) {
    %c0_i32 = arith.constant 0 : i32
    %c0_i32_0 = arith.constant 0 : i32
    %c0_i32_1 = arith.constant 0 : i32
    return %c0_i32, %c0_i32_0 : i32, i32
  }
  func.func @transform_6(%arg0: i32) -> (i32, i32) {
    %c0_i32 = arith.constant 0 : i32
    %c0_i32_0 = arith.constant 0 : i32
    %c0_i32_1 = arith.constant 0 : i32
    return %c0_i32, %c0_i32_0 : i32, i32
  }
  func.func @transform_7(%arg0: i32) -> (i32, i32) {
    %c0_i32 = arith.constant 0 : i32
    %c0_i32_0 = arith.constant 0 : i32
    return %arg0, %c0_i32 : i32, i32
  }
  func.func @transform_8(%arg0: i32) -> (i32, i32) {
    %c0_i32 = arith.constant 0 : i32
    %c0_i32_0 = arith.constant 0 : i32
    return %arg0, %c0_i32 : i32, i32
  }
}

module attributes {stable_mosaic.version = 14 : i64} {
  func.func @_final_body(%arg0: i32, %arg1: memref<128x32xf32, #tpu.memory_space<vmem>>, %arg2: memref<128x32xf32, #tpu.memory_space<vmem>>, %arg3: memref<1x16xf32, #tpu.memory_space<vmem>>, %arg4: memref<128x16xf32, #tpu.memory_space<vmem>>) attributes {dimension_semantics = [#tpu.dimension_semantics<arbitrary>], iteration_bounds = array<i64: 79>, scalar_prefetch = 0 : i64, scratch_operands = 0 : i64, tpu.core_type = #tpu.core_type<tc>, window_params = [{transform_indices = @transform_0, window_bounds = array<i64: 128, 32>}, {transform_indices = @transform_1, window_bounds = array<i64: 128, 32>}, {pipeline_mode = #tpu.pipeline_mode<synchronous>, transform_indices = @transform_2, window_bounds = array<i64: 1, 16>}, {transform_indices = @transform_3, window_bounds = array<i64: 128, 16>}]} {
    %get3A = arith.constant 0 : index
    %get3A_0 = arith.constant 0 : index
    %get3A_1 = vector.load %arg1[%get3A, %get3A_0] : memref<128x32xf32, #tpu.memory_space<vmem>>, vector<128x32xf32>
    %get3A_2 = arith.constant 0 : index
    %get3A_3 = arith.constant 0 : index
    %get3A_4 = vector.load %arg2[%get3A_2, %get3A_3] : memref<128x32xf32, #tpu.memory_space<vmem>>, vector<128x32xf32>
    %add3A = arith.addf %get3A_1, %get3A_4 : vector<128x32xf32>
    %slice3A = vector.extract_strided_slice %add3A {offsets = [0, 16], sizes = [128, 16], strides = [1, 1]} : vector<128x32xf32> to vector<128x16xf32>
    %max3A = arith.constant 1.000000e-30 : f32
    %max3A_5 = vector.broadcast %max3A : f32 to vector<128x16xf32>
    %max3A_6 = arith.maximumf %slice3A, %max3A_5 : vector<128x16xf32>
    %slice3A_7 = vector.extract_strided_slice %add3A {offsets = [0, 0], sizes = [128, 16], strides = [1, 1]} : vector<128x32xf32> to vector<128x16xf32>
    %div3A = arith.divf %slice3A_7, %max3A_6 : vector<128x16xf32>
    %get3A_8 = arith.constant 0 : index
    %get3A_9 = arith.constant 0 : index
    %get3A_10 = vector.load %arg3[%get3A_8, %get3A_9] : memref<1x16xf32, #tpu.memory_space<vmem>>, vector<1x16xf32>
    %add3A_11 = vector.broadcast %get3A_10 : vector<1x16xf32> to vector<128x16xf32>
    %add3A_12 = arith.addf %div3A, %add3A_11 : vector<128x16xf32>
    %reduce_max3A = arith.constant dense<0xFF800000> : vector<128xf32>
    %reduce_max3A_13 = vector.multi_reduction <maximumf>, %add3A_12, %reduce_max3A [1] : vector<128x16xf32> to vector<128xf32>
    %broadcast_in_dim3A = vector.shape_cast %reduce_max3A_13 : vector<128xf32> to vector<128x1xf32>
    %sub3A = vector.broadcast %broadcast_in_dim3A : vector<128x1xf32> to vector<128x16xf32>
    %sub3A_14 = arith.subf %add3A_12, %sub3A : vector<128x16xf32>
    %exp3A = math.exp %sub3A_14 : vector<128x16xf32>
    %reduce_sum3A = arith.constant dense<0.000000e+00> : vector<128xf32>
    %reduce_sum3A_15 = vector.multi_reduction <add>, %exp3A, %reduce_sum3A [1] : vector<128x16xf32> to vector<128xf32>
    %broadcast_in_dim3A_16 = vector.shape_cast %reduce_sum3A_15 : vector<128xf32> to vector<128x1xf32>
    %log3A = math.log %broadcast_in_dim3A_16 : vector<128x1xf32>
    %sub3A_17 = vector.broadcast %log3A : vector<128x1xf32> to vector<128x16xf32>
    %sub3A_18 = arith.subf %sub3A_14, %sub3A_17 : vector<128x16xf32>
    %swap3A = arith.constant 0 : index
    %swap3A_19 = arith.constant 0 : index
    %swap3A_20 = vector.load %arg4[%swap3A, %swap3A_19] : memref<128x16xf32, #tpu.memory_space<vmem>>, vector<128x16xf32>
    tpu.vector_store %arg4[%swap3A, %swap3A_19], %sub3A_18 {strides = array<i32>} : memref<128x16xf32, #tpu.memory_space<vmem>>, vector<128x16xf32>,
    return
  }
  func.func @transform_0(%arg0: i32) -> (i32, i32) {
    %c0_i32 = arith.constant 0 : i32
    %c0_i32_0 = arith.constant 0 : i32
    return %arg0, %c0_i32 : i32, i32
  }
  func.func @transform_1(%arg0: i32) -> (i32, i32) {
    %c0_i32 = arith.constant 0 : i32
    %c0_i32_0 = arith.constant 0 : i32
    return %arg0, %c0_i32 : i32, i32
  }
  func.func @transform_2(%arg0: i32) -> (i32, i32) {
    %c0_i32 = arith.constant 0 : i32
    %c0_i32_0 = arith.constant 0 : i32
    %c0_i32_1 = arith.constant 0 : i32
    return %c0_i32, %c0_i32_0 : i32, i32
  }
  func.func @transform_3(%arg0: i32) -> (i32, i32) {
    %c0_i32 = arith.constant 0 : i32
    %c0_i32_0 = arith.constant 0 : i32
    return %arg0, %c0_i32 : i32, i32
  }
}

</mosaic_0001>

<sc_bundles>
// kernel: kernel.10.cloned.1.call-start
scs
__scs_entry_jumppad:
0x0: {  	(pc) =	sbr.rel $0x88, $3  }
0x1: {  	(tag) =	ssettag $0x0;
	lr =	simm.s32 $0x1  }
0x2: {  	[smem:$0x3F97] =	sst lr;
	_ =	strace $0xD0000000  }
0x3: {  	_ = 	snop  }
0x4: {  	_ = 	snop  }
0x5: {  	_ = 	snop  }
0x6: {  	_ = 	snop  }
0x7: {  	_ = 	snop  }
__scs_overlays_trampoline_lowered:
0x8: {  	[smem:$0x3FA6] =	sst s0  }
0x9: {  	[smem:$0x3FA7] =	sst s1  }
0xa: {  	[smem:$0x3FA8] =	sst s2  }
0xb: {  	[smem:$0x3FA9] =	sst s3  }
0xc: {  	[smem:$0x3FAA] =	sst s4  }
0xd: {  	[smem:$0x3FAB] =	sst s5  }
0xe: {  	[smem:$0x3FAC] =	sst s6  }
0xf: {  	[smem:$0x3FAD] =	sst s7  }
0x10: {  	[smem:$0x3FAE] =	sst s8  }
0x11: {  	[smem:$0x3FAF] =	sst s9;
	s0 =	simm.s32 @!p0 $0x0  }
0x12: {  	s1 =	sld [smem:$0x3F95];
	s0 =	simm.s32 @p0 $0x1  }
0x13: {  	[smem:$0x3FB0] =	sst s0;
	s0 =	simm.s32 @!p1 $0x0  }
0x14: {  	s2 =	sld [smem:$0x3F94];
	s0 =	simm.s32 @p1 $0x1  }
0x15: {  	[smem:$0x3FB1] =	sst s0;
	s0 =	simm.s32 @!p2 $0x0  }
0x16: {  	s3 =	sld [smem:$0x3FDB];
	s0 =	simm.s32 @p2 $0x1  }
0x17: {  	s4 =	simm.s32 $0x1BF5;
	[smem:$0x3FB3] =	sst s0  }
0x18: {  	s0 =	sld [smem:$0x3F96];
	_ =	swait.ge [sflag:s4], $0x0  }
0x19: {  	s7 =	sld [smem:$0x3F97]  }
0x1a: {  	s8 =	sadd.s32 $0xFFFFE003, lr  }
0x1b: {  	s9 =	sadd.s32 $0xFFFFFEF7, lr;
	s5 =	simm.s32 $0xFFFFFFFF;
	p2 =	slt.u32 s8, $0xFFFFF086  }
0x1c: {  	p1 =	slt.u32 s9, $0xF7A;
	s5 =	simm.s32 @!p2 $0x0  }
0x1d: {  	s5 =	simm.s32 @p1 $0x1;
	p0 =	seq.s32 s7, s2  }
0x1e: {  	s7 =	smul.u32 @!p0 $0xF7A, s2;
	p2 =	seq.s32 @!p0 s5, $0x0  }
0x1f: {  	s9 =	smul.u32 $0xF7A, s1;
	s8 =	simm.s32 @!p0 $0x1BF5;
	p2 =	por !p2, p0  }
0x20: {  	[sflag:s8] =	ssyncset.s32 @!p0 $0xFFFFF086;
	s6 =	sadd.s32 @!p0 s3, s7;
	s7 =	simm.s32 @!p0 $0x108  }
0x21: {  	s3 =	sadd.s32 s3, s9;
	s6 =	sadd.s32 @!p0 $0x88, s6;
	s7 =	simm.s32 @p2 $0x1082  }
0x22: {  	[simem:s7], [sflag:s8] =	dma.local @!p0 [hbm:s6], $0xF7A  }
0x23: {  	s9 =	sor.u32 $0xD0000000, s2;
	s6 =	simm.s32 $0x108;
	_ =	swait.ge @!p0 [sflag:s8], $0x0  }
0x24: {  	s3 =	sadd.s32 $0x88, s3;
	s6 =	simm.s32 @!p1 $0x1082;
	[sflag:s4] =	ssyncset.s32 $0xFFFFF086  }
0x25: {  	[simem:s6], [sflag:s4] =	dma.local [hbm:s3], $0xF7A  }
0x26: {  	[smem:$0x3F97] =	sst s1;
	(tag) =	ssettag s2;
	_ =	strace s9  }
0x27: {  	s1 =	sld [smem:$0x3FA7]  }
0x28: {  	s2 =	sld [smem:$0x3FA8]  }
0x29: {  	s4 =	sld [smem:$0x3FAA]  }
0x2a: {  	p0 =	seq.s32 s5, $0x0;
	s5 =	sld [smem:$0x3FAB]  }
0x2b: {  	s6 =	sld [smem:$0x3FAC]  }
0x2c: {  	s7 =	sld [smem:$0x3FAD]  }
0x2d: {  	s3 =	simm.s32 $0x108;
	s8 =	sld [smem:$0x3FAE]  }
0x2e: {  	s3 =	simm.s32 @!p0 $0x1082;
	s9 =	sld [smem:$0x3FAF]  }
0x2f: {  	lr =	sadd.s32 s0, s3;
	s0 =	sld [smem:$0x3FA6]  }
0x30: {  	s3 =	sld [smem:$0x3FA9]  }
0x31: {  	[smem:$0x3FB2] =	sst s10  }
0x32: {  	s10 =	sld [smem:$0x3FB0];
	_ =	sdelay $0x3  }
0x33: {  	p0 =	seq.s32 s10, $0x1;
	s10 =	sld [smem:$0x3FB2];
	_ =	sdelay $0x3  }
0x34: {  	[smem:$0x3FB2] =	sst s10  }
0x35: {  	s10 =	sld [smem:$0x3FB1];
	_ =	sdelay $0x3  }
0x36: {  	p1 =	seq.s32 s10, $0x1;
	s10 =	sld [smem:$0x3FB2];
	_ =	sdelay $0x3  }
0x37: {  	[smem:$0x3FB2] =	sst s10  }
0x38: {  	s10 =	sld [smem:$0x3FB3]  }
0x39: {  	_ = 	snop;
	(pc) =	sbr.ind lr, $3  }
0x3a: {  	_ = 	snop  }
0x3b: {  	_ = 	snop  }
0x3c: {  	p2 =	seq.s32 s10, $0x1;
	s10 =	sld [smem:$0x3FB2]  }
0x3d: {  	_ =	shalt  }
0x3e: {  	_ =	shalt  }
0x3f: {  	_ =	shalt  }
0x40: {  	_ =	shalt  }
0x41: {  	_ =	shalt  }
0x42: {  	_ =	shalt  }
0x43: {  	_ =	shalt  }
0x44: {  	_ =	shalt  }
0x45: {  	_ =	shalt  }
0x46: {  	_ =	shalt  }
0x47: {  	_ =	shalt  }
0x48: {  	_ =	shalt  }
0x49: {  	_ =	shalt  }
0x4a: {  	_ =	shalt  }
0x4b: {  	_ =	shalt  }
0x4c: {  	_ =	shalt  }
0x4d: {  	_ =	shalt  }
0x4e: {  	_ =	shalt  }
0x4f: {  	_ =	shalt  }
0x50: {  	_ =	shalt  }
0x51: {  	_ =	shalt  }
0x52: {  	_ =	shalt  }
0x53: {  	_ =	shalt  }
0x54: {  	_ =	shalt  }
0x55: {  	_ =	shalt  }
0x56: {  	_ =	shalt  }
0x57: {  	_ =	shalt  }
0x58: {  	_ =	shalt  }
0x59: {  	_ =	shalt  }
0x5a: {  	_ =	shalt  }
0x5b: {  	_ =	shalt  }
0x5c: {  	_ =	shalt  }
0x5d: {  	_ =	shalt  }
0x5e: {  	_ =	shalt  }
0x5f: {  	_ =	shalt  }
0x60: {  	_ =	shalt  }
0x61: {  	_ =	shalt  }
0x62: {  	_ =	shalt  }
0x63: {  	_ =	shalt  }
0x64: {  	_ =	shalt  }
0x65: {  	_ =	shalt  }
0x66: {  	_ =	shalt  }
0x67: {  	_ =	shalt  }
0x68: {  	_ =	shalt  }
0x69: {  	_ =	shalt  }
0x6a: {  	_ =	shalt  }
0x6b: {  	_ =	shalt  }
0x6c: {  	_ =	shalt  }
0x6d: {  	_ =	shalt  }
0x6e: {  	_ =	shalt  }
0x6f: {  	_ =	shalt  }
0x70: {  	_ =	shalt  }
0x71: {  	_ =	shalt  }
0x72: {  	_ =	shalt  }
0x73: {  	_ =	shalt  }
0x74: {  	_ =	shalt  }
0x75: {  	_ =	shalt  }
0x76: {  	_ =	shalt  }
0x77: {  	_ =	shalt  }
0x78: {  	_ =	shalt  }
0x79: {  	_ =	shalt  }
0x7a: {  	_ =	shalt  }
0x7b: {  	_ =	shalt  }
0x7c: {  	_ =	shalt  }
0x7d: {  	_ =	shalt  }
0x7e: {  	_ =	shalt  }
0x7f: {  	_ =	shalt  }
0x80: {  	_ =	shalt  }
0x81: {  	_ =	shalt  }
0x82: {  	_ =	shalt  }
0x83: {  	_ =	shalt  }
0x84: {  	_ =	shalt  }
0x85: {  	_ =	shalt  }
0x86: {  	_ =	shalt  }
0x87: {  	_ =	shalt  }
.Lfunc_end0:
.L_simem_size_0:
called_computation.1_lowered:
.L_overlay_start_0:
0x88: {  	s2 =	sld [smem:$0x3FD9]  }
0x89: {  	s3 =	sld [smem:$0x3FFE];
	_ =	sdelay $0x1  }
0x8a: {  	s1 =	srdreg.scid  }
0x8b: {  	s0 =	sand.u32 $0x1, s1  }
0x8c: {  	s17 =	sshll.u32 s0, $0xA;
	s2 =	sadd.s32 s3, s2  }
0x8d: {  	s2 =	sadd.s32 s2, s17  }
0x8e: {  	[smem:$0x3FBE] =	sst s2  }
0x8f: {  	_ = 	snop  }
0x90: {  	s2 =	sld [smem:$0x3FD0];
	(tm) =	ssettm $0x1  }
0x91: {  	s18 =	sld [smem:$0x3FFB];
	_ =	sdelay $0x3  }
0x92: {  	_ =	strace s18  }
0x93: {  	s3 =	sld [smem:$0x3FFC];
	_ =	sdelay $0x3  }
0x94: {  	_ =	strace s3  }
0x95: {  	s3 =	sld [smem:$0x3FFD];
	_ =	sdelay $0x3  }
0x96: {  	_ =	strace s3  }
0x97: {  	_ =	strace $0x8FFFFFFF  }
0x98: {  	s19 =	sld [smem:$0x3FDB];
	_ =	sdelay $0x1  }
0x99: {  	s4 =	simm.s32 $_scs_section_size  }
0x9a: {  	s5 =	simm.s32 $_size__tile_overlayer_lowered;
	s6 =	simm.s32 $_tile_overlayer_lowered  }
0x9b: {  	s22 =	simm.s32 $0x1BFF;
	s21 =	sshll.u32 s6, $0x1;
	s3 =	sadd.s32 s4, s19  }
0x9c: {  	s7 =	simm.s32 $0x0;
	s20 =	sshll.u32 s5, $0x1;
	s5 =	sadd.s32 s21, s3  }
0x9d: {  	[timem:s7], [sflag:s22] =	dma.local [hbm:s5], s20  }
0x9e: {  	_ =	swait.ge [sflag:s22], s20  }
0x9f: {  	s4 =	ssub.s32 $0x0, s20;
	[sflag:s22] =	ssyncset.done $0x0  }
0xa0: {  	[sflag:s22] =	ssyncadd.s32 s4;
	_ =	sdelay $0x1  }
0xa1: {  	s23 =	simm.s32 $0x1B8B  }
0xa2: {  	_ =	swait.ge [sflag:s23], $0x1  }
0xa3: {  	[sflag:s23] =	ssyncset.done $0x0  }
0xa4: {  	s25 =	simm.s32 $0x1B8E;
	s24 =	sld [smem:$0x3FFE];
	[sflag:s23] =	ssyncadd.s32 $0xFFFFFFFF  }
0xa5: {  	s26 =	simm.s32 $execute0_lowered;
	[smem:$0x3FD2] =	sst s25  }
0xa6: {  	s5 =	sshll.u32 s26, $0x1;
	_ =	strace $0x80000049;
	[dreg:$0x1] =	wrdreg $0xFFFFFFFF  }
0xa7: {  	s28 =	simm.s32 $_size_execute0_lowered;
	s3 =	sadd.s32 s3, s5;
	[dreg:$0x0] =	wrdreg $0x0  }
0xa8: {  	s5 =	sshll.u32 s28, $0x1;
	[dreg:$0x2] =	wrdreg s3  }
0xa9: {  	[dreg:$0x3] =	wrdreg s5  }
0xaa: {  	[dreg:$0x4] =	wrdreg $0xC0  }
0xab: {  	_ =	task [dreg:s7], $0x5FFFF  }
0xac: {  	[dreg:$0x1] =	wrdreg $0xFFFFFFFF  }
0xad: {  	[dreg:$0x0] =	wrdreg $0x60  }
0xae: {  	[dreg:$0x2] =	wrdreg s24  }
0xaf: {  	[dreg:$0x3] =	wrdreg s2  }
0xb0: {  	[dreg:$0x4] =	wrdreg $0x3E400  }
0xb1: {  	[dreg:$0x5] =	wrdreg $0x9  }
0xb2: {  	_ =	task.clear_ibuf [dreg:s7], $0x6FFFF;
	_ =	strace $0x90000049  }
0xb3: {  	s29 =	simm.s32 $0x9;
	_ =	strace $0x8000004B  }
0xb4: {  	_ =	swait.ge [sflag:s29], $0x1  }
0xb5: {  	[sflag:s29] =	ssyncadd.s32 $0xFFFFFFFF  }
0xb6: {  	_ =	strace $0x9000004B  }
0xb7: {  	_ =	sfence  }
0xb8: {  	s30 =	sld [smem:$0x0];
	_ =	sdelay $0x2  }
0xb9: {  	s31 =	sshll.u32 s1, $0xD;
	s1 =	sshrl.u32 s1, $0x2  }
0xba: {  	s3 =	sand.u32 $0x4000, s31;
	s1 =	sadd.s32 s1, s30  }
0xbb: {  	s0 =	sor.u32 s3, s0;
	s1 =	sshll.u32 s1, $0x11  }
0xbc: {  	s0 =	sor.u32 s1, s0  }
0xbd: {  	s0 =	sadd.s32 $0x8F2B, s0  }
0xbe: {  	[sflag:s0] =	ssyncadd.remote.s32 $0x1  }
0xbf: {  	_ =	sfence.sel $0xFFFF  }
0xc0: {  	[dreg:$0x0] =	wrdreg $0xFFFFFFFF;
	(pc) =	sbr.abs _section_cstart, $3  }
0xc1: {  	[dreg:$0x1] =	wrdreg $0xFFFFFFFF  }
0xc2: {  	_ =	task.clear_ibuf [dreg:s7], $0x2FFFF;
	_ =	strace $0x9FFFFFFF  }
0xc3: {  	(tm) =	ssettm $0x7FFFFFFF  }
tec
execute0_lowered:
.L_overlay_start_1:
0x0: {  	(tag) =	ssettag $0x1  }
0x1: {  	s0 =	rddreg [dreg:$0x0]  }
0x2: {  	s1 =	rddreg [dreg:$0x1]  }
0x3: {  	s2 =	rddreg [dreg:$0x2];
	s3 =	srdreg.scid  }
0x4: {  	s5 =	simm.s32 $0x0;
	s8 =	stileid.u32;
	s29 =	simm.s32 $0x9  }
0x5: {  	s30 =	simm.s32 $0x60;
	s28 =	simm.s32 $0x1E0;
	s3 =	sand.u32 $0x1, s3  }
0x6: {  	[smem:$0x7FF] =	sst s5;
	s5 =	sadd.s32 $0x1A00, s0;
	s6 =	sadd.s32 $0x9B400, s0  }
0x7: {  	s4 =	sshll.u32 s3, $0x4;
	s7 =	ssub.s32 $0x2, s3;
	s3 =	smul.u32 $0x4F000, s3  }
0x8: {  	s0 =	sadd.s32 $0xB800, s0;
	s4 =	sor.u32 s8, s4;
	s8 =	smul.u32 $0x4F00, s8  }
0x9: {  	_ =	strace $0x8000004A;
	s9 =	sshrl.u32 s7, $0x1;
	s4 =	smul.u32 $0x5100, s4  }
0xa: {  	s7 =	ssub.s32 s7, s9;
	s21 =	sadd.s32 $0xC00, s8;
	s23 =	sadd.s32 s8, s2  }
0xb: {  	s22 =	sadd.s32 $0x1800, s8;
	s24 =	sadd.s32 $0x2400, s8;
	s25 =	sadd.s32 $0x3000, s8  }
0xc: {  	s13 =	sadd.s32 $0x3C00, s8;
	s15 =	sadd.s32 s8, s3;
	s8 =	sadd.s32 $0x4800, s8  }
0xd: {  	s10 =	sshrl.u32 s4, $0x3;
	s31 =	sadd.s32 s21, s2;
	s11 =	sadd.s32 s22, s2  }
0xe: {  	s12 =	sadd.s32 s24, s2;
	s14 =	sadd.s32 s25, s2;
	s26 =	sadd.s32 s13, s2  }
0xf: {  	s15 =	sshrl.u32 s15, $0x3;
	s9 =	sadd.s32 s3, s21;
	[dreg:$0x5] =	wrdreg s23  }
0x10: {  	s18 =	sadd.s32 s3, s25;
	s19 =	sadd.s32 s3, s13;
	[dreg:$0x7] =	wrdreg s11  }
0x11: {  	s13 =	sadd.s32 s8, s2;
	s25 =	smax.u32 s7, $0x1;
	[dreg:$0x8] =	wrdreg s12  }
0x12: {  	s7 =	simm.s32 $0x8;
	s16 =	sadd.s32 s6, s10;
	[dreg:$0x9] =	wrdreg s14  }
0x13: {  	[dreg:$0xa] =	wrdreg s26;
	s14 =	sadd.s32 $0x180, s4;
	s15 =	sadd.s32 s0, s15  }
0x14: {  	s10 =	sadd.s32 s3, s22;
	s9 =	sshrl.u32 s9, $0x3;
	[dreg:$0x15] =	wrdreg s25  }
0x15: {  	s11 =	sadd.s32 s3, s24;
	s3 =	sadd.s32 s3, s8;
	[dreg:$0x6] =	wrdreg s31  }
0x16: {  	s22 =	sadd.s32 $0x240, s4;
	s25 =	simm.s32 $0x2;
	[dreg:$0x12] =	wrdreg s13  }
0x17: {  	s4 =	simm.s32 $0x3240;
	s8 =	simm.s32 $0x5;
	[dreg:$0xb] =	wrdreg s15  }
0x18: {  	s10 =	sshrl.u32 s10, $0x3;
	s9 =	sadd.s32 s0, s9;
	s17 =	sshrl.u32 s11, $0x3  }
0x19: {  	s3 =	sshrl.u32 s3, $0x3;
	s21 =	sshrl.u32 s14, $0x3;
	s24 =	sshrl.u32 s22, $0x3  }
0x1a: {  	[dreg:$0x4] =	wrdreg s16;
	s26 =	sadd.s32 $0x18, s16;
	s16 =	simm.s32 $0xE40  }
0x1b: {  	s11 =	simm.s32 $0x0;
	[dreg:$0xc] =	wrdreg s9;
	s15 =	sadd.s32 s0, s10  }
0x1c: {  	s9 =	sadd.s32 s0, s17;
	s10 =	sshrl.u32 s19, $0x3;
	[dreg:$0x16] =	wrdreg s26  }
0x1d: {  	s17 =	simm.s32 $0x120;
	s19 =	simm.s32 $0x1;
	[dreg:$0xd] =	wrdreg s15  }
0x1e: {  	s26 =	simm.s32 $0x4;
	[dreg:$0xe] =	wrdreg s9;
	s9 =	sshrl.u32 s18, $0x3  }
0x1f: {  	s20 =	sadd.s32 s0, s10;
	s15 =	simm.s32 $0x2640;
	s18 =	simm.s32 $0x2040  }
0x20: {  	s9 =	sadd.s32 s0, s9;
	[dreg:$0x10] =	wrdreg s20;
	s0 =	sadd.s32 s0, s3  }
0x21: {  	s3 =	simm.s32 $0xC0;
	s20 =	simm.s32 $0x3;
	[dreg:$0xf] =	wrdreg s9  }
0x22: {  	[dreg:$0x11] =	wrdreg s0;
	s0 =	sadd.s32 s6, s21;
	s21 =	simm.s32 $0x180  }
0x23: {  	s9 =	simm.s32 $0x6;
	[dreg:$0x13] =	wrdreg s0;
	s0 =	sadd.s32 s6, s24  }
0x24: {  	v0 =	vimm.f32 $0.0e+00;
	s24 =	simm.s32 $0x7;
	[dreg:$0x14] =	wrdreg s0;
	s0 =	simm.s32 $0x1A40  }
.LBB2_1:
0x25: {  	[dreg:$0x17] =	wrdreg s11  }
0x26: {  	s10 =	simm.s32 $0x0;
	s12 =	rddreg [dreg:$0x4]  }
0x27: {  	[tilespmem:s10], [sflag:$0x9] =	stream.linear.gather [hbm4b:s12+s10], $0xC0, $0x38;
	[tilespmem:$0x8D40] =	vst v63  }
0x28: {  	_ =	swait.ge [sflag:s29], $0xC0  }
0x29: {  	[sflag:s29] =	ssyncset.done $0x0  }
0x2a: {  	s12 =	simm.s32 $0x240;
	[sflag:s29] =	ssyncadd.s32 $0xFFFFFF40  }
0x2b: {  	[tilespmem:s12], [sflag:$0x1] =	stream.indirect.gather [hbm4b:s5+s30], $0x20, s10, s30, $0xb8;
	[tilespmem:$0x8D40] =	vst v63  }
0x2c: {  	_ = 	snop  }
0x2d: {  	[tilespmem:s0], [sflag:$0x3] =	stream.indirect.gather [hbm4b:s1+s30], $0x10, s30, s30, $0xb8;
	[tilespmem:$0x8D40] =	vst v63  }
0x2e: {  	s12 =	rddreg [dreg:$0x16]  }
0x2f: {  	[tilespmem:s3], [sflag:$0x8] =	stream.linear.gather [hbm4b:s12+s10], $0xC0, $0x38;
	[tilespmem:$0x8D40] =	vst v63  }
0x30: {  	s11 =	simm.s32 $0x0;
	s10 =	simm.s32 $0x80  }
.LBB2_2:
0x31: {  	p0 =	sne.s32 s10, $0x2F80;
	[tilespmem:s11+$0x2640] =	vst v0;
	s12 =	smov.u32 s10;
	s10 =	sadd.s32 $0x80, s10  }
.Ltmp0:
0x32: {  	[tilespmem:s11+$0x2650] =	vst v0;
	(pc) =	sbr.rel @p0 .LBB2_2-.Ltmp0, $2  }
0x33: {  	_ =	sdelay $0x2  }
0x34: {  	s11 =	sshra.s32 s12, $0x2  }
0x35: {  	[tilespmem:s11+$0x2640] =	vst v0  }
0x36: {  	[tilespmem:s11+$0x2650] =	vst v0  }
0x37: {  	[spmem:s23] =	stream.linear.scatter [tilespmem:s15], [sflag:$0x9], $0xC00, $0x38;
	[tilespmem:$0x8D40] =	vst v63  }
0x38: {  	_ =	swait.ge [sflag:s29], $0xC00  }
0x39: {  	[sflag:s29] =	ssyncset.done $0x0  }
0x3a: {  	[sflag:s29] =	ssyncadd.s32 $0xFFFFF400  }
0x3b: {  	[spmem:s31] =	stream.linear.scatter [tilespmem:s15], [sflag:$0x9], $0xC00, $0x38;
	[tilespmem:$0x8D40] =	vst v63  }
0x3c: {  	_ =	swait.ge [sflag:s29], $0xC00  }
0x3d: {  	[sflag:s29] =	ssyncset.done $0x0  }
0x3e: {  	s10 =	rddreg [dreg:$0x7];
	[sflag:s29] =	ssyncadd.s32 $0xFFFFF400  }
0x3f: {  	[spmem:s10] =	stream.linear.scatter [tilespmem:s15], [sflag:$0x9], $0xC00, $0x38;
	[tilespmem:$0x8D40] =	vst v63  }
0x40: {  	_ =	swait.ge [sflag:s29], $0xC00  }
0x41: {  	[sflag:s29] =	ssyncset.done $0x0  }
0x42: {  	s31 =	rddreg [dreg:$0x8];
	[sflag:s29] =	ssyncadd.s32 $0xFFFFF400  }
0x43: {  	[spmem:s31] =	stream.linear.scatter [tilespmem:s15], [sflag:$0x9], $0xC00, $0x38;
	[tilespmem:$0x8D40] =	vst v63  }
0x44: {  	_ =	swait.ge [sflag:s29], $0xC00  }
0x45: {  	[sflag:s29] =	ssyncset.done $0x0  }
0x46: {  	s11 =	rddreg [dreg:$0x9];
	[sflag:s29] =	ssyncadd.s32 $0xFFFFF400  }
0x47: {  	[spmem:s11] =	stream.linear.scatter [tilespmem:s15], [sflag:$0x9], $0xC00, $0x38;
	[tilespmem:$0x8D40] =	vst v63  }
0x48: {  	_ =	swait.ge [sflag:s29], $0xC00  }
0x49: {  	[sflag:s29] =	ssyncset.done $0x0  }
0x4a: {  	s12 =	rddreg [dreg:$0xa];
	[sflag:s29] =	ssyncadd.s32 $0xFFFFF400  }
0x4b: {  	[spmem:s12] =	stream.linear.scatter [tilespmem:s15], [sflag:$0x9], $0xC00, $0x38;
	[tilespmem:$0x8D40] =	vst v63  }
0x4c: {  	_ =	swait.ge [sflag:s29], $0xC00  }
0x4d: {  	[sflag:s29] =	ssyncset.done $0x0  }
0x4e: {  	[sflag:s29] =	ssyncadd.s32 $0xFFFFF400  }
0x4f: {  	[spmem:s13] =	stream.linear.scatter [tilespmem:s15], [sflag:$0x9], $0x700, $0x38;
	[tilespmem:$0x8D40] =	vst v63  }
0x50: {  	_ =	swait.ge [sflag:s29], $0x700  }
0x51: {  	[sflag:s29] =	ssyncset.done $0x0  }
0x52: {  	[sflag:s29] =	ssyncadd.s32 $0xFFFFF900  }
0x53: {  	[bflag:$0x0] =	sbarrier.arrive $0xFFFF  }
0x54: {  	_ =	swait.ge [sflag:s7], $0xC0  }
0x55: {  	[sflag:s7] =	ssyncset.done $0x0  }
0x56: {  	[sflag:s7] =	ssyncadd.s32 $0xFFFFFF40  }
0x57: {  	[tilespmem:s16], [sflag:$0x2] =	stream.indirect.gather [hbm4b:s5+s30], $0x20, s3, s30, $0xb8;
	[tilespmem:$0x8D40] =	vst v63  }
0x58: {  	_ = 	snop  }
0x59: {  	[tilespmem:s18], [sflag:$0x4] =	stream.indirect.gather [hbm4b:s1+s30], $0x10, s17, s30, $0xb8;
	[tilespmem:$0x8D40] =	vst v63  }
0x5a: {  	_ =	swait.ge [sflag:s19], $0xC00  }
0x5b: {  	[sflag:s19] =	ssyncset.done $0x0  }
0x5c: {  	[sflag:s19] =	ssyncadd.s32 $0xFFFFF400  }
0x5d: {  	_ =	swait.ge [sflag:s20], $0x600  }
0x5e: {  	[sflag:s20] =	ssyncset.done $0x0  }
0x5f: {  	[sflag:s20] =	ssyncadd.s32 $0xFFFFFA00  }
0x60: {  	v1 =	vld [tilespmem:$0x60]  }
0x61: {  	v2 =	vld [tilespmem:$0x70]  }
0x62: {  	v3 =	vld [tilespmem:$0x80]  }
0x63: {  	v4 =	vld [tilespmem:$0x90]  }
0x64: {  	v5 =	vld [tilespmem:$0xA0]  }
0x65: {  	[tilespmem:$0x180] =	vst v1;
	v1 =	vld [tilespmem:$0xB0]  }
0x66: {  	[tilespmem:$0x190] =	vst v2  }
0x67: {  	[tilespmem:$0x1A0] =	vst v3  }
0x68: {  	[tilespmem:$0x1B0] =	vst v4  }
0x69: {  	[tilespmem:$0x1C0] =	vst v5  }
0x6a: {  	s23 =	simm.s32 $0x0;
	s11 =	simm.s32 $0x0;
	s31 =	rddreg [dreg:$0x13];
	[tilespmem:$0x1D0] =	vst v1  }
0x6b: {  	[tilespmem:s23], [sflag:$0x7] =	stream.linear.gather [hbm4b:s31+s23], $0xC0, $0x38;
	[tilespmem:$0x8D40] =	vst v63  }
0x6c: {  	s12 =	simm.s32 $0x1A40;
	s13 =	simm.s32 $0x80;
	v1 =	vld [tilespmem:s11+$0x250]  }
.LBB2_4:
0x6d: {  	p0 =	sne.s32 s13, $0x2F80;
	v2 =	vld [tilespmem:s12+$0x0];
	_ =	sdelay $0x4  }
0x6e: {  	v1 =	vadd.f32 v2, v1;
	_ =	sdelay $0x1  }
0x6f: {  	v2 =	vmul.f32 $2.000000030e-01, v1  }
0x70: {  	vm0 =	vge.f32 v1, $0.0e+00  }
0x71: {  	v1 =	vsel vm0, v1, v2  }
0x72: {  	v1 =	vmul.f32 $1.442695020e+00, v1;
	_ =	sdelay $0x1  }
0x73: {  	(erf) = vpow2.f32 v1;
	_ =	sdelay $0x4  }
0x74: {  	v1 =	vld [tilespmem:s11+$0x240];
	_ =	sdelay $0x2  }
.Ltmp1:
0x75: {  	(pc) =	sbr.rel @p0 .LBB2_4-.Ltmp1, $4  }
0x76: {  	v2 =	vpop (erf)  }
0x77: {  	[tilespmem:s11+$0x2650] =	vst v2;
	v2 =	vmul.f32 v2, v1  }
0x78: {  	s10 =	sshra.s32 s13, $0x2  }
0x79: {  	s13 =	sadd.s32 $0x80, s13;
	s12 =	sadd.s32 $0x10, s12;
	v1 =	vld [tilespmem:s10+$0x250];
	[tilespmem:s11+$0x2640] =	vst v2;
	s11 =	smov.u32 s10  }
0x7a: {  	v2 =	vld [tilespmem:s12+$0x0];
	_ =	sdelay $0x4  }
0x7b: {  	v1 =	vadd.f32 v2, v1;
	_ =	sdelay $0x1  }
0x7c: {  	v2 =	vmul.f32 $2.000000030e-01, v1  }
0x7d: {  	vm0 =	vge.f32 v1, $0.0e+00  }
0x7e: {  	v1 =	vsel vm0, v1, v2  }
0x7f: {  	v1 =	vmul.f32 $1.442695020e+00, v1;
	_ =	sdelay $0x1  }
0x80: {  	(erf) = vpow2.f32 v1;
	_ =	sdelay $0x4  }
0x81: {  	v1 =	vld [tilespmem:s11+$0x240];
	_ =	sdelay $0x3  }
0x82: {  	v2 =	vpop (erf)  }
0x83: {  	v1 =	vmul.f32 v2, v1  }
0x84: {  	[tilespmem:s11+$0x2650] =	vst v2  }
0x85: {  	[tilespmem:s11+$0x2640] =	vst v1  }
0x86: {  	[spmem:s2] =	stream.indirect.scatter.add.f32 [tilespmem:s15], [sflag:$0x5], $0x20, s21, s30, $0xb8;
	[tilespmem:$0x8D40] =	vst v63  }
0x87: {  	_ =	swait.ge [sflag:s24], $0xC0  }
0x88: {  	[sflag:s24] =	ssyncset.done $0x0  }
0x89: {  	s10 =	simm.s32 $0x0;
	s23 =	simm.s32 $0x240;
	[sflag:s24] =	ssyncadd.s32 $0xFFFFFF40  }
0x8a: {  	[tilespmem:s23], [sflag:$0x1] =	stream.indirect.gather [hbm4b:s5+s30], $0x20, s10, s30, $0xb8;
	[tilespmem:$0x8D40] =	vst v63  }
0x8b: {  	_ = 	snop  }
0x8c: {  	[tilespmem:s0], [sflag:$0x3] =	stream.indirect.gather [hbm4b:s1+s30], $0x10, s30, s30, $0xb8;
	[tilespmem:$0x8D40] =	vst v63  }
0x8d: {  	_ =	swait.ge [sflag:s25], $0xC00  }
0x8e: {  	[sflag:s25] =	ssyncset.done $0x0  }
0x8f: {  	[sflag:s25] =	ssyncadd.s32 $0xFFFFF400  }
0x90: {  	_ =	swait.ge [sflag:s26], $0x600  }
0x91: {  	[sflag:s26] =	ssyncset.done $0x0  }
0x92: {  	[sflag:s26] =	ssyncadd.s32 $0xFFFFFA00  }
0x93: {  	v1 =	vld [tilespmem:$0x120]  }
0x94: {  	v2 =	vld [tilespmem:$0x130]  }
0x95: {  	v3 =	vld [tilespmem:$0x140]  }
0x96: {  	v4 =	vld [tilespmem:$0x150]  }
0x97: {  	v5 =	vld [tilespmem:$0x160]  }
0x98: {  	[tilespmem:$0x1E0] =	vst v1;
	v1 =	vld [tilespmem:$0x170]  }
0x99: {  	[tilespmem:$0x1F0] =	vst v2  }
0x9a: {  	[tilespmem:$0x200] =	vst v3  }
0x9b: {  	[tilespmem:$0x210] =	vst v4  }
0x9c: {  	[tilespmem:$0x220] =	vst v5  }
0x9d: {  	s11 =	simm.s32 $0x0;
	s31 =	rddreg [dreg:$0x14];
	[tilespmem:$0x230] =	vst v1  }
0x9e: {  	[tilespmem:s3], [sflag:$0x8] =	stream.linear.gather [hbm4b:s31+s10], $0xC0, $0x38;
	[tilespmem:$0x8D40] =	vst v63  }
0x9f: {  	s12 =	simm.s32 $0x2040;
	s13 =	simm.s32 $0x80;
	v1 =	vld [tilespmem:s11+$0xE50]  }
.LBB2_6:
0xa0: {  	p0 =	sne.s32 s13, $0x2F80;
	v2 =	vld [tilespmem:s12+$0x0];
	_ =	sdelay $0x4  }
0xa1: {  	v1 =	vadd.f32 v2, v1;
	_ =	sdelay $0x1  }
0xa2: {  	v2 =	vmul.f32 $2.000000030e-01, v1  }
0xa3: {  	vm0 =	vge.f32 v1, $0.0e+00  }
0xa4: {  	v1 =	vsel vm0, v1, v2  }
0xa5: {  	v1 =	vmul.f32 $1.442695020e+00, v1;
	_ =	sdelay $0x1  }
0xa6: {  	(erf) = vpow2.f32 v1;
	_ =	sdelay $0x4  }
0xa7: {  	v1 =	vld [tilespmem:s11+$0xE40];
	_ =	sdelay $0x2  }
.Ltmp2:
0xa8: {  	(pc) =	sbr.rel @p0 .LBB2_6-.Ltmp2, $4  }
0xa9: {  	v2 =	vpop (erf)  }
0xaa: {  	[tilespmem:s11+$0x3250] =	vst v2;
	v2 =	vmul.f32 v2, v1  }
0xab: {  	s10 =	sshra.s32 s13, $0x2  }
0xac: {  	s13 =	sadd.s32 $0x80, s13;
	s12 =	sadd.s32 $0x10, s12;
	v1 =	vld [tilespmem:s10+$0xE50];
	[tilespmem:s11+$0x3240] =	vst v2;
	s11 =	smov.u32 s10  }
0xad: {  	v2 =	vld [tilespmem:s12+$0x0];
	_ =	sdelay $0x4  }
0xae: {  	v1 =	vadd.f32 v2, v1;
	_ =	sdelay $0x1  }
0xaf: {  	v2 =	vmul.f32 $2.000000030e-01, v1  }
0xb0: {  	vm0 =	vge.f32 v1, $0.0e+00  }
0xb1: {  	v1 =	vsel vm0, v1, v2  }
0xb2: {  	v1 =	vmul.f32 $1.442695020e+00, v1;
	_ =	sdelay $0x1  }
0xb3: {  	(erf) = vpow2.f32 v1;
	_ =	sdelay $0x4  }
0xb4: {  	v1 =	vld [tilespmem:s11+$0xE40];
	_ =	sdelay $0x3  }
0xb5: {  	v2 =	vpop (erf)  }
0xb6: {  	v1 =	vmul.f32 v2, v1  }
0xb7: {  	[tilespmem:s11+$0x3250] =	vst v2  }
0xb8: {  	[tilespmem:s11+$0x3240] =	vst v1;
	s11 =	simm.s32 $0x1  }
0xb9: {  	[spmem:s2] =	stream.indirect.scatter.add.f32 [tilespmem:s4], [sflag:$0x6], $0x20, s28, s30, $0xb8;
	[tilespmem:$0x8D40] =	vst v63  }
.LBB2_8:
0xba: {  	_ =	swait.ge [sflag:s8], $0xC00  }
0xbb: {  	[sflag:s8] =	ssyncset.done $0x0  }
0xbc: {  	[sflag:s8] =	ssyncadd.s32 $0xFFFFF400  }
0xbd: {  	_ =	swait.ge [sflag:s7], $0xC0  }
0xbe: {  	[sflag:s7] =	ssyncset.done $0x0  }
0xbf: {  	[sflag:s7] =	ssyncadd.s32 $0xFFFFFF40  }
0xc0: {  	[tilespmem:s16], [sflag:$0x2] =	stream.indirect.gather [hbm4b:s5+s30], $0x20, s3, s30, $0xb8;
	[tilespmem:$0x8D40] =	vst v63  }
0xc1: {  	_ = 	snop  }
0xc2: {  	[tilespmem:s18], [sflag:$0x4] =	stream.indirect.gather [hbm4b:s1+s30], $0x10, s17, s30, $0xb8;
	[tilespmem:$0x8D40] =	vst v63  }
0xc3: {  	_ =	swait.ge [sflag:s19], $0xC00  }
0xc4: {  	[sflag:s19] =	ssyncset.done $0x0  }
0xc5: {  	[sflag:s19] =	ssyncadd.s32 $0xFFFFF400  }
0xc6: {  	_ =	swait.ge [sflag:s20], $0x600  }
0xc7: {  	[sflag:s20] =	ssyncset.done $0x0  }
0xc8: {  	[sflag:s20] =	ssyncadd.s32 $0xFFFFFA00  }
0xc9: {  	v1 =	vld [tilespmem:$0x60]  }
0xca: {  	v2 =	vld [tilespmem:$0x70]  }
0xcb: {  	v3 =	vld [tilespmem:$0x80]  }
0xcc: {  	v4 =	vld [tilespmem:$0x90]  }
0xcd: {  	v5 =	vld [tilespmem:$0xA0]  }
0xce: {  	[tilespmem:$0x180] =	vst v1;
	v1 =	vld [tilespmem:$0xB0]  }
0xcf: {  	s12 =	smul.u32 $0x180, s11;
	[tilespmem:$0x190] =	vst v2  }
0xd0: {  	[tilespmem:$0x1A0] =	vst v3  }
0xd1: {  	s10 =	sadd.s32 s12, s14;
	[tilespmem:$0x1B0] =	vst v4  }
0xd2: {  	s10 =	sshrl.u32 s10, $0x3;
	[tilespmem:$0x1C0] =	vst v5  }
0xd3: {  	s13 =	simm.s32 $0x0;
	s10 =	sadd.s32 s6, s10;
	[tilespmem:$0x1D0] =	vst v1  }
0xd4: {  	[tilespmem:s13], [sflag:$0x7] =	stream.linear.gather [hbm4b:s10+s13], $0xC0, $0x38;
	[tilespmem:$0x8D40] =	vst v63  }
0xd5: {  	s13 =	simm.s32 $0x0  }
0xd6: {  	s23 =	simm.s32 $0x1A40;
	s10 =	simm.s32 $0x80;
	v1 =	vld [tilespmem:s13+$0x250]  }
.LBB2_9:
0xd7: {  	p0 =	sne.s32 s10, $0x2F80;
	v2 =	vld [tilespmem:s23+$0x0];
	_ =	sdelay $0x4  }
0xd8: {  	v1 =	vadd.f32 v2, v1;
	_ =	sdelay $0x1  }
0xd9: {  	v2 =	vmul.f32 $2.000000030e-01, v1  }
0xda: {  	vm0 =	vge.f32 v1, $0.0e+00  }
0xdb: {  	v1 =	vsel vm0, v1, v2  }
0xdc: {  	v1 =	vmul.f32 $1.442695020e+00, v1;
	_ =	sdelay $0x1  }
0xdd: {  	(erf) = vpow2.f32 v1;
	_ =	sdelay $0x4  }
0xde: {  	v1 =	vld [tilespmem:s13+$0x240];
	_ =	sdelay $0x2  }
.Ltmp3:
0xdf: {  	(pc) =	sbr.rel @p0 .LBB2_9-.Ltmp3, $4  }
0xe0: {  	v2 =	vpop (erf)  }
0xe1: {  	[tilespmem:s13+$0x2650] =	vst v2;
	v2 =	vmul.f32 v2, v1  }
0xe2: {  	s31 =	sshra.s32 s10, $0x2  }
0xe3: {  	s10 =	sadd.s32 $0x80, s10;
	s23 =	sadd.s32 $0x10, s23;
	v1 =	vld [tilespmem:s31+$0x250];
	[tilespmem:s13+$0x2640] =	vst v2;
	s13 =	smov.u32 s31  }
0xe4: {  	v2 =	vld [tilespmem:s23+$0x0];
	_ =	sdelay $0x4  }
0xe5: {  	v1 =	vadd.f32 v2, v1;
	_ =	sdelay $0x1  }
0xe6: {  	v2 =	vmul.f32 $2.000000030e-01, v1  }
0xe7: {  	vm0 =	vge.f32 v1, $0.0e+00  }
0xe8: {  	v1 =	vsel vm0, v1, v2  }
0xe9: {  	v1 =	vmul.f32 $1.442695020e+00, v1;
	_ =	sdelay $0x1  }
0xea: {  	(erf) = vpow2.f32 v1;
	_ =	sdelay $0x4  }
0xeb: {  	v1 =	vld [tilespmem:s13+$0x240];
	_ =	sdelay $0x3  }
0xec: {  	v2 =	vpop (erf)  }
0xed: {  	v1 =	vmul.f32 v2, v1  }
0xee: {  	[tilespmem:s13+$0x2650] =	vst v2  }
0xef: {  	[tilespmem:s13+$0x2640] =	vst v1  }
0xf0: {  	[spmem:s2] =	stream.indirect.scatter.add.f32 [tilespmem:s15], [sflag:$0x5], $0x20, s21, s30, $0xb8;
	[tilespmem:$0x8D40] =	vst v63  }
0xf1: {  	_ =	swait.ge [sflag:s9], $0xC00  }
0xf2: {  	[sflag:s9] =	ssyncset.done $0x0  }
0xf3: {  	[sflag:s9] =	ssyncadd.s32 $0xFFFFF400  }
0xf4: {  	_ =	swait.ge [sflag:s24], $0xC0  }
0xf5: {  	[sflag:s24] =	ssyncset.done $0x0  }
0xf6: {  	s10 =	simm.s32 $0x0;
	s31 =	simm.s32 $0x240;
	[sflag:s24] =	ssyncadd.s32 $0xFFFFFF40  }
0xf7: {  	[tilespmem:s31], [sflag:$0x1] =	stream.indirect.gather [hbm4b:s5+s30], $0x20, s10, s30, $0xb8;
	[tilespmem:$0x8D40] =	vst v63  }
0xf8: {  	_ = 	snop  }
0xf9: {  	[tilespmem:s0], [sflag:$0x3] =	stream.indirect.gather [hbm4b:s1+s30], $0x10, s30, s30, $0xb8;
	[tilespmem:$0x8D40] =	vst v63  }
0xfa: {  	_ =	swait.ge [sflag:s25], $0xC00  }
0xfb: {  	[sflag:s25] =	ssyncset.done $0x0  }
0xfc: {  	[sflag:s25] =	ssyncadd.s32 $0xFFFFF400  }
0xfd: {  	_ =	swait.ge [sflag:s26], $0x600  }
0xfe: {  	[sflag:s26] =	ssyncset.done $0x0  }
0xff: {  	[sflag:s26] =	ssyncadd.s32 $0xFFFFFA00  }
0x100: {  	v1 =	vld [tilespmem:$0x120]  }
0x101: {  	v2 =	vld [tilespmem:$0x130]  }
0x102: {  	v3 =	vld [tilespmem:$0x140]  }
0x103: {  	v4 =	vld [tilespmem:$0x150]  }
0x104: {  	v5 =	vld [tilespmem:$0x160]  }
0x105: {  	[tilespmem:$0x1E0] =	vst v1;
	v1 =	vld [tilespmem:$0x170]  }
0x106: {  	[tilespmem:$0x1F0] =	vst v2  }
0x107: {  	[tilespmem:$0x200] =	vst v3  }
0x108: {  	s12 =	sadd.s32 s12, s22;
	[tilespmem:$0x210] =	vst v4  }
0x109: {  	s12 =	sshrl.u32 s12, $0x3;
	[tilespmem:$0x220] =	vst v5  }
0x10a: {  	s12 =	sadd.s32 s6, s12;
	[tilespmem:$0x230] =	vst v1  }
0x10b: {  	[tilespmem:s3], [sflag:$0x8] =	stream.linear.gather [hbm4b:s12+s10], $0xC0, $0x38;
	[tilespmem:$0x8D40] =	vst v63  }
0x10c: {  	s12 =	simm.s32 $0x0  }
0x10d: {  	s13 =	simm.s32 $0x2040;
	s10 =	simm.s32 $0x80;
	v1 =	vld [tilespmem:s12+$0xE50]  }
.LBB2_11:
0x10e: {  	p0 =	sne.s32 s10, $0x2F80;
	v2 =	vld [tilespmem:s13+$0x0];
	_ =	sdelay $0x4  }
0x10f: {  	v1 =	vadd.f32 v2, v1;
	_ =	sdelay $0x1  }
0x110: {  	v2 =	vmul.f32 $2.000000030e-01, v1  }
0x111: {  	vm0 =	vge.f32 v1, $0.0e+00  }
0x112: {  	v1 =	vsel vm0, v1, v2  }
0x113: {  	v1 =	vmul.f32 $1.442695020e+00, v1;
	_ =	sdelay $0x1  }
0x114: {  	(erf) = vpow2.f32 v1;
	_ =	sdelay $0x4  }
0x115: {  	v1 =	vld [tilespmem:s12+$0xE40];
	_ =	sdelay $0x2  }
.Ltmp4:
0x116: {  	(pc) =	sbr.rel @p0 .LBB2_11-.Ltmp4, $4  }
0x117: {  	v2 =	vpop (erf)  }
0x118: {  	[tilespmem:s12+$0x3250] =	vst v2;
	v2 =	vmul.f32 v2, v1  }
0x119: {  	s23 =	sshra.s32 s10, $0x2  }
0x11a: {  	s10 =	sadd.s32 $0x80, s10;
	s13 =	sadd.s32 $0x10, s13;
	v1 =	vld [tilespmem:s23+$0xE50];
	[tilespmem:s12+$0x3240] =	vst v2;
	s12 =	smov.u32 s23  }
0x11b: {  	v2 =	vld [tilespmem:s13+$0x0];
	_ =	sdelay $0x4  }
0x11c: {  	v1 =	vadd.f32 v2, v1;
	_ =	sdelay $0x1  }
0x11d: {  	v2 =	vmul.f32 $2.000000030e-01, v1  }
0x11e: {  	vm0 =	vge.f32 v1, $0.0e+00  }
0x11f: {  	v1 =	vsel vm0, v1, v2  }
0x120: {  	v1 =	vmul.f32 $1.442695020e+00, v1;
	_ =	sdelay $0x1  }
0x121: {  	(erf) = vpow2.f32 v1;
	_ =	sdelay $0x4  }
0x122: {  	v1 =	vld [tilespmem:s12+$0xE40];
	_ =	sdelay $0x1  }
0x123: {  	s11 =	sadd.s32 $0x1, s11  }
0x124: {  	p0 =	sne.s32 s11, $0x35  }
.Ltmp5:
0x125: {  	v2 =	vpop (erf);
	(pc) =	sbr.rel @p0 .LBB2_8-.Ltmp5, $4  }
0x126: {  	v1 =	vmul.f32 v2, v1  }
0x127: {  	[tilespmem:s12+$0x3250] =	vst v2  }
0x128: {  	[tilespmem:s12+$0x3240] =	vst v1  }
0x129: {  	[spmem:s2] =	stream.indirect.scatter.add.f32 [tilespmem:s4], [sflag:$0x6], $0x20, s28, s30, $0xb8;
	[tilespmem:$0x8D40] =	vst v63  }
0x12a: {  	_ =	swait.ge [sflag:s8], $0xC00  }
0x12b: {  	[sflag:s8] =	ssyncset.done $0x0  }
0x12c: {  	[sflag:s8] =	ssyncadd.s32 $0xFFFFF400  }
0x12d: {  	_ =	swait.ge [sflag:s7], $0xC0  }
0x12e: {  	[sflag:s7] =	ssyncset.done $0x0  }
0x12f: {  	[sflag:s7] =	ssyncadd.s32 $0xFFFFFF40  }
0x130: {  	[tilespmem:s16], [sflag:$0x2] =	stream.indirect.gather [hbm4b:s5+s30], $0x20, s3, s30, $0xb8;
	[tilespmem:$0x8D40] =	vst v63  }
0x131: {  	_ = 	snop  }
0x132: {  	[tilespmem:s18], [sflag:$0x4] =	stream.indirect.gather [hbm4b:s1+s30], $0x10, s17, s30, $0xb8;
	[tilespmem:$0x8D40] =	vst v63  }
0x133: {  	_ =	swait.ge [sflag:s19], $0xC00  }
0x134: {  	[sflag:s19] =	ssyncset.done $0x0  }
0x135: {  	[sflag:s19] =	ssyncadd.s32 $0xFFFFF400  }
0x136: {  	_ =	swait.ge [sflag:s20], $0x600  }
0x137: {  	[sflag:s20] =	ssyncset.done $0x0  }
0x138: {  	[sflag:s20] =	ssyncadd.s32 $0xFFFFFA00  }
0x139: {  	v1 =	vld [tilespmem:$0x60]  }
0x13a: {  	v2 =	vld [tilespmem:$0x70]  }
0x13b: {  	v3 =	vld [tilespmem:$0x80]  }
0x13c: {  	v4 =	vld [tilespmem:$0x90]  }
0x13d: {  	v5 =	vld [tilespmem:$0xA0]  }
0x13e: {  	[tilespmem:$0x180] =	vst v1;
	v1 =	vld [tilespmem:$0xB0]  }
0x13f: {  	[tilespmem:$0x190] =	vst v2  }
0x140: {  	[tilespmem:$0x1A0] =	vst v3  }
0x141: {  	[tilespmem:$0x1B0] =	vst v4  }
0x142: {  	[tilespmem:$0x1C0] =	vst v5  }
0x143: {  	s11 =	simm.s32 $0x0;
	[tilespmem:$0x1D0] =	vst v1  }
0x144: {  	s12 =	simm.s32 $0x1A40;
	s10 =	simm.s32 $0x80;
	v1 =	vld [tilespmem:s11+$0x250]  }
.LBB2_14:
0x145: {  	p0 =	sne.s32 s10, $0x2F80;
	v2 =	vld [tilespmem:s12+$0x0];
	_ =	sdelay $0x4  }
0x146: {  	v1 =	vadd.f32 v2, v1;
	_ =	sdelay $0x1  }
0x147: {  	v2 =	vmul.f32 $2.000000030e-01, v1  }
0x148: {  	vm0 =	vge.f32 v1, $0.0e+00  }
0x149: {  	v1 =	vsel vm0, v1, v2  }
0x14a: {  	v1 =	vmul.f32 $1.442695020e+00, v1;
	_ =	sdelay $0x1  }
0x14b: {  	(erf) = vpow2.f32 v1;
	_ =	sdelay $0x4  }
0x14c: {  	v1 =	vld [tilespmem:s11+$0x240];
	_ =	sdelay $0x2  }
.Ltmp6:
0x14d: {  	(pc) =	sbr.rel @p0 .LBB2_14-.Ltmp6, $4  }
0x14e: {  	v2 =	vpop (erf)  }
0x14f: {  	[tilespmem:s11+$0x2650] =	vst v2;
	v2 =	vmul.f32 v2, v1  }
0x150: {  	s13 =	sshra.s32 s10, $0x2  }
0x151: {  	s10 =	sadd.s32 $0x80, s10;
	s12 =	sadd.s32 $0x10, s12;
	v1 =	vld [tilespmem:s13+$0x250];
	[tilespmem:s11+$0x2640] =	vst v2;
	s11 =	smov.u32 s13  }
0x152: {  	v2 =	vld [tilespmem:s12+$0x0];
	_ =	sdelay $0x4  }
0x153: {  	v1 =	vadd.f32 v2, v1;
	_ =	sdelay $0x1  }
0x154: {  	v2 =	vmul.f32 $2.000000030e-01, v1  }
0x155: {  	vm0 =	vge.f32 v1, $0.0e+00  }
0x156: {  	v1 =	vsel vm0, v1, v2  }
0x157: {  	v1 =	vmul.f32 $1.442695020e+00, v1;
	_ =	sdelay $0x1  }
0x158: {  	(erf) = vpow2.f32 v1;
	_ =	sdelay $0x4  }
0x159: {  	v1 =	vld [tilespmem:s11+$0x240];
	_ =	sdelay $0x3  }
0x15a: {  	v2 =	vpop (erf)  }
0x15b: {  	v1 =	vmul.f32 v2, v1  }
0x15c: {  	[tilespmem:s11+$0x2650] =	vst v2  }
0x15d: {  	[tilespmem:s11+$0x2640] =	vst v1  }
0x15e: {  	[spmem:s2] =	stream.indirect.scatter.add.f32 [tilespmem:s15], [sflag:$0x5], $0x20, s21, s30, $0xb8;
	[tilespmem:$0x8D40] =	vst v63  }
0x15f: {  	_ =	swait.ge [sflag:s9], $0xC00  }
0x160: {  	[sflag:s9] =	ssyncset.done $0x0  }
0x161: {  	[sflag:s9] =	ssyncadd.s32 $0xFFFFF400  }
0x162: {  	_ =	swait.ge [sflag:s25], $0xC00  }
0x163: {  	[sflag:s25] =	ssyncset.done $0x0  }
0x164: {  	[sflag:s25] =	ssyncadd.s32 $0xFFFFF400  }
0x165: {  	_ =	swait.ge [sflag:s26], $0x600  }
0x166: {  	[sflag:s26] =	ssyncset.done $0x0  }
0x167: {  	[sflag:s26] =	ssyncadd.s32 $0xFFFFFA00  }
0x168: {  	v1 =	vld [tilespmem:$0x120]  }
0x169: {  	v2 =	vld [tilespmem:$0x130]  }
0x16a: {  	v3 =	vld [tilespmem:$0x140]  }
0x16b: {  	v4 =	vld [tilespmem:$0x150]  }
0x16c: {  	v5 =	vld [tilespmem:$0x160]  }
0x16d: {  	[tilespmem:$0x1E0] =	vst v1;
	v1 =	vld [tilespmem:$0x170]  }
0x16e: {  	[tilespmem:$0x1F0] =	vst v2  }
0x16f: {  	[tilespmem:$0x200] =	vst v3  }
0x170: {  	[tilespmem:$0x210] =	vst v4  }
0x171: {  	[tilespmem:$0x220] =	vst v5  }
0x172: {  	s11 =	simm.s32 $0x0;
	s23 =	rddreg [dreg:$0x5];
	[tilespmem:$0x230] =	vst v1  }
0x173: {  	s12 =	simm.s32 $0x2040;
	s10 =	simm.s32 $0x80;
	s31 =	rddreg [dreg:$0x6];
	v1 =	vld [tilespmem:s11+$0xE50]  }
.LBB2_16:
0x174: {  	p0 =	sne.s32 s10, $0x2F80;
	v2 =	vld [tilespmem:s12+$0x0];
	_ =	sdelay $0x4  }
0x175: {  	v1 =	vadd.f32 v2, v1;
	_ =	sdelay $0x1  }
0x176: {  	v2 =	vmul.f32 $2.000000030e-01, v1  }
0x177: {  	vm0 =	vge.f32 v1, $0.0e+00  }
0x178: {  	v1 =	vsel vm0, v1, v2  }
0x179: {  	v1 =	vmul.f32 $1.442695020e+00, v1;
	_ =	sdelay $0x1  }
0x17a: {  	(erf) = vpow2.f32 v1;
	_ =	sdelay $0x4  }
0x17b: {  	v1 =	vld [tilespmem:s11+$0xE40];
	_ =	sdelay $0x2  }
.Ltmp7:
0x17c: {  	(pc) =	sbr.rel @p0 .LBB2_16-.Ltmp7, $4  }
0x17d: {  	v2 =	vpop (erf)  }
0x17e: {  	[tilespmem:s11+$0x3250] =	vst v2;
	v2 =	vmul.f32 v2, v1  }
0x17f: {  	s13 =	sshra.s32 s10, $0x2  }
0x180: {  	s10 =	sadd.s32 $0x80, s10;
	s12 =	sadd.s32 $0x10, s12;
	v1 =	vld [tilespmem:s13+$0xE50];
	[tilespmem:s11+$0x3240] =	vst v2;
	s11 =	smov.u32 s13  }
0x181: {  	v2 =	vld [tilespmem:s12+$0x0];
	_ =	sdelay $0x4  }
0x182: {  	v1 =	vadd.f32 v2, v1;
	_ =	sdelay $0x1  }
0x183: {  	v2 =	vmul.f32 $2.000000030e-01, v1  }
0x184: {  	vm0 =	vge.f32 v1, $0.0e+00  }
0x185: {  	v1 =	vsel vm0, v1, v2  }
0x186: {  	v1 =	vmul.f32 $1.442695020e+00, v1;
	_ =	sdelay $0x1  }
0x187: {  	(erf) = vpow2.f32 v1;
	_ =	sdelay $0x4  }
0x188: {  	v1 =	vld [tilespmem:s11+$0xE40];
	_ =	sdelay $0x3  }
0x189: {  	v2 =	vpop (erf)  }
0x18a: {  	v1 =	vmul.f32 v2, v1  }
0x18b: {  	[tilespmem:s11+$0x3250] =	vst v2  }
0x18c: {  	[tilespmem:s11+$0x3240] =	vst v1  }
0x18d: {  	[spmem:s2] =	stream.indirect.scatter.add.f32 [tilespmem:s4], [sflag:$0x6], $0x20, s28, s30, $0xb8;
	[tilespmem:$0x8D40] =	vst v63  }
0x18e: {  	_ =	swait.ge [sflag:s8], $0xC00  }
0x18f: {  	[sflag:s8] =	ssyncset.done $0x0  }
0x190: {  	[sflag:s8] =	ssyncadd.s32 $0xFFFFF400  }
0x191: {  	_ =	swait.ge [sflag:s9], $0xC00  }
0x192: {  	[sflag:s9] =	ssyncset.done $0x0  }
0x193: {  	s10 =	stileid.u32;
	[sflag:s9] =	ssyncadd.s32 $0xFFFFF400  }
0x194: {  	s10 =	sshll.u32 s10, $0x6;
	[bflag:$0x0] =	sbarrier.arrive $0xFFFF  }
0x195: {  	s12 =	sshrl.u32 s23, $0x3;
	s10 =	sor.u32 $0x1C09, s10;
	s13 =	rddreg [dreg:$0xb]  }
0x196: {  	[hbm:s13], [sflag:s10] =	dma.local [spmem:s12], $0x180  }
0x197: {  	_ =	swait.ge [sflag:s29], $0x180  }
0x198: {  	[sflag:s29] =	ssyncset.done $0x0  }
0x199: {  	s12 =	sshrl.u32 s31, $0x3;
	s13 =	rddreg [dreg:$0xc];
	[sflag:s29] =	ssyncadd.s32 $0xFFFFFE80  }
0x19a: {  	[hbm:s13], [sflag:s10] =	dma.local [spmem:s12], $0x180  }
0x19b: {  	_ =	swait.ge [sflag:s29], $0x180  }
0x19c: {  	[sflag:s29] =	ssyncset.done $0x0;
	s12 =	rddreg [dreg:$0x7]  }
0x19d: {  	s13 =	rddreg [dreg:$0xd];
	[sflag:s29] =	ssyncadd.s32 $0xFFFFFE80;
	s11 =	sshrl.u32 s12, $0x3  }
0x19e: {  	[hbm:s13], [sflag:s10] =	dma.local [spmem:s11], $0x180  }
0x19f: {  	_ =	swait.ge [sflag:s29], $0x180  }
0x1a0: {  	[sflag:s29] =	ssyncset.done $0x0;
	s12 =	rddreg [dreg:$0x8]  }
0x1a1: {  	s13 =	rddreg [dreg:$0xe];
	[sflag:s29] =	ssyncadd.s32 $0xFFFFFE80;
	s11 =	sshrl.u32 s12, $0x3  }
0x1a2: {  	[hbm:s13], [sflag:s10] =	dma.local [spmem:s11], $0x180  }
0x1a3: {  	_ =	swait.ge [sflag:s29], $0x180  }
0x1a4: {  	[sflag:s29] =	ssyncset.done $0x0;
	s12 =	rddreg [dreg:$0x9]  }
0x1a5: {  	s13 =	rddreg [dreg:$0xf];
	[sflag:s29] =	ssyncadd.s32 $0xFFFFFE80;
	s11 =	sshrl.u32 s12, $0x3  }
0x1a6: {  	[hbm:s13], [sflag:s10] =	dma.local [spmem:s11], $0x180  }
0x1a7: {  	_ =	swait.ge [sflag:s29], $0x180  }
0x1a8: {  	[sflag:s29] =	ssyncset.done $0x0;
	s12 =	rddreg [dreg:$0xa]  }
0x1a9: {  	s13 =	rddreg [dreg:$0x10];
	[sflag:s29] =	ssyncadd.s32 $0xFFFFFE80;
	s11 =	sshrl.u32 s12, $0x3  }
0x1aa: {  	[hbm:s13], [sflag:s10] =	dma.local [spmem:s11], $0x180  }
0x1ab: {  	_ =	swait.ge [sflag:s29], $0x180  }
0x1ac: {  	[sflag:s29] =	ssyncset.done $0x0;
	s13 =	rddreg [dreg:$0x12]  }
0x1ad: {  	s12 =	rddreg [dreg:$0x11];
	[sflag:s29] =	ssyncadd.s32 $0xFFFFFE80;
	s11 =	sshrl.u32 s13, $0x3  }
0x1ae: {  	[hbm:s12], [sflag:s10] =	dma.local [spmem:s11], $0xE0  }
0x1af: {  	_ =	swait.ge [sflag:s29], $0xE0  }
0x1b0: {  	s10 =	rddreg [dreg:$0x17]  }
0x1b1: {  	s12 =	rddreg [dreg:$0x15];
	s11 =	sadd.s32 $0x1, s10  }
0x1b2: {  	p0 =	sne.s32 s11, s12  }
.Ltmp8:
0x1b3: {  	_ = 	snop;
	(pc) =	sbr.rel @p0 .LBB2_1-.Ltmp8, $3  }
0x1b4: {  	_ =	sdelay $0x1  }
0x1b5: {  	[sflag:s29] =	ssyncset.done $0x0  }
0x1b6: {  	[sflag:s29] =	ssyncadd.s32 $0xFFFFFF20  }
0x1b7: {  	_ =	sfence.sel $0x180000  }
0x1b8: {  	[bflag:$0x0] =	sbarrier.arrive $0xFFFF  }
0x1b9: {  	_ =	strace $0x9000004A  }
0x1ba: {  	s0 =	stileid.u32;
	[bflag:$0x2] =	sbarrier.arrive $0xFFFF  }
0x1bb: {  	p0 =	sne.s32 s0, $0x0;
	s0 =	rddreg [dreg:$0x3]  }
0x1bc: {  	s0 =	sadd.s32 @!p0 $0x100000, s0  }
0x1bd: {  	[sflag:s0] =	ssyncadd.tile.s32 @!p0 $0x1;
	_ =	shalt  }
.Lfunc_end2:
_tile_overlayer_lowered:
.L_overlay_start_2:
0x1be: {  	(tag) =	ssettag $0x2  }
0x1bf: {  	s0 =	rddreg [dreg:$0x0];
	s2 =	stileid.u32  }
0x1c0: {  	s1 =	rddreg [dreg:$0x1];
	p0 =	sne.s32 s2, $0x0  }
0x1c1: {  	s3 =	rddreg [dreg:$0x2];
	[bflag:$0x3] =	sbarrier.arrive $0xFFFF;
	s2 =	simm.s32 @!p0 $0x1C09  }
0x1c2: {  	[timem:s3], [sflag:s2] =	dma.local @!p0 [hbm:s0], s1  }
0x1c3: {  	s0 =	simm.s32 @!p0 $0x9  }
0x1c4: {  	_ =	swait.ge @!p0 [sflag:s0], s1  }
0x1c5: {  	s1 =	ssub.s32 @!p0 $0x0, s1;
	[sflag:s0] =	ssyncset.done @!p0 $0x0  }
0x1c6: {  	[sflag:s0] =	ssyncadd.s32 @!p0 s1  }
0x1c7: {  	[bflag:$0x3] =	sbarrier.arrive $0xFFFF  }
0x1c8: {  	_ =	shalt  }

// kernel: kernel.7.cloned.1.call-start
scs
__scs_entry_jumppad:
0x0: {  	(pc) =	sbr.rel $0x88, $3  }
0x1: {  	(tag) =	ssettag $0x0;
	lr =	simm.s32 $0x1  }
0x2: {  	[smem:$0x3F97] =	sst lr;
	_ =	strace $0xD0000000  }
0x3: {  	_ = 	snop  }
0x4: {  	_ = 	snop  }
0x5: {  	_ = 	snop  }
0x6: {  	_ = 	snop  }
0x7: {  	_ = 	snop  }
__scs_overlays_trampoline_lowered:
0x8: {  	[smem:$0x3FA6] =	sst s0  }
0x9: {  	[smem:$0x3FA7] =	sst s1  }
0xa: {  	[smem:$0x3FA8] =	sst s2  }
0xb: {  	[smem:$0x3FA9] =	sst s3  }
0xc: {  	[smem:$0x3FAA] =	sst s4  }
0xd: {  	[smem:$0x3FAB] =	sst s5  }
0xe: {  	[smem:$0x3FAC] =	sst s6  }
0xf: {  	[smem:$0x3FAD] =	sst s7  }
0x10: {  	[smem:$0x3FAE] =	sst s8  }
0x11: {  	[smem:$0x3FAF] =	sst s9;
	s0 =	simm.s32 @!p0 $0x0  }
0x12: {  	s1 =	sld [smem:$0x3F95];
	s0 =	simm.s32 @p0 $0x1  }
0x13: {  	[smem:$0x3FB0] =	sst s0;
	s0 =	simm.s32 @!p1 $0x0  }
0x14: {  	s2 =	sld [smem:$0x3F94];
	s0 =	simm.s32 @p1 $0x1  }
0x15: {  	[smem:$0x3FB1] =	sst s0;
	s0 =	simm.s32 @!p2 $0x0  }
0x16: {  	s3 =	sld [smem:$0x3FDB];
	s0 =	simm.s32 @p2 $0x1  }
0x17: {  	s4 =	simm.s32 $0x1BF5;
	[smem:$0x3FB3] =	sst s0  }
0x18: {  	s0 =	sld [smem:$0x3F96];
	_ =	swait.ge [sflag:s4], $0x0  }
0x19: {  	s7 =	sld [smem:$0x3F97]  }
0x1a: {  	s8 =	sadd.s32 $0xFFFFE003, lr  }
0x1b: {  	s9 =	sadd.s32 $0xFFFFFEF7, lr;
	s5 =	simm.s32 $0xFFFFFFFF;
	p2 =	slt.u32 s8, $0xFFFFF086  }
0x1c: {  	p1 =	slt.u32 s9, $0xF7A;
	s5 =	simm.s32 @!p2 $0x0  }
0x1d: {  	s5 =	simm.s32 @p1 $0x1;
	p0 =	seq.s32 s7, s2  }
0x1e: {  	s7 =	smul.u32 @!p0 $0xF7A, s2;
	p2 =	seq.s32 @!p0 s5, $0x0  }
0x1f: {  	s9 =	smul.u32 $0xF7A, s1;
	s8 =	simm.s32 @!p0 $0x1BF5;
	p2 =	por !p2, p0  }
0x20: {  	[sflag:s8] =	ssyncset.s32 @!p0 $0xFFFFF086;
	s6 =	sadd.s32 @!p0 s3, s7;
	s7 =	simm.s32 @!p0 $0x108  }
0x21: {  	s3 =	sadd.s32 s3, s9;
	s6 =	sadd.s32 @!p0 $0x88, s6;
	s7 =	simm.s32 @p2 $0x1082  }
0x22: {  	[simem:s7], [sflag:s8] =	dma.local @!p0 [hbm:s6], $0xF7A  }
0x23: {  	s9 =	sor.u32 $0xD0000000, s2;
	s6 =	simm.s32 $0x108;
	_ =	swait.ge @!p0 [sflag:s8], $0x0  }
0x24: {  	s3 =	sadd.s32 $0x88, s3;
	s6 =	simm.s32 @!p1 $0x1082;
	[sflag:s4] =	ssyncset.s32 $0xFFFFF086  }
0x25: {  	[simem:s6], [sflag:s4] =	dma.local [hbm:s3], $0xF7A  }
0x26: {  	[smem:$0x3F97] =	sst s1;
	(tag) =	ssettag s2;
	_ =	strace s9  }
0x27: {  	s1 =	sld [smem:$0x3FA7]  }
0x28: {  	s2 =	sld [smem:$0x3FA8]  }
0x29: {  	s4 =	sld [smem:$0x3FAA]  }
0x2a: {  	p0 =	seq.s32 s5, $0x0;
	s5 =	sld [smem:$0x3FAB]  }
0x2b: {  	s6 =	sld [smem:$0x3FAC]  }
0x2c: {  	s7 =	sld [smem:$0x3FAD]  }
0x2d: {  	s3 =	simm.s32 $0x108;
	s8 =	sld [smem:$0x3FAE]  }
0x2e: {  	s3 =	simm.s32 @!p0 $0x1082;
	s9 =	sld [smem:$0x3FAF]  }
0x2f: {  	lr =	sadd.s32 s0, s3;
	s0 =	sld [smem:$0x3FA6]  }
0x30: {  	s3 =	sld [smem:$0x3FA9]  }
0x31: {  	[smem:$0x3FB2] =	sst s10  }
0x32: {  	s10 =	sld [smem:$0x3FB0];
	_ =	sdelay $0x3  }
0x33: {  	p0 =	seq.s32 s10, $0x1;
	s10 =	sld [smem:$0x3FB2];
	_ =	sdelay $0x3  }
0x34: {  	[smem:$0x3FB2] =	sst s10  }
0x35: {  	s10 =	sld [smem:$0x3FB1];
	_ =	sdelay $0x3  }
0x36: {  	p1 =	seq.s32 s10, $0x1;
	s10 =	sld [smem:$0x3FB2];
	_ =	sdelay $0x3  }
0x37: {  	[smem:$0x3FB2] =	sst s10  }
0x38: {  	s10 =	sld [smem:$0x3FB3]  }
0x39: {  	_ = 	snop;
	(pc) =	sbr.ind lr, $3  }
0x3a: {  	_ = 	snop  }
0x3b: {  	_ = 	snop  }
0x3c: {  	p2 =	seq.s32 s10, $0x1;
	s10 =	sld [smem:$0x3FB2]  }
0x3d: {  	_ =	shalt  }
0x3e: {  	_ =	shalt  }
0x3f: {  	_ =	shalt  }
0x40: {  	_ =	shalt  }
0x41: {  	_ =	shalt  }
0x42: {  	_ =	shalt  }
0x43: {  	_ =	shalt  }
0x44: {  	_ =	shalt  }
0x45: {  	_ =	shalt  }
0x46: {  	_ =	shalt  }
0x47: {  	_ =	shalt  }
0x48: {  	_ =	shalt  }
0x49: {  	_ =	shalt  }
0x4a: {  	_ =	shalt  }
0x4b: {  	_ =	shalt  }
0x4c: {  	_ =	shalt  }
0x4d: {  	_ =	shalt  }
0x4e: {  	_ =	shalt  }
0x4f: {  	_ =	shalt  }
0x50: {  	_ =	shalt  }
0x51: {  	_ =	shalt  }
0x52: {  	_ =	shalt  }
0x53: {  	_ =	shalt  }
0x54: {  	_ =	shalt  }
0x55: {  	_ =	shalt  }
0x56: {  	_ =	shalt  }
0x57: {  	_ =	shalt  }
0x58: {  	_ =	shalt  }
0x59: {  	_ =	shalt  }
0x5a: {  	_ =	shalt  }
0x5b: {  	_ =	shalt  }
0x5c: {  	_ =	shalt  }
0x5d: {  	_ =	shalt  }
0x5e: {  	_ =	shalt  }
0x5f: {  	_ =	shalt  }
0x60: {  	_ =	shalt  }
0x61: {  	_ =	shalt  }
0x62: {  	_ =	shalt  }
0x63: {  	_ =	shalt  }
0x64: {  	_ =	shalt  }
0x65: {  	_ =	shalt  }
0x66: {  	_ =	shalt  }
0x67: {  	_ =	shalt  }
0x68: {  	_ =	shalt  }
0x69: {  	_ =	shalt  }
0x6a: {  	_ =	shalt  }
0x6b: {  	_ =	shalt  }
0x6c: {  	_ =	shalt  }
0x6d: {  	_ =	shalt  }
0x6e: {  	_ =	shalt  }
0x6f: {  	_ =	shalt  }
0x70: {  	_ =	shalt  }
0x71: {  	_ =	shalt  }
0x72: {  	_ =	shalt  }
0x73: {  	_ =	shalt  }
0x74: {  	_ =	shalt  }
0x75: {  	_ =	shalt  }
0x76: {  	_ =	shalt  }
0x77: {  	_ =	shalt  }
0x78: {  	_ =	shalt  }
0x79: {  	_ =	shalt  }
0x7a: {  	_ =	shalt  }
0x7b: {  	_ =	shalt  }
0x7c: {  	_ =	shalt  }
0x7d: {  	_ =	shalt  }
0x7e: {  	_ =	shalt  }
0x7f: {  	_ =	shalt  }
0x80: {  	_ =	shalt  }
0x81: {  	_ =	shalt  }
0x82: {  	_ =	shalt  }
0x83: {  	_ =	shalt  }
0x84: {  	_ =	shalt  }
0x85: {  	_ =	shalt  }
0x86: {  	_ =	shalt  }
0x87: {  	_ =	shalt  }
.Lfunc_end0:
.L_simem_size_0:
called_computation_lowered:
.L_overlay_start_0:
0x88: {  	s2 =	sld [smem:$0x3FD9]  }
0x89: {  	s3 =	sld [smem:$0x3FFE];
	_ =	sdelay $0x1  }
0x8a: {  	s1 =	srdreg.scid  }
0x8b: {  	s0 =	sand.u32 $0x1, s1  }
0x8c: {  	s17 =	sshll.u32 s0, $0xA;
	s2 =	sadd.s32 s3, s2  }
0x8d: {  	s2 =	sadd.s32 s2, s17  }
0x8e: {  	[smem:$0x3FBE] =	sst s2  }
0x8f: {  	_ = 	snop  }
0x90: {  	s2 =	sld [smem:$0x3FD0];
	(tm) =	ssettm $0x1  }
0x91: {  	s18 =	sld [smem:$0x3FFB];
	_ =	sdelay $0x3  }
0x92: {  	_ =	strace s18  }
0x93: {  	s3 =	sld [smem:$0x3FFC];
	_ =	sdelay $0x3  }
0x94: {  	_ =	strace s3  }
0x95: {  	s3 =	sld [smem:$0x3FFD];
	_ =	sdelay $0x3  }
0x96: {  	_ =	strace s3  }
0x97: {  	_ =	strace $0x8FFFFFFF  }
0x98: {  	s19 =	sld [smem:$0x3FDB];
	_ =	sdelay $0x1  }
0x99: {  	s4 =	simm.s32 $_scs_section_size  }
0x9a: {  	s5 =	simm.s32 $_size__tile_overlayer_lowered;
	s6 =	simm.s32 $_tile_overlayer_lowered  }
0x9b: {  	s22 =	simm.s32 $0x1BFF;
	s21 =	sshll.u32 s6, $0x1;
	s3 =	sadd.s32 s4, s19  }
0x9c: {  	s7 =	simm.s32 $0x0;
	s20 =	sshll.u32 s5, $0x1;
	s5 =	sadd.s32 s21, s3  }
0x9d: {  	[timem:s7], [sflag:s22] =	dma.local [hbm:s5], s20  }
0x9e: {  	_ =	swait.ge [sflag:s22], s20  }
0x9f: {  	s4 =	ssub.s32 $0x0, s20;
	[sflag:s22] =	ssyncset.done $0x0  }
0xa0: {  	[sflag:s22] =	ssyncadd.s32 s4;
	_ =	sdelay $0x1  }
0xa1: {  	s23 =	simm.s32 $0x1B8B  }
0xa2: {  	_ =	swait.ge [sflag:s23], $0x1  }
0xa3: {  	[sflag:s23] =	ssyncset.done $0x0  }
0xa4: {  	s25 =	simm.s32 $0x1B8E;
	s24 =	sld [smem:$0x3FFE];
	[sflag:s23] =	ssyncadd.s32 $0xFFFFFFFF  }
0xa5: {  	s26 =	simm.s32 $execute0_lowered;
	[smem:$0x3FD2] =	sst s25  }
0xa6: {  	s5 =	sshll.u32 s26, $0x1;
	_ =	strace $0x80000046;
	[dreg:$0x1] =	wrdreg $0xFFFFFFFF  }
0xa7: {  	s28 =	simm.s32 $_size_execute0_lowered;
	s3 =	sadd.s32 s3, s5;
	[dreg:$0x0] =	wrdreg $0x0  }
0xa8: {  	s5 =	sshll.u32 s28, $0x1;
	[dreg:$0x2] =	wrdreg s3  }
0xa9: {  	[dreg:$0x3] =	wrdreg s5  }
0xaa: {  	[dreg:$0x4] =	wrdreg $0xC0  }
0xab: {  	_ =	task [dreg:s7], $0x5FFFF  }
0xac: {  	[dreg:$0x1] =	wrdreg $0xFFFFFFFF  }
0xad: {  	[dreg:$0x0] =	wrdreg $0x60  }
0xae: {  	[dreg:$0x2] =	wrdreg s24  }
0xaf: {  	[dreg:$0x3] =	wrdreg s2  }
0xb0: {  	[dreg:$0x4] =	wrdreg $0x99800  }
0xb1: {  	[dreg:$0x5] =	wrdreg $0x9  }
0xb2: {  	_ =	task.clear_ibuf [dreg:s7], $0x6FFFF;
	_ =	strace $0x90000046  }
0xb3: {  	s29 =	simm.s32 $0x9;
	_ =	strace $0x80000048  }
0xb4: {  	_ =	swait.ge [sflag:s29], $0x1  }
0xb5: {  	[sflag:s29] =	ssyncadd.s32 $0xFFFFFFFF  }
0xb6: {  	_ =	strace $0x90000048  }
0xb7: {  	_ =	sfence  }
0xb8: {  	s30 =	sld [smem:$0x0];
	_ =	sdelay $0x2  }
0xb9: {  	s31 =	sshll.u32 s1, $0xD;
	s1 =	sshrl.u32 s1, $0x2  }
0xba: {  	s3 =	sand.u32 $0x4000, s31;
	s1 =	sadd.s32 s1, s30  }
0xbb: {  	s0 =	sor.u32 s3, s0;
	s1 =	sshll.u32 s1, $0x11  }
0xbc: {  	s0 =	sor.u32 s1, s0  }
0xbd: {  	s0 =	sadd.s32 $0x8F2B, s0  }
0xbe: {  	[sflag:s0] =	ssyncadd.remote.s32 $0x1  }
0xbf: {  	_ =	sfence.sel $0xFFFF  }
0xc0: {  	[dreg:$0x0] =	wrdreg $0xFFFFFFFF;
	(pc) =	sbr.abs _section_cstart, $3  }
0xc1: {  	[dreg:$0x1] =	wrdreg $0xFFFFFFFF  }
0xc2: {  	_ =	task.clear_ibuf [dreg:s7], $0x2FFFF;
	_ =	strace $0x9FFFFFFF  }
0xc3: {  	(tm) =	ssettm $0x7FFFFFFF  }
tec
execute0_lowered:
.L_overlay_start_1:
0x0: {  	(tag) =	ssettag $0x1  }
0x1: {  	s1 =	rddreg [dreg:$0x0]  }
0x2: {  	s2 =	simm.s32 $0x0;
	s0 =	srdreg.scid;
	s5 =	stileid.u32  }
0x3: {  	s31 =	simm.s32 $0x4D80;
	[smem:$0x7FF] =	sst s2;
	s25 =	sand.u32 $0x1, s0  }
0x4: {  	s0 =	ssub.s32 $0x2, s25;
	s3 =	sshll.u32 s25, $0x4;
	s2 =	smul.u32 $0x163800, s25  }
0x5: {  	s4 =	sshrl.u32 s0, $0x1;
	s3 =	sor.u32 s5, s3;
	s5 =	smul.u32 $0x16380, s5  }
0x6: {  	s6 =	sadd.s32 $0x42600, s1;
	s0 =	ssub.s32 s0, s4;
	s3 =	smul.u32 $0x5100, s3  }
0x7: {  	s4 =	sadd.s32 $0x2400, s5;
	s7 =	sadd.s32 $0x4800, s5;
	s8 =	sadd.s32 $0x6C00, s5  }
0x8: {  	s9 =	sadd.s32 $0x9000, s5;
	s10 =	sadd.s32 $0xB400, s5;
	s12 =	sadd.s32 $0xD800, s5  }
0x9: {  	s13 =	sadd.s32 $0xFC00, s5;
	s11 =	sadd.s32 s5, s2;
	s17 =	sadd.s32 $0x12000, s5  }
0xa: {  	s18 =	sadd.s32 $0x14400, s5;
	s0 =	smax.u32 s0, $0x1;
	s11 =	sshrl.u32 s11, $0x3  }
0xb: {  	s14 =	sadd.s32 s2, s4;
	s15 =	sadd.s32 s2, s8;
	s20 =	sadd.s32 s2, s10  }
0xc: {  	s21 =	sadd.s32 s2, s12;
	s22 =	sadd.s32 s2, s13;
	s25 =	sadd.s32 s2, s17  }
0xd: {  	s29 =	sadd.s32 $0x180, s3;
	s11 =	sadd.s32 s6, s11;
	s26 =	sshrl.u32 s14, $0x3  }
0xe: {  	s14 =	sadd.s32 s2, s7;
	[dreg:$0x4] =	wrdreg s11;
	s11 =	sadd.s32 s6, s26  }
0xf: {  	s26 =	sshrl.u32 s25, $0x3;
	[dreg:$0x5] =	wrdreg s11;
	s11 =	sshrl.u32 s14, $0x3  }
0x10: {  	s14 =	sshrl.u32 s15, $0x3;
	s15 =	sadd.s32 s2, s9;
	s11 =	sadd.s32 s6, s11  }
0x11: {  	s16 =	sadd.s32 s6, s14;
	s19 =	sshrl.u32 s15, $0x3;
	[dreg:$0x6] =	wrdreg s11  }
0x12: {  	s14 =	sshrl.u32 s21, $0x3;
	[dreg:$0x7] =	wrdreg s16;
	s11 =	sadd.s32 s6, s19  }
0x13: {  	s2 =	sadd.s32 s2, s18;
	s23 =	sadd.s32 s6, s14;
	[dreg:$0x8] =	wrdreg s11  }
0x14: {  	s2 =	sshrl.u32 s2, $0x3;
	s14 =	sadd.s32 s6, s26;
	[dreg:$0xa] =	wrdreg s23  }
0x15: {  	s24 =	sshrl.u32 s22, $0x3;
	s2 =	sadd.s32 s6, s2;
	[dreg:$0xc] =	wrdreg s14  }
0x16: {  	s15 =	sadd.s32 $0x2E200, s1;
	s16 =	sadd.s32 $0x1A00, s1;
	[dreg:$0xd] =	wrdreg s2  }
0x17: {  	s26 =	sadd.s32 $0x100, s3;
	s11 =	sshrl.u32 s20, $0x3;
	s14 =	rddreg [dreg:$0x2]  }
0x18: {  	s21 =	sshrl.u32 s26, $0x3;
	s23 =	sshrl.u32 s29, $0x3;
	s11 =	sadd.s32 s6, s11  }
0x19: {  	s25 =	sadd.s32 s5, s14;
	[dreg:$0x9] =	wrdreg s11;
	s11 =	sadd.s32 s6, s24  }
0x1a: {  	s28 =	sadd.s32 s4, s14;
	s30 =	sadd.s32 s7, s14;
	[dreg:$0xb] =	wrdreg s11  }
0x1b: {  	s8 =	sadd.s32 s8, s14;
	s9 =	sadd.s32 s9, s14;
	s11 =	rddreg [dreg:$0x1]  }
0x1c: {  	s10 =	sadd.s32 s10, s14;
	_ =	strace $0x80000047;
	[dreg:$0x12] =	wrdreg s8  }
0x1d: {  	s12 =	sadd.s32 s12, s14;
	s19 =	sadd.s32 s13, s14;
	[dreg:$0x13] =	wrdreg s9  }
0x1e: {  	s20 =	sadd.s32 s17, s14;
	s22 =	sadd.s32 s18, s14;
	[dreg:$0x14] =	wrdreg s10  }
0x1f: {  	s1 =	sadd.s32 s15, s21;
	s4 =	simm.s32 $0x40;
	[dreg:$0x15] =	wrdreg s12  }
0x20: {  	s7 =	simm.s32 $0x80;
	s13 =	simm.s32 $0xC0;
	[dreg:$0x16] =	wrdreg s19  }
0x21: {  	s17 =	simm.s32 $0x7;
	s18 =	simm.s32 $0x4;
	[dreg:$0x17] =	wrdreg s20  }
0x22: {  	s21 =	simm.s32 $0x5;
	s6 =	sshrl.u32 s3, $0x3;
	[dreg:$0x18] =	wrdreg s22  }
0x23: {  	s3 =	simm.s32 $0x9;
	s2 =	sadd.s32 s15, s6;
	[dreg:$0x19] =	wrdreg s1  }
0x24: {  	s6 =	simm.s32 $0x4980;
	s1 =	sadd.s32 s15, s23;
	[dreg:$0x1b] =	wrdreg s0  }
0x25: {  	[dreg:$0xe] =	wrdreg s2;
	s24 =	sadd.s32 $0x10, s2;
	s8 =	simm.s32 $0x5180  }
0x26: {  	s9 =	simm.s32 $0x8;
	s12 =	simm.s32 $0x2580;
	[dreg:$0xf] =	wrdreg s25  }
0x27: {  	s10 =	simm.s32 $0x1;
	s0 =	simm.s32 $0x3;
	[dreg:$0x10] =	wrdreg s28  }
0x28: {  	s2 =	simm.s32 $0x100;
	s19 =	simm.s32 $0x140;
	[dreg:$0x11] =	wrdreg s30  }
0x29: {  	s20 =	simm.s32 $0x7580;
	s22 =	simm.s32 $0x6;
	[dreg:$0x1a] =	wrdreg s1  }
0x2a: {  	v0 =	vimm.f32 $0.0e+00;
	s23 =	simm.s32 $0x0;
	[dreg:$0x1c] =	wrdreg s24;
	s1 =	simm.s32 $0x2  }
.LBB2_1:
0x2b: {  	[dreg:$0x1d] =	wrdreg s23  }
0x2c: {  	s5 =	simm.s32 $0x0;
	s24 =	rddreg [dreg:$0xe]  }
0x2d: {  	[tilespmem:s5], [sflag:$0x9] =	stream.linear.gather [hbm4b:s24+s5], $0x80, $0x38;
	[tilespmem:$0x1FD00] =	vst v63  }
0x2e: {  	_ =	swait.ge [sflag:s3], $0x80  }
0x2f: {  	[sflag:s3] =	ssyncset.done $0x0  }
0x30: {  	s24 =	simm.s32 $0x180;
	[sflag:s3] =	ssyncadd.s32 $0xFFFFFF80  }
0x31: {  	[tilespmem:s24], [sflag:$0x1] =	stream.indirect.gather [hbm4b:s16+s4], $0x90, s5, s4, $0xb8;
	[tilespmem:$0x1FD00] =	vst v63  }
0x32: {  	_ = 	snop  }
0x33: {  	[tilespmem:s6], [sflag:$0x3] =	stream.indirect.gather [hbm4b:s11+s4], $0x10, s4, s4, $0xb8;
	[tilespmem:$0x1FD00] =	vst v63  }
0x34: {  	s24 =	rddreg [dreg:$0x1c]  }
0x35: {  	[tilespmem:s7], [sflag:$0x8] =	stream.linear.gather [hbm4b:s24+s5], $0x80, $0x38;
	[tilespmem:$0x1FD00] =	vst v63  }
0x36: {  	s23 =	simm.s32 $0x0;
	s24 =	simm.s32 $0x240  }
.LBB2_2:
0x37: {  	p0 =	sne.s32 s24, $0x8DC0;
	[tilespmem:s23+$0x5200] =	vst v0  }
0x38: {  	[tilespmem:s23+$0x5180] =	vst v0  }
0x39: {  	[tilespmem:s23+$0x5190] =	vst v0  }
0x3a: {  	[tilespmem:s23+$0x51A0] =	vst v0  }
.Ltmp0:
0x3b: {  	[tilespmem:s23+$0x51B0] =	vst v0;
	(pc) =	sbr.rel @p0 .LBB2_2-.Ltmp0, $4  }
0x3c: {  	[tilespmem:s23+$0x51C0] =	vst v0  }
0x3d: {  	[tilespmem:s23+$0x51D0] =	vst v0  }
0x3e: {  	[tilespmem:s23+$0x51E0] =	vst v0  }
0x3f: {  	[tilespmem:s23+$0x51F0] =	vst v0;
	s23 =	sshra.s32 s24, $0x2;
	s24 =	sadd.s32 $0x240, s24  }
0x40: {  	[tilespmem:s23+$0x5200] =	vst v0  }
0x41: {  	[tilespmem:s23+$0x5180] =	vst v0  }
0x42: {  	[tilespmem:s23+$0x5190] =	vst v0  }
0x43: {  	[tilespmem:s23+$0x51A0] =	vst v0  }
0x44: {  	[tilespmem:s23+$0x51B0] =	vst v0  }
0x45: {  	[tilespmem:s23+$0x51C0] =	vst v0  }
0x46: {  	[tilespmem:s23+$0x51D0] =	vst v0  }
0x47: {  	[tilespmem:s23+$0x51E0] =	vst v0  }
0x48: {  	[tilespmem:s23+$0x51F0] =	vst v0  }
0x49: {  	[spmem:s25] =	stream.linear.scatter [tilespmem:s8], [sflag:$0x9], $0x2400, $0x38;
	[tilespmem:$0x1FD00] =	vst v63  }
0x4a: {  	_ =	swait.ge [sflag:s3], $0x2400  }
0x4b: {  	[sflag:s3] =	ssyncset.done $0x0  }
0x4c: {  	[sflag:s3] =	ssyncadd.s32 $0xFFFFDC00  }
0x4d: {  	[spmem:s28] =	stream.linear.scatter [tilespmem:s8], [sflag:$0x9], $0x2400, $0x38;
	[tilespmem:$0x1FD00] =	vst v63  }
0x4e: {  	_ =	swait.ge [sflag:s3], $0x2400  }
0x4f: {  	[sflag:s3] =	ssyncset.done $0x0  }
0x50: {  	[sflag:s3] =	ssyncadd.s32 $0xFFFFDC00  }
0x51: {  	[spmem:s30] =	stream.linear.scatter [tilespmem:s8], [sflag:$0x9], $0x2400, $0x38;
	[tilespmem:$0x1FD00] =	vst v63  }
0x52: {  	_ =	swait.ge [sflag:s3], $0x2400  }
0x53: {  	[sflag:s3] =	ssyncset.done $0x0  }
0x54: {  	s5 =	rddreg [dreg:$0x12];
	[sflag:s3] =	ssyncadd.s32 $0xFFFFDC00  }
0x55: {  	[spmem:s5] =	stream.linear.scatter [tilespmem:s8], [sflag:$0x9], $0x2400, $0x38;
	[tilespmem:$0x1FD00] =	vst v63  }
0x56: {  	_ =	swait.ge [sflag:s3], $0x2400  }
0x57: {  	[sflag:s3] =	ssyncset.done $0x0  }
0x58: {  	s23 =	rddreg [dreg:$0x13];
	[sflag:s3] =	ssyncadd.s32 $0xFFFFDC00  }
0x59: {  	[spmem:s23] =	stream.linear.scatter [tilespmem:s8], [sflag:$0x9], $0x2400, $0x38;
	[tilespmem:$0x1FD00] =	vst v63  }
0x5a: {  	_ =	swait.ge [sflag:s3], $0x2400  }
0x5b: {  	[sflag:s3] =	ssyncset.done $0x0  }
0x5c: {  	s24 =	rddreg [dreg:$0x14];
	[sflag:s3] =	ssyncadd.s32 $0xFFFFDC00  }
0x5d: {  	[spmem:s24] =	stream.linear.scatter [tilespmem:s8], [sflag:$0x9], $0x2400, $0x38;
	[tilespmem:$0x1FD00] =	vst v63  }
0x5e: {  	_ =	swait.ge [sflag:s3], $0x2400  }
0x5f: {  	[sflag:s3] =	ssyncset.done $0x0  }
0x60: {  	s25 =	rddreg [dreg:$0x15];
	[sflag:s3] =	ssyncadd.s32 $0xFFFFDC00  }
0x61: {  	[spmem:s25] =	stream.linear.scatter [tilespmem:s8], [sflag:$0x9], $0x2400, $0x38;
	[tilespmem:$0x1FD00] =	vst v63  }
0x62: {  	_ =	swait.ge [sflag:s3], $0x2400  }
0x63: {  	[sflag:s3] =	ssyncset.done $0x0  }
0x64: {  	s30 =	rddreg [dreg:$0x16];
	[sflag:s3] =	ssyncadd.s32 $0xFFFFDC00  }
0x65: {  	[spmem:s30] =	stream.linear.scatter [tilespmem:s8], [sflag:$0x9], $0x2400, $0x38;
	[tilespmem:$0x1FD00] =	vst v63  }
0x66: {  	_ =	swait.ge [sflag:s3], $0x2400  }
0x67: {  	[sflag:s3] =	ssyncset.done $0x0  }
0x68: {  	s23 =	rddreg [dreg:$0x17];
	[sflag:s3] =	ssyncadd.s32 $0xFFFFDC00  }
0x69: {  	[spmem:s23] =	stream.linear.scatter [tilespmem:s8], [sflag:$0x9], $0x2400, $0x38;
	[tilespmem:$0x1FD00] =	vst v63  }
0x6a: {  	_ =	swait.ge [sflag:s3], $0x2400  }
0x6b: {  	[sflag:s3] =	ssyncset.done $0x0  }
0x6c: {  	s24 =	rddreg [dreg:$0x18];
	[sflag:s3] =	ssyncadd.s32 $0xFFFFDC00  }
0x6d: {  	[spmem:s24] =	stream.linear.scatter [tilespmem:s8], [sflag:$0x9], $0x1F80, $0x38;
	[tilespmem:$0x1FD00] =	vst v63  }
0x6e: {  	_ =	swait.ge [sflag:s3], $0x1F80  }
0x6f: {  	[sflag:s3] =	ssyncset.done $0x0  }
0x70: {  	[sflag:s3] =	ssyncadd.s32 $0xFFFFE080  }
0x71: {  	[bflag:$0x0] =	sbarrier.arrive $0xFFFF  }
0x72: {  	_ =	swait.ge [sflag:s9], $0x80  }
0x73: {  	[sflag:s9] =	ssyncset.done $0x0  }
0x74: {  	[sflag:s9] =	ssyncadd.s32 $0xFFFFFF80  }
0x75: {  	[tilespmem:s12], [sflag:$0x2] =	stream.indirect.gather [hbm4b:s16+s4], $0x90, s7, s4, $0xb8;
	[tilespmem:$0x1FD00] =	vst v63  }
0x76: {  	_ = 	snop  }
0x77: {  	[tilespmem:s31], [sflag:$0x4] =	stream.indirect.gather [hbm4b:s11+s4], $0x10, s13, s4, $0xb8;
	[tilespmem:$0x1FD00] =	vst v63  }
0x78: {  	_ =	swait.ge [sflag:s10], $0x2400  }
0x79: {  	[sflag:s10] =	ssyncset.done $0x0  }
0x7a: {  	[sflag:s10] =	ssyncadd.s32 $0xFFFFDC00  }
0x7b: {  	_ =	swait.ge [sflag:s0], $0x400  }
0x7c: {  	[sflag:s0] =	ssyncset.done $0x0  }
0x7d: {  	[sflag:s0] =	ssyncadd.s32 $0xFFFFFC00  }
0x7e: {  	v1 =	vld [tilespmem:$0x40]  }
0x7f: {  	v2 =	vld [tilespmem:$0x50]  }
0x80: {  	v3 =	vld [tilespmem:$0x60]  }
0x81: {  	v4 =	vld [tilespmem:$0x70];
	_ =	sdelay $0x1  }
0x82: {  	[tilespmem:$0x100] =	vst v1  }
0x83: {  	[tilespmem:$0x110] =	vst v2  }
0x84: {  	[tilespmem:$0x120] =	vst v3  }
0x85: {  	s25 =	simm.s32 $0x0;
	s24 =	simm.s32 $0x0;
	s30 =	rddreg [dreg:$0x19];
	[tilespmem:$0x130] =	vst v4  }
0x86: {  	[tilespmem:s25], [sflag:$0x7] =	stream.linear.gather [hbm4b:s30+s25], $0x80, $0x38;
	[tilespmem:$0x1FD00] =	vst v63  }
0x87: {  	s28 =	simm.s32 $0x240;
	s25 =	simm.s32 $0x4980;
	v1 =	vld [tilespmem:s24+$0x200]  }
.LBB2_4:
0x88: {  	p0 =	sne.s32 s28, $0x8DC0;
	v2 =	vld [tilespmem:s25+$0x0];
	_ =	sdelay $0x4  }
0x89: {  	v1 =	vadd.f32 v2, v1;
	_ =	sdelay $0x1  }
0x8a: {  	v2 =	vmul.f32 $2.000000030e-01, v1  }
0x8b: {  	vm0 =	vge.f32 v1, $0.0e+00  }
0x8c: {  	v1 =	vsel vm0, v1, v2  }
0x8d: {  	v1 =	vmul.f32 $1.442695020e+00, v1;
	_ =	sdelay $0x1  }
0x8e: {  	(erf) = vpow2.f32 v1;
	_ =	sdelay $0x4  }
0x8f: {  	v1 =	vld [tilespmem:s24+$0x180]  }
0x90: {  	v2 =	vld [tilespmem:s24+$0x190]  }
0x91: {  	v3 =	vld [tilespmem:s24+$0x1A0]  }
0x92: {  	v4 =	vld [tilespmem:s24+$0x1B0]  }
0x93: {  	v5 =	vld [tilespmem:s24+$0x1C0];
	v6 =	vpop (erf)  }
0x94: {  	[tilespmem:s24+$0x5200] =	vst v6;
	v7 =	vbroadcast v6, $0x0;
	v8 =	vbroadcast v6, $0x1;
	v9 =	vld [tilespmem:s24+$0x1D0]  }
0x95: {  	v10 =	vbroadcast v6, $0x2;
	v11 =	vbroadcast v6, $0x3;
	v12 =	vld [tilespmem:s24+$0x1E0]  }
0x96: {  	v1 =	vmul.f32 v7, v1;
	v2 =	vmul.f32 v8, v2;
	v7 =	vld [tilespmem:s24+$0x1F0]  }
0x97: {  	v3 =	vmul.f32 v3, v10;
	v4 =	vmul.f32 v4, v11  }
0x98: {  	v8 =	vbroadcast v6, $0x5;
	[tilespmem:s24+$0x5180] =	vst v1;
	v1 =	vbroadcast v6, $0x4  }
0x99: {  	[tilespmem:s24+$0x5190] =	vst v2;
	v2 =	vbroadcast v6, $0x6;
	v6 =	vbroadcast v6, $0x7  }
0x9a: {  	[tilespmem:s24+$0x51A0] =	vst v3;
	v1 =	vmul.f32 v5, v1;
	v3 =	vmul.f32 v9, v8  }
.Ltmp1:
0x9b: {  	[tilespmem:s24+$0x51B0] =	vst v4;
	v2 =	vmul.f32 v12, v2;
	v4 =	vmul.f32 v7, v6;
	(pc) =	sbr.rel @p0 .LBB2_4-.Ltmp1, $4  }
0x9c: {  	[tilespmem:s24+$0x51C0] =	vst v1  }
0x9d: {  	[tilespmem:s24+$0x51D0] =	vst v3  }
0x9e: {  	s23 =	sshra.s32 s28, $0x2;
	[tilespmem:s24+$0x51E0] =	vst v2  }
0x9f: {  	s28 =	sadd.s32 $0x240, s28;
	s25 =	sadd.s32 $0x10, s25;
	v1 =	vld [tilespmem:s23+$0x200];
	[tilespmem:s24+$0x51F0] =	vst v4;
	s24 =	smov.u32 s23  }
0xa0: {  	v2 =	vld [tilespmem:s25+$0x0];
	_ =	sdelay $0x4  }
0xa1: {  	v1 =	vadd.f32 v2, v1;
	_ =	sdelay $0x1  }
0xa2: {  	v2 =	vmul.f32 $2.000000030e-01, v1  }
0xa3: {  	vm0 =	vge.f32 v1, $0.0e+00  }
0xa4: {  	v1 =	vsel vm0, v1, v2  }
0xa5: {  	v1 =	vmul.f32 $1.442695020e+00, v1;
	_ =	sdelay $0x1  }
0xa6: {  	(erf) = vpow2.f32 v1;
	_ =	sdelay $0x6  }
0xa7: {  	v1 =	vld [tilespmem:s24+$0x180]  }
0xa8: {  	v2 =	vld [tilespmem:s24+$0x190]  }
0xa9: {  	v3 =	vld [tilespmem:s24+$0x1A0];
	v6 =	vpop (erf)  }
0xaa: {  	v4 =	vld [tilespmem:s24+$0x1B0];
	v7 =	vbroadcast v6, $0x0  }
0xab: {  	v9 =	vld [tilespmem:s24+$0x1D0];
	v8 =	vbroadcast v6, $0x1  }
0xac: {  	v5 =	vld [tilespmem:s24+$0x1C0];
	v10 =	vbroadcast v6, $0x2;
	v1 =	vmul.f32 v7, v1  }
0xad: {  	v11 =	vld [tilespmem:s24+$0x1E0];
	[tilespmem:s24+$0x5200] =	vst v6;
	v59 =	vbroadcast v6, $0x3;
	v2 =	vmul.f32 v8, v2  }
0xae: {  	v60 =	vld [tilespmem:s24+$0x1F0];
	v61 =	vbroadcast v6, $0x5;
	v3 =	vmul.f32 v3, v10;
	[tilespmem:s24+$0x5180] =	vst v1  }
0xaf: {  	v4 =	vmul.f32 v4, v59;
	v1 =	vbroadcast v6, $0x4;
	[tilespmem:s24+$0x5190] =	vst v2  }
0xb0: {  	v62 =	vmul.f32 v9, v61;
	v2 =	vbroadcast v6, $0x6;
	[tilespmem:s24+$0x51A0] =	vst v3  }
0xb1: {  	v3 =	vbroadcast v6, $0x7;
	[tilespmem:s24+$0x51B0] =	vst v4;
	v1 =	vmul.f32 v5, v1  }
0xb2: {  	[tilespmem:s24+$0x51D0] =	vst v62;
	v2 =	vmul.f32 v11, v2  }
0xb3: {  	[tilespmem:s24+$0x51C0] =	vst v1;
	v1 =	vmul.f32 v60, v3  }
0xb4: {  	[tilespmem:s24+$0x51E0] =	vst v2  }
0xb5: {  	[tilespmem:s24+$0x51F0] =	vst v1  }
0xb6: {  	[spmem:s14] =	stream.indirect.scatter.add.f32 [tilespmem:s8], [sflag:$0x5], $0x90, s2, s4, $0xb8;
	[tilespmem:$0x1FD00] =	vst v63  }
0xb7: {  	_ =	swait.ge [sflag:s17], $0x80  }
0xb8: {  	[sflag:s17] =	ssyncset.done $0x0  }
0xb9: {  	s23 =	simm.s32 $0x0;
	s5 =	simm.s32 $0x180;
	[sflag:s17] =	ssyncadd.s32 $0xFFFFFF80  }
0xba: {  	[tilespmem:s5], [sflag:$0x1] =	stream.indirect.gather [hbm4b:s16+s4], $0x90, s23, s4, $0xb8;
	[tilespmem:$0x1FD00] =	vst v63  }
0xbb: {  	_ = 	snop  }
0xbc: {  	[tilespmem:s6], [sflag:$0x3] =	stream.indirect.gather [hbm4b:s11+s4], $0x10, s4, s4, $0xb8;
	[tilespmem:$0x1FD00] =	vst v63  }
0xbd: {  	_ =	swait.ge [sflag:s1], $0x2400  }
0xbe: {  	[sflag:s1] =	ssyncset.done $0x0  }
0xbf: {  	[sflag:s1] =	ssyncadd.s32 $0xFFFFDC00  }
0xc0: {  	_ =	swait.ge [sflag:s18], $0x400  }
0xc1: {  	[sflag:s18] =	ssyncset.done $0x0  }
0xc2: {  	[sflag:s18] =	ssyncadd.s32 $0xFFFFFC00  }
0xc3: {  	v1 =	vld [tilespmem:$0xC0]  }
0xc4: {  	v2 =	vld [tilespmem:$0xD0]  }
0xc5: {  	v3 =	vld [tilespmem:$0xE0]  }
0xc6: {  	v63 =	vld [tilespmem:$0xF0];
	_ =	sdelay $0x1  }
0xc7: {  	[tilespmem:$0x140] =	vst v1  }
0xc8: {  	[tilespmem:$0x150] =	vst v2  }
0xc9: {  	[tilespmem:$0x160] =	vst v3  }
0xca: {  	s24 =	simm.s32 $0x0;
	s30 =	rddreg [dreg:$0x1a];
	[tilespmem:$0x170] =	vst v63  }
0xcb: {  	[tilespmem:s7], [sflag:$0x8] =	stream.linear.gather [hbm4b:s30+s23], $0x80, $0x38;
	[tilespmem:$0x1FD00] =	vst v63  }
0xcc: {  	s25 =	simm.s32 $0x4D80;
	s28 =	simm.s32 $0x240;
	v1 =	vld [tilespmem:s24+$0x2600]  }
.LBB2_6:
0xcd: {  	p0 =	sne.s32 s28, $0x8DC0;
	v2 =	vld [tilespmem:s25+$0x0];
	_ =	sdelay $0x4  }
0xce: {  	v1 =	vadd.f32 v2, v1;
	_ =	sdelay $0x1  }
0xcf: {  	v2 =	vmul.f32 $2.000000030e-01, v1  }
0xd0: {  	vm0 =	vge.f32 v1, $0.0e+00  }
0xd1: {  	v1 =	vsel vm0, v1, v2  }
0xd2: {  	v1 =	vmul.f32 $1.442695020e+00, v1;
	_ =	sdelay $0x1  }
0xd3: {  	(erf) = vpow2.f32 v1;
	_ =	sdelay $0x4  }
0xd4: {  	v1 =	vld [tilespmem:s24+$0x2580]  }
0xd5: {  	v2 =	vld [tilespmem:s24+$0x2590]  }
0xd6: {  	v3 =	vld [tilespmem:s24+$0x25A0]  }
0xd7: {  	v4 =	vld [tilespmem:s24+$0x25B0]  }
0xd8: {  	v5 =	vld [tilespmem:s24+$0x25C0];
	v6 =	vpop (erf)  }
0xd9: {  	[tilespmem:s24+$0x7600] =	vst v6;
	v7 =	vbroadcast v6, $0x0;
	v8 =	vbroadcast v6, $0x1;
	v9 =	vld [tilespmem:s24+$0x25D0]  }
0xda: {  	v10 =	vbroadcast v6, $0x2;
	v11 =	vbroadcast v6, $0x3;
	v12 =	vld [tilespmem:s24+$0x25E0]  }
0xdb: {  	v1 =	vmul.f32 v7, v1;
	v2 =	vmul.f32 v8, v2;
	v7 =	vld [tilespmem:s24+$0x25F0]  }
0xdc: {  	v3 =	vmul.f32 v3, v10;
	v4 =	vmul.f32 v4, v11  }
0xdd: {  	v8 =	vbroadcast v6, $0x5;
	[tilespmem:s24+$0x7580] =	vst v1;
	v1 =	vbroadcast v6, $0x4  }
0xde: {  	[tilespmem:s24+$0x7590] =	vst v2;
	v2 =	vbroadcast v6, $0x6;
	v6 =	vbroadcast v6, $0x7  }
0xdf: {  	[tilespmem:s24+$0x75A0] =	vst v3;
	v1 =	vmul.f32 v5, v1;
	v3 =	vmul.f32 v9, v8  }
.Ltmp2:
0xe0: {  	[tilespmem:s24+$0x75B0] =	vst v4;
	v2 =	vmul.f32 v12, v2;
	v4 =	vmul.f32 v7, v6;
	(pc) =	sbr.rel @p0 .LBB2_6-.Ltmp2, $4  }
0xe1: {  	[tilespmem:s24+$0x75C0] =	vst v1  }
0xe2: {  	[tilespmem:s24+$0x75D0] =	vst v3  }
0xe3: {  	s23 =	sshra.s32 s28, $0x2;
	[tilespmem:s24+$0x75E0] =	vst v2  }
0xe4: {  	s28 =	sadd.s32 $0x240, s28;
	s25 =	sadd.s32 $0x10, s25;
	v1 =	vld [tilespmem:s23+$0x2600];
	[tilespmem:s24+$0x75F0] =	vst v4;
	s24 =	smov.u32 s23  }
0xe5: {  	v2 =	vld [tilespmem:s25+$0x0];
	_ =	sdelay $0x4  }
0xe6: {  	v1 =	vadd.f32 v2, v1;
	_ =	sdelay $0x1  }
0xe7: {  	v2 =	vmul.f32 $2.000000030e-01, v1  }
0xe8: {  	vm0 =	vge.f32 v1, $0.0e+00  }
0xe9: {  	v1 =	vsel vm0, v1, v2  }
0xea: {  	v1 =	vmul.f32 $1.442695020e+00, v1;
	_ =	sdelay $0x1  }
0xeb: {  	(erf) = vpow2.f32 v1;
	_ =	sdelay $0x6  }
0xec: {  	v1 =	vld [tilespmem:s24+$0x2580]  }
0xed: {  	v2 =	vld [tilespmem:s24+$0x2590]  }
0xee: {  	v3 =	vld [tilespmem:s24+$0x25A0];
	v6 =	vpop (erf)  }
0xef: {  	v4 =	vld [tilespmem:s24+$0x25B0];
	v7 =	vbroadcast v6, $0x0  }
0xf0: {  	v9 =	vld [tilespmem:s24+$0x25D0];
	v8 =	vbroadcast v6, $0x1  }
0xf1: {  	v5 =	vld [tilespmem:s24+$0x25C0];
	v10 =	vbroadcast v6, $0x2;
	v1 =	vmul.f32 v7, v1  }
0xf2: {  	v11 =	vld [tilespmem:s24+$0x25E0];
	[tilespmem:s24+$0x7600] =	vst v6;
	v60 =	vbroadcast v6, $0x3;
	v2 =	vmul.f32 v8, v2  }
0xf3: {  	v61 =	vld [tilespmem:s24+$0x25F0];
	v62 =	vbroadcast v6, $0x5;
	v3 =	vmul.f32 v3, v10;
	[tilespmem:s24+$0x7580] =	vst v1  }
0xf4: {  	v4 =	vmul.f32 v4, v60;
	v1 =	vbroadcast v6, $0x4;
	[tilespmem:s24+$0x7590] =	vst v2  }
0xf5: {  	v63 =	vmul.f32 v9, v62;
	v2 =	vbroadcast v6, $0x6;
	[tilespmem:s24+$0x75A0] =	vst v3  }
0xf6: {  	v3 =	vbroadcast v6, $0x7;
	[tilespmem:s24+$0x75B0] =	vst v4;
	v1 =	vmul.f32 v5, v1  }
0xf7: {  	[tilespmem:s24+$0x75D0] =	vst v63;
	v2 =	vmul.f32 v11, v2  }
0xf8: {  	[tilespmem:s24+$0x75C0] =	vst v1;
	v1 =	vmul.f32 v61, v3  }
0xf9: {  	[tilespmem:s24+$0x75E0] =	vst v2  }
0xfa: {  	[tilespmem:s24+$0x75F0] =	vst v1;
	s24 =	simm.s32 $0x1  }
0xfb: {  	[spmem:s14] =	stream.indirect.scatter.add.f32 [tilespmem:s20], [sflag:$0x6], $0x90, s19, s4, $0xb8;
	[tilespmem:$0x1FD00] =	vst v63  }
.LBB2_8:
0xfc: {  	_ =	swait.ge [sflag:s21], $0x2400  }
0xfd: {  	[sflag:s21] =	ssyncset.done $0x0  }
0xfe: {  	[sflag:s21] =	ssyncadd.s32 $0xFFFFDC00  }
0xff: {  	_ =	swait.ge [sflag:s9], $0x80  }
0x100: {  	[sflag:s9] =	ssyncset.done $0x0  }
0x101: {  	[sflag:s9] =	ssyncadd.s32 $0xFFFFFF80  }
0x102: {  	[tilespmem:s12], [sflag:$0x2] =	stream.indirect.gather [hbm4b:s16+s4], $0x90, s7, s4, $0xb8;
	[tilespmem:$0x1FD00] =	vst v63  }
0x103: {  	_ = 	snop  }
0x104: {  	[tilespmem:s31], [sflag:$0x4] =	stream.indirect.gather [hbm4b:s11+s4], $0x10, s13, s4, $0xb8;
	[tilespmem:$0x1FD00] =	vst v63  }
0x105: {  	_ =	swait.ge [sflag:s10], $0x2400  }
0x106: {  	[sflag:s10] =	ssyncset.done $0x0  }
0x107: {  	[sflag:s10] =	ssyncadd.s32 $0xFFFFDC00  }
0x108: {  	_ =	swait.ge [sflag:s0], $0x400  }
0x109: {  	[sflag:s0] =	ssyncset.done $0x0  }
0x10a: {  	[sflag:s0] =	ssyncadd.s32 $0xFFFFFC00  }
0x10b: {  	v1 =	vld [tilespmem:$0x40]  }
0x10c: {  	v2 =	vld [tilespmem:$0x50]  }
0x10d: {  	v3 =	vld [tilespmem:$0x60]  }
0x10e: {  	v4 =	vld [tilespmem:$0x70];
	_ =	sdelay $0x1  }
0x10f: {  	s25 =	sshll.u32 s24, $0x8;
	[tilespmem:$0x100] =	vst v1  }
0x110: {  	s23 =	sadd.s32 s25, s26;
	[tilespmem:$0x110] =	vst v2  }
0x111: {  	s23 =	sshrl.u32 s23, $0x3;
	[tilespmem:$0x120] =	vst v3  }
0x112: {  	s28 =	simm.s32 $0x0;
	s23 =	sadd.s32 s15, s23;
	[tilespmem:$0x130] =	vst v4  }
0x113: {  	[tilespmem:s28], [sflag:$0x7] =	stream.linear.gather [hbm4b:s23+s28], $0x80, $0x38;
	[tilespmem:$0x1FD00] =	vst v63  }
0x114: {  	s28 =	simm.s32 $0x0  }
0x115: {  	s30 =	simm.s32 $0x4980;
	s23 =	simm.s32 $0x240;
	v1 =	vld [tilespmem:s28+$0x200]  }
.LBB2_9:
0x116: {  	p0 =	sne.s32 s23, $0x8DC0;
	v2 =	vld [tilespmem:s30+$0x0];
	_ =	sdelay $0x4  }
0x117: {  	v1 =	vadd.f32 v2, v1;
	_ =	sdelay $0x1  }
0x118: {  	v2 =	vmul.f32 $2.000000030e-01, v1  }
0x119: {  	vm0 =	vge.f32 v1, $0.0e+00  }
0x11a: {  	v1 =	vsel vm0, v1, v2  }
0x11b: {  	v1 =	vmul.f32 $1.442695020e+00, v1;
	_ =	sdelay $0x1  }
0x11c: {  	(erf) = vpow2.f32 v1;
	_ =	sdelay $0x4  }
0x11d: {  	v1 =	vld [tilespmem:s28+$0x180]  }
0x11e: {  	v2 =	vld [tilespmem:s28+$0x190]  }
0x11f: {  	v3 =	vld [tilespmem:s28+$0x1A0]  }
0x120: {  	v4 =	vld [tilespmem:s28+$0x1B0]  }
0x121: {  	v5 =	vld [tilespmem:s28+$0x1C0];
	v6 =	vpop (erf)  }
0x122: {  	[tilespmem:s28+$0x5200] =	vst v6;
	v7 =	vbroadcast v6, $0x0;
	v8 =	vbroadcast v6, $0x1;
	v9 =	vld [tilespmem:s28+$0x1D0]  }
0x123: {  	v10 =	vbroadcast v6, $0x2;
	v11 =	vbroadcast v6, $0x3;
	v12 =	vld [tilespmem:s28+$0x1E0]  }
0x124: {  	v1 =	vmul.f32 v7, v1;
	v2 =	vmul.f32 v8, v2;
	v7 =	vld [tilespmem:s28+$0x1F0]  }
0x125: {  	v3 =	vmul.f32 v3, v10;
	v4 =	vmul.f32 v4, v11  }
0x126: {  	v8 =	vbroadcast v6, $0x5;
	[tilespmem:s28+$0x5180] =	vst v1;
	v1 =	vbroadcast v6, $0x4  }
0x127: {  	[tilespmem:s28+$0x5190] =	vst v2;
	v2 =	vbroadcast v6, $0x6;
	v6 =	vbroadcast v6, $0x7  }
0x128: {  	[tilespmem:s28+$0x51A0] =	vst v3;
	v1 =	vmul.f32 v5, v1;
	v3 =	vmul.f32 v9, v8  }
.Ltmp3:
0x129: {  	[tilespmem:s28+$0x51B0] =	vst v4;
	v2 =	vmul.f32 v12, v2;
	v4 =	vmul.f32 v7, v6;
	(pc) =	sbr.rel @p0 .LBB2_9-.Ltmp3, $4  }
0x12a: {  	[tilespmem:s28+$0x51C0] =	vst v1  }
0x12b: {  	[tilespmem:s28+$0x51D0] =	vst v3  }
0x12c: {  	s5 =	sshra.s32 s23, $0x2;
	[tilespmem:s28+$0x51E0] =	vst v2  }
0x12d: {  	s23 =	sadd.s32 $0x240, s23;
	s30 =	sadd.s32 $0x10, s30;
	v1 =	vld [tilespmem:s5+$0x200];
	[tilespmem:s28+$0x51F0] =	vst v4;
	s28 =	smov.u32 s5  }
0x12e: {  	v2 =	vld [tilespmem:s30+$0x0];
	_ =	sdelay $0x4  }
0x12f: {  	v1 =	vadd.f32 v2, v1;
	_ =	sdelay $0x1  }
0x130: {  	v2 =	vmul.f32 $2.000000030e-01, v1  }
0x131: {  	vm0 =	vge.f32 v1, $0.0e+00  }
0x132: {  	v1 =	vsel vm0, v1, v2  }
0x133: {  	v1 =	vmul.f32 $1.442695020e+00, v1;
	_ =	sdelay $0x1  }
0x134: {  	(erf) = vpow2.f32 v1;
	_ =	sdelay $0x6  }
0x135: {  	v1 =	vld [tilespmem:s28+$0x180]  }
0x136: {  	v2 =	vld [tilespmem:s28+$0x190]  }
0x137: {  	v3 =	vld [tilespmem:s28+$0x1A0];
	v6 =	vpop (erf)  }
0x138: {  	v4 =	vld [tilespmem:s28+$0x1B0];
	v7 =	vbroadcast v6, $0x0  }
0x139: {  	v9 =	vld [tilespmem:s28+$0x1D0];
	v8 =	vbroadcast v6, $0x1  }
0x13a: {  	v5 =	vld [tilespmem:s28+$0x1C0];
	v10 =	vbroadcast v6, $0x2;
	v1 =	vmul.f32 v7, v1  }
0x13b: {  	v11 =	vld [tilespmem:s28+$0x1E0];
	[tilespmem:s28+$0x5200] =	vst v6;
	v59 =	vbroadcast v6, $0x3;
	v2 =	vmul.f32 v8, v2  }
0x13c: {  	v60 =	vld [tilespmem:s28+$0x1F0];
	v61 =	vbroadcast v6, $0x5;
	v3 =	vmul.f32 v3, v10;
	[tilespmem:s28+$0x5180] =	vst v1  }
0x13d: {  	v4 =	vmul.f32 v4, v59;
	v1 =	vbroadcast v6, $0x4;
	[tilespmem:s28+$0x5190] =	vst v2  }
0x13e: {  	v62 =	vmul.f32 v9, v61;
	v2 =	vbroadcast v6, $0x6;
	[tilespmem:s28+$0x51A0] =	vst v3  }
0x13f: {  	v3 =	vbroadcast v6, $0x7;
	[tilespmem:s28+$0x51B0] =	vst v4;
	v1 =	vmul.f32 v5, v1  }
0x140: {  	[tilespmem:s28+$0x51D0] =	vst v62;
	v2 =	vmul.f32 v11, v2  }
0x141: {  	[tilespmem:s28+$0x51C0] =	vst v1;
	v1 =	vmul.f32 v60, v3  }
0x142: {  	[tilespmem:s28+$0x51E0] =	vst v2  }
0x143: {  	[tilespmem:s28+$0x51F0] =	vst v1  }
0x144: {  	[spmem:s14] =	stream.indirect.scatter.add.f32 [tilespmem:s8], [sflag:$0x5], $0x90, s2, s4, $0xb8;
	[tilespmem:$0x1FD00] =	vst v63  }
0x145: {  	_ =	swait.ge [sflag:s22], $0x2400  }
0x146: {  	[sflag:s22] =	ssyncset.done $0x0  }
0x147: {  	[sflag:s22] =	ssyncadd.s32 $0xFFFFDC00  }
0x148: {  	_ =	swait.ge [sflag:s17], $0x80  }
0x149: {  	[sflag:s17] =	ssyncset.done $0x0  }
0x14a: {  	s5 =	simm.s32 $0x0;
	s23 =	simm.s32 $0x180;
	[sflag:s17] =	ssyncadd.s32 $0xFFFFFF80  }
0x14b: {  	[tilespmem:s23], [sflag:$0x1] =	stream.indirect.gather [hbm4b:s16+s4], $0x90, s5, s4, $0xb8;
	[tilespmem:$0x1FD00] =	vst v63  }
0x14c: {  	_ = 	snop  }
0x14d: {  	[tilespmem:s6], [sflag:$0x3] =	stream.indirect.gather [hbm4b:s11+s4], $0x10, s4, s4, $0xb8;
	[tilespmem:$0x1FD00] =	vst v63  }
0x14e: {  	_ =	swait.ge [sflag:s1], $0x2400  }
0x14f: {  	[sflag:s1] =	ssyncset.done $0x0  }
0x150: {  	[sflag:s1] =	ssyncadd.s32 $0xFFFFDC00  }
0x151: {  	_ =	swait.ge [sflag:s18], $0x400  }
0x152: {  	[sflag:s18] =	ssyncset.done $0x0  }
0x153: {  	[sflag:s18] =	ssyncadd.s32 $0xFFFFFC00  }
0x154: {  	v1 =	vld [tilespmem:$0xC0]  }
0x155: {  	v2 =	vld [tilespmem:$0xD0]  }
0x156: {  	v3 =	vld [tilespmem:$0xE0]  }
0x157: {  	v63 =	vld [tilespmem:$0xF0];
	_ =	sdelay $0x1  }
0x158: {  	[tilespmem:$0x140] =	vst v1  }
0x159: {  	s30 =	sadd.s32 s25, s29;
	[tilespmem:$0x150] =	vst v2  }
0x15a: {  	s23 =	sshrl.u32 s30, $0x3;
	[tilespmem:$0x160] =	vst v3  }
0x15b: {  	s25 =	simm.s32 $0x0;
	s23 =	sadd.s32 s15, s23;
	[tilespmem:$0x170] =	vst v63  }
0x15c: {  	[tilespmem:s7], [sflag:$0x8] =	stream.linear.gather [hbm4b:s23+s5], $0x80, $0x38;
	[tilespmem:$0x1FD00] =	vst v63  }
0x15d: {  	s28 =	simm.s32 $0x4D80;
	s23 =	simm.s32 $0x240;
	v1 =	vld [tilespmem:s25+$0x2600]  }
.LBB2_11:
0x15e: {  	p0 =	sne.s32 s23, $0x8DC0;
	v2 =	vld [tilespmem:s28+$0x0];
	_ =	sdelay $0x4  }
0x15f: {  	v1 =	vadd.f32 v2, v1;
	_ =	sdelay $0x1  }
0x160: {  	v2 =	vmul.f32 $2.000000030e-01, v1  }
0x161: {  	vm0 =	vge.f32 v1, $0.0e+00  }
0x162: {  	v1 =	vsel vm0, v1, v2  }
0x163: {  	v1 =	vmul.f32 $1.442695020e+00, v1;
	_ =	sdelay $0x1  }
0x164: {  	(erf) = vpow2.f32 v1;
	_ =	sdelay $0x4  }
0x165: {  	v1 =	vld [tilespmem:s25+$0x2580]  }
0x166: {  	v2 =	vld [tilespmem:s25+$0x2590]  }
0x167: {  	v3 =	vld [tilespmem:s25+$0x25A0]  }
0x168: {  	v4 =	vld [tilespmem:s25+$0x25B0]  }
0x169: {  	v5 =	vld [tilespmem:s25+$0x25C0];
	v6 =	vpop (erf)  }
0x16a: {  	[tilespmem:s25+$0x7600] =	vst v6;
	v7 =	vbroadcast v6, $0x0;
	v8 =	vbroadcast v6, $0x1;
	v9 =	vld [tilespmem:s25+$0x25D0]  }
0x16b: {  	v10 =	vbroadcast v6, $0x2;
	v11 =	vbroadcast v6, $0x3;
	v12 =	vld [tilespmem:s25+$0x25E0]  }
0x16c: {  	v1 =	vmul.f32 v7, v1;
	v2 =	vmul.f32 v8, v2;
	v7 =	vld [tilespmem:s25+$0x25F0]  }
0x16d: {  	v3 =	vmul.f32 v3, v10;
	v4 =	vmul.f32 v4, v11  }
0x16e: {  	v8 =	vbroadcast v6, $0x5;
	[tilespmem:s25+$0x7580] =	vst v1;
	v1 =	vbroadcast v6, $0x4  }
0x16f: {  	[tilespmem:s25+$0x7590] =	vst v2;
	v2 =	vbroadcast v6, $0x6;
	v6 =	vbroadcast v6, $0x7  }
0x170: {  	[tilespmem:s25+$0x75A0] =	vst v3;
	v1 =	vmul.f32 v5, v1;
	v3 =	vmul.f32 v9, v8  }
.Ltmp4:
0x171: {  	[tilespmem:s25+$0x75B0] =	vst v4;
	v2 =	vmul.f32 v12, v2;
	v4 =	vmul.f32 v7, v6;
	(pc) =	sbr.rel @p0 .LBB2_11-.Ltmp4, $4  }
0x172: {  	[tilespmem:s25+$0x75C0] =	vst v1  }
0x173: {  	[tilespmem:s25+$0x75D0] =	vst v3  }
0x174: {  	s5 =	sshra.s32 s23, $0x2;
	[tilespmem:s25+$0x75E0] =	vst v2  }
0x175: {  	s23 =	sadd.s32 $0x240, s23;
	s28 =	sadd.s32 $0x10, s28;
	v1 =	vld [tilespmem:s5+$0x2600];
	[tilespmem:s25+$0x75F0] =	vst v4;
	s25 =	smov.u32 s5  }
0x176: {  	v2 =	vld [tilespmem:s28+$0x0];
	_ =	sdelay $0x4  }
0x177: {  	v1 =	vadd.f32 v2, v1;
	_ =	sdelay $0x1  }
0x178: {  	v2 =	vmul.f32 $2.000000030e-01, v1  }
0x179: {  	vm0 =	vge.f32 v1, $0.0e+00  }
0x17a: {  	v1 =	vsel vm0, v1, v2  }
0x17b: {  	v1 =	vmul.f32 $1.442695020e+00, v1;
	_ =	sdelay $0x1  }
0x17c: {  	(erf) = vpow2.f32 v1;
	_ =	sdelay $0x6  }
0x17d: {  	v1 =	vld [tilespmem:s25+$0x2580]  }
0x17e: {  	v2 =	vld [tilespmem:s25+$0x2590]  }
0x17f: {  	v3 =	vld [tilespmem:s25+$0x25A0];
	v6 =	vpop (erf)  }
0x180: {  	v4 =	vld [tilespmem:s25+$0x25B0];
	v7 =	vbroadcast v6, $0x0  }
0x181: {  	v9 =	vld [tilespmem:s25+$0x25D0];
	v8 =	vbroadcast v6, $0x1  }
0x182: {  	v5 =	vld [tilespmem:s25+$0x25C0];
	v10 =	vbroadcast v6, $0x2;
	v1 =	vmul.f32 v7, v1  }
0x183: {  	v11 =	vld [tilespmem:s25+$0x25E0];
	[tilespmem:s25+$0x7600] =	vst v6;
	v60 =	vbroadcast v6, $0x3;
	v2 =	vmul.f32 v8, v2  }
0x184: {  	v61 =	vld [tilespmem:s25+$0x25F0];
	v62 =	vbroadcast v6, $0x5;
	v3 =	vmul.f32 v3, v10;
	[tilespmem:s25+$0x7580] =	vst v1  }
0x185: {  	v4 =	vmul.f32 v4, v60;
	v1 =	vbroadcast v6, $0x4;
	[tilespmem:s25+$0x7590] =	vst v2  }
0x186: {  	s24 =	sadd.s32 $0x1, s24;
	v63 =	vmul.f32 v9, v62;
	v2 =	vbroadcast v6, $0x6;
	[tilespmem:s25+$0x75A0] =	vst v3  }
0x187: {  	p0 =	sne.s32 s24, $0x50;
	v3 =	vbroadcast v6, $0x7;
	[tilespmem:s25+$0x75B0] =	vst v4;
	v1 =	vmul.f32 v5, v1  }
.Ltmp5:
0x188: {  	[tilespmem:s25+$0x75D0] =	vst v63;
	v2 =	vmul.f32 v11, v2;
	(pc) =	sbr.rel @p0 .LBB2_8-.Ltmp5, $4  }
0x189: {  	[tilespmem:s25+$0x75C0] =	vst v1;
	v1 =	vmul.f32 v61, v3  }
0x18a: {  	[tilespmem:s25+$0x75E0] =	vst v2  }
0x18b: {  	[tilespmem:s25+$0x75F0] =	vst v1  }
0x18c: {  	[spmem:s14] =	stream.indirect.scatter.add.f32 [tilespmem:s20], [sflag:$0x6], $0x90, s19, s4, $0xb8;
	[tilespmem:$0x1FD00] =	vst v63  }
0x18d: {  	_ =	swait.ge [sflag:s21], $0x2400  }
0x18e: {  	[sflag:s21] =	ssyncset.done $0x0  }
0x18f: {  	[sflag:s21] =	ssyncadd.s32 $0xFFFFDC00  }
0x190: {  	_ =	swait.ge [sflag:s9], $0x80  }
0x191: {  	[sflag:s9] =	ssyncset.done $0x0  }
0x192: {  	[sflag:s9] =	ssyncadd.s32 $0xFFFFFF80  }
0x193: {  	[tilespmem:s12], [sflag:$0x2] =	stream.indirect.gather [hbm4b:s16+s4], $0x90, s7, s4, $0xb8;
	[tilespmem:$0x1FD00] =	vst v63  }
0x194: {  	_ = 	snop  }
0x195: {  	[tilespmem:s31], [sflag:$0x4] =	stream.indirect.gather [hbm4b:s11+s4], $0x10, s13, s4, $0xb8;
	[tilespmem:$0x1FD00] =	vst v63  }
0x196: {  	_ =	swait.ge [sflag:s10], $0x2400  }
0x197: {  	[sflag:s10] =	ssyncset.done $0x0  }
0x198: {  	[sflag:s10] =	ssyncadd.s32 $0xFFFFDC00  }
0x199: {  	_ =	swait.ge [sflag:s0], $0x400  }
0x19a: {  	[sflag:s0] =	ssyncset.done $0x0  }
0x19b: {  	[sflag:s0] =	ssyncadd.s32 $0xFFFFFC00  }
0x19c: {  	v1 =	vld [tilespmem:$0x40]  }
0x19d: {  	v2 =	vld [tilespmem:$0x50]  }
0x19e: {  	v3 =	vld [tilespmem:$0x60]  }
0x19f: {  	v4 =	vld [tilespmem:$0x70];
	_ =	sdelay $0x1  }
0x1a0: {  	[tilespmem:$0x100] =	vst v1  }
0x1a1: {  	[tilespmem:$0x110] =	vst v2  }
0x1a2: {  	[tilespmem:$0x120] =	vst v3  }
0x1a3: {  	s24 =	simm.s32 $0x0;
	[tilespmem:$0x130] =	vst v4  }
0x1a4: {  	s25 =	simm.s32 $0x4980;
	s23 =	simm.s32 $0x240;
	v1 =	vld [tilespmem:s24+$0x200]  }
.LBB2_14:
0x1a5: {  	p0 =	sne.s32 s23, $0x8DC0;
	v2 =	vld [tilespmem:s25+$0x0];
	_ =	sdelay $0x4  }
0x1a6: {  	v1 =	vadd.f32 v2, v1;
	_ =	sdelay $0x1  }
0x1a7: {  	v2 =	vmul.f32 $2.000000030e-01, v1  }
0x1a8: {  	vm0 =	vge.f32 v1, $0.0e+00  }
0x1a9: {  	v1 =	vsel vm0, v1, v2  }
0x1aa: {  	v1 =	vmul.f32 $1.442695020e+00, v1;
	_ =	sdelay $0x1  }
0x1ab: {  	(erf) = vpow2.f32 v1;
	_ =	sdelay $0x4  }
0x1ac: {  	v1 =	vld [tilespmem:s24+$0x180]  }
0x1ad: {  	v2 =	vld [tilespmem:s24+$0x190]  }
0x1ae: {  	v3 =	vld [tilespmem:s24+$0x1A0]  }
0x1af: {  	v4 =	vld [tilespmem:s24+$0x1B0]  }
0x1b0: {  	v5 =	vld [tilespmem:s24+$0x1C0];
	v6 =	vpop (erf)  }
0x1b1: {  	[tilespmem:s24+$0x5200] =	vst v6;
	v7 =	vbroadcast v6, $0x0;
	v8 =	vbroadcast v6, $0x1;
	v9 =	vld [tilespmem:s24+$0x1D0]  }
0x1b2: {  	v10 =	vbroadcast v6, $0x2;
	v11 =	vbroadcast v6, $0x3;
	v12 =	vld [tilespmem:s24+$0x1E0]  }
0x1b3: {  	v1 =	vmul.f32 v7, v1;
	v2 =	vmul.f32 v8, v2;
	v7 =	vld [tilespmem:s24+$0x1F0]  }
0x1b4: {  	v3 =	vmul.f32 v3, v10;
	v4 =	vmul.f32 v4, v11  }
0x1b5: {  	v8 =	vbroadcast v6, $0x5;
	[tilespmem:s24+$0x5180] =	vst v1;
	v1 =	vbroadcast v6, $0x4  }
0x1b6: {  	[tilespmem:s24+$0x5190] =	vst v2;
	v2 =	vbroadcast v6, $0x6;
	v6 =	vbroadcast v6, $0x7  }
0x1b7: {  	[tilespmem:s24+$0x51A0] =	vst v3;
	v1 =	vmul.f32 v5, v1;
	v3 =	vmul.f32 v9, v8  }
.Ltmp6:
0x1b8: {  	[tilespmem:s24+$0x51B0] =	vst v4;
	v2 =	vmul.f32 v12, v2;
	v4 =	vmul.f32 v7, v6;
	(pc) =	sbr.rel @p0 .LBB2_14-.Ltmp6, $4  }
0x1b9: {  	[tilespmem:s24+$0x51C0] =	vst v1  }
0x1ba: {  	[tilespmem:s24+$0x51D0] =	vst v3  }
0x1bb: {  	s5 =	sshra.s32 s23, $0x2;
	[tilespmem:s24+$0x51E0] =	vst v2  }
0x1bc: {  	s23 =	sadd.s32 $0x240, s23;
	s25 =	sadd.s32 $0x10, s25;
	v1 =	vld [tilespmem:s5+$0x200];
	[tilespmem:s24+$0x51F0] =	vst v4;
	s24 =	smov.u32 s5  }
0x1bd: {  	v2 =	vld [tilespmem:s25+$0x0];
	_ =	sdelay $0x4  }
0x1be: {  	v1 =	vadd.f32 v2, v1;
	_ =	sdelay $0x1  }
0x1bf: {  	v2 =	vmul.f32 $2.000000030e-01, v1  }
0x1c0: {  	vm0 =	vge.f32 v1, $0.0e+00  }
0x1c1: {  	v1 =	vsel vm0, v1, v2  }
0x1c2: {  	v1 =	vmul.f32 $1.442695020e+00, v1;
	_ =	sdelay $0x1  }
0x1c3: {  	(erf) = vpow2.f32 v1;
	_ =	sdelay $0x6  }
0x1c4: {  	v1 =	vld [tilespmem:s24+$0x180]  }
0x1c5: {  	v2 =	vld [tilespmem:s24+$0x190]  }
0x1c6: {  	v3 =	vld [tilespmem:s24+$0x1A0];
	v6 =	vpop (erf)  }
0x1c7: {  	v4 =	vld [tilespmem:s24+$0x1B0];
	v7 =	vbroadcast v6, $0x0  }
0x1c8: {  	v9 =	vld [tilespmem:s24+$0x1D0];
	v8 =	vbroadcast v6, $0x1  }
0x1c9: {  	v5 =	vld [tilespmem:s24+$0x1C0];
	v10 =	vbroadcast v6, $0x2;
	v1 =	vmul.f32 v7, v1  }
0x1ca: {  	v11 =	vld [tilespmem:s24+$0x1E0];
	[tilespmem:s24+$0x5200] =	vst v6;
	v59 =	vbroadcast v6, $0x3;
	v2 =	vmul.f32 v8, v2  }
0x1cb: {  	v60 =	vld [tilespmem:s24+$0x1F0];
	v61 =	vbroadcast v6, $0x5;
	v3 =	vmul.f32 v3, v10;
	[tilespmem:s24+$0x5180] =	vst v1  }
0x1cc: {  	v4 =	vmul.f32 v4, v59;
	v1 =	vbroadcast v6, $0x4;
	[tilespmem:s24+$0x5190] =	vst v2  }
0x1cd: {  	v62 =	vmul.f32 v9, v61;
	v2 =	vbroadcast v6, $0x6;
	[tilespmem:s24+$0x51A0] =	vst v3  }
0x1ce: {  	v3 =	vbroadcast v6, $0x7;
	[tilespmem:s24+$0x51B0] =	vst v4;
	v1 =	vmul.f32 v5, v1  }
0x1cf: {  	[tilespmem:s24+$0x51D0] =	vst v62;
	v2 =	vmul.f32 v11, v2  }
0x1d0: {  	[tilespmem:s24+$0x51C0] =	vst v1;
	v1 =	vmul.f32 v60, v3  }
0x1d1: {  	[tilespmem:s24+$0x51E0] =	vst v2  }
0x1d2: {  	[tilespmem:s24+$0x51F0] =	vst v1  }
0x1d3: {  	[spmem:s14] =	stream.indirect.scatter.add.f32 [tilespmem:s8], [sflag:$0x5], $0x90, s2, s4, $0xb8;
	[tilespmem:$0x1FD00] =	vst v63  }
0x1d4: {  	_ =	swait.ge [sflag:s22], $0x2400  }
0x1d5: {  	[sflag:s22] =	ssyncset.done $0x0  }
0x1d6: {  	[sflag:s22] =	ssyncadd.s32 $0xFFFFDC00  }
0x1d7: {  	_ =	swait.ge [sflag:s1], $0x2400  }
0x1d8: {  	[sflag:s1] =	ssyncset.done $0x0  }
0x1d9: {  	[sflag:s1] =	ssyncadd.s32 $0xFFFFDC00  }
0x1da: {  	_ =	swait.ge [sflag:s18], $0x400  }
0x1db: {  	[sflag:s18] =	ssyncset.done $0x0  }
0x1dc: {  	[sflag:s18] =	ssyncadd.s32 $0xFFFFFC00  }
0x1dd: {  	v1 =	vld [tilespmem:$0xC0]  }
0x1de: {  	v2 =	vld [tilespmem:$0xD0]  }
0x1df: {  	v3 =	vld [tilespmem:$0xE0]  }
0x1e0: {  	v63 =	vld [tilespmem:$0xF0];
	_ =	sdelay $0x1  }
0x1e1: {  	[tilespmem:$0x140] =	vst v1  }
0x1e2: {  	[tilespmem:$0x150] =	vst v2  }
0x1e3: {  	[tilespmem:$0x160] =	vst v3  }
0x1e4: {  	s24 =	simm.s32 $0x0;
	s28 =	rddreg [dreg:$0x10];
	[tilespmem:$0x170] =	vst v63  }
0x1e5: {  	s25 =	simm.s32 $0x4D80;
	s23 =	simm.s32 $0x240;
	s30 =	rddreg [dreg:$0x11];
	v1 =	vld [tilespmem:s24+$0x2600]  }
.LBB2_16:
0x1e6: {  	p0 =	sne.s32 s23, $0x8DC0;
	v2 =	vld [tilespmem:s25+$0x0];
	_ =	sdelay $0x4  }
0x1e7: {  	v1 =	vadd.f32 v2, v1;
	_ =	sdelay $0x1  }
0x1e8: {  	v2 =	vmul.f32 $2.000000030e-01, v1  }
0x1e9: {  	vm0 =	vge.f32 v1, $0.0e+00  }
0x1ea: {  	v1 =	vsel vm0, v1, v2  }
0x1eb: {  	v1 =	vmul.f32 $1.442695020e+00, v1;
	_ =	sdelay $0x1  }
0x1ec: {  	(erf) = vpow2.f32 v1;
	_ =	sdelay $0x4  }
0x1ed: {  	v1 =	vld [tilespmem:s24+$0x2580]  }
0x1ee: {  	v2 =	vld [tilespmem:s24+$0x2590]  }
0x1ef: {  	v3 =	vld [tilespmem:s24+$0x25A0]  }
0x1f0: {  	v4 =	vld [tilespmem:s24+$0x25B0]  }
0x1f1: {  	v5 =	vld [tilespmem:s24+$0x25C0];
	v6 =	vpop (erf)  }
0x1f2: {  	[tilespmem:s24+$0x7600] =	vst v6;
	v7 =	vbroadcast v6, $0x0;
	v8 =	vbroadcast v6, $0x1;
	v9 =	vld [tilespmem:s24+$0x25D0]  }
0x1f3: {  	v10 =	vbroadcast v6, $0x2;
	v11 =	vbroadcast v6, $0x3;
	v12 =	vld [tilespmem:s24+$0x25E0]  }
0x1f4: {  	v1 =	vmul.f32 v7, v1;
	v2 =	vmul.f32 v8, v2;
	v7 =	vld [tilespmem:s24+$0x25F0]  }
0x1f5: {  	v3 =	vmul.f32 v3, v10;
	v4 =	vmul.f32 v4, v11  }
0x1f6: {  	v8 =	vbroadcast v6, $0x5;
	[tilespmem:s24+$0x7580] =	vst v1;
	v1 =	vbroadcast v6, $0x4  }
0x1f7: {  	[tilespmem:s24+$0x7590] =	vst v2;
	v2 =	vbroadcast v6, $0x6;
	v6 =	vbroadcast v6, $0x7  }
0x1f8: {  	[tilespmem:s24+$0x75A0] =	vst v3;
	v1 =	vmul.f32 v5, v1;
	v3 =	vmul.f32 v9, v8  }
.Ltmp7:
0x1f9: {  	[tilespmem:s24+$0x75B0] =	vst v4;
	v2 =	vmul.f32 v12, v2;
	v4 =	vmul.f32 v7, v6;
	(pc) =	sbr.rel @p0 .LBB2_16-.Ltmp7, $4  }
0x1fa: {  	[tilespmem:s24+$0x75C0] =	vst v1  }
0x1fb: {  	[tilespmem:s24+$0x75D0] =	vst v3  }
0x1fc: {  	s5 =	sshra.s32 s23, $0x2;
	[tilespmem:s24+$0x75E0] =	vst v2  }
0x1fd: {  	s23 =	sadd.s32 $0x240, s23;
	s25 =	sadd.s32 $0x10, s25;
	v1 =	vld [tilespmem:s5+$0x2600];
	[tilespmem:s24+$0x75F0] =	vst v4;
	s24 =	smov.u32 s5  }
0x1fe: {  	v2 =	vld [tilespmem:s25+$0x0];
	_ =	sdelay $0x4  }
0x1ff: {  	v1 =	vadd.f32 v2, v1;
	_ =	sdelay $0x1  }
0x200: {  	v2 =	vmul.f32 $2.000000030e-01, v1  }
0x201: {  	vm0 =	vge.f32 v1, $0.0e+00  }
0x202: {  	v1 =	vsel vm0, v1, v2  }
0x203: {  	v1 =	vmul.f32 $1.442695020e+00, v1;
	_ =	sdelay $0x1  }
0x204: {  	(erf) = vpow2.f32 v1;
	_ =	sdelay $0x6  }
0x205: {  	v1 =	vld [tilespmem:s24+$0x2580]  }
0x206: {  	v2 =	vld [tilespmem:s24+$0x2590]  }
0x207: {  	v3 =	vld [tilespmem:s24+$0x25A0];
	v6 =	vpop (erf)  }
0x208: {  	v4 =	vld [tilespmem:s24+$0x25B0];
	v7 =	vbroadcast v6, $0x0  }
0x209: {  	v9 =	vld [tilespmem:s24+$0x25D0];
	v8 =	vbroadcast v6, $0x1  }
0x20a: {  	v5 =	vld [tilespmem:s24+$0x25C0];
	v10 =	vbroadcast v6, $0x2;
	v1 =	vmul.f32 v7, v1  }
0x20b: {  	v11 =	vld [tilespmem:s24+$0x25E0];
	[tilespmem:s24+$0x7600] =	vst v6;
	v60 =	vbroadcast v6, $0x3;
	v2 =	vmul.f32 v8, v2  }
0x20c: {  	v61 =	vld [tilespmem:s24+$0x25F0];
	v62 =	vbroadcast v6, $0x5;
	v3 =	vmul.f32 v3, v10;
	[tilespmem:s24+$0x7580] =	vst v1  }
0x20d: {  	v4 =	vmul.f32 v4, v60;
	v1 =	vbroadcast v6, $0x4;
	[tilespmem:s24+$0x7590] =	vst v2  }
0x20e: {  	v63 =	vmul.f32 v9, v62;
	v2 =	vbroadcast v6, $0x6;
	[tilespmem:s24+$0x75A0] =	vst v3  }
0x20f: {  	v3 =	vbroadcast v6, $0x7;
	[tilespmem:s24+$0x75B0] =	vst v4;
	v1 =	vmul.f32 v5, v1  }
0x210: {  	[tilespmem:s24+$0x75D0] =	vst v63;
	v2 =	vmul.f32 v11, v2  }
0x211: {  	[tilespmem:s24+$0x75C0] =	vst v1;
	v1 =	vmul.f32 v61, v3  }
0x212: {  	[tilespmem:s24+$0x75E0] =	vst v2  }
0x213: {  	[tilespmem:s24+$0x75F0] =	vst v1  }
0x214: {  	[spmem:s14] =	stream.indirect.scatter.add.f32 [tilespmem:s20], [sflag:$0x6], $0x90, s19, s4, $0xb8;
	[tilespmem:$0x1FD00] =	vst v63  }
0x215: {  	_ =	swait.ge [sflag:s21], $0x2400  }
0x216: {  	[sflag:s21] =	ssyncset.done $0x0  }
0x217: {  	[sflag:s21] =	ssyncadd.s32 $0xFFFFDC00  }
0x218: {  	_ =	swait.ge [sflag:s22], $0x2400  }
0x219: {  	[sflag:s22] =	ssyncset.done $0x0  }
0x21a: {  	[sflag:s22] =	ssyncadd.s32 $0xFFFFDC00  }
0x21b: {  	s5 =	stileid.u32;
	[bflag:$0x0] =	sbarrier.arrive $0xFFFF  }
0x21c: {  	s5 =	sshll.u32 s5, $0x6;
	s25 =	rddreg [dreg:$0xf]  }
0x21d: {  	s5 =	sor.u32 $0x1C09, s5;
	s24 =	rddreg [dreg:$0x4];
	s23 =	sshrl.u32 s25, $0x3  }
0x21e: {  	[hbm:s24], [sflag:s5] =	dma.local [spmem:s23], $0x480  }
0x21f: {  	_ =	swait.ge [sflag:s3], $0x480  }
0x220: {  	[sflag:s3] =	ssyncset.done $0x0  }
0x221: {  	s23 =	sshrl.u32 s28, $0x3;
	s24 =	rddreg [dreg:$0x5];
	[sflag:s3] =	ssyncadd.s32 $0xFFFFFB80  }
0x222: {  	[hbm:s24], [sflag:s5] =	dma.local [spmem:s23], $0x480  }
0x223: {  	_ =	swait.ge [sflag:s3], $0x480  }
0x224: {  	[sflag:s3] =	ssyncset.done $0x0  }
0x225: {  	s23 =	sshrl.u32 s30, $0x3;
	s24 =	rddreg [dreg:$0x6];
	[sflag:s3] =	ssyncadd.s32 $0xFFFFFB80  }
0x226: {  	[hbm:s24], [sflag:s5] =	dma.local [spmem:s23], $0x480  }
0x227: {  	_ =	swait.ge [sflag:s3], $0x480  }
0x228: {  	[sflag:s3] =	ssyncset.done $0x0;
	s24 =	rddreg [dreg:$0x12]  }
0x229: {  	[sflag:s3] =	ssyncadd.s32 $0xFFFFFB80;
	s23 =	sshrl.u32 s24, $0x3;
	s24 =	rddreg [dreg:$0x7]  }
0x22a: {  	[hbm:s24], [sflag:s5] =	dma.local [spmem:s23], $0x480  }
0x22b: {  	_ =	swait.ge [sflag:s3], $0x480  }
0x22c: {  	[sflag:s3] =	ssyncset.done $0x0;
	s24 =	rddreg [dreg:$0x13]  }
0x22d: {  	[sflag:s3] =	ssyncadd.s32 $0xFFFFFB80;
	s23 =	sshrl.u32 s24, $0x3;
	s24 =	rddreg [dreg:$0x8]  }
0x22e: {  	[hbm:s24], [sflag:s5] =	dma.local [spmem:s23], $0x480  }
0x22f: {  	_ =	swait.ge [sflag:s3], $0x480  }
0x230: {  	[sflag:s3] =	ssyncset.done $0x0;
	s24 =	rddreg [dreg:$0x14]  }
0x231: {  	[sflag:s3] =	ssyncadd.s32 $0xFFFFFB80;
	s23 =	sshrl.u32 s24, $0x3;
	s24 =	rddreg [dreg:$0x9]  }
0x232: {  	[hbm:s24], [sflag:s5] =	dma.local [spmem:s23], $0x480  }
0x233: {  	_ =	swait.ge [sflag:s3], $0x480  }
0x234: {  	[sflag:s3] =	ssyncset.done $0x0;
	s24 =	rddreg [dreg:$0x15]  }
0x235: {  	[sflag:s3] =	ssyncadd.s32 $0xFFFFFB80;
	s23 =	sshrl.u32 s24, $0x3;
	s24 =	rddreg [dreg:$0xa]  }
0x236: {  	[hbm:s24], [sflag:s5] =	dma.local [spmem:s23], $0x480  }
0x237: {  	_ =	swait.ge [sflag:s3], $0x480  }
0x238: {  	[sflag:s3] =	ssyncset.done $0x0;
	s24 =	rddreg [dreg:$0x16]  }
0x239: {  	[sflag:s3] =	ssyncadd.s32 $0xFFFFFB80;
	s23 =	sshrl.u32 s24, $0x3;
	s24 =	rddreg [dreg:$0xb]  }
0x23a: {  	[hbm:s24], [sflag:s5] =	dma.local [spmem:s23], $0x480  }
0x23b: {  	_ =	swait.ge [sflag:s3], $0x480  }
0x23c: {  	[sflag:s3] =	ssyncset.done $0x0;
	s24 =	rddreg [dreg:$0x17]  }
0x23d: {  	[sflag:s3] =	ssyncadd.s32 $0xFFFFFB80;
	s23 =	sshrl.u32 s24, $0x3;
	s24 =	rddreg [dreg:$0xc]  }
0x23e: {  	[hbm:s24], [sflag:s5] =	dma.local [spmem:s23], $0x480  }
0x23f: {  	_ =	swait.ge [sflag:s3], $0x480  }
0x240: {  	[sflag:s3] =	ssyncset.done $0x0;
	s24 =	rddreg [dreg:$0x18]  }
0x241: {  	[sflag:s3] =	ssyncadd.s32 $0xFFFFFB80;
	s23 =	sshrl.u32 s24, $0x3;
	s24 =	rddreg [dreg:$0xd]  }
0x242: {  	[hbm:s24], [sflag:s5] =	dma.local [spmem:s23], $0x3F0  }
0x243: {  	_ =	swait.ge [sflag:s3], $0x3F0  }
0x244: {  	s5 =	rddreg [dreg:$0x1d]  }
0x245: {  	s24 =	rddreg [dreg:$0x1b];
	s23 =	sadd.s32 $0x1, s5  }
0x246: {  	p0 =	sne.s32 s23, s24  }
.Ltmp8:
0x247: {  	_ = 	snop;
	(pc) =	sbr.rel @p0 .LBB2_1-.Ltmp8, $3  }
0x248: {  	_ =	sdelay $0x1  }
0x249: {  	[sflag:s3] =	ssyncset.done $0x0  }
0x24a: {  	[sflag:s3] =	ssyncadd.s32 $0xFFFFFC10  }
0x24b: {  	_ =	sfence.sel $0x180000  }
0x24c: {  	[bflag:$0x0] =	sbarrier.arrive $0xFFFF  }
0x24d: {  	_ =	strace $0x90000047  }
0x24e: {  	s0 =	stileid.u32;
	[bflag:$0x2] =	sbarrier.arrive $0xFFFF  }
0x24f: {  	p0 =	sne.s32 s0, $0x0;
	s0 =	rddreg [dreg:$0x3]  }
0x250: {  	s0 =	sadd.s32 @!p0 $0x100000, s0  }
0x251: {  	[sflag:s0] =	ssyncadd.tile.s32 @!p0 $0x1;
	_ =	shalt  }
.Lfunc_end2:
_tile_overlayer_lowered:
.L_overlay_start_2:
0x252: {  	(tag) =	ssettag $0x2  }
0x253: {  	s0 =	rddreg [dreg:$0x0];
	s2 =	stileid.u32  }
0x254: {  	s1 =	rddreg [dreg:$0x1];
	p0 =	sne.s32 s2, $0x0  }
0x255: {  	s3 =	rddreg [dreg:$0x2];
	[bflag:$0x3] =	sbarrier.arrive $0xFFFF;
	s2 =	simm.s32 @!p0 $0x1C09  }
0x256: {  	[timem:s3], [sflag:s2] =	dma.local @!p0 [hbm:s0], s1  }
0x257: {  	s0 =	simm.s32 @!p0 $0x9  }
0x258: {  	_ =	swait.ge @!p0 [sflag:s0], s1  }
0x259: {  	s1 =	ssub.s32 @!p0 $0x0, s1;
	[sflag:s0] =	ssyncset.done @!p0 $0x0  }
0x25a: {  	[sflag:s0] =	ssyncadd.s32 @!p0 s1  }
0x25b: {  	[bflag:$0x3] =	sbarrier.arrive $0xFFFF  }
0x25c: {  	_ =	shalt  }

</sc_bundles>
